<compile_context>
chip_gen: v7x
topology: tpu7x:2x2x1
jax: 0.10.2.dev20260603
libtpu: 0.0.44.dev20260713+nightly
codegen_flags: <defaults>
</compile_context>

<pallas_src>
import functools

import jax
import jax.numpy as jnp
from jax import lax
from jax.experimental import pallas as pl
from jax.experimental.pallas import tpu as pltpu
from jax.experimental.pallas import tpu_sc as plsc

NC, NS = 2, 16
NW = NC * NS
CH = 64
NBUF = 4
LOOK = 2
NIDX = 8
IDXLOOK = 6
DUMMY = 64


def _sc_aggregate(src3, dst3, x, zeros):
    n, d = x.shape
    nchunk = src3.shape[1]
    rpt = (n // NS) // 8 * 8
    tail = n - NS * rpt

    mesh = plsc.VectorSubcoreMesh(core_axis_name="c", subcore_axis_name="s")

    @functools.partial(
        pl.kernel,
        mesh=mesh,
        out_type=jax.ShapeDtypeStruct((NC, n, d), jnp.float32),
        scratch_types=(
            [pltpu.VMEM((NIDX, CH), jnp.int32),
             pltpu.VMEM((NIDX, CH), jnp.int32)]
            + [pltpu.VMEM((CH, d), jnp.float32) for _ in range(NBUF)]
            + [pltpu.VMEM_SHARED((n + DUMMY, d), jnp.float32)]
            + [pltpu.SemaphoreType.DMA for _ in range(2 * NIDX + 2 * NBUF)]
        ),
    )
    def agg_kernel(src_hbm, dst_hbm, x_hbm, zeros_hbm, out_hbm, *scr):
        src_ring, dst_ring = scr[0], scr[1]
        rows = scr[2:2 + NBUF]
        agg_sh = scr[2 + NBUF]
        base = 3 + NBUF
        isem_s = scr[base:base + NIDX]
        isem_d = scr[base + NIDX:base + 2 * NIDX]
        gsem = scr[base + 2 * NIDX:base + 2 * NIDX + NBUF]
        ssem = scr[base + 2 * NIDX + NBUF:base + 2 * NIDX + 2 * NBUF]

        c = lax.axis_index("c")
        s = lax.axis_index("s")
        wid = c * NS + s

        pltpu.sync_copy(zeros_hbm, agg_sh.at[pl.ds(s * rpt, rpt)])
        if tail:
            @pl.when(s == 0)
            def _():
                pltpu.sync_copy(zeros_hbm.at[pl.ds(0, tail)],
                                agg_sh.at[pl.ds(NS * rpt, tail)])
        plsc.subcore_barrier()

        def fire_idx(i, sl):
            pltpu.async_copy(src_hbm.at[wid, i], src_ring.at[sl], isem_s[sl])
            pltpu.async_copy(dst_hbm.at[wid, i], dst_ring.at[sl], isem_d[sl])

        def wait_idx(sl):
            pltpu.make_async_copy(src_hbm.at[wid, 0], src_ring.at[sl],
                                  isem_s[sl]).wait()
            pltpu.make_async_copy(dst_hbm.at[wid, 0], dst_ring.at[sl],
                                  isem_d[sl]).wait()

        def fire_gather(sl, j):
            pltpu.async_copy(x_hbm.at[src_ring.at[sl]], rows[j], gsem[j])

        def wait_gather(j):
            pltpu.make_async_copy(x_hbm.at[src_ring.at[0]],
                                  rows[j], gsem[j]).wait()

        def fire_scatter(sl, j):
            pltpu.async_copy(rows[j], agg_sh.at[dst_ring.at[sl]],
                             ssem[j], add=True)

        def wait_scatter(sl, j):
            pltpu.make_async_copy(rows[j], agg_sh.at[dst_ring.at[sl]],
                                  ssem[j]).wait()

        def step(i, ii, edge=False):
            wait_gather(ii % NBUF)
            if not edge or ii - 1 >= 0:
                wait_scatter((ii - 1) % NIDX, (ii - 1) % NBUF)
            fire_scatter(ii % NIDX, ii % NBUF)
            if not edge or ii + IDXLOOK < nchunk:
                fire_idx(i + IDXLOOK, (ii + IDXLOOK) % NIDX)
            if not edge or ii + LOOK < nchunk:
                wait_idx((ii + LOOK) % NIDX)
                fire_gather((ii + LOOK) % NIDX, (ii + LOOK) % NBUF)

        for f in range(IDXLOOK):
            fire_idx(f, f)
        for i in range(LOOK):
            wait_idx(i)
            fire_gather(i, i)

        n_main = (nchunk - IDXLOOK - 2 * LOOK) // NIDX
        head = nchunk - IDXLOOK - NIDX * n_main
        for i in range(head):
            step(i, i, edge=True)

        def body(k, carry):
            base = NIDX * k + head
            for m in range(NIDX):
                step(base + m, head + m)
            return carry

        lax.fori_loop(0, n_main, body, 0)

        for i in range(nchunk - IDXLOOK, nchunk):
            step(i, i, edge=True)
        wait_scatter((nchunk - 1) % NIDX, (nchunk - 1) % NBUF)

        plsc.subcore_barrier()

        pltpu.sync_copy(agg_sh.at[pl.ds(s * rpt, rpt)],
                        out_hbm.at[c, pl.ds(s * rpt, rpt)])
        if tail:
            @pl.when(s == 0)
            def _():
                pltpu.sync_copy(agg_sh.at[pl.ds(NS * rpt, tail)],
                                out_hbm.at[c, pl.ds(NS * rpt, tail)])

    return agg_kernel(src3, dst3, x, zeros)


def _tc_block(x_ref, a0_ref, a1_ref, w1_ref, b1_ref, w2_ref, b2_ref,
              g_ref, be_ref, o_ref):
    xb = x_ref[...]
    h = xb + a0_ref[0] + a1_ref[0]
    t = jnp.dot(h, w1_ref[...], preferred_element_type=jnp.float32) + b1_ref[...]
    t = jnp.maximum(t, 0.0)
    t = jnp.dot(t, w2_ref[...], preferred_element_type=jnp.float32) + b2_ref[...]
    mean = jnp.mean(t, axis=-1, keepdims=True)
    cent = t - mean
    var = jnp.mean(cent * cent, axis=-1, keepdims=True)
    t = cent * lax.rsqrt(var + 1e-5) * g_ref[...] + be_ref[...]
    o_ref[...] = xb + jnp.maximum(t, 0.0)


def _tc_mlp(x, agg, W1, b1, W2, b2, gamma, beta, block_rows=400):
    n, d = x.shape
    grid = (n // block_rows,)
    row_spec = pl.BlockSpec((block_rows, d), lambda i: (i, 0))
    a0_spec = pl.BlockSpec((1, block_rows, d), lambda i: (0, i, 0))
    a1_spec = pl.BlockSpec((1, block_rows, d), lambda i: (1, i, 0))
    full_spec = pl.BlockSpec((d, d), lambda i: (0, 0))
    vec_spec = pl.BlockSpec((1, d), lambda i: (0, 0))
    return pl.pallas_call(
        _tc_block,
        grid=grid,
        in_specs=[row_spec, a0_spec, a1_spec, full_spec, vec_spec,
                  full_spec, vec_spec, vec_spec, vec_spec],
        out_specs=row_spec,
        out_shape=jax.ShapeDtypeStruct((n, d), jnp.float32),
    )(x, agg, agg, W1, b1.reshape(1, d), W2, b2.reshape(1, d),
      gamma.reshape(1, d), beta.reshape(1, d))


def kernel(x, edge_index, W1, b1, W2, b2, gamma, beta):
    n, d = x.shape
    e = edge_index.shape[1]
    quantum = NW * CH * NIDX
    e_pad = -(-e // quantum) * quantum
    pad = e_pad - e
    src2 = edge_index[0].reshape(NW, e // NW)
    dst2 = edge_index[1].reshape(NW, e // NW)
    if pad:
        ar = jnp.arange(pad, dtype=jnp.int32)
        src2 = jnp.concatenate(
            [src2, (ar % n).reshape(NW, pad // NW)], axis=1)
        dst2 = jnp.concatenate(
            [dst2, (n + ar % DUMMY).reshape(NW, pad // NW)], axis=1)
    epw = e_pad // NW
    nchunk = epw // CH
    src3 = src2.reshape(NW, nchunk, CH)
    dst3 = dst2.reshape(NW, nchunk, CH)
    zeros = jnp.zeros(((n // NS) // 8 * 8, d), dtype=jnp.float32)
    agg = _sc_aggregate(src3, dst3, x, zeros)
    return _tc_mlp(x, agg, W1, b1, W2, b2, gamma, beta)

# --- scband reference (transcript-rebuilt; emitter-appended) ---
"""Pipeline reference for scband-gnnblock-72353019069071 (READ-ONLY COPY).

The authoritative reference and input builder live on the scoring server;
editing this copy changes nothing except your own understanding.
"""

import jax, jax.numpy as jnp
import numpy as np

N, E, D = 10000, 320000, 128
EPS = 0.0  # GINConv default eps

def setup_inputs(seed: int = 0) -> dict:
    key = jax.random.key(seed)
    ks = jax.random.split(key, 8)
    x = jax.random.normal(ks[0], (N, D), dtype=jnp.float32)
    edge_index = jax.random.randint(ks[1], (2, E), 0, N, dtype=jnp.int32)
    W1 = jax.random.normal(ks[2], (D, D), dtype=jnp.float32) * (1.0 / np.sqrt(D))
    b1 = jnp.zeros((D,), dtype=jnp.float32)
    W2 = jax.random.normal(ks[3], (D, D), dtype=jnp.float32) * (1.0 / np.sqrt(D))
    b2 = jnp.zeros((D,), dtype=jnp.float32)
    gamma = jnp.ones((D,), dtype=jnp.float32)
    beta = jnp.zeros((D,), dtype=jnp.float32)
    return {"x": x, "edge_index": edge_index, "W1": W1, "b1": b1, "W2": W2, "b2": b2, "gamma": gamma, "beta": beta}

def reference(x, edge_index, W1, b1, W2, b2, gamma, beta):
    src = edge_index[0]
    dst = edge_index[1]
    # GINConv: sum-aggregate neighbor messages at destination nodes
    msgs = jnp.take(x, src, axis=0)
    agg = jax.ops.segment_sum(msgs, dst, num_segments=x.shape[0])
    h = (1.0 + EPS) * x + agg
    # MLP: Linear -> ReLU -> Linear
    h = jnp.maximum(h @ W1 + b1, 0.0)
    h = h @ W2 + b2
    # LayerNorm
    mean = jnp.mean(h, axis=-1, keepdims=True)
    var = jnp.var(h, axis=-1, keepdims=True)
    h = (h - mean) / jnp.sqrt(var + 1e-5) * gamma + beta
    # ReLU; dropout is identity in eval mode
    h = jnp.maximum(h, 0.0)
    return x + h

if __name__ == "__main__":
    import jax
    _d = setup_inputs()
    print(jax.jit(kernel)(*tuple(_d.values())))

</pallas_src>

<mosaic_0001>
#map = affine_map<(d0, d1) -> (0, 0, 0)>
#map1 = affine_map<(d0, d1) -> (0, 0)>
module attributes {stable_mosaic.version = 14 : i64} {
  func.func @agg_kernel(%arg0: i32, %arg1: i32, %arg2: memref<32x160x64xi32, #tpu.memory_space<hbm>>, %arg3: memref<32x160x64xi32, #tpu.memory_space<hbm>>, %arg4: memref<10000x128xf32, #tpu.memory_space<hbm>>, %arg5: memref<624x128xf32, #tpu.memory_space<hbm>>, %arg6: memref<2x10000x128xf32, #tpu.memory_space<hbm>>, %arg7: memref<8x64xi32, #tpu.memory_space<vmem>>, %arg8: memref<8x64xi32, #tpu.memory_space<vmem>>, %arg9: memref<64x128xf32, #tpu.memory_space<vmem>>, %arg10: memref<64x128xf32, #tpu.memory_space<vmem>>, %arg11: memref<64x128xf32, #tpu.memory_space<vmem>>, %arg12: memref<64x128xf32, #tpu.memory_space<vmem>>, %arg13: memref<10064x128xf32, #tpu.memory_space<vmem_shared>>, %arg14: memref<!tpu.dma_semaphore, #tpu.memory_space<semaphore_mem>>, %arg15: memref<!tpu.dma_semaphore, #tpu.memory_space<semaphore_mem>>, %arg16: memref<!tpu.dma_semaphore, #tpu.memory_space<semaphore_mem>>, %arg17: memref<!tpu.dma_semaphore, #tpu.memory_space<semaphore_mem>>, %arg18: memref<!tpu.dma_semaphore, #tpu.memory_space<semaphore_mem>>, %arg19: memref<!tpu.dma_semaphore, #tpu.memory_space<semaphore_mem>>, %arg20: memref<!tpu.dma_semaphore, #tpu.memory_space<semaphore_mem>>, %arg21: memref<!tpu.dma_semaphore, #tpu.memory_space<semaphore_mem>>, %arg22: memref<!tpu.dma_semaphore, #tpu.memory_space<semaphore_mem>>, %arg23: memref<!tpu.dma_semaphore, #tpu.memory_space<semaphore_mem>>, %arg24: memref<!tpu.dma_semaphore, #tpu.memory_space<semaphore_mem>>, %arg25: memref<!tpu.dma_semaphore, #tpu.memory_space<semaphore_mem>>, %arg26: memref<!tpu.dma_semaphore, #tpu.memory_space<semaphore_mem>>, %arg27: memref<!tpu.dma_semaphore, #tpu.memory_space<semaphore_mem>>, %arg28: memref<!tpu.dma_semaphore, #tpu.memory_space<semaphore_mem>>, %arg29: memref<!tpu.dma_semaphore, #tpu.memory_space<semaphore_mem>>, %arg30: memref<!tpu.dma_semaphore, #tpu.memory_space<semaphore_mem>>, %arg31: memref<!tpu.dma_semaphore, #tpu.memory_space<semaphore_mem>>, %arg32: memref<!tpu.dma_semaphore, #tpu.memory_space<semaphore_mem>>, %arg33: memref<!tpu.dma_semaphore, #tpu.memory_space<semaphore_mem>>, %arg34: memref<!tpu.dma_semaphore, #tpu.memory_space<semaphore_mem>>, %arg35: memref<!tpu.dma_semaphore, #tpu.memory_space<semaphore_mem>>, %arg36: memref<!tpu.dma_semaphore, #tpu.memory_space<semaphore_mem>>, %arg37: memref<!tpu.dma_semaphore, #tpu.memory_space<semaphore_mem>>) attributes {dimension_semantics = [#tpu.dimension_semantics<core_parallel>, #tpu.dimension_semantics<subcore_parallel>], iteration_bounds = array<i64: 2, 16>, scalar_prefetch = 0 : i64, scratch_operands = 31 : i64, tpu.core_type = #tpu.core_type<sc_vector_subcore>, window_params = [{transform_indices = #map}, {transform_indices = #map}, {transform_indices = #map1}, {transform_indices = #map1}, {transform_indices = #map}]} {
    %mul3A = arith.constant 16 : i32
    %mul3A_0 = arith.muli %arg0, %mul3A : i32
    %add3A = arith.addi %mul3A_0, %arg1 : i32
    %mul3A_1 = arith.constant 624 : i32
    %mul3A_2 = arith.muli %arg1, %mul3A_1 : i32
    "tpu.region"() ({
      %run_scoped3A = tpu.sem_alloc : memref<!tpu.dma_semaphore, #tpu.memory_space<semaphore_mem>>
      %dma_start3A_1362 = arith.constant 0 : i32
      %dma_start3A_1363 = tpu.memref_slice %arg13[%mul3A_2, %dma_start3A_1362] : memref<10064x128xf32, #tpu.memory_space<vmem_shared>> -> memref<624x128xf32, #tpu.memory_space<vmem_shared>>
      tpu.enqueue_dma source(%arg5 : memref<624x128xf32, #tpu.memory_space<hbm>>) target(%dma_start3A_1363 : memref<624x128xf32, #tpu.memory_space<vmem_shared>>) target_semaphore(%run_scoped3A : memref<!tpu.dma_semaphore, #tpu.memory_space<semaphore_mem>>)
      %dma_wait3A_1364 = arith.constant 0 : i32
      %dma_wait3A_1365 = tpu.memref_slice %arg13[%mul3A_2, %dma_wait3A_1364] : memref<10064x128xf32, #tpu.memory_space<vmem_shared>> -> memref<624x128xf32, #tpu.memory_space<vmem_shared>>
      tpu.wait_dma2 semaphore(%run_scoped3A : memref<!tpu.dma_semaphore, #tpu.memory_space<semaphore_mem>>) src(%arg5 : memref<624x128xf32, #tpu.memory_space<hbm>>) dst(%dma_wait3A_1365 : memref<624x128xf32, #tpu.memory_space<vmem_shared>>)
      tpu.yield
    }) : () -> ()
    %eq3A = arith.constant 0 : i32
    %eq3A_3 = arith.cmpi eq, %arg1, %eq3A : i32
    %convert_element_type3A = arith.extui %eq3A_3 : i1 to i32
    %cond3A = arith.constant 0 : i32
    %cond3A_4 = arith.cmpi ne, %convert_element_type3A, %cond3A : i32
    scf.if %cond3A_4 {
      "tpu.region"() ({
        %run_scoped3A = tpu.sem_alloc : memref<!tpu.dma_semaphore, #tpu.memory_space<semaphore_mem>>
        %dma_start3A_1362 = arith.constant 9984 : i32
        %dma_start3A_1363 = arith.constant 0 : i32
        %dma_start3A_1364 = tpu.memref_slice %arg13[%dma_start3A_1362, %dma_start3A_1363] : memref<10064x128xf32, #tpu.memory_space<vmem_shared>> -> memref<16x128xf32, #tpu.memory_space<vmem_shared>>
        %dma_start3A_1365 = arith.constant 0 : i32
        %dma_start3A_1366 = arith.constant 0 : i32
        %dma_start3A_1367 = tpu.memref_slice %arg5[%dma_start3A_1365, %dma_start3A_1366] : memref<624x128xf32, #tpu.memory_space<hbm>> -> memref<16x128xf32, #tpu.memory_space<hbm>>
        tpu.enqueue_dma source(%dma_start3A_1367 : memref<16x128xf32, #tpu.memory_space<hbm>>) target(%dma_start3A_1364 : memref<16x128xf32, #tpu.memory_space<vmem_shared>>) target_semaphore(%run_scoped3A : memref<!tpu.dma_semaphore, #tpu.memory_space<semaphore_mem>>)
        %dma_wait3A_1368 = arith.constant 9984 : i32
        %dma_wait3A_1369 = arith.constant 0 : i32
        %dma_wait3A_1370 = tpu.memref_slice %arg13[%dma_wait3A_1368, %dma_wait3A_1369] : memref<10064x128xf32, #tpu.memory_space<vmem_shared>> -> memref<16x128xf32, #tpu.memory_space<vmem_shared>>
        %dma_wait3A_1371 = arith.constant 0 : i32
        %dma_wait3A_1372 = arith.constant 0 : i32
        %dma_wait3A_1373 = tpu.memref_slice %arg5[%dma_wait3A_1371, %dma_wait3A_1372] : memref<624x128xf32, #tpu.memory_space<hbm>> -> memref<16x128xf32, #tpu.memory_space<hbm>>
        tpu.wait_dma2 semaphore(%run_scoped3A : memref<!tpu.dma_semaphore, #tpu.memory_space<semaphore_mem>>) src(%dma_wait3A_1373 : memref<16x128xf32, #tpu.memory_space<hbm>>) dst(%dma_wait3A_1370 : memref<16x128xf32, #tpu.memory_space<vmem_shared>>)
        tpu.yield
      }) : () -> ()
    } else {
    }
    %barrier3A = arith.constant 0 : index
    tpu.barrier barrier_id(%barrier3A)
    %dma_start3A = arith.constant 0 : i32
    %dma_start3A_5 = arith.constant 0 : i32
    %dma_start3A_6 = arith.constant 0 : i32
    %dma_start3A_7 = tpu.memref_slice %arg7[%dma_start3A_5, %dma_start3A_6] : memref<8x64xi32, #tpu.memory_space<vmem>> -> memref<1x64xi32, #tpu.memory_space<vmem>>
    %dma_start3A_8 = tpu.memref_squeeze %dma_start3A_7 : memref<1x64xi32, #tpu.memory_space<vmem>> -> memref<64xi32, #tpu.memory_space<vmem>>
    %dma_start3A_9 = arith.constant 0 : i32
    %dma_start3A_10 = tpu.memref_slice %arg2[%add3A, %dma_start3A, %dma_start3A_9] : memref<32x160x64xi32, #tpu.memory_space<hbm>> -> memref<1x1x64xi32, #tpu.memory_space<hbm>>
    %dma_start3A_11 = tpu.memref_squeeze %dma_start3A_10 : memref<1x1x64xi32, #tpu.memory_space<hbm>> -> memref<64xi32, #tpu.memory_space<hbm>>
    %dma_start3A_12 = arith.constant 0 : i32
    %dma_start3A_13 = tpu.memref_slice %arg7[%dma_start3A_5, %dma_start3A_12] : memref<8x64xi32, #tpu.memory_space<vmem>> -> memref<1x64xi32, #tpu.memory_space<vmem>>
    %dma_start3A_14 = tpu.memref_squeeze %dma_start3A_13 : memref<1x64xi32, #tpu.memory_space<vmem>> -> memref<64xi32, #tpu.memory_space<vmem>>
    %dma_start3A_15 = arith.constant 0 : i32
    %dma_start3A_16 = tpu.memref_slice %arg2[%add3A, %dma_start3A, %dma_start3A_15] : memref<32x160x64xi32, #tpu.memory_space<hbm>> -> memref<1x1x64xi32, #tpu.memory_space<hbm>>
    %dma_start3A_17 = tpu.memref_squeeze %dma_start3A_16 : memref<1x1x64xi32, #tpu.memory_space<hbm>> -> memref<64xi32, #tpu.memory_space<hbm>>
    tpu.enqueue_dma source(%dma_start3A_17 : memref<64xi32, #tpu.memory_space<hbm>>) target(%dma_start3A_14 : memref<64xi32, #tpu.memory_space<vmem>>) target_semaphore(%arg14 : memref<!tpu.dma_semaphore, #tpu.memory_space<semaphore_mem>>)
    %dma_start3A_18 = arith.constant 0 : i32
    %dma_start3A_19 = arith.constant 0 : i32
    %dma_start3A_20 = arith.constant 0 : i32
    %dma_start3A_21 = tpu.memref_slice %arg8[%dma_start3A_19, %dma_start3A_20] : memref<8x64xi32, #tpu.memory_space<vmem>> -> memref<1x64xi32, #tpu.memory_space<vmem>>
    %dma_start3A_22 = tpu.memref_squeeze %dma_start3A_21 : memref<1x64xi32, #tpu.memory_space<vmem>> -> memref<64xi32, #tpu.memory_space<vmem>>
    %dma_start3A_23 = arith.constant 0 : i32
    %dma_start3A_24 = tpu.memref_slice %arg3[%add3A, %dma_start3A_18, %dma_start3A_23] : memref<32x160x64xi32, #tpu.memory_space<hbm>> -> memref<1x1x64xi32, #tpu.memory_space<hbm>>
    %dma_start3A_25 = tpu.memref_squeeze %dma_start3A_24 : memref<1x1x64xi32, #tpu.memory_space<hbm>> -> memref<64xi32, #tpu.memory_space<hbm>>
    %dma_start3A_26 = arith.constant 0 : i32
    %dma_start3A_27 = tpu.memref_slice %arg8[%dma_start3A_19, %dma_start3A_26] : memref<8x64xi32, #tpu.memory_space<vmem>> -> memref<1x64xi32, #tpu.memory_space<vmem>>
    %dma_start3A_28 = tpu.memref_squeeze %dma_start3A_27 : memref<1x64xi32, #tpu.memory_space<vmem>> -> memref<64xi32, #tpu.memory_space<vmem>>
    %dma_start3A_29 = arith.constant 0 : i32
    %dma_start3A_30 = tpu.memref_slice %arg3[%add3A, %dma_start3A_18, %dma_start3A_29] : memref<32x160x64xi32, #tpu.memory_space<hbm>> -> memref<1x1x64xi32, #tpu.memory_space<hbm>>
    %dma_start3A_31 = tpu.memref_squeeze %dma_start3A_30 : memref<1x1x64xi32, #tpu.memory_space<hbm>> -> memref<64xi32, #tpu.memory_space<hbm>>
    tpu.enqueue_dma source(%dma_start3A_31 : memref<64xi32, #tpu.memory_space<hbm>>) target(%dma_start3A_28 : memref<64xi32, #tpu.memory_space<vmem>>) target_semaphore(%arg22 : memref<!tpu.dma_semaphore, #tpu.memory_space<semaphore_mem>>)
    %dma_start3A_32 = arith.constant 1 : i32
    %dma_start3A_33 = arith.constant 1 : i32
    %dma_start3A_34 = arith.constant 0 : i32
    %dma_start3A_35 = tpu.memref_slice %arg7[%dma_start3A_33, %dma_start3A_34] : memref<8x64xi32, #tpu.memory_space<vmem>> -> memref<1x64xi32, #tpu.memory_space<vmem>>
    %dma_start3A_36 = tpu.memref_squeeze %dma_start3A_35 : memref<1x64xi32, #tpu.memory_space<vmem>> -> memref<64xi32, #tpu.memory_space<vmem>>
    %dma_start3A_37 = arith.constant 0 : i32
    %dma_start3A_38 = tpu.memref_slice %arg2[%add3A, %dma_start3A_32, %dma_start3A_37] : memref<32x160x64xi32, #tpu.memory_space<hbm>> -> memref<1x1x64xi32, #tpu.memory_space<hbm>>
    %dma_start3A_39 = tpu.memref_squeeze %dma_start3A_38 : memref<1x1x64xi32, #tpu.memory_space<hbm>> -> memref<64xi32, #tpu.memory_space<hbm>>
    %dma_start3A_40 = arith.constant 0 : i32
    %dma_start3A_41 = tpu.memref_slice %arg7[%dma_start3A_33, %dma_start3A_40] : memref<8x64xi32, #tpu.memory_space<vmem>> -> memref<1x64xi32, #tpu.memory_space<vmem>>
    %dma_start3A_42 = tpu.memref_squeeze %dma_start3A_41 : memref<1x64xi32, #tpu.memory_space<vmem>> -> memref<64xi32, #tpu.memory_space<vmem>>
    %dma_start3A_43 = arith.constant 0 : i32
    %dma_start3A_44 = tpu.memref_slice %arg2[%add3A, %dma_start3A_32, %dma_start3A_43] : memref<32x160x64xi32, #tpu.memory_space<hbm>> -> memref<1x1x64xi32, #tpu.memory_space<hbm>>
    %dma_start3A_45 = tpu.memref_squeeze %dma_start3A_44 : memref<1x1x64xi32, #tpu.memory_space<hbm>> -> memref<64xi32, #tpu.memory_space<hbm>>
    tpu.enqueue_dma source(%dma_start3A_45 : memref<64xi32, #tpu.memory_space<hbm>>) target(%dma_start3A_42 : memref<64xi32, #tpu.memory_space<vmem>>) target_semaphore(%arg15 : memref<!tpu.dma_semaphore, #tpu.memory_space<semaphore_mem>>)
    %dma_start3A_46 = arith.constant 1 : i32
    %dma_start3A_47 = arith.constant 1 : i32
    %dma_start3A_48 = arith.constant 0 : i32
    %dma_start3A_49 = tpu.memref_slice %arg8[%dma_start3A_47, %dma_start3A_48] : memref<8x64xi32, #tpu.memory_space<vmem>> -> memref<1x64xi32, #tpu.memory_space<vmem>>
    %dma_start3A_50 = tpu.memref_squeeze %dma_start3A_49 : memref<1x64xi32, #tpu.memory_space<vmem>> -> memref<64xi32, #tpu.memory_space<vmem>>
    %dma_start3A_51 = arith.constant 0 : i32
    %dma_start3A_52 = tpu.memref_slice %arg3[%add3A, %dma_start3A_46, %dma_start3A_51] : memref<32x160x64xi32, #tpu.memory_space<hbm>> -> memref<1x1x64xi32, #tpu.memory_space<hbm>>
    %dma_start3A_53 = tpu.memref_squeeze %dma_start3A_52 : memref<1x1x64xi32, #tpu.memory_space<hbm>> -> memref<64xi32, #tpu.memory_space<hbm>>
    %dma_start3A_54 = arith.constant 0 : i32
    %dma_start3A_55 = tpu.memref_slice %arg8[%dma_start3A_47, %dma_start3A_54] : memref<8x64xi32, #tpu.memory_space<vmem>> -> memref<1x64xi32, #tpu.memory_space<vmem>>
    %dma_start3A_56 = tpu.memref_squeeze %dma_start3A_55 : memref<1x64xi32, #tpu.memory_space<vmem>> -> memref<64xi32, #tpu.memory_space<vmem>>
    %dma_start3A_57 = arith.constant 0 : i32
    %dma_start3A_58 = tpu.memref_slice %arg3[%add3A, %dma_start3A_46, %dma_start3A_57] : memref<32x160x64xi32, #tpu.memory_space<hbm>> -> memref<1x1x64xi32, #tpu.memory_space<hbm>>
    %dma_start3A_59 = tpu.memref_squeeze %dma_start3A_58 : memref<1x1x64xi32, #tpu.memory_space<hbm>> -> memref<64xi32, #tpu.memory_space<hbm>>
    tpu.enqueue_dma source(%dma_start3A_59 : memref<64xi32, #tpu.memory_space<hbm>>) target(%dma_start3A_56 : memref<64xi32, #tpu.memory_space<vmem>>) target_semaphore(%arg23 : memref<!tpu.dma_semaphore, #tpu.memory_space<semaphore_mem>>)
    %dma_start3A_60 = arith.constant 2 : i32
    %dma_start3A_61 = arith.constant 2 : i32
    %dma_start3A_62 = arith.constant 0 : i32
    %dma_start3A_63 = tpu.memref_slice %arg7[%dma_start3A_61, %dma_start3A_62] : memref<8x64xi32, #tpu.memory_space<vmem>> -> memref<1x64xi32, #tpu.memory_space<vmem>>
    %dma_start3A_64 = tpu.memref_squeeze %dma_start3A_63 : memref<1x64xi32, #tpu.memory_space<vmem>> -> memref<64xi32, #tpu.memory_space<vmem>>
    %dma_start3A_65 = arith.constant 0 : i32
    %dma_start3A_66 = tpu.memref_slice %arg2[%add3A, %dma_start3A_60, %dma_start3A_65] : memref<32x160x64xi32, #tpu.memory_space<hbm>> -> memref<1x1x64xi32, #tpu.memory_space<hbm>>
    %dma_start3A_67 = tpu.memref_squeeze %dma_start3A_66 : memref<1x1x64xi32, #tpu.memory_space<hbm>> -> memref<64xi32, #tpu.memory_space<hbm>>
    %dma_start3A_68 = arith.constant 0 : i32
    %dma_start3A_69 = tpu.memref_slice %arg7[%dma_start3A_61, %dma_start3A_68] : memref<8x64xi32, #tpu.memory_space<vmem>> -> memref<1x64xi32, #tpu.memory_space<vmem>>
    %dma_start3A_70 = tpu.memref_squeeze %dma_start3A_69 : memref<1x64xi32, #tpu.memory_space<vmem>> -> memref<64xi32, #tpu.memory_space<vmem>>
    %dma_start3A_71 = arith.constant 0 : i32
    %dma_start3A_72 = tpu.memref_slice %arg2[%add3A, %dma_start3A_60, %dma_start3A_71] : memref<32x160x64xi32, #tpu.memory_space<hbm>> -> memref<1x1x64xi32, #tpu.memory_space<hbm>>
    %dma_start3A_73 = tpu.memref_squeeze %dma_start3A_72 : memref<1x1x64xi32, #tpu.memory_space<hbm>> -> memref<64xi32, #tpu.memory_space<hbm>>
    tpu.enqueue_dma source(%dma_start3A_73 : memref<64xi32, #tpu.memory_space<hbm>>) target(%dma_start3A_70 : memref<64xi32, #tpu.memory_space<vmem>>) target_semaphore(%arg16 : memref<!tpu.dma_semaphore, #tpu.memory_space<semaphore_mem>>)
    %dma_start3A_74 = arith.constant 2 : i32
    %dma_start3A_75 = arith.constant 2 : i32
    %dma_start3A_76 = arith.constant 0 : i32
    %dma_start3A_77 = tpu.memref_slice %arg8[%dma_start3A_75, %dma_start3A_76] : memref<8x64xi32, #tpu.memory_space<vmem>> -> memref<1x64xi32, #tpu.memory_space<vmem>>
    %dma_start3A_78 = tpu.memref_squeeze %dma_start3A_77 : memref<1x64xi32, #tpu.memory_space<vmem>> -> memref<64xi32, #tpu.memory_space<vmem>>
    %dma_start3A_79 = arith.constant 0 : i32
    %dma_start3A_80 = tpu.memref_slice %arg3[%add3A, %dma_start3A_74, %dma_start3A_79] : memref<32x160x64xi32, #tpu.memory_space<hbm>> -> memref<1x1x64xi32, #tpu.memory_space<hbm>>
    %dma_start3A_81 = tpu.memref_squeeze %dma_start3A_80 : memref<1x1x64xi32, #tpu.memory_space<hbm>> -> memref<64xi32, #tpu.memory_space<hbm>>
    %dma_start3A_82 = arith.constant 0 : i32
    %dma_start3A_83 = tpu.memref_slice %arg8[%dma_start3A_75, %dma_start3A_82] : memref<8x64xi32, #tpu.memory_space<vmem>> -> memref<1x64xi32, #tpu.memory_space<vmem>>
    %dma_start3A_84 = tpu.memref_squeeze %dma_start3A_83 : memref<1x64xi32, #tpu.memory_space<vmem>> -> memref<64xi32, #tpu.memory_space<vmem>>
    %dma_start3A_85 = arith.constant 0 : i32
    %dma_start3A_86 = tpu.memref_slice %arg3[%add3A, %dma_start3A_74, %dma_start3A_85] : memref<32x160x64xi32, #tpu.memory_space<hbm>> -> memref<1x1x64xi32, #tpu.memory_space<hbm>>
    %dma_start3A_87 = tpu.memref_squeeze %dma_start3A_86 : memref<1x1x64xi32, #tpu.memory_space<hbm>> -> memref<64xi32, #tpu.memory_space<hbm>>
    tpu.enqueue_dma source(%dma_start3A_87 : memref<64xi32, #tpu.memory_space<hbm>>) target(%dma_start3A_84 : memref<64xi32, #tpu.memory_space<vmem>>) target_semaphore(%arg24 : memref<!tpu.dma_semaphore, #tpu.memory_space<semaphore_mem>>)
    %dma_start3A_88 = arith.constant 3 : i32
    %dma_start3A_89 = arith.constant 3 : i32
    %dma_start3A_90 = arith.constant 0 : i32
    %dma_start3A_91 = tpu.memref_slice %arg7[%dma_start3A_89, %dma_start3A_90] : memref<8x64xi32, #tpu.memory_space<vmem>> -> memref<1x64xi32, #tpu.memory_space<vmem>>
    %dma_start3A_92 = tpu.memref_squeeze %dma_start3A_91 : memref<1x64xi32, #tpu.memory_space<vmem>> -> memref<64xi32, #tpu.memory_space<vmem>>
    %dma_start3A_93 = arith.constant 0 : i32
    %dma_start3A_94 = tpu.memref_slice %arg2[%add3A, %dma_start3A_88, %dma_start3A_93] : memref<32x160x64xi32, #tpu.memory_space<hbm>> -> memref<1x1x64xi32, #tpu.memory_space<hbm>>
    %dma_start3A_95 = tpu.memref_squeeze %dma_start3A_94 : memref<1x1x64xi32, #tpu.memory_space<hbm>> -> memref<64xi32, #tpu.memory_space<hbm>>
    %dma_start3A_96 = arith.constant 0 : i32
    %dma_start3A_97 = tpu.memref_slice %arg7[%dma_start3A_89, %dma_start3A_96] : memref<8x64xi32, #tpu.memory_space<vmem>> -> memref<1x64xi32, #tpu.memory_space<vmem>>
    %dma_start3A_98 = tpu.memref_squeeze %dma_start3A_97 : memref<1x64xi32, #tpu.memory_space<vmem>> -> memref<64xi32, #tpu.memory_space<vmem>>
    %dma_start3A_99 = arith.constant 0 : i32
    %dma_start3A_100 = tpu.memref_slice %arg2[%add3A, %dma_start3A_88, %dma_start3A_99] : memref<32x160x64xi32, #tpu.memory_space<hbm>> -> memref<1x1x64xi32, #tpu.memory_space<hbm>>
    %dma_start3A_101 = tpu.memref_squeeze %dma_start3A_100 : memref<1x1x64xi32, #tpu.memory_space<hbm>> -> memref<64xi32, #tpu.memory_space<hbm>>
    tpu.enqueue_dma source(%dma_start3A_101 : memref<64xi32, #tpu.memory_space<hbm>>) target(%dma_start3A_98 : memref<64xi32, #tpu.memory_space<vmem>>) target_semaphore(%arg17 : memref<!tpu.dma_semaphore, #tpu.memory_space<semaphore_mem>>)
    %dma_start3A_102 = arith.constant 3 : i32
    %dma_start3A_103 = arith.constant 3 : i32
    %dma_start3A_104 = arith.constant 0 : i32
    %dma_start3A_105 = tpu.memref_slice %arg8[%dma_start3A_103, %dma_start3A_104] : memref<8x64xi32, #tpu.memory_space<vmem>> -> memref<1x64xi32, #tpu.memory_space<vmem>>
    %dma_start3A_106 = tpu.memref_squeeze %dma_start3A_105 : memref<1x64xi32, #tpu.memory_space<vmem>> -> memref<64xi32, #tpu.memory_space<vmem>>
    %dma_start3A_107 = arith.constant 0 : i32
    %dma_start3A_108 = tpu.memref_slice %arg3[%add3A, %dma_start3A_102, %dma_start3A_107] : memref<32x160x64xi32, #tpu.memory_space<hbm>> -> memref<1x1x64xi32, #tpu.memory_space<hbm>>
    %dma_start3A_109 = tpu.memref_squeeze %dma_start3A_108 : memref<1x1x64xi32, #tpu.memory_space<hbm>> -> memref<64xi32, #tpu.memory_space<hbm>>
    %dma_start3A_110 = arith.constant 0 : i32
    %dma_start3A_111 = tpu.memref_slice %arg8[%dma_start3A_103, %dma_start3A_110] : memref<8x64xi32, #tpu.memory_space<vmem>> -> memref<1x64xi32, #tpu.memory_space<vmem>>
    %dma_start3A_112 = tpu.memref_squeeze %dma_start3A_111 : memref<1x64xi32, #tpu.memory_space<vmem>> -> memref<64xi32, #tpu.memory_space<vmem>>
    %dma_start3A_113 = arith.constant 0 : i32
    %dma_start3A_114 = tpu.memref_slice %arg3[%add3A, %dma_start3A_102, %dma_start3A_113] : memref<32x160x64xi32, #tpu.memory_space<hbm>> -> memref<1x1x64xi32, #tpu.memory_space<hbm>>
    %dma_start3A_115 = tpu.memref_squeeze %dma_start3A_114 : memref<1x1x64xi32, #tpu.memory_space<hbm>> -> memref<64xi32, #tpu.memory_space<hbm>>
    tpu.enqueue_dma source(%dma_start3A_115 : memref<64xi32, #tpu.memory_space<hbm>>) target(%dma_start3A_112 : memref<64xi32, #tpu.memory_space<vmem>>) target_semaphore(%arg25 : memref<!tpu.dma_semaphore, #tpu.memory_space<semaphore_mem>>)
    %dma_start3A_116 = arith.constant 4 : i32
    %dma_start3A_117 = arith.constant 4 : i32
    %dma_start3A_118 = arith.constant 0 : i32
    %dma_start3A_119 = tpu.memref_slice %arg7[%dma_start3A_117, %dma_start3A_118] : memref<8x64xi32, #tpu.memory_space<vmem>> -> memref<1x64xi32, #tpu.memory_space<vmem>>
    %dma_start3A_120 = tpu.memref_squeeze %dma_start3A_119 : memref<1x64xi32, #tpu.memory_space<vmem>> -> memref<64xi32, #tpu.memory_space<vmem>>
    %dma_start3A_121 = arith.constant 0 : i32
    %dma_start3A_122 = tpu.memref_slice %arg2[%add3A, %dma_start3A_116, %dma_start3A_121] : memref<32x160x64xi32, #tpu.memory_space<hbm>> -> memref<1x1x64xi32, #tpu.memory_space<hbm>>
    %dma_start3A_123 = tpu.memref_squeeze %dma_start3A_122 : memref<1x1x64xi32, #tpu.memory_space<hbm>> -> memref<64xi32, #tpu.memory_space<hbm>>
    %dma_start3A_124 = arith.constant 0 : i32
    %dma_start3A_125 = tpu.memref_slice %arg7[%dma_start3A_117, %dma_start3A_124] : memref<8x64xi32, #tpu.memory_space<vmem>> -> memref<1x64xi32, #tpu.memory_space<vmem>>
    %dma_start3A_126 = tpu.memref_squeeze %dma_start3A_125 : memref<1x64xi32, #tpu.memory_space<vmem>> -> memref<64xi32, #tpu.memory_space<vmem>>
    %dma_start3A_127 = arith.constant 0 : i32
    %dma_start3A_128 = tpu.memref_slice %arg2[%add3A, %dma_start3A_116, %dma_start3A_127] : memref<32x160x64xi32, #tpu.memory_space<hbm>> -> memref<1x1x64xi32, #tpu.memory_space<hbm>>
    %dma_start3A_129 = tpu.memref_squeeze %dma_start3A_128 : memref<1x1x64xi32, #tpu.memory_space<hbm>> -> memref<64xi32, #tpu.memory_space<hbm>>
    tpu.enqueue_dma source(%dma_start3A_129 : memref<64xi32, #tpu.memory_space<hbm>>) target(%dma_start3A_126 : memref<64xi32, #tpu.memory_space<vmem>>) target_semaphore(%arg18 : memref<!tpu.dma_semaphore, #tpu.memory_space<semaphore_mem>>)
    %dma_start3A_130 = arith.constant 4 : i32
    %dma_start3A_131 = arith.constant 4 : i32
    %dma_start3A_132 = arith.constant 0 : i32
    %dma_start3A_133 = tpu.memref_slice %arg8[%dma_start3A_131, %dma_start3A_132] : memref<8x64xi32, #tpu.memory_space<vmem>> -> memref<1x64xi32, #tpu.memory_space<vmem>>
    %dma_start3A_134 = tpu.memref_squeeze %dma_start3A_133 : memref<1x64xi32, #tpu.memory_space<vmem>> -> memref<64xi32, #tpu.memory_space<vmem>>
    %dma_start3A_135 = arith.constant 0 : i32
    %dma_start3A_136 = tpu.memref_slice %arg3[%add3A, %dma_start3A_130, %dma_start3A_135] : memref<32x160x64xi32, #tpu.memory_space<hbm>> -> memref<1x1x64xi32, #tpu.memory_space<hbm>>
    %dma_start3A_137 = tpu.memref_squeeze %dma_start3A_136 : memref<1x1x64xi32, #tpu.memory_space<hbm>> -> memref<64xi32, #tpu.memory_space<hbm>>
    %dma_start3A_138 = arith.constant 0 : i32
    %dma_start3A_139 = tpu.memref_slice %arg8[%dma_start3A_131, %dma_start3A_138] : memref<8x64xi32, #tpu.memory_space<vmem>> -> memref<1x64xi32, #tpu.memory_space<vmem>>
    %dma_start3A_140 = tpu.memref_squeeze %dma_start3A_139 : memref<1x64xi32, #tpu.memory_space<vmem>> -> memref<64xi32, #tpu.memory_space<vmem>>
    %dma_start3A_141 = arith.constant 0 : i32
    %dma_start3A_142 = tpu.memref_slice %arg3[%add3A, %dma_start3A_130, %dma_start3A_141] : memref<32x160x64xi32, #tpu.memory_space<hbm>> -> memref<1x1x64xi32, #tpu.memory_space<hbm>>
    %dma_start3A_143 = tpu.memref_squeeze %dma_start3A_142 : memref<1x1x64xi32, #tpu.memory_space<hbm>> -> memref<64xi32, #tpu.memory_space<hbm>>
    tpu.enqueue_dma source(%dma_start3A_143 : memref<64xi32, #tpu.memory_space<hbm>>) target(%dma_start3A_140 : memref<64xi32, #tpu.memory_space<vmem>>) target_semaphore(%arg26 : memref<!tpu.dma_semaphore, #tpu.memory_space<semaphore_mem>>)
    %dma_start3A_144 = arith.constant 5 : i32
    %dma_start3A_145 = arith.constant 5 : i32
    %dma_start3A_146 = arith.constant 0 : i32
    %dma_start3A_147 = tpu.memref_slice %arg7[%dma_start3A_145, %dma_start3A_146] : memref<8x64xi32, #tpu.memory_space<vmem>> -> memref<1x64xi32, #tpu.memory_space<vmem>>
    %dma_start3A_148 = tpu.memref_squeeze %dma_start3A_147 : memref<1x64xi32, #tpu.memory_space<vmem>> -> memref<64xi32, #tpu.memory_space<vmem>>
    %dma_start3A_149 = arith.constant 0 : i32
    %dma_start3A_150 = tpu.memref_slice %arg2[%add3A, %dma_start3A_144, %dma_start3A_149] : memref<32x160x64xi32, #tpu.memory_space<hbm>> -> memref<1x1x64xi32, #tpu.memory_space<hbm>>
    %dma_start3A_151 = tpu.memref_squeeze %dma_start3A_150 : memref<1x1x64xi32, #tpu.memory_space<hbm>> -> memref<64xi32, #tpu.memory_space<hbm>>
    %dma_start3A_152 = arith.constant 0 : i32
    %dma_start3A_153 = tpu.memref_slice %arg7[%dma_start3A_145, %dma_start3A_152] : memref<8x64xi32, #tpu.memory_space<vmem>> -> memref<1x64xi32, #tpu.memory_space<vmem>>
    %dma_start3A_154 = tpu.memref_squeeze %dma_start3A_153 : memref<1x64xi32, #tpu.memory_space<vmem>> -> memref<64xi32, #tpu.memory_space<vmem>>
    %dma_start3A_155 = arith.constant 0 : i32
    %dma_start3A_156 = tpu.memref_slice %arg2[%add3A, %dma_start3A_144, %dma_start3A_155] : memref<32x160x64xi32, #tpu.memory_space<hbm>> -> memref<1x1x64xi32, #tpu.memory_space<hbm>>
    %dma_start3A_157 = tpu.memref_squeeze %dma_start3A_156 : memref<1x1x64xi32, #tpu.memory_space<hbm>> -> memref<64xi32, #tpu.memory_space<hbm>>
    tpu.enqueue_dma source(%dma_start3A_157 : memref<64xi32, #tpu.memory_space<hbm>>) target(%dma_start3A_154 : memref<64xi32, #tpu.memory_space<vmem>>) target_semaphore(%arg19 : memref<!tpu.dma_semaphore, #tpu.memory_space<semaphore_mem>>)
    %dma_start3A_158 = arith.constant 5 : i32
    %dma_start3A_159 = arith.constant 5 : i32
    %dma_start3A_160 = arith.constant 0 : i32
    %dma_start3A_161 = tpu.memref_slice %arg8[%dma_start3A_159, %dma_start3A_160] : memref<8x64xi32, #tpu.memory_space<vmem>> -> memref<1x64xi32, #tpu.memory_space<vmem>>
    %dma_start3A_162 = tpu.memref_squeeze %dma_start3A_161 : memref<1x64xi32, #tpu.memory_space<vmem>> -> memref<64xi32, #tpu.memory_space<vmem>>
    %dma_start3A_163 = arith.constant 0 : i32
    %dma_start3A_164 = tpu.memref_slice %arg3[%add3A, %dma_start3A_158, %dma_start3A_163] : memref<32x160x64xi32, #tpu.memory_space<hbm>> -> memref<1x1x64xi32, #tpu.memory_space<hbm>>
    %dma_start3A_165 = tpu.memref_squeeze %dma_start3A_164 : memref<1x1x64xi32, #tpu.memory_space<hbm>> -> memref<64xi32, #tpu.memory_space<hbm>>
    %dma_start3A_166 = arith.constant 0 : i32
    %dma_start3A_167 = tpu.memref_slice %arg8[%dma_start3A_159, %dma_start3A_166] : memref<8x64xi32, #tpu.memory_space<vmem>> -> memref<1x64xi32, #tpu.memory_space<vmem>>
    %dma_start3A_168 = tpu.memref_squeeze %dma_start3A_167 : memref<1x64xi32, #tpu.memory_space<vmem>> -> memref<64xi32, #tpu.memory_space<vmem>>
    %dma_start3A_169 = arith.constant 0 : i32
    %dma_start3A_170 = tpu.memref_slice %arg3[%add3A, %dma_start3A_158, %dma_start3A_169] : memref<32x160x64xi32, #tpu.memory_space<hbm>> -> memref<1x1x64xi32, #tpu.memory_space<hbm>>
    %dma_start3A_171 = tpu.memref_squeeze %dma_start3A_170 : memref<1x1x64xi32, #tpu.memory_space<hbm>> -> memref<64xi32, #tpu.memory_space<hbm>>
    tpu.enqueue_dma source(%dma_start3A_171 : memref<64xi32, #tpu.memory_space<hbm>>) target(%dma_start3A_168 : memref<64xi32, #tpu.memory_space<vmem>>) target_semaphore(%arg27 : memref<!tpu.dma_semaphore, #tpu.memory_space<semaphore_mem>>)
    %dma_wait3A = arith.constant 0 : i32
    %dma_wait3A_172 = arith.constant 0 : i32
    %dma_wait3A_173 = arith.constant 0 : i32
    %dma_wait3A_174 = tpu.memref_slice %arg7[%dma_wait3A_172, %dma_wait3A_173] : memref<8x64xi32, #tpu.memory_space<vmem>> -> memref<1x64xi32, #tpu.memory_space<vmem>>
    %dma_wait3A_175 = tpu.memref_squeeze %dma_wait3A_174 : memref<1x64xi32, #tpu.memory_space<vmem>> -> memref<64xi32, #tpu.memory_space<vmem>>
    %dma_wait3A_176 = arith.constant 0 : i32
    %dma_wait3A_177 = tpu.memref_slice %arg2[%add3A, %dma_wait3A, %dma_wait3A_176] : memref<32x160x64xi32, #tpu.memory_space<hbm>> -> memref<1x1x64xi32, #tpu.memory_space<hbm>>
    %dma_wait3A_178 = tpu.memref_squeeze %dma_wait3A_177 : memref<1x1x64xi32, #tpu.memory_space<hbm>> -> memref<64xi32, #tpu.memory_space<hbm>>
    %dma_wait3A_179 = arith.constant 0 : i32
    %dma_wait3A_180 = tpu.memref_slice %arg7[%dma_wait3A_172, %dma_wait3A_179] : memref<8x64xi32, #tpu.memory_space<vmem>> -> memref<1x64xi32, #tpu.memory_space<vmem>>
    %dma_wait3A_181 = tpu.memref_squeeze %dma_wait3A_180 : memref<1x64xi32, #tpu.memory_space<vmem>> -> memref<64xi32, #tpu.memory_space<vmem>>
    %dma_wait3A_182 = arith.constant 0 : i32
    %dma_wait3A_183 = tpu.memref_slice %arg2[%add3A, %dma_wait3A, %dma_wait3A_182] : memref<32x160x64xi32, #tpu.memory_space<hbm>> -> memref<1x1x64xi32, #tpu.memory_space<hbm>>
    %dma_wait3A_184 = tpu.memref_squeeze %dma_wait3A_183 : memref<1x1x64xi32, #tpu.memory_space<hbm>> -> memref<64xi32, #tpu.memory_space<hbm>>
    tpu.wait_dma2 semaphore(%arg14 : memref<!tpu.dma_semaphore, #tpu.memory_space<semaphore_mem>>) src(%dma_wait3A_184 : memref<64xi32, #tpu.memory_space<hbm>>) dst(%dma_wait3A_181 : memref<64xi32, #tpu.memory_space<vmem>>)
    %dma_wait3A_185 = arith.constant 0 : i32
    %dma_wait3A_186 = arith.constant 0 : i32
    %dma_wait3A_187 = arith.constant 0 : i32
    %dma_wait3A_188 = tpu.memref_slice %arg8[%dma_wait3A_186, %dma_wait3A_187] : memref<8x64xi32, #tpu.memory_space<vmem>> -> memref<1x64xi32, #tpu.memory_space<vmem>>
    %dma_wait3A_189 = tpu.memref_squeeze %dma_wait3A_188 : memref<1x64xi32, #tpu.memory_space<vmem>> -> memref<64xi32, #tpu.memory_space<vmem>>
    %dma_wait3A_190 = arith.constant 0 : i32
    %dma_wait3A_191 = tpu.memref_slice %arg3[%add3A, %dma_wait3A_185, %dma_wait3A_190] : memref<32x160x64xi32, #tpu.memory_space<hbm>> -> memref<1x1x64xi32, #tpu.memory_space<hbm>>
    %dma_wait3A_192 = tpu.memref_squeeze %dma_wait3A_191 : memref<1x1x64xi32, #tpu.memory_space<hbm>> -> memref<64xi32, #tpu.memory_space<hbm>>
    %dma_wait3A_193 = arith.constant 0 : i32
    %dma_wait3A_194 = tpu.memref_slice %arg8[%dma_wait3A_186, %dma_wait3A_193] : memref<8x64xi32, #tpu.memory_space<vmem>> -> memref<1x64xi32, #tpu.memory_space<vmem>>
    %dma_wait3A_195 = tpu.memref_squeeze %dma_wait3A_194 : memref<1x64xi32, #tpu.memory_space<vmem>> -> memref<64xi32, #tpu.memory_space<vmem>>
    %dma_wait3A_196 = arith.constant 0 : i32
    %dma_wait3A_197 = tpu.memref_slice %arg3[%add3A, %dma_wait3A_185, %dma_wait3A_196] : memref<32x160x64xi32, #tpu.memory_space<hbm>> -> memref<1x1x64xi32, #tpu.memory_space<hbm>>
    %dma_wait3A_198 = tpu.memref_squeeze %dma_wait3A_197 : memref<1x1x64xi32, #tpu.memory_space<hbm>> -> memref<64xi32, #tpu.memory_space<hbm>>
    tpu.wait_dma2 semaphore(%arg22 : memref<!tpu.dma_semaphore, #tpu.memory_space<semaphore_mem>>) src(%dma_wait3A_198 : memref<64xi32, #tpu.memory_space<hbm>>) dst(%dma_wait3A_195 : memref<64xi32, #tpu.memory_space<vmem>>)
    %dma_start3A_199 = arith.constant 0 : i32
    %dma_start3A_200 = arith.constant 0 : i32
    %dma_start3A_201 = tpu.memref_slice %arg7[%dma_start3A_199, %dma_start3A_200] : memref<8x64xi32, #tpu.memory_space<vmem>> -> memref<1x64xi32, #tpu.memory_space<vmem>>
    %dma_start3A_202 = tpu.memref_squeeze %dma_start3A_201 : memref<1x64xi32, #tpu.memory_space<vmem>> -> memref<64xi32, #tpu.memory_space<vmem>>
    %dma_start3A_203 = arith.constant 0 : i32
    %dma_start3A_204 = arith.constant 0 : i32
    %dma_start3A_205 = tpu.memref_slice %arg4[%dma_start3A_203, %dma_start3A_204] : memref<10000x128xf32, #tpu.memory_space<hbm>> -> memref<10000x128xf32, #tpu.memory_space<hbm>>
    tpu.enqueue_indirect_dma source(%dma_start3A_205 : memref<10000x128xf32, #tpu.memory_space<hbm>>) target(%arg9 : memref<64x128xf32, #tpu.memory_space<vmem>>) offsets(%dma_start3A_202 : memref<64xi32, #tpu.memory_space<vmem>>) semaphore(%arg30 : memref<!tpu.dma_semaphore, #tpu.memory_space<semaphore_mem>>)
    %dma_wait3A_206 = arith.constant 0 : i32
    %dma_wait3A_207 = arith.constant 1 : i32
    %dma_wait3A_208 = arith.constant 0 : i32
    %dma_wait3A_209 = tpu.memref_slice %arg7[%dma_wait3A_207, %dma_wait3A_208] : memref<8x64xi32, #tpu.memory_space<vmem>> -> memref<1x64xi32, #tpu.memory_space<vmem>>
    %dma_wait3A_210 = tpu.memref_squeeze %dma_wait3A_209 : memref<1x64xi32, #tpu.memory_space<vmem>> -> memref<64xi32, #tpu.memory_space<vmem>>
    %dma_wait3A_211 = arith.constant 0 : i32
    %dma_wait3A_212 = tpu.memref_slice %arg2[%add3A, %dma_wait3A_206, %dma_wait3A_211] : memref<32x160x64xi32, #tpu.memory_space<hbm>> -> memref<1x1x64xi32, #tpu.memory_space<hbm>>
    %dma_wait3A_213 = tpu.memref_squeeze %dma_wait3A_212 : memref<1x1x64xi32, #tpu.memory_space<hbm>> -> memref<64xi32, #tpu.memory_space<hbm>>
    %dma_wait3A_214 = arith.constant 0 : i32
    %dma_wait3A_215 = tpu.memref_slice %arg7[%dma_wait3A_207, %dma_wait3A_214] : memref<8x64xi32, #tpu.memory_space<vmem>> -> memref<1x64xi32, #tpu.memory_space<vmem>>
    %dma_wait3A_216 = tpu.memref_squeeze %dma_wait3A_215 : memref<1x64xi32, #tpu.memory_space<vmem>> -> memref<64xi32, #tpu.memory_space<vmem>>
    %dma_wait3A_217 = arith.constant 0 : i32
    %dma_wait3A_218 = tpu.memref_slice %arg2[%add3A, %dma_wait3A_206, %dma_wait3A_217] : memref<32x160x64xi32, #tpu.memory_space<hbm>> -> memref<1x1x64xi32, #tpu.memory_space<hbm>>
    %dma_wait3A_219 = tpu.memref_squeeze %dma_wait3A_218 : memref<1x1x64xi32, #tpu.memory_space<hbm>> -> memref<64xi32, #tpu.memory_space<hbm>>
    tpu.wait_dma2 semaphore(%arg15 : memref<!tpu.dma_semaphore, #tpu.memory_space<semaphore_mem>>) src(%dma_wait3A_219 : memref<64xi32, #tpu.memory_space<hbm>>) dst(%dma_wait3A_216 : memref<64xi32, #tpu.memory_space<vmem>>)
    %dma_wait3A_220 = arith.constant 0 : i32
    %dma_wait3A_221 = arith.constant 1 : i32
    %dma_wait3A_222 = arith.constant 0 : i32
    %dma_wait3A_223 = tpu.memref_slice %arg8[%dma_wait3A_221, %dma_wait3A_222] : memref<8x64xi32, #tpu.memory_space<vmem>> -> memref<1x64xi32, #tpu.memory_space<vmem>>
    %dma_wait3A_224 = tpu.memref_squeeze %dma_wait3A_223 : memref<1x64xi32, #tpu.memory_space<vmem>> -> memref<64xi32, #tpu.memory_space<vmem>>
    %dma_wait3A_225 = arith.constant 0 : i32
    %dma_wait3A_226 = tpu.memref_slice %arg3[%add3A, %dma_wait3A_220, %dma_wait3A_225] : memref<32x160x64xi32, #tpu.memory_space<hbm>> -> memref<1x1x64xi32, #tpu.memory_space<hbm>>
    %dma_wait3A_227 = tpu.memref_squeeze %dma_wait3A_226 : memref<1x1x64xi32, #tpu.memory_space<hbm>> -> memref<64xi32, #tpu.memory_space<hbm>>
    %dma_wait3A_228 = arith.constant 0 : i32
    %dma_wait3A_229 = tpu.memref_slice %arg8[%dma_wait3A_221, %dma_wait3A_228] : memref<8x64xi32, #tpu.memory_space<vmem>> -> memref<1x64xi32, #tpu.memory_space<vmem>>
    %dma_wait3A_230 = tpu.memref_squeeze %dma_wait3A_229 : memref<1x64xi32, #tpu.memory_space<vmem>> -> memref<64xi32, #tpu.memory_space<vmem>>
    %dma_wait3A_231 = arith.constant 0 : i32
    %dma_wait3A_232 = tpu.memref_slice %arg3[%add3A, %dma_wait3A_220, %dma_wait3A_231] : memref<32x160x64xi32, #tpu.memory_space<hbm>> -> memref<1x1x64xi32, #tpu.memory_space<hbm>>
    %dma_wait3A_233 = tpu.memref_squeeze %dma_wait3A_232 : memref<1x1x64xi32, #tpu.memory_space<hbm>> -> memref<64xi32, #tpu.memory_space<hbm>>
    tpu.wait_dma2 semaphore(%arg23 : memref<!tpu.dma_semaphore, #tpu.memory_space<semaphore_mem>>) src(%dma_wait3A_233 : memref<64xi32, #tpu.memory_space<hbm>>) dst(%dma_wait3A_230 : memref<64xi32, #tpu.memory_space<vmem>>)
    %dma_start3A_234 = arith.constant 1 : i32
    %dma_start3A_235 = arith.constant 0 : i32
    %dma_start3A_236 = tpu.memref_slice %arg7[%dma_start3A_234, %dma_start3A_235] : memref<8x64xi32, #tpu.memory_space<vmem>> -> memref<1x64xi32, #tpu.memory_space<vmem>>
    %dma_start3A_237 = tpu.memref_squeeze %dma_start3A_236 : memref<1x64xi32, #tpu.memory_space<vmem>> -> memref<64xi32, #tpu.memory_space<vmem>>
    %dma_start3A_238 = arith.constant 0 : i32
    %dma_start3A_239 = arith.constant 0 : i32
    %dma_start3A_240 = tpu.memref_slice %arg4[%dma_start3A_238, %dma_start3A_239] : memref<10000x128xf32, #tpu.memory_space<hbm>> -> memref<10000x128xf32, #tpu.memory_space<hbm>>
    tpu.enqueue_indirect_dma source(%dma_start3A_240 : memref<10000x128xf32, #tpu.memory_space<hbm>>) target(%arg10 : memref<64x128xf32, #tpu.memory_space<vmem>>) offsets(%dma_start3A_237 : memref<64xi32, #tpu.memory_space<vmem>>) semaphore(%arg31 : memref<!tpu.dma_semaphore, #tpu.memory_space<semaphore_mem>>)
    %dma_wait3A_241 = arith.constant 0 : i32
    %dma_wait3A_242 = arith.constant 0 : i32
    %dma_wait3A_243 = tpu.memref_slice %arg7[%dma_wait3A_241, %dma_wait3A_242] : memref<8x64xi32, #tpu.memory_space<vmem>> -> memref<1x64xi32, #tpu.memory_space<vmem>>
    %dma_wait3A_244 = tpu.memref_squeeze %dma_wait3A_243 : memref<1x64xi32, #tpu.memory_space<vmem>> -> memref<64xi32, #tpu.memory_space<vmem>>
    %dma_wait3A_245 = arith.constant 0 : i32
    %dma_wait3A_246 = arith.constant 0 : i32
    %dma_wait3A_247 = tpu.memref_slice %arg4[%dma_wait3A_245, %dma_wait3A_246] : memref<10000x128xf32, #tpu.memory_space<hbm>> -> memref<10000x128xf32, #tpu.memory_space<hbm>>
    tpu.wait_indirect_dma semaphore(%arg30 : memref<!tpu.dma_semaphore, #tpu.memory_space<semaphore_mem>>) src(%dma_wait3A_247 : memref<10000x128xf32, #tpu.memory_space<hbm>>) dst(%arg9 : memref<64x128xf32, #tpu.memory_space<vmem>>)
    %dma_start3A_248 = arith.constant 0 : i32
    %dma_start3A_249 = arith.constant 0 : i32
    %dma_start3A_250 = tpu.memref_slice %arg8[%dma_start3A_248, %dma_start3A_249] : memref<8x64xi32, #tpu.memory_space<vmem>> -> memref<1x64xi32, #tpu.memory_space<vmem>>
    %dma_start3A_251 = tpu.memref_squeeze %dma_start3A_250 : memref<1x64xi32, #tpu.memory_space<vmem>> -> memref<64xi32, #tpu.memory_space<vmem>>
    %dma_start3A_252 = arith.constant 0 : i32
    %dma_start3A_253 = arith.constant 0 : i32
    %dma_start3A_254 = tpu.memref_slice %arg13[%dma_start3A_252, %dma_start3A_253] : memref<10064x128xf32, #tpu.memory_space<vmem_shared>> -> memref<10064x128xf32, #tpu.memory_space<vmem_shared>>
    tpu.enqueue_indirect_dma source(%arg9 : memref<64x128xf32, #tpu.memory_space<vmem>>) target(%dma_start3A_254 : memref<10064x128xf32, #tpu.memory_space<vmem_shared>>) offsets(%dma_start3A_251 : memref<64xi32, #tpu.memory_space<vmem>>) semaphore(%arg34 : memref<!tpu.dma_semaphore, #tpu.memory_space<semaphore_mem>>) {add = true}
    %dma_start3A_255 = arith.constant 6 : i32
    %dma_start3A_256 = arith.constant 6 : i32
    %dma_start3A_257 = arith.constant 0 : i32
    %dma_start3A_258 = tpu.memref_slice %arg7[%dma_start3A_256, %dma_start3A_257] : memref<8x64xi32, #tpu.memory_space<vmem>> -> memref<1x64xi32, #tpu.memory_space<vmem>>
    %dma_start3A_259 = tpu.memref_squeeze %dma_start3A_258 : memref<1x64xi32, #tpu.memory_space<vmem>> -> memref<64xi32, #tpu.memory_space<vmem>>
    %dma_start3A_260 = arith.constant 0 : i32
    %dma_start3A_261 = tpu.memref_slice %arg2[%add3A, %dma_start3A_255, %dma_start3A_260] : memref<32x160x64xi32, #tpu.memory_space<hbm>> -> memref<1x1x64xi32, #tpu.memory_space<hbm>>
    %dma_start3A_262 = tpu.memref_squeeze %dma_start3A_261 : memref<1x1x64xi32, #tpu.memory_space<hbm>> -> memref<64xi32, #tpu.memory_space<hbm>>
    %dma_start3A_263 = arith.constant 0 : i32
    %dma_start3A_264 = tpu.memref_slice %arg7[%dma_start3A_256, %dma_start3A_263] : memref<8x64xi32, #tpu.memory_space<vmem>> -> memref<1x64xi32, #tpu.memory_space<vmem>>
    %dma_start3A_265 = tpu.memref_squeeze %dma_start3A_264 : memref<1x64xi32, #tpu.memory_space<vmem>> -> memref<64xi32, #tpu.memory_space<vmem>>
    %dma_start3A_266 = arith.constant 0 : i32
    %dma_start3A_267 = tpu.memref_slice %arg2[%add3A, %dma_start3A_255, %dma_start3A_266] : memref<32x160x64xi32, #tpu.memory_space<hbm>> -> memref<1x1x64xi32, #tpu.memory_space<hbm>>
    %dma_start3A_268 = tpu.memref_squeeze %dma_start3A_267 : memref<1x1x64xi32, #tpu.memory_space<hbm>> -> memref<64xi32, #tpu.memory_space<hbm>>
    tpu.enqueue_dma source(%dma_start3A_268 : memref<64xi32, #tpu.memory_space<hbm>>) target(%dma_start3A_265 : memref<64xi32, #tpu.memory_space<vmem>>) target_semaphore(%arg20 : memref<!tpu.dma_semaphore, #tpu.memory_space<semaphore_mem>>)
    %dma_start3A_269 = arith.constant 6 : i32
    %dma_start3A_270 = arith.constant 6 : i32
    %dma_start3A_271 = arith.constant 0 : i32
    %dma_start3A_272 = tpu.memref_slice %arg8[%dma_start3A_270, %dma_start3A_271] : memref<8x64xi32, #tpu.memory_space<vmem>> -> memref<1x64xi32, #tpu.memory_space<vmem>>
    %dma_start3A_273 = tpu.memref_squeeze %dma_start3A_272 : memref<1x64xi32, #tpu.memory_space<vmem>> -> memref<64xi32, #tpu.memory_space<vmem>>
    %dma_start3A_274 = arith.constant 0 : i32
    %dma_start3A_275 = tpu.memref_slice %arg3[%add3A, %dma_start3A_269, %dma_start3A_274] : memref<32x160x64xi32, #tpu.memory_space<hbm>> -> memref<1x1x64xi32, #tpu.memory_space<hbm>>
    %dma_start3A_276 = tpu.memref_squeeze %dma_start3A_275 : memref<1x1x64xi32, #tpu.memory_space<hbm>> -> memref<64xi32, #tpu.memory_space<hbm>>
    %dma_start3A_277 = arith.constant 0 : i32
    %dma_start3A_278 = tpu.memref_slice %arg8[%dma_start3A_270, %dma_start3A_277] : memref<8x64xi32, #tpu.memory_space<vmem>> -> memref<1x64xi32, #tpu.memory_space<vmem>>
    %dma_start3A_279 = tpu.memref_squeeze %dma_start3A_278 : memref<1x64xi32, #tpu.memory_space<vmem>> -> memref<64xi32, #tpu.memory_space<vmem>>
    %dma_start3A_280 = arith.constant 0 : i32
    %dma_start3A_281 = tpu.memref_slice %arg3[%add3A, %dma_start3A_269, %dma_start3A_280] : memref<32x160x64xi32, #tpu.memory_space<hbm>> -> memref<1x1x64xi32, #tpu.memory_space<hbm>>
    %dma_start3A_282 = tpu.memref_squeeze %dma_start3A_281 : memref<1x1x64xi32, #tpu.memory_space<hbm>> -> memref<64xi32, #tpu.memory_space<hbm>>
    tpu.enqueue_dma source(%dma_start3A_282 : memref<64xi32, #tpu.memory_space<hbm>>) target(%dma_start3A_279 : memref<64xi32, #tpu.memory_space<vmem>>) target_semaphore(%arg28 : memref<!tpu.dma_semaphore, #tpu.memory_space<semaphore_mem>>)
    %dma_wait3A_283 = arith.constant 0 : i32
    %dma_wait3A_284 = arith.constant 2 : i32
    %dma_wait3A_285 = arith.constant 0 : i32
    %dma_wait3A_286 = tpu.memref_slice %arg7[%dma_wait3A_284, %dma_wait3A_285] : memref<8x64xi32, #tpu.memory_space<vmem>> -> memref<1x64xi32, #tpu.memory_space<vmem>>
    %dma_wait3A_287 = tpu.memref_squeeze %dma_wait3A_286 : memref<1x64xi32, #tpu.memory_space<vmem>> -> memref<64xi32, #tpu.memory_space<vmem>>
    %dma_wait3A_288 = arith.constant 0 : i32
    %dma_wait3A_289 = tpu.memref_slice %arg2[%add3A, %dma_wait3A_283, %dma_wait3A_288] : memref<32x160x64xi32, #tpu.memory_space<hbm>> -> memref<1x1x64xi32, #tpu.memory_space<hbm>>
    %dma_wait3A_290 = tpu.memref_squeeze %dma_wait3A_289 : memref<1x1x64xi32, #tpu.memory_space<hbm>> -> memref<64xi32, #tpu.memory_space<hbm>>
    %dma_wait3A_291 = arith.constant 0 : i32
    %dma_wait3A_292 = tpu.memref_slice %arg7[%dma_wait3A_284, %dma_wait3A_291] : memref<8x64xi32, #tpu.memory_space<vmem>> -> memref<1x64xi32, #tpu.memory_space<vmem>>
    %dma_wait3A_293 = tpu.memref_squeeze %dma_wait3A_292 : memref<1x64xi32, #tpu.memory_space<vmem>> -> memref<64xi32, #tpu.memory_space<vmem>>
    %dma_wait3A_294 = arith.constant 0 : i32
    %dma_wait3A_295 = tpu.memref_slice %arg2[%add3A, %dma_wait3A_283, %dma_wait3A_294] : memref<32x160x64xi32, #tpu.memory_space<hbm>> -> memref<1x1x64xi32, #tpu.memory_space<hbm>>
    %dma_wait3A_296 = tpu.memref_squeeze %dma_wait3A_295 : memref<1x1x64xi32, #tpu.memory_space<hbm>> -> memref<64xi32, #tpu.memory_space<hbm>>
    tpu.wait_dma2 semaphore(%arg16 : memref<!tpu.dma_semaphore, #tpu.memory_space<semaphore_mem>>) src(%dma_wait3A_296 : memref<64xi32, #tpu.memory_space<hbm>>) dst(%dma_wait3A_293 : memref<64xi32, #tpu.memory_space<vmem>>)
    %dma_wait3A_297 = arith.constant 0 : i32
    %dma_wait3A_298 = arith.constant 2 : i32
    %dma_wait3A_299 = arith.constant 0 : i32
    %dma_wait3A_300 = tpu.memref_slice %arg8[%dma_wait3A_298, %dma_wait3A_299] : memref<8x64xi32, #tpu.memory_space<vmem>> -> memref<1x64xi32, #tpu.memory_space<vmem>>
    %dma_wait3A_301 = tpu.memref_squeeze %dma_wait3A_300 : memref<1x64xi32, #tpu.memory_space<vmem>> -> memref<64xi32, #tpu.memory_space<vmem>>
    %dma_wait3A_302 = arith.constant 0 : i32
    %dma_wait3A_303 = tpu.memref_slice %arg3[%add3A, %dma_wait3A_297, %dma_wait3A_302] : memref<32x160x64xi32, #tpu.memory_space<hbm>> -> memref<1x1x64xi32, #tpu.memory_space<hbm>>
    %dma_wait3A_304 = tpu.memref_squeeze %dma_wait3A_303 : memref<1x1x64xi32, #tpu.memory_space<hbm>> -> memref<64xi32, #tpu.memory_space<hbm>>
    %dma_wait3A_305 = arith.constant 0 : i32
    %dma_wait3A_306 = tpu.memref_slice %arg8[%dma_wait3A_298, %dma_wait3A_305] : memref<8x64xi32, #tpu.memory_space<vmem>> -> memref<1x64xi32, #tpu.memory_space<vmem>>
    %dma_wait3A_307 = tpu.memref_squeeze %dma_wait3A_306 : memref<1x64xi32, #tpu.memory_space<vmem>> -> memref<64xi32, #tpu.memory_space<vmem>>
    %dma_wait3A_308 = arith.constant 0 : i32
    %dma_wait3A_309 = tpu.memref_slice %arg3[%add3A, %dma_wait3A_297, %dma_wait3A_308] : memref<32x160x64xi32, #tpu.memory_space<hbm>> -> memref<1x1x64xi32, #tpu.memory_space<hbm>>
    %dma_wait3A_310 = tpu.memref_squeeze %dma_wait3A_309 : memref<1x1x64xi32, #tpu.memory_space<hbm>> -> memref<64xi32, #tpu.memory_space<hbm>>
    tpu.wait_dma2 semaphore(%arg24 : memref<!tpu.dma_semaphore, #tpu.memory_space<semaphore_mem>>) src(%dma_wait3A_310 : memref<64xi32, #tpu.memory_space<hbm>>) dst(%dma_wait3A_307 : memref<64xi32, #tpu.memory_space<vmem>>)
    %dma_start3A_311 = arith.constant 2 : i32
    %dma_start3A_312 = arith.constant 0 : i32
    %dma_start3A_313 = tpu.memref_slice %arg7[%dma_start3A_311, %dma_start3A_312] : memref<8x64xi32, #tpu.memory_space<vmem>> -> memref<1x64xi32, #tpu.memory_space<vmem>>
    %dma_start3A_314 = tpu.memref_squeeze %dma_start3A_313 : memref<1x64xi32, #tpu.memory_space<vmem>> -> memref<64xi32, #tpu.memory_space<vmem>>
    %dma_start3A_315 = arith.constant 0 : i32
    %dma_start3A_316 = arith.constant 0 : i32
    %dma_start3A_317 = tpu.memref_slice %arg4[%dma_start3A_315, %dma_start3A_316] : memref<10000x128xf32, #tpu.memory_space<hbm>> -> memref<10000x128xf32, #tpu.memory_space<hbm>>
    tpu.enqueue_indirect_dma source(%dma_start3A_317 : memref<10000x128xf32, #tpu.memory_space<hbm>>) target(%arg11 : memref<64x128xf32, #tpu.memory_space<vmem>>) offsets(%dma_start3A_314 : memref<64xi32, #tpu.memory_space<vmem>>) semaphore(%arg32 : memref<!tpu.dma_semaphore, #tpu.memory_space<semaphore_mem>>)
    %dma_wait3A_318 = arith.constant 0 : i32
    %dma_wait3A_319 = arith.constant 0 : i32
    %dma_wait3A_320 = tpu.memref_slice %arg7[%dma_wait3A_318, %dma_wait3A_319] : memref<8x64xi32, #tpu.memory_space<vmem>> -> memref<1x64xi32, #tpu.memory_space<vmem>>
    %dma_wait3A_321 = tpu.memref_squeeze %dma_wait3A_320 : memref<1x64xi32, #tpu.memory_space<vmem>> -> memref<64xi32, #tpu.memory_space<vmem>>
    %dma_wait3A_322 = arith.constant 0 : i32
    %dma_wait3A_323 = arith.constant 0 : i32
    %dma_wait3A_324 = tpu.memref_slice %arg4[%dma_wait3A_322, %dma_wait3A_323] : memref<10000x128xf32, #tpu.memory_space<hbm>> -> memref<10000x128xf32, #tpu.memory_space<hbm>>
    tpu.wait_indirect_dma semaphore(%arg31 : memref<!tpu.dma_semaphore, #tpu.memory_space<semaphore_mem>>) src(%dma_wait3A_324 : memref<10000x128xf32, #tpu.memory_space<hbm>>) dst(%arg10 : memref<64x128xf32, #tpu.memory_space<vmem>>)
    %dma_wait3A_325 = arith.constant 0 : i32
    %dma_wait3A_326 = arith.constant 0 : i32
    %dma_wait3A_327 = tpu.memref_slice %arg8[%dma_wait3A_325, %dma_wait3A_326] : memref<8x64xi32, #tpu.memory_space<vmem>> -> memref<1x64xi32, #tpu.memory_space<vmem>>
    %dma_wait3A_328 = tpu.memref_squeeze %dma_wait3A_327 : memref<1x64xi32, #tpu.memory_space<vmem>> -> memref<64xi32, #tpu.memory_space<vmem>>
    %dma_wait3A_329 = arith.constant 0 : i32
    %dma_wait3A_330 = arith.constant 0 : i32
    %dma_wait3A_331 = tpu.memref_slice %arg13[%dma_wait3A_329, %dma_wait3A_330] : memref<10064x128xf32, #tpu.memory_space<vmem_shared>> -> memref<10064x128xf32, #tpu.memory_space<vmem_shared>>
    tpu.wait_indirect_dma semaphore(%arg34 : memref<!tpu.dma_semaphore, #tpu.memory_space<semaphore_mem>>) src(%arg9 : memref<64x128xf32, #tpu.memory_space<vmem>>) dst(%dma_wait3A_331 : memref<10064x128xf32, #tpu.memory_space<vmem_shared>>)
    %dma_start3A_332 = arith.constant 1 : i32
    %dma_start3A_333 = arith.constant 0 : i32
    %dma_start3A_334 = tpu.memref_slice %arg8[%dma_start3A_332, %dma_start3A_333] : memref<8x64xi32, #tpu.memory_space<vmem>> -> memref<1x64xi32, #tpu.memory_space<vmem>>
    %dma_start3A_335 = tpu.memref_squeeze %dma_start3A_334 : memref<1x64xi32, #tpu.memory_space<vmem>> -> memref<64xi32, #tpu.memory_space<vmem>>
    %dma_start3A_336 = arith.constant 0 : i32
    %dma_start3A_337 = arith.constant 0 : i32
    %dma_start3A_338 = tpu.memref_slice %arg13[%dma_start3A_336, %dma_start3A_337] : memref<10064x128xf32, #tpu.memory_space<vmem_shared>> -> memref<10064x128xf32, #tpu.memory_space<vmem_shared>>
    tpu.enqueue_indirect_dma source(%arg10 : memref<64x128xf32, #tpu.memory_space<vmem>>) target(%dma_start3A_338 : memref<10064x128xf32, #tpu.memory_space<vmem_shared>>) offsets(%dma_start3A_335 : memref<64xi32, #tpu.memory_space<vmem>>) semaphore(%arg35 : memref<!tpu.dma_semaphore, #tpu.memory_space<semaphore_mem>>) {add = true}
    %dma_start3A_339 = arith.constant 7 : i32
    %dma_start3A_340 = arith.constant 7 : i32
    %dma_start3A_341 = arith.constant 0 : i32
    %dma_start3A_342 = tpu.memref_slice %arg7[%dma_start3A_340, %dma_start3A_341] : memref<8x64xi32, #tpu.memory_space<vmem>> -> memref<1x64xi32, #tpu.memory_space<vmem>>
    %dma_start3A_343 = tpu.memref_squeeze %dma_start3A_342 : memref<1x64xi32, #tpu.memory_space<vmem>> -> memref<64xi32, #tpu.memory_space<vmem>>
    %dma_start3A_344 = arith.constant 0 : i32
    %dma_start3A_345 = tpu.memref_slice %arg2[%add3A, %dma_start3A_339, %dma_start3A_344] : memref<32x160x64xi32, #tpu.memory_space<hbm>> -> memref<1x1x64xi32, #tpu.memory_space<hbm>>
    %dma_start3A_346 = tpu.memref_squeeze %dma_start3A_345 : memref<1x1x64xi32, #tpu.memory_space<hbm>> -> memref<64xi32, #tpu.memory_space<hbm>>
    %dma_start3A_347 = arith.constant 0 : i32
    %dma_start3A_348 = tpu.memref_slice %arg7[%dma_start3A_340, %dma_start3A_347] : memref<8x64xi32, #tpu.memory_space<vmem>> -> memref<1x64xi32, #tpu.memory_space<vmem>>
    %dma_start3A_349 = tpu.memref_squeeze %dma_start3A_348 : memref<1x64xi32, #tpu.memory_space<vmem>> -> memref<64xi32, #tpu.memory_space<vmem>>
    %dma_start3A_350 = arith.constant 0 : i32
    %dma_start3A_351 = tpu.memref_slice %arg2[%add3A, %dma_start3A_339, %dma_start3A_350] : memref<32x160x64xi32, #tpu.memory_space<hbm>> -> memref<1x1x64xi32, #tpu.memory_space<hbm>>
    %dma_start3A_352 = tpu.memref_squeeze %dma_start3A_351 : memref<1x1x64xi32, #tpu.memory_space<hbm>> -> memref<64xi32, #tpu.memory_space<hbm>>
    tpu.enqueue_dma source(%dma_start3A_352 : memref<64xi32, #tpu.memory_space<hbm>>) target(%dma_start3A_349 : memref<64xi32, #tpu.memory_space<vmem>>) target_semaphore(%arg21 : memref<!tpu.dma_semaphore, #tpu.memory_space<semaphore_mem>>)
    %dma_start3A_353 = arith.constant 7 : i32
    %dma_start3A_354 = arith.constant 7 : i32
    %dma_start3A_355 = arith.constant 0 : i32
    %dma_start3A_356 = tpu.memref_slice %arg8[%dma_start3A_354, %dma_start3A_355] : memref<8x64xi32, #tpu.memory_space<vmem>> -> memref<1x64xi32, #tpu.memory_space<vmem>>
    %dma_start3A_357 = tpu.memref_squeeze %dma_start3A_356 : memref<1x64xi32, #tpu.memory_space<vmem>> -> memref<64xi32, #tpu.memory_space<vmem>>
    %dma_start3A_358 = arith.constant 0 : i32
    %dma_start3A_359 = tpu.memref_slice %arg3[%add3A, %dma_start3A_353, %dma_start3A_358] : memref<32x160x64xi32, #tpu.memory_space<hbm>> -> memref<1x1x64xi32, #tpu.memory_space<hbm>>
    %dma_start3A_360 = tpu.memref_squeeze %dma_start3A_359 : memref<1x1x64xi32, #tpu.memory_space<hbm>> -> memref<64xi32, #tpu.memory_space<hbm>>
    %dma_start3A_361 = arith.constant 0 : i32
    %dma_start3A_362 = tpu.memref_slice %arg8[%dma_start3A_354, %dma_start3A_361] : memref<8x64xi32, #tpu.memory_space<vmem>> -> memref<1x64xi32, #tpu.memory_space<vmem>>
    %dma_start3A_363 = tpu.memref_squeeze %dma_start3A_362 : memref<1x64xi32, #tpu.memory_space<vmem>> -> memref<64xi32, #tpu.memory_space<vmem>>
    %dma_start3A_364 = arith.constant 0 : i32
    %dma_start3A_365 = tpu.memref_slice %arg3[%add3A, %dma_start3A_353, %dma_start3A_364] : memref<32x160x64xi32, #tpu.memory_space<hbm>> -> memref<1x1x64xi32, #tpu.memory_space<hbm>>
    %dma_start3A_366 = tpu.memref_squeeze %dma_start3A_365 : memref<1x1x64xi32, #tpu.memory_space<hbm>> -> memref<64xi32, #tpu.memory_space<hbm>>
    tpu.enqueue_dma source(%dma_start3A_366 : memref<64xi32, #tpu.memory_space<hbm>>) target(%dma_start3A_363 : memref<64xi32, #tpu.memory_space<vmem>>) target_semaphore(%arg29 : memref<!tpu.dma_semaphore, #tpu.memory_space<semaphore_mem>>)
    %dma_wait3A_367 = arith.constant 0 : i32
    %dma_wait3A_368 = arith.constant 3 : i32
    %dma_wait3A_369 = arith.constant 0 : i32
    %dma_wait3A_370 = tpu.memref_slice %arg7[%dma_wait3A_368, %dma_wait3A_369] : memref<8x64xi32, #tpu.memory_space<vmem>> -> memref<1x64xi32, #tpu.memory_space<vmem>>
    %dma_wait3A_371 = tpu.memref_squeeze %dma_wait3A_370 : memref<1x64xi32, #tpu.memory_space<vmem>> -> memref<64xi32, #tpu.memory_space<vmem>>
    %dma_wait3A_372 = arith.constant 0 : i32
    %dma_wait3A_373 = tpu.memref_slice %arg2[%add3A, %dma_wait3A_367, %dma_wait3A_372] : memref<32x160x64xi32, #tpu.memory_space<hbm>> -> memref<1x1x64xi32, #tpu.memory_space<hbm>>
    %dma_wait3A_374 = tpu.memref_squeeze %dma_wait3A_373 : memref<1x1x64xi32, #tpu.memory_space<hbm>> -> memref<64xi32, #tpu.memory_space<hbm>>
    %dma_wait3A_375 = arith.constant 0 : i32
    %dma_wait3A_376 = tpu.memref_slice %arg7[%dma_wait3A_368, %dma_wait3A_375] : memref<8x64xi32, #tpu.memory_space<vmem>> -> memref<1x64xi32, #tpu.memory_space<vmem>>
    %dma_wait3A_377 = tpu.memref_squeeze %dma_wait3A_376 : memref<1x64xi32, #tpu.memory_space<vmem>> -> memref<64xi32, #tpu.memory_space<vmem>>
    %dma_wait3A_378 = arith.constant 0 : i32
    %dma_wait3A_379 = tpu.memref_slice %arg2[%add3A, %dma_wait3A_367, %dma_wait3A_378] : memref<32x160x64xi32, #tpu.memory_space<hbm>> -> memref<1x1x64xi32, #tpu.memory_space<hbm>>
    %dma_wait3A_380 = tpu.memref_squeeze %dma_wait3A_379 : memref<1x1x64xi32, #tpu.memory_space<hbm>> -> memref<64xi32, #tpu.memory_space<hbm>>
    tpu.wait_dma2 semaphore(%arg17 : memref<!tpu.dma_semaphore, #tpu.memory_space<semaphore_mem>>) src(%dma_wait3A_380 : memref<64xi32, #tpu.memory_space<hbm>>) dst(%dma_wait3A_377 : memref<64xi32, #tpu.memory_space<vmem>>)
    %dma_wait3A_381 = arith.constant 0 : i32
    %dma_wait3A_382 = arith.constant 3 : i32
    %dma_wait3A_383 = arith.constant 0 : i32
    %dma_wait3A_384 = tpu.memref_slice %arg8[%dma_wait3A_382, %dma_wait3A_383] : memref<8x64xi32, #tpu.memory_space<vmem>> -> memref<1x64xi32, #tpu.memory_space<vmem>>
    %dma_wait3A_385 = tpu.memref_squeeze %dma_wait3A_384 : memref<1x64xi32, #tpu.memory_space<vmem>> -> memref<64xi32, #tpu.memory_space<vmem>>
    %dma_wait3A_386 = arith.constant 0 : i32
    %dma_wait3A_387 = tpu.memref_slice %arg3[%add3A, %dma_wait3A_381, %dma_wait3A_386] : memref<32x160x64xi32, #tpu.memory_space<hbm>> -> memref<1x1x64xi32, #tpu.memory_space<hbm>>
    %dma_wait3A_388 = tpu.memref_squeeze %dma_wait3A_387 : memref<1x1x64xi32, #tpu.memory_space<hbm>> -> memref<64xi32, #tpu.memory_space<hbm>>
    %dma_wait3A_389 = arith.constant 0 : i32
    %dma_wait3A_390 = tpu.memref_slice %arg8[%dma_wait3A_382, %dma_wait3A_389] : memref<8x64xi32, #tpu.memory_space<vmem>> -> memref<1x64xi32, #tpu.memory_space<vmem>>
    %dma_wait3A_391 = tpu.memref_squeeze %dma_wait3A_390 : memref<1x64xi32, #tpu.memory_space<vmem>> -> memref<64xi32, #tpu.memory_space<vmem>>
    %dma_wait3A_392 = arith.constant 0 : i32
    %dma_wait3A_393 = tpu.memref_slice %arg3[%add3A, %dma_wait3A_381, %dma_wait3A_392] : memref<32x160x64xi32, #tpu.memory_space<hbm>> -> memref<1x1x64xi32, #tpu.memory_space<hbm>>
    %dma_wait3A_394 = tpu.memref_squeeze %dma_wait3A_393 : memref<1x1x64xi32, #tpu.memory_space<hbm>> -> memref<64xi32, #tpu.memory_space<hbm>>
    tpu.wait_dma2 semaphore(%arg25 : memref<!tpu.dma_semaphore, #tpu.memory_space<semaphore_mem>>) src(%dma_wait3A_394 : memref<64xi32, #tpu.memory_space<hbm>>) dst(%dma_wait3A_391 : memref<64xi32, #tpu.memory_space<vmem>>)
    %dma_start3A_395 = arith.constant 3 : i32
    %dma_start3A_396 = arith.constant 0 : i32
    %dma_start3A_397 = tpu.memref_slice %arg7[%dma_start3A_395, %dma_start3A_396] : memref<8x64xi32, #tpu.memory_space<vmem>> -> memref<1x64xi32, #tpu.memory_space<vmem>>
    %dma_start3A_398 = tpu.memref_squeeze %dma_start3A_397 : memref<1x64xi32, #tpu.memory_space<vmem>> -> memref<64xi32, #tpu.memory_space<vmem>>
    %dma_start3A_399 = arith.constant 0 : i32
    %dma_start3A_400 = arith.constant 0 : i32
    %dma_start3A_401 = tpu.memref_slice %arg4[%dma_start3A_399, %dma_start3A_400] : memref<10000x128xf32, #tpu.memory_space<hbm>> -> memref<10000x128xf32, #tpu.memory_space<hbm>>
    tpu.enqueue_indirect_dma source(%dma_start3A_401 : memref<10000x128xf32, #tpu.memory_space<hbm>>) target(%arg12 : memref<64x128xf32, #tpu.memory_space<vmem>>) offsets(%dma_start3A_398 : memref<64xi32, #tpu.memory_space<vmem>>) semaphore(%arg33 : memref<!tpu.dma_semaphore, #tpu.memory_space<semaphore_mem>>)
    %dma_wait3A_402 = arith.constant 0 : i32
    %dma_wait3A_403 = arith.constant 0 : i32
    %dma_wait3A_404 = tpu.memref_slice %arg7[%dma_wait3A_402, %dma_wait3A_403] : memref<8x64xi32, #tpu.memory_space<vmem>> -> memref<1x64xi32, #tpu.memory_space<vmem>>
    %dma_wait3A_405 = tpu.memref_squeeze %dma_wait3A_404 : memref<1x64xi32, #tpu.memory_space<vmem>> -> memref<64xi32, #tpu.memory_space<vmem>>
    %dma_wait3A_406 = arith.constant 0 : i32
    %dma_wait3A_407 = arith.constant 0 : i32
    %dma_wait3A_408 = tpu.memref_slice %arg4[%dma_wait3A_406, %dma_wait3A_407] : memref<10000x128xf32, #tpu.memory_space<hbm>> -> memref<10000x128xf32, #tpu.memory_space<hbm>>
    tpu.wait_indirect_dma semaphore(%arg32 : memref<!tpu.dma_semaphore, #tpu.memory_space<semaphore_mem>>) src(%dma_wait3A_408 : memref<10000x128xf32, #tpu.memory_space<hbm>>) dst(%arg11 : memref<64x128xf32, #tpu.memory_space<vmem>>)
    %dma_wait3A_409 = arith.constant 1 : i32
    %dma_wait3A_410 = arith.constant 0 : i32
    %dma_wait3A_411 = tpu.memref_slice %arg8[%dma_wait3A_409, %dma_wait3A_410] : memref<8x64xi32, #tpu.memory_space<vmem>> -> memref<1x64xi32, #tpu.memory_space<vmem>>
    %dma_wait3A_412 = tpu.memref_squeeze %dma_wait3A_411 : memref<1x64xi32, #tpu.memory_space<vmem>> -> memref<64xi32, #tpu.memory_space<vmem>>
    %dma_wait3A_413 = arith.constant 0 : i32
    %dma_wait3A_414 = arith.constant 0 : i32
    %dma_wait3A_415 = tpu.memref_slice %arg13[%dma_wait3A_413, %dma_wait3A_414] : memref<10064x128xf32, #tpu.memory_space<vmem_shared>> -> memref<10064x128xf32, #tpu.memory_space<vmem_shared>>
    tpu.wait_indirect_dma semaphore(%arg35 : memref<!tpu.dma_semaphore, #tpu.memory_space<semaphore_mem>>) src(%arg10 : memref<64x128xf32, #tpu.memory_space<vmem>>) dst(%dma_wait3A_415 : memref<10064x128xf32, #tpu.memory_space<vmem_shared>>)
    %dma_start3A_416 = arith.constant 2 : i32
    %dma_start3A_417 = arith.constant 0 : i32
    %dma_start3A_418 = tpu.memref_slice %arg8[%dma_start3A_416, %dma_start3A_417] : memref<8x64xi32, #tpu.memory_space<vmem>> -> memref<1x64xi32, #tpu.memory_space<vmem>>
    %dma_start3A_419 = tpu.memref_squeeze %dma_start3A_418 : memref<1x64xi32, #tpu.memory_space<vmem>> -> memref<64xi32, #tpu.memory_space<vmem>>
    %dma_start3A_420 = arith.constant 0 : i32
    %dma_start3A_421 = arith.constant 0 : i32
    %dma_start3A_422 = tpu.memref_slice %arg13[%dma_start3A_420, %dma_start3A_421] : memref<10064x128xf32, #tpu.memory_space<vmem_shared>> -> memref<10064x128xf32, #tpu.memory_space<vmem_shared>>
    tpu.enqueue_indirect_dma source(%arg11 : memref<64x128xf32, #tpu.memory_space<vmem>>) target(%dma_start3A_422 : memref<10064x128xf32, #tpu.memory_space<vmem_shared>>) offsets(%dma_start3A_419 : memref<64xi32, #tpu.memory_space<vmem>>) semaphore(%arg36 : memref<!tpu.dma_semaphore, #tpu.memory_space<semaphore_mem>>) {add = true}
    %dma_start3A_423 = arith.constant 8 : i32
    %dma_start3A_424 = arith.constant 0 : i32
    %dma_start3A_425 = arith.constant 0 : i32
    %dma_start3A_426 = tpu.memref_slice %arg7[%dma_start3A_424, %dma_start3A_425] : memref<8x64xi32, #tpu.memory_space<vmem>> -> memref<1x64xi32, #tpu.memory_space<vmem>>
    %dma_start3A_427 = tpu.memref_squeeze %dma_start3A_426 : memref<1x64xi32, #tpu.memory_space<vmem>> -> memref<64xi32, #tpu.memory_space<vmem>>
    %dma_start3A_428 = arith.constant 0 : i32
    %dma_start3A_429 = tpu.memref_slice %arg2[%add3A, %dma_start3A_423, %dma_start3A_428] : memref<32x160x64xi32, #tpu.memory_space<hbm>> -> memref<1x1x64xi32, #tpu.memory_space<hbm>>
    %dma_start3A_430 = tpu.memref_squeeze %dma_start3A_429 : memref<1x1x64xi32, #tpu.memory_space<hbm>> -> memref<64xi32, #tpu.memory_space<hbm>>
    %dma_start3A_431 = arith.constant 0 : i32
    %dma_start3A_432 = tpu.memref_slice %arg7[%dma_start3A_424, %dma_start3A_431] : memref<8x64xi32, #tpu.memory_space<vmem>> -> memref<1x64xi32, #tpu.memory_space<vmem>>
    %dma_start3A_433 = tpu.memref_squeeze %dma_start3A_432 : memref<1x64xi32, #tpu.memory_space<vmem>> -> memref<64xi32, #tpu.memory_space<vmem>>
    %dma_start3A_434 = arith.constant 0 : i32
    %dma_start3A_435 = tpu.memref_slice %arg2[%add3A, %dma_start3A_423, %dma_start3A_434] : memref<32x160x64xi32, #tpu.memory_space<hbm>> -> memref<1x1x64xi32, #tpu.memory_space<hbm>>
    %dma_start3A_436 = tpu.memref_squeeze %dma_start3A_435 : memref<1x1x64xi32, #tpu.memory_space<hbm>> -> memref<64xi32, #tpu.memory_space<hbm>>
    tpu.enqueue_dma source(%dma_start3A_436 : memref<64xi32, #tpu.memory_space<hbm>>) target(%dma_start3A_433 : memref<64xi32, #tpu.memory_space<vmem>>) target_semaphore(%arg14 : memref<!tpu.dma_semaphore, #tpu.memory_space<semaphore_mem>>)
    %dma_start3A_437 = arith.constant 8 : i32
    %dma_start3A_438 = arith.constant 0 : i32
    %dma_start3A_439 = arith.constant 0 : i32
    %dma_start3A_440 = tpu.memref_slice %arg8[%dma_start3A_438, %dma_start3A_439] : memref<8x64xi32, #tpu.memory_space<vmem>> -> memref<1x64xi32, #tpu.memory_space<vmem>>
    %dma_start3A_441 = tpu.memref_squeeze %dma_start3A_440 : memref<1x64xi32, #tpu.memory_space<vmem>> -> memref<64xi32, #tpu.memory_space<vmem>>
    %dma_start3A_442 = arith.constant 0 : i32
    %dma_start3A_443 = tpu.memref_slice %arg3[%add3A, %dma_start3A_437, %dma_start3A_442] : memref<32x160x64xi32, #tpu.memory_space<hbm>> -> memref<1x1x64xi32, #tpu.memory_space<hbm>>
    %dma_start3A_444 = tpu.memref_squeeze %dma_start3A_443 : memref<1x1x64xi32, #tpu.memory_space<hbm>> -> memref<64xi32, #tpu.memory_space<hbm>>
    %dma_start3A_445 = arith.constant 0 : i32
    %dma_start3A_446 = tpu.memref_slice %arg8[%dma_start3A_438, %dma_start3A_445] : memref<8x64xi32, #tpu.memory_space<vmem>> -> memref<1x64xi32, #tpu.memory_space<vmem>>
    %dma_start3A_447 = tpu.memref_squeeze %dma_start3A_446 : memref<1x64xi32, #tpu.memory_space<vmem>> -> memref<64xi32, #tpu.memory_space<vmem>>
    %dma_start3A_448 = arith.constant 0 : i32
    %dma_start3A_449 = tpu.memref_slice %arg3[%add3A, %dma_start3A_437, %dma_start3A_448] : memref<32x160x64xi32, #tpu.memory_space<hbm>> -> memref<1x1x64xi32, #tpu.memory_space<hbm>>
    %dma_start3A_450 = tpu.memref_squeeze %dma_start3A_449 : memref<1x1x64xi32, #tpu.memory_space<hbm>> -> memref<64xi32, #tpu.memory_space<hbm>>
    tpu.enqueue_dma source(%dma_start3A_450 : memref<64xi32, #tpu.memory_space<hbm>>) target(%dma_start3A_447 : memref<64xi32, #tpu.memory_space<vmem>>) target_semaphore(%arg22 : memref<!tpu.dma_semaphore, #tpu.memory_space<semaphore_mem>>)
    %dma_wait3A_451 = arith.constant 0 : i32
    %dma_wait3A_452 = arith.constant 4 : i32
    %dma_wait3A_453 = arith.constant 0 : i32
    %dma_wait3A_454 = tpu.memref_slice %arg7[%dma_wait3A_452, %dma_wait3A_453] : memref<8x64xi32, #tpu.memory_space<vmem>> -> memref<1x64xi32, #tpu.memory_space<vmem>>
    %dma_wait3A_455 = tpu.memref_squeeze %dma_wait3A_454 : memref<1x64xi32, #tpu.memory_space<vmem>> -> memref<64xi32, #tpu.memory_space<vmem>>
    %dma_wait3A_456 = arith.constant 0 : i32
    %dma_wait3A_457 = tpu.memref_slice %arg2[%add3A, %dma_wait3A_451, %dma_wait3A_456] : memref<32x160x64xi32, #tpu.memory_space<hbm>> -> memref<1x1x64xi32, #tpu.memory_space<hbm>>
    %dma_wait3A_458 = tpu.memref_squeeze %dma_wait3A_457 : memref<1x1x64xi32, #tpu.memory_space<hbm>> -> memref<64xi32, #tpu.memory_space<hbm>>
    %dma_wait3A_459 = arith.constant 0 : i32
    %dma_wait3A_460 = tpu.memref_slice %arg7[%dma_wait3A_452, %dma_wait3A_459] : memref<8x64xi32, #tpu.memory_space<vmem>> -> memref<1x64xi32, #tpu.memory_space<vmem>>
    %dma_wait3A_461 = tpu.memref_squeeze %dma_wait3A_460 : memref<1x64xi32, #tpu.memory_space<vmem>> -> memref<64xi32, #tpu.memory_space<vmem>>
    %dma_wait3A_462 = arith.constant 0 : i32
    %dma_wait3A_463 = tpu.memref_slice %arg2[%add3A, %dma_wait3A_451, %dma_wait3A_462] : memref<32x160x64xi32, #tpu.memory_space<hbm>> -> memref<1x1x64xi32, #tpu.memory_space<hbm>>
    %dma_wait3A_464 = tpu.memref_squeeze %dma_wait3A_463 : memref<1x1x64xi32, #tpu.memory_space<hbm>> -> memref<64xi32, #tpu.memory_space<hbm>>
    tpu.wait_dma2 semaphore(%arg18 : memref<!tpu.dma_semaphore, #tpu.memory_space<semaphore_mem>>) src(%dma_wait3A_464 : memref<64xi32, #tpu.memory_space<hbm>>) dst(%dma_wait3A_461 : memref<64xi32, #tpu.memory_space<vmem>>)
    %dma_wait3A_465 = arith.constant 0 : i32
    %dma_wait3A_466 = arith.constant 4 : i32
    %dma_wait3A_467 = arith.constant 0 : i32
    %dma_wait3A_468 = tpu.memref_slice %arg8[%dma_wait3A_466, %dma_wait3A_467] : memref<8x64xi32, #tpu.memory_space<vmem>> -> memref<1x64xi32, #tpu.memory_space<vmem>>
    %dma_wait3A_469 = tpu.memref_squeeze %dma_wait3A_468 : memref<1x64xi32, #tpu.memory_space<vmem>> -> memref<64xi32, #tpu.memory_space<vmem>>
    %dma_wait3A_470 = arith.constant 0 : i32
    %dma_wait3A_471 = tpu.memref_slice %arg3[%add3A, %dma_wait3A_465, %dma_wait3A_470] : memref<32x160x64xi32, #tpu.memory_space<hbm>> -> memref<1x1x64xi32, #tpu.memory_space<hbm>>
    %dma_wait3A_472 = tpu.memref_squeeze %dma_wait3A_471 : memref<1x1x64xi32, #tpu.memory_space<hbm>> -> memref<64xi32, #tpu.memory_space<hbm>>
    %dma_wait3A_473 = arith.constant 0 : i32
    %dma_wait3A_474 = tpu.memref_slice %arg8[%dma_wait3A_466, %dma_wait3A_473] : memref<8x64xi32, #tpu.memory_space<vmem>> -> memref<1x64xi32, #tpu.memory_space<vmem>>
    %dma_wait3A_475 = tpu.memref_squeeze %dma_wait3A_474 : memref<1x64xi32, #tpu.memory_space<vmem>> -> memref<64xi32, #tpu.memory_space<vmem>>
    %dma_wait3A_476 = arith.constant 0 : i32
    %dma_wait3A_477 = tpu.memref_slice %arg3[%add3A, %dma_wait3A_465, %dma_wait3A_476] : memref<32x160x64xi32, #tpu.memory_space<hbm>> -> memref<1x1x64xi32, #tpu.memory_space<hbm>>
    %dma_wait3A_478 = tpu.memref_squeeze %dma_wait3A_477 : memref<1x1x64xi32, #tpu.memory_space<hbm>> -> memref<64xi32, #tpu.memory_space<hbm>>
    tpu.wait_dma2 semaphore(%arg26 : memref<!tpu.dma_semaphore, #tpu.memory_space<semaphore_mem>>) src(%dma_wait3A_478 : memref<64xi32, #tpu.memory_space<hbm>>) dst(%dma_wait3A_475 : memref<64xi32, #tpu.memory_space<vmem>>)
    %dma_start3A_479 = arith.constant 4 : i32
    %dma_start3A_480 = arith.constant 0 : i32
    %dma_start3A_481 = tpu.memref_slice %arg7[%dma_start3A_479, %dma_start3A_480] : memref<8x64xi32, #tpu.memory_space<vmem>> -> memref<1x64xi32, #tpu.memory_space<vmem>>
    %dma_start3A_482 = tpu.memref_squeeze %dma_start3A_481 : memref<1x64xi32, #tpu.memory_space<vmem>> -> memref<64xi32, #tpu.memory_space<vmem>>
    %dma_start3A_483 = arith.constant 0 : i32
    %dma_start3A_484 = arith.constant 0 : i32
    %dma_start3A_485 = tpu.memref_slice %arg4[%dma_start3A_483, %dma_start3A_484] : memref<10000x128xf32, #tpu.memory_space<hbm>> -> memref<10000x128xf32, #tpu.memory_space<hbm>>
    tpu.enqueue_indirect_dma source(%dma_start3A_485 : memref<10000x128xf32, #tpu.memory_space<hbm>>) target(%arg9 : memref<64x128xf32, #tpu.memory_space<vmem>>) offsets(%dma_start3A_482 : memref<64xi32, #tpu.memory_space<vmem>>) semaphore(%arg30 : memref<!tpu.dma_semaphore, #tpu.memory_space<semaphore_mem>>)
    %dma_wait3A_486 = arith.constant 0 : i32
    %dma_wait3A_487 = arith.constant 0 : i32
    %dma_wait3A_488 = tpu.memref_slice %arg7[%dma_wait3A_486, %dma_wait3A_487] : memref<8x64xi32, #tpu.memory_space<vmem>> -> memref<1x64xi32, #tpu.memory_space<vmem>>
    %dma_wait3A_489 = tpu.memref_squeeze %dma_wait3A_488 : memref<1x64xi32, #tpu.memory_space<vmem>> -> memref<64xi32, #tpu.memory_space<vmem>>
    %dma_wait3A_490 = arith.constant 0 : i32
    %dma_wait3A_491 = arith.constant 0 : i32
    %dma_wait3A_492 = tpu.memref_slice %arg4[%dma_wait3A_490, %dma_wait3A_491] : memref<10000x128xf32, #tpu.memory_space<hbm>> -> memref<10000x128xf32, #tpu.memory_space<hbm>>
    tpu.wait_indirect_dma semaphore(%arg33 : memref<!tpu.dma_semaphore, #tpu.memory_space<semaphore_mem>>) src(%dma_wait3A_492 : memref<10000x128xf32, #tpu.memory_space<hbm>>) dst(%arg12 : memref<64x128xf32, #tpu.memory_space<vmem>>)
    %dma_wait3A_493 = arith.constant 2 : i32
    %dma_wait3A_494 = arith.constant 0 : i32
    %dma_wait3A_495 = tpu.memref_slice %arg8[%dma_wait3A_493, %dma_wait3A_494] : memref<8x64xi32, #tpu.memory_space<vmem>> -> memref<1x64xi32, #tpu.memory_space<vmem>>
    %dma_wait3A_496 = tpu.memref_squeeze %dma_wait3A_495 : memref<1x64xi32, #tpu.memory_space<vmem>> -> memref<64xi32, #tpu.memory_space<vmem>>
    %dma_wait3A_497 = arith.constant 0 : i32
    %dma_wait3A_498 = arith.constant 0 : i32
    %dma_wait3A_499 = tpu.memref_slice %arg13[%dma_wait3A_497, %dma_wait3A_498] : memref<10064x128xf32, #tpu.memory_space<vmem_shared>> -> memref<10064x128xf32, #tpu.memory_space<vmem_shared>>
    tpu.wait_indirect_dma semaphore(%arg36 : memref<!tpu.dma_semaphore, #tpu.memory_space<semaphore_mem>>) src(%arg11 : memref<64x128xf32, #tpu.memory_space<vmem>>) dst(%dma_wait3A_499 : memref<10064x128xf32, #tpu.memory_space<vmem_shared>>)
    %dma_start3A_500 = arith.constant 3 : i32
    %dma_start3A_501 = arith.constant 0 : i32
    %dma_start3A_502 = tpu.memref_slice %arg8[%dma_start3A_500, %dma_start3A_501] : memref<8x64xi32, #tpu.memory_space<vmem>> -> memref<1x64xi32, #tpu.memory_space<vmem>>
    %dma_start3A_503 = tpu.memref_squeeze %dma_start3A_502 : memref<1x64xi32, #tpu.memory_space<vmem>> -> memref<64xi32, #tpu.memory_space<vmem>>
    %dma_start3A_504 = arith.constant 0 : i32
    %dma_start3A_505 = arith.constant 0 : i32
    %dma_start3A_506 = tpu.memref_slice %arg13[%dma_start3A_504, %dma_start3A_505] : memref<10064x128xf32, #tpu.memory_space<vmem_shared>> -> memref<10064x128xf32, #tpu.memory_space<vmem_shared>>
    tpu.enqueue_indirect_dma source(%arg12 : memref<64x128xf32, #tpu.memory_space<vmem>>) target(%dma_start3A_506 : memref<10064x128xf32, #tpu.memory_space<vmem_shared>>) offsets(%dma_start3A_503 : memref<64xi32, #tpu.memory_space<vmem>>) semaphore(%arg37 : memref<!tpu.dma_semaphore, #tpu.memory_space<semaphore_mem>>) {add = true}
    %dma_start3A_507 = arith.constant 9 : i32
    %dma_start3A_508 = arith.constant 1 : i32
    %dma_start3A_509 = arith.constant 0 : i32
    %dma_start3A_510 = tpu.memref_slice %arg7[%dma_start3A_508, %dma_start3A_509] : memref<8x64xi32, #tpu.memory_space<vmem>> -> memref<1x64xi32, #tpu.memory_space<vmem>>
    %dma_start3A_511 = tpu.memref_squeeze %dma_start3A_510 : memref<1x64xi32, #tpu.memory_space<vmem>> -> memref<64xi32, #tpu.memory_space<vmem>>
    %dma_start3A_512 = arith.constant 0 : i32
    %dma_start3A_513 = tpu.memref_slice %arg2[%add3A, %dma_start3A_507, %dma_start3A_512] : memref<32x160x64xi32, #tpu.memory_space<hbm>> -> memref<1x1x64xi32, #tpu.memory_space<hbm>>
    %dma_start3A_514 = tpu.memref_squeeze %dma_start3A_513 : memref<1x1x64xi32, #tpu.memory_space<hbm>> -> memref<64xi32, #tpu.memory_space<hbm>>
    %dma_start3A_515 = arith.constant 0 : i32
    %dma_start3A_516 = tpu.memref_slice %arg7[%dma_start3A_508, %dma_start3A_515] : memref<8x64xi32, #tpu.memory_space<vmem>> -> memref<1x64xi32, #tpu.memory_space<vmem>>
    %dma_start3A_517 = tpu.memref_squeeze %dma_start3A_516 : memref<1x64xi32, #tpu.memory_space<vmem>> -> memref<64xi32, #tpu.memory_space<vmem>>
    %dma_start3A_518 = arith.constant 0 : i32
    %dma_start3A_519 = tpu.memref_slice %arg2[%add3A, %dma_start3A_507, %dma_start3A_518] : memref<32x160x64xi32, #tpu.memory_space<hbm>> -> memref<1x1x64xi32, #tpu.memory_space<hbm>>
    %dma_start3A_520 = tpu.memref_squeeze %dma_start3A_519 : memref<1x1x64xi32, #tpu.memory_space<hbm>> -> memref<64xi32, #tpu.memory_space<hbm>>
    tpu.enqueue_dma source(%dma_start3A_520 : memref<64xi32, #tpu.memory_space<hbm>>) target(%dma_start3A_517 : memref<64xi32, #tpu.memory_space<vmem>>) target_semaphore(%arg15 : memref<!tpu.dma_semaphore, #tpu.memory_space<semaphore_mem>>)
    %dma_start3A_521 = arith.constant 9 : i32
    %dma_start3A_522 = arith.constant 1 : i32
    %dma_start3A_523 = arith.constant 0 : i32
    %dma_start3A_524 = tpu.memref_slice %arg8[%dma_start3A_522, %dma_start3A_523] : memref<8x64xi32, #tpu.memory_space<vmem>> -> memref<1x64xi32, #tpu.memory_space<vmem>>
    %dma_start3A_525 = tpu.memref_squeeze %dma_start3A_524 : memref<1x64xi32, #tpu.memory_space<vmem>> -> memref<64xi32, #tpu.memory_space<vmem>>
    %dma_start3A_526 = arith.constant 0 : i32
    %dma_start3A_527 = tpu.memref_slice %arg3[%add3A, %dma_start3A_521, %dma_start3A_526] : memref<32x160x64xi32, #tpu.memory_space<hbm>> -> memref<1x1x64xi32, #tpu.memory_space<hbm>>
    %dma_start3A_528 = tpu.memref_squeeze %dma_start3A_527 : memref<1x1x64xi32, #tpu.memory_space<hbm>> -> memref<64xi32, #tpu.memory_space<hbm>>
    %dma_start3A_529 = arith.constant 0 : i32
    %dma_start3A_530 = tpu.memref_slice %arg8[%dma_start3A_522, %dma_start3A_529] : memref<8x64xi32, #tpu.memory_space<vmem>> -> memref<1x64xi32, #tpu.memory_space<vmem>>
    %dma_start3A_531 = tpu.memref_squeeze %dma_start3A_530 : memref<1x64xi32, #tpu.memory_space<vmem>> -> memref<64xi32, #tpu.memory_space<vmem>>
    %dma_start3A_532 = arith.constant 0 : i32
    %dma_start3A_533 = tpu.memref_slice %arg3[%add3A, %dma_start3A_521, %dma_start3A_532] : memref<32x160x64xi32, #tpu.memory_space<hbm>> -> memref<1x1x64xi32, #tpu.memory_space<hbm>>
    %dma_start3A_534 = tpu.memref_squeeze %dma_start3A_533 : memref<1x1x64xi32, #tpu.memory_space<hbm>> -> memref<64xi32, #tpu.memory_space<hbm>>
    tpu.enqueue_dma source(%dma_start3A_534 : memref<64xi32, #tpu.memory_space<hbm>>) target(%dma_start3A_531 : memref<64xi32, #tpu.memory_space<vmem>>) target_semaphore(%arg23 : memref<!tpu.dma_semaphore, #tpu.memory_space<semaphore_mem>>)
    %dma_wait3A_535 = arith.constant 0 : i32
    %dma_wait3A_536 = arith.constant 5 : i32
    %dma_wait3A_537 = arith.constant 0 : i32
    %dma_wait3A_538 = tpu.memref_slice %arg7[%dma_wait3A_536, %dma_wait3A_537] : memref<8x64xi32, #tpu.memory_space<vmem>> -> memref<1x64xi32, #tpu.memory_space<vmem>>
    %dma_wait3A_539 = tpu.memref_squeeze %dma_wait3A_538 : memref<1x64xi32, #tpu.memory_space<vmem>> -> memref<64xi32, #tpu.memory_space<vmem>>
    %dma_wait3A_540 = arith.constant 0 : i32
    %dma_wait3A_541 = tpu.memref_slice %arg2[%add3A, %dma_wait3A_535, %dma_wait3A_540] : memref<32x160x64xi32, #tpu.memory_space<hbm>> -> memref<1x1x64xi32, #tpu.memory_space<hbm>>
    %dma_wait3A_542 = tpu.memref_squeeze %dma_wait3A_541 : memref<1x1x64xi32, #tpu.memory_space<hbm>> -> memref<64xi32, #tpu.memory_space<hbm>>
    %dma_wait3A_543 = arith.constant 0 : i32
    %dma_wait3A_544 = tpu.memref_slice %arg7[%dma_wait3A_536, %dma_wait3A_543] : memref<8x64xi32, #tpu.memory_space<vmem>> -> memref<1x64xi32, #tpu.memory_space<vmem>>
    %dma_wait3A_545 = tpu.memref_squeeze %dma_wait3A_544 : memref<1x64xi32, #tpu.memory_space<vmem>> -> memref<64xi32, #tpu.memory_space<vmem>>
    %dma_wait3A_546 = arith.constant 0 : i32
    %dma_wait3A_547 = tpu.memref_slice %arg2[%add3A, %dma_wait3A_535, %dma_wait3A_546] : memref<32x160x64xi32, #tpu.memory_space<hbm>> -> memref<1x1x64xi32, #tpu.memory_space<hbm>>
    %dma_wait3A_548 = tpu.memref_squeeze %dma_wait3A_547 : memref<1x1x64xi32, #tpu.memory_space<hbm>> -> memref<64xi32, #tpu.memory_space<hbm>>
    tpu.wait_dma2 semaphore(%arg19 : memref<!tpu.dma_semaphore, #tpu.memory_space<semaphore_mem>>) src(%dma_wait3A_548 : memref<64xi32, #tpu.memory_space<hbm>>) dst(%dma_wait3A_545 : memref<64xi32, #tpu.memory_space<vmem>>)
    %dma_wait3A_549 = arith.constant 0 : i32
    %dma_wait3A_550 = arith.constant 5 : i32
    %dma_wait3A_551 = arith.constant 0 : i32
    %dma_wait3A_552 = tpu.memref_slice %arg8[%dma_wait3A_550, %dma_wait3A_551] : memref<8x64xi32, #tpu.memory_space<vmem>> -> memref<1x64xi32, #tpu.memory_space<vmem>>
    %dma_wait3A_553 = tpu.memref_squeeze %dma_wait3A_552 : memref<1x64xi32, #tpu.memory_space<vmem>> -> memref<64xi32, #tpu.memory_space<vmem>>
    %dma_wait3A_554 = arith.constant 0 : i32
    %dma_wait3A_555 = tpu.memref_slice %arg3[%add3A, %dma_wait3A_549, %dma_wait3A_554] : memref<32x160x64xi32, #tpu.memory_space<hbm>> -> memref<1x1x64xi32, #tpu.memory_space<hbm>>
    %dma_wait3A_556 = tpu.memref_squeeze %dma_wait3A_555 : memref<1x1x64xi32, #tpu.memory_space<hbm>> -> memref<64xi32, #tpu.memory_space<hbm>>
    %dma_wait3A_557 = arith.constant 0 : i32
    %dma_wait3A_558 = tpu.memref_slice %arg8[%dma_wait3A_550, %dma_wait3A_557] : memref<8x64xi32, #tpu.memory_space<vmem>> -> memref<1x64xi32, #tpu.memory_space<vmem>>
    %dma_wait3A_559 = tpu.memref_squeeze %dma_wait3A_558 : memref<1x64xi32, #tpu.memory_space<vmem>> -> memref<64xi32, #tpu.memory_space<vmem>>
    %dma_wait3A_560 = arith.constant 0 : i32
    %dma_wait3A_561 = tpu.memref_slice %arg3[%add3A, %dma_wait3A_549, %dma_wait3A_560] : memref<32x160x64xi32, #tpu.memory_space<hbm>> -> memref<1x1x64xi32, #tpu.memory_space<hbm>>
    %dma_wait3A_562 = tpu.memref_squeeze %dma_wait3A_561 : memref<1x1x64xi32, #tpu.memory_space<hbm>> -> memref<64xi32, #tpu.memory_space<hbm>>
    tpu.wait_dma2 semaphore(%arg27 : memref<!tpu.dma_semaphore, #tpu.memory_space<semaphore_mem>>) src(%dma_wait3A_562 : memref<64xi32, #tpu.memory_space<hbm>>) dst(%dma_wait3A_559 : memref<64xi32, #tpu.memory_space<vmem>>)
    %dma_start3A_563 = arith.constant 5 : i32
    %dma_start3A_564 = arith.constant 0 : i32
    %dma_start3A_565 = tpu.memref_slice %arg7[%dma_start3A_563, %dma_start3A_564] : memref<8x64xi32, #tpu.memory_space<vmem>> -> memref<1x64xi32, #tpu.memory_space<vmem>>
    %dma_start3A_566 = tpu.memref_squeeze %dma_start3A_565 : memref<1x64xi32, #tpu.memory_space<vmem>> -> memref<64xi32, #tpu.memory_space<vmem>>
    %dma_start3A_567 = arith.constant 0 : i32
    %dma_start3A_568 = arith.constant 0 : i32
    %dma_start3A_569 = tpu.memref_slice %arg4[%dma_start3A_567, %dma_start3A_568] : memref<10000x128xf32, #tpu.memory_space<hbm>> -> memref<10000x128xf32, #tpu.memory_space<hbm>>
    tpu.enqueue_indirect_dma source(%dma_start3A_569 : memref<10000x128xf32, #tpu.memory_space<hbm>>) target(%arg10 : memref<64x128xf32, #tpu.memory_space<vmem>>) offsets(%dma_start3A_566 : memref<64xi32, #tpu.memory_space<vmem>>) semaphore(%arg31 : memref<!tpu.dma_semaphore, #tpu.memory_space<semaphore_mem>>)
    %dma_wait3A_570 = arith.constant 0 : i32
    %dma_wait3A_571 = arith.constant 0 : i32
    %dma_wait3A_572 = tpu.memref_slice %arg7[%dma_wait3A_570, %dma_wait3A_571] : memref<8x64xi32, #tpu.memory_space<vmem>> -> memref<1x64xi32, #tpu.memory_space<vmem>>
    %dma_wait3A_573 = tpu.memref_squeeze %dma_wait3A_572 : memref<1x64xi32, #tpu.memory_space<vmem>> -> memref<64xi32, #tpu.memory_space<vmem>>
    %dma_wait3A_574 = arith.constant 0 : i32
    %dma_wait3A_575 = arith.constant 0 : i32
    %dma_wait3A_576 = tpu.memref_slice %arg4[%dma_wait3A_574, %dma_wait3A_575] : memref<10000x128xf32, #tpu.memory_space<hbm>> -> memref<10000x128xf32, #tpu.memory_space<hbm>>
    tpu.wait_indirect_dma semaphore(%arg30 : memref<!tpu.dma_semaphore, #tpu.memory_space<semaphore_mem>>) src(%dma_wait3A_576 : memref<10000x128xf32, #tpu.memory_space<hbm>>) dst(%arg9 : memref<64x128xf32, #tpu.memory_space<vmem>>)
    %dma_wait3A_577 = arith.constant 3 : i32
    %dma_wait3A_578 = arith.constant 0 : i32
    %dma_wait3A_579 = tpu.memref_slice %arg8[%dma_wait3A_577, %dma_wait3A_578] : memref<8x64xi32, #tpu.memory_space<vmem>> -> memref<1x64xi32, #tpu.memory_space<vmem>>
    %dma_wait3A_580 = tpu.memref_squeeze %dma_wait3A_579 : memref<1x64xi32, #tpu.memory_space<vmem>> -> memref<64xi32, #tpu.memory_space<vmem>>
    %dma_wait3A_581 = arith.constant 0 : i32
    %dma_wait3A_582 = arith.constant 0 : i32
    %dma_wait3A_583 = tpu.memref_slice %arg13[%dma_wait3A_581, %dma_wait3A_582] : memref<10064x128xf32, #tpu.memory_space<vmem_shared>> -> memref<10064x128xf32, #tpu.memory_space<vmem_shared>>
    tpu.wait_indirect_dma semaphore(%arg37 : memref<!tpu.dma_semaphore, #tpu.memory_space<semaphore_mem>>) src(%arg12 : memref<64x128xf32, #tpu.memory_space<vmem>>) dst(%dma_wait3A_583 : memref<10064x128xf32, #tpu.memory_space<vmem_shared>>)
    %dma_start3A_584 = arith.constant 4 : i32
    %dma_start3A_585 = arith.constant 0 : i32
    %dma_start3A_586 = tpu.memref_slice %arg8[%dma_start3A_584, %dma_start3A_585] : memref<8x64xi32, #tpu.memory_space<vmem>> -> memref<1x64xi32, #tpu.memory_space<vmem>>
    %dma_start3A_587 = tpu.memref_squeeze %dma_start3A_586 : memref<1x64xi32, #tpu.memory_space<vmem>> -> memref<64xi32, #tpu.memory_space<vmem>>
    %dma_start3A_588 = arith.constant 0 : i32
    %dma_start3A_589 = arith.constant 0 : i32
    %dma_start3A_590 = tpu.memref_slice %arg13[%dma_start3A_588, %dma_start3A_589] : memref<10064x128xf32, #tpu.memory_space<vmem_shared>> -> memref<10064x128xf32, #tpu.memory_space<vmem_shared>>
    tpu.enqueue_indirect_dma source(%arg9 : memref<64x128xf32, #tpu.memory_space<vmem>>) target(%dma_start3A_590 : memref<10064x128xf32, #tpu.memory_space<vmem_shared>>) offsets(%dma_start3A_587 : memref<64xi32, #tpu.memory_space<vmem>>) semaphore(%arg34 : memref<!tpu.dma_semaphore, #tpu.memory_space<semaphore_mem>>) {add = true}
    %dma_start3A_591 = arith.constant 10 : i32
    %dma_start3A_592 = arith.constant 2 : i32
    %dma_start3A_593 = arith.constant 0 : i32
    %dma_start3A_594 = tpu.memref_slice %arg7[%dma_start3A_592, %dma_start3A_593] : memref<8x64xi32, #tpu.memory_space<vmem>> -> memref<1x64xi32, #tpu.memory_space<vmem>>
    %dma_start3A_595 = tpu.memref_squeeze %dma_start3A_594 : memref<1x64xi32, #tpu.memory_space<vmem>> -> memref<64xi32, #tpu.memory_space<vmem>>
    %dma_start3A_596 = arith.constant 0 : i32
    %dma_start3A_597 = tpu.memref_slice %arg2[%add3A, %dma_start3A_591, %dma_start3A_596] : memref<32x160x64xi32, #tpu.memory_space<hbm>> -> memref<1x1x64xi32, #tpu.memory_space<hbm>>
    %dma_start3A_598 = tpu.memref_squeeze %dma_start3A_597 : memref<1x1x64xi32, #tpu.memory_space<hbm>> -> memref<64xi32, #tpu.memory_space<hbm>>
    %dma_start3A_599 = arith.constant 0 : i32
    %dma_start3A_600 = tpu.memref_slice %arg7[%dma_start3A_592, %dma_start3A_599] : memref<8x64xi32, #tpu.memory_space<vmem>> -> memref<1x64xi32, #tpu.memory_space<vmem>>
    %dma_start3A_601 = tpu.memref_squeeze %dma_start3A_600 : memref<1x64xi32, #tpu.memory_space<vmem>> -> memref<64xi32, #tpu.memory_space<vmem>>
    %dma_start3A_602 = arith.constant 0 : i32
    %dma_start3A_603 = tpu.memref_slice %arg2[%add3A, %dma_start3A_591, %dma_start3A_602] : memref<32x160x64xi32, #tpu.memory_space<hbm>> -> memref<1x1x64xi32, #tpu.memory_space<hbm>>
    %dma_start3A_604 = tpu.memref_squeeze %dma_start3A_603 : memref<1x1x64xi32, #tpu.memory_space<hbm>> -> memref<64xi32, #tpu.memory_space<hbm>>
    tpu.enqueue_dma source(%dma_start3A_604 : memref<64xi32, #tpu.memory_space<hbm>>) target(%dma_start3A_601 : memref<64xi32, #tpu.memory_space<vmem>>) target_semaphore(%arg16 : memref<!tpu.dma_semaphore, #tpu.memory_space<semaphore_mem>>)
    %dma_start3A_605 = arith.constant 10 : i32
    %dma_start3A_606 = arith.constant 2 : i32
    %dma_start3A_607 = arith.constant 0 : i32
    %dma_start3A_608 = tpu.memref_slice %arg8[%dma_start3A_606, %dma_start3A_607] : memref<8x64xi32, #tpu.memory_space<vmem>> -> memref<1x64xi32, #tpu.memory_space<vmem>>
    %dma_start3A_609 = tpu.memref_squeeze %dma_start3A_608 : memref<1x64xi32, #tpu.memory_space<vmem>> -> memref<64xi32, #tpu.memory_space<vmem>>
    %dma_start3A_610 = arith.constant 0 : i32
    %dma_start3A_611 = tpu.memref_slice %arg3[%add3A, %dma_start3A_605, %dma_start3A_610] : memref<32x160x64xi32, #tpu.memory_space<hbm>> -> memref<1x1x64xi32, #tpu.memory_space<hbm>>
    %dma_start3A_612 = tpu.memref_squeeze %dma_start3A_611 : memref<1x1x64xi32, #tpu.memory_space<hbm>> -> memref<64xi32, #tpu.memory_space<hbm>>
    %dma_start3A_613 = arith.constant 0 : i32
    %dma_start3A_614 = tpu.memref_slice %arg8[%dma_start3A_606, %dma_start3A_613] : memref<8x64xi32, #tpu.memory_space<vmem>> -> memref<1x64xi32, #tpu.memory_space<vmem>>
    %dma_start3A_615 = tpu.memref_squeeze %dma_start3A_614 : memref<1x64xi32, #tpu.memory_space<vmem>> -> memref<64xi32, #tpu.memory_space<vmem>>
    %dma_start3A_616 = arith.constant 0 : i32
    %dma_start3A_617 = tpu.memref_slice %arg3[%add3A, %dma_start3A_605, %dma_start3A_616] : memref<32x160x64xi32, #tpu.memory_space<hbm>> -> memref<1x1x64xi32, #tpu.memory_space<hbm>>
    %dma_start3A_618 = tpu.memref_squeeze %dma_start3A_617 : memref<1x1x64xi32, #tpu.memory_space<hbm>> -> memref<64xi32, #tpu.memory_space<hbm>>
    tpu.enqueue_dma source(%dma_start3A_618 : memref<64xi32, #tpu.memory_space<hbm>>) target(%dma_start3A_615 : memref<64xi32, #tpu.memory_space<vmem>>) target_semaphore(%arg24 : memref<!tpu.dma_semaphore, #tpu.memory_space<semaphore_mem>>)
    %dma_wait3A_619 = arith.constant 0 : i32
    %dma_wait3A_620 = arith.constant 6 : i32
    %dma_wait3A_621 = arith.constant 0 : i32
    %dma_wait3A_622 = tpu.memref_slice %arg7[%dma_wait3A_620, %dma_wait3A_621] : memref<8x64xi32, #tpu.memory_space<vmem>> -> memref<1x64xi32, #tpu.memory_space<vmem>>
    %dma_wait3A_623 = tpu.memref_squeeze %dma_wait3A_622 : memref<1x64xi32, #tpu.memory_space<vmem>> -> memref<64xi32, #tpu.memory_space<vmem>>
    %dma_wait3A_624 = arith.constant 0 : i32
    %dma_wait3A_625 = tpu.memref_slice %arg2[%add3A, %dma_wait3A_619, %dma_wait3A_624] : memref<32x160x64xi32, #tpu.memory_space<hbm>> -> memref<1x1x64xi32, #tpu.memory_space<hbm>>
    %dma_wait3A_626 = tpu.memref_squeeze %dma_wait3A_625 : memref<1x1x64xi32, #tpu.memory_space<hbm>> -> memref<64xi32, #tpu.memory_space<hbm>>
    %dma_wait3A_627 = arith.constant 0 : i32
    %dma_wait3A_628 = tpu.memref_slice %arg7[%dma_wait3A_620, %dma_wait3A_627] : memref<8x64xi32, #tpu.memory_space<vmem>> -> memref<1x64xi32, #tpu.memory_space<vmem>>
    %dma_wait3A_629 = tpu.memref_squeeze %dma_wait3A_628 : memref<1x64xi32, #tpu.memory_space<vmem>> -> memref<64xi32, #tpu.memory_space<vmem>>
    %dma_wait3A_630 = arith.constant 0 : i32
    %dma_wait3A_631 = tpu.memref_slice %arg2[%add3A, %dma_wait3A_619, %dma_wait3A_630] : memref<32x160x64xi32, #tpu.memory_space<hbm>> -> memref<1x1x64xi32, #tpu.memory_space<hbm>>
    %dma_wait3A_632 = tpu.memref_squeeze %dma_wait3A_631 : memref<1x1x64xi32, #tpu.memory_space<hbm>> -> memref<64xi32, #tpu.memory_space<hbm>>
    tpu.wait_dma2 semaphore(%arg20 : memref<!tpu.dma_semaphore, #tpu.memory_space<semaphore_mem>>) src(%dma_wait3A_632 : memref<64xi32, #tpu.memory_space<hbm>>) dst(%dma_wait3A_629 : memref<64xi32, #tpu.memory_space<vmem>>)
    %dma_wait3A_633 = arith.constant 0 : i32
    %dma_wait3A_634 = arith.constant 6 : i32
    %dma_wait3A_635 = arith.constant 0 : i32
    %dma_wait3A_636 = tpu.memref_slice %arg8[%dma_wait3A_634, %dma_wait3A_635] : memref<8x64xi32, #tpu.memory_space<vmem>> -> memref<1x64xi32, #tpu.memory_space<vmem>>
    %dma_wait3A_637 = tpu.memref_squeeze %dma_wait3A_636 : memref<1x64xi32, #tpu.memory_space<vmem>> -> memref<64xi32, #tpu.memory_space<vmem>>
    %dma_wait3A_638 = arith.constant 0 : i32
    %dma_wait3A_639 = tpu.memref_slice %arg3[%add3A, %dma_wait3A_633, %dma_wait3A_638] : memref<32x160x64xi32, #tpu.memory_space<hbm>> -> memref<1x1x64xi32, #tpu.memory_space<hbm>>
    %dma_wait3A_640 = tpu.memref_squeeze %dma_wait3A_639 : memref<1x1x64xi32, #tpu.memory_space<hbm>> -> memref<64xi32, #tpu.memory_space<hbm>>
    %dma_wait3A_641 = arith.constant 0 : i32
    %dma_wait3A_642 = tpu.memref_slice %arg8[%dma_wait3A_634, %dma_wait3A_641] : memref<8x64xi32, #tpu.memory_space<vmem>> -> memref<1x64xi32, #tpu.memory_space<vmem>>
    %dma_wait3A_643 = tpu.memref_squeeze %dma_wait3A_642 : memref<1x64xi32, #tpu.memory_space<vmem>> -> memref<64xi32, #tpu.memory_space<vmem>>
    %dma_wait3A_644 = arith.constant 0 : i32
    %dma_wait3A_645 = tpu.memref_slice %arg3[%add3A, %dma_wait3A_633, %dma_wait3A_644] : memref<32x160x64xi32, #tpu.memory_space<hbm>> -> memref<1x1x64xi32, #tpu.memory_space<hbm>>
    %dma_wait3A_646 = tpu.memref_squeeze %dma_wait3A_645 : memref<1x1x64xi32, #tpu.memory_space<hbm>> -> memref<64xi32, #tpu.memory_space<hbm>>
    tpu.wait_dma2 semaphore(%arg28 : memref<!tpu.dma_semaphore, #tpu.memory_space<semaphore_mem>>) src(%dma_wait3A_646 : memref<64xi32, #tpu.memory_space<hbm>>) dst(%dma_wait3A_643 : memref<64xi32, #tpu.memory_space<vmem>>)
    %dma_start3A_647 = arith.constant 6 : i32
    %dma_start3A_648 = arith.constant 0 : i32
    %dma_start3A_649 = tpu.memref_slice %arg7[%dma_start3A_647, %dma_start3A_648] : memref<8x64xi32, #tpu.memory_space<vmem>> -> memref<1x64xi32, #tpu.memory_space<vmem>>
    %dma_start3A_650 = tpu.memref_squeeze %dma_start3A_649 : memref<1x64xi32, #tpu.memory_space<vmem>> -> memref<64xi32, #tpu.memory_space<vmem>>
    %dma_start3A_651 = arith.constant 0 : i32
    %dma_start3A_652 = arith.constant 0 : i32
    %dma_start3A_653 = tpu.memref_slice %arg4[%dma_start3A_651, %dma_start3A_652] : memref<10000x128xf32, #tpu.memory_space<hbm>> -> memref<10000x128xf32, #tpu.memory_space<hbm>>
    tpu.enqueue_indirect_dma source(%dma_start3A_653 : memref<10000x128xf32, #tpu.memory_space<hbm>>) target(%arg11 : memref<64x128xf32, #tpu.memory_space<vmem>>) offsets(%dma_start3A_650 : memref<64xi32, #tpu.memory_space<vmem>>) semaphore(%arg32 : memref<!tpu.dma_semaphore, #tpu.memory_space<semaphore_mem>>)
    %dma_wait3A_654 = arith.constant 0 : i32
    %dma_wait3A_655 = arith.constant 0 : i32
    %dma_wait3A_656 = tpu.memref_slice %arg7[%dma_wait3A_654, %dma_wait3A_655] : memref<8x64xi32, #tpu.memory_space<vmem>> -> memref<1x64xi32, #tpu.memory_space<vmem>>
    %dma_wait3A_657 = tpu.memref_squeeze %dma_wait3A_656 : memref<1x64xi32, #tpu.memory_space<vmem>> -> memref<64xi32, #tpu.memory_space<vmem>>
    %dma_wait3A_658 = arith.constant 0 : i32
    %dma_wait3A_659 = arith.constant 0 : i32
    %dma_wait3A_660 = tpu.memref_slice %arg4[%dma_wait3A_658, %dma_wait3A_659] : memref<10000x128xf32, #tpu.memory_space<hbm>> -> memref<10000x128xf32, #tpu.memory_space<hbm>>
    tpu.wait_indirect_dma semaphore(%arg31 : memref<!tpu.dma_semaphore, #tpu.memory_space<semaphore_mem>>) src(%dma_wait3A_660 : memref<10000x128xf32, #tpu.memory_space<hbm>>) dst(%arg10 : memref<64x128xf32, #tpu.memory_space<vmem>>)
    %dma_wait3A_661 = arith.constant 4 : i32
    %dma_wait3A_662 = arith.constant 0 : i32
    %dma_wait3A_663 = tpu.memref_slice %arg8[%dma_wait3A_661, %dma_wait3A_662] : memref<8x64xi32, #tpu.memory_space<vmem>> -> memref<1x64xi32, #tpu.memory_space<vmem>>
    %dma_wait3A_664 = tpu.memref_squeeze %dma_wait3A_663 : memref<1x64xi32, #tpu.memory_space<vmem>> -> memref<64xi32, #tpu.memory_space<vmem>>
    %dma_wait3A_665 = arith.constant 0 : i32
    %dma_wait3A_666 = arith.constant 0 : i32
    %dma_wait3A_667 = tpu.memref_slice %arg13[%dma_wait3A_665, %dma_wait3A_666] : memref<10064x128xf32, #tpu.memory_space<vmem_shared>> -> memref<10064x128xf32, #tpu.memory_space<vmem_shared>>
    tpu.wait_indirect_dma semaphore(%arg34 : memref<!tpu.dma_semaphore, #tpu.memory_space<semaphore_mem>>) src(%arg9 : memref<64x128xf32, #tpu.memory_space<vmem>>) dst(%dma_wait3A_667 : memref<10064x128xf32, #tpu.memory_space<vmem_shared>>)
    %dma_start3A_668 = arith.constant 5 : i32
    %dma_start3A_669 = arith.constant 0 : i32
    %dma_start3A_670 = tpu.memref_slice %arg8[%dma_start3A_668, %dma_start3A_669] : memref<8x64xi32, #tpu.memory_space<vmem>> -> memref<1x64xi32, #tpu.memory_space<vmem>>
    %dma_start3A_671 = tpu.memref_squeeze %dma_start3A_670 : memref<1x64xi32, #tpu.memory_space<vmem>> -> memref<64xi32, #tpu.memory_space<vmem>>
    %dma_start3A_672 = arith.constant 0 : i32
    %dma_start3A_673 = arith.constant 0 : i32
    %dma_start3A_674 = tpu.memref_slice %arg13[%dma_start3A_672, %dma_start3A_673] : memref<10064x128xf32, #tpu.memory_space<vmem_shared>> -> memref<10064x128xf32, #tpu.memory_space<vmem_shared>>
    tpu.enqueue_indirect_dma source(%arg10 : memref<64x128xf32, #tpu.memory_space<vmem>>) target(%dma_start3A_674 : memref<10064x128xf32, #tpu.memory_space<vmem_shared>>) offsets(%dma_start3A_671 : memref<64xi32, #tpu.memory_space<vmem>>) semaphore(%arg35 : memref<!tpu.dma_semaphore, #tpu.memory_space<semaphore_mem>>) {add = true}
    %dma_start3A_675 = arith.constant 11 : i32
    %dma_start3A_676 = arith.constant 3 : i32
    %dma_start3A_677 = arith.constant 0 : i32
    %dma_start3A_678 = tpu.memref_slice %arg7[%dma_start3A_676, %dma_start3A_677] : memref<8x64xi32, #tpu.memory_space<vmem>> -> memref<1x64xi32, #tpu.memory_space<vmem>>
    %dma_start3A_679 = tpu.memref_squeeze %dma_start3A_678 : memref<1x64xi32, #tpu.memory_space<vmem>> -> memref<64xi32, #tpu.memory_space<vmem>>
    %dma_start3A_680 = arith.constant 0 : i32
    %dma_start3A_681 = tpu.memref_slice %arg2[%add3A, %dma_start3A_675, %dma_start3A_680] : memref<32x160x64xi32, #tpu.memory_space<hbm>> -> memref<1x1x64xi32, #tpu.memory_space<hbm>>
    %dma_start3A_682 = tpu.memref_squeeze %dma_start3A_681 : memref<1x1x64xi32, #tpu.memory_space<hbm>> -> memref<64xi32, #tpu.memory_space<hbm>>
    %dma_start3A_683 = arith.constant 0 : i32
    %dma_start3A_684 = tpu.memref_slice %arg7[%dma_start3A_676, %dma_start3A_683] : memref<8x64xi32, #tpu.memory_space<vmem>> -> memref<1x64xi32, #tpu.memory_space<vmem>>
    %dma_start3A_685 = tpu.memref_squeeze %dma_start3A_684 : memref<1x64xi32, #tpu.memory_space<vmem>> -> memref<64xi32, #tpu.memory_space<vmem>>
    %dma_start3A_686 = arith.constant 0 : i32
    %dma_start3A_687 = tpu.memref_slice %arg2[%add3A, %dma_start3A_675, %dma_start3A_686] : memref<32x160x64xi32, #tpu.memory_space<hbm>> -> memref<1x1x64xi32, #tpu.memory_space<hbm>>
    %dma_start3A_688 = tpu.memref_squeeze %dma_start3A_687 : memref<1x1x64xi32, #tpu.memory_space<hbm>> -> memref<64xi32, #tpu.memory_space<hbm>>
    tpu.enqueue_dma source(%dma_start3A_688 : memref<64xi32, #tpu.memory_space<hbm>>) target(%dma_start3A_685 : memref<64xi32, #tpu.memory_space<vmem>>) target_semaphore(%arg17 : memref<!tpu.dma_semaphore, #tpu.memory_space<semaphore_mem>>)
    %dma_start3A_689 = arith.constant 11 : i32
    %dma_start3A_690 = arith.constant 3 : i32
    %dma_start3A_691 = arith.constant 0 : i32
    %dma_start3A_692 = tpu.memref_slice %arg8[%dma_start3A_690, %dma_start3A_691] : memref<8x64xi32, #tpu.memory_space<vmem>> -> memref<1x64xi32, #tpu.memory_space<vmem>>
    %dma_start3A_693 = tpu.memref_squeeze %dma_start3A_692 : memref<1x64xi32, #tpu.memory_space<vmem>> -> memref<64xi32, #tpu.memory_space<vmem>>
    %dma_start3A_694 = arith.constant 0 : i32
    %dma_start3A_695 = tpu.memref_slice %arg3[%add3A, %dma_start3A_689, %dma_start3A_694] : memref<32x160x64xi32, #tpu.memory_space<hbm>> -> memref<1x1x64xi32, #tpu.memory_space<hbm>>
    %dma_start3A_696 = tpu.memref_squeeze %dma_start3A_695 : memref<1x1x64xi32, #tpu.memory_space<hbm>> -> memref<64xi32, #tpu.memory_space<hbm>>
    %dma_start3A_697 = arith.constant 0 : i32
    %dma_start3A_698 = tpu.memref_slice %arg8[%dma_start3A_690, %dma_start3A_697] : memref<8x64xi32, #tpu.memory_space<vmem>> -> memref<1x64xi32, #tpu.memory_space<vmem>>
    %dma_start3A_699 = tpu.memref_squeeze %dma_start3A_698 : memref<1x64xi32, #tpu.memory_space<vmem>> -> memref<64xi32, #tpu.memory_space<vmem>>
    %dma_start3A_700 = arith.constant 0 : i32
    %dma_start3A_701 = tpu.memref_slice %arg3[%add3A, %dma_start3A_689, %dma_start3A_700] : memref<32x160x64xi32, #tpu.memory_space<hbm>> -> memref<1x1x64xi32, #tpu.memory_space<hbm>>
    %dma_start3A_702 = tpu.memref_squeeze %dma_start3A_701 : memref<1x1x64xi32, #tpu.memory_space<hbm>> -> memref<64xi32, #tpu.memory_space<hbm>>
    tpu.enqueue_dma source(%dma_start3A_702 : memref<64xi32, #tpu.memory_space<hbm>>) target(%dma_start3A_699 : memref<64xi32, #tpu.memory_space<vmem>>) target_semaphore(%arg25 : memref<!tpu.dma_semaphore, #tpu.memory_space<semaphore_mem>>)
    %dma_wait3A_703 = arith.constant 0 : i32
    %dma_wait3A_704 = arith.constant 7 : i32
    %dma_wait3A_705 = arith.constant 0 : i32
    %dma_wait3A_706 = tpu.memref_slice %arg7[%dma_wait3A_704, %dma_wait3A_705] : memref<8x64xi32, #tpu.memory_space<vmem>> -> memref<1x64xi32, #tpu.memory_space<vmem>>
    %dma_wait3A_707 = tpu.memref_squeeze %dma_wait3A_706 : memref<1x64xi32, #tpu.memory_space<vmem>> -> memref<64xi32, #tpu.memory_space<vmem>>
    %dma_wait3A_708 = arith.constant 0 : i32
    %dma_wait3A_709 = tpu.memref_slice %arg2[%add3A, %dma_wait3A_703, %dma_wait3A_708] : memref<32x160x64xi32, #tpu.memory_space<hbm>> -> memref<1x1x64xi32, #tpu.memory_space<hbm>>
    %dma_wait3A_710 = tpu.memref_squeeze %dma_wait3A_709 : memref<1x1x64xi32, #tpu.memory_space<hbm>> -> memref<64xi32, #tpu.memory_space<hbm>>
    %dma_wait3A_711 = arith.constant 0 : i32
    %dma_wait3A_712 = tpu.memref_slice %arg7[%dma_wait3A_704, %dma_wait3A_711] : memref<8x64xi32, #tpu.memory_space<vmem>> -> memref<1x64xi32, #tpu.memory_space<vmem>>
    %dma_wait3A_713 = tpu.memref_squeeze %dma_wait3A_712 : memref<1x64xi32, #tpu.memory_space<vmem>> -> memref<64xi32, #tpu.memory_space<vmem>>
    %dma_wait3A_714 = arith.constant 0 : i32
    %dma_wait3A_715 = tpu.memref_slice %arg2[%add3A, %dma_wait3A_703, %dma_wait3A_714] : memref<32x160x64xi32, #tpu.memory_space<hbm>> -> memref<1x1x64xi32, #tpu.memory_space<hbm>>
    %dma_wait3A_716 = tpu.memref_squeeze %dma_wait3A_715 : memref<1x1x64xi32, #tpu.memory_space<hbm>> -> memref<64xi32, #tpu.memory_space<hbm>>
    tpu.wait_dma2 semaphore(%arg21 : memref<!tpu.dma_semaphore, #tpu.memory_space<semaphore_mem>>) src(%dma_wait3A_716 : memref<64xi32, #tpu.memory_space<hbm>>) dst(%dma_wait3A_713 : memref<64xi32, #tpu.memory_space<vmem>>)
    %dma_wait3A_717 = arith.constant 0 : i32
    %dma_wait3A_718 = arith.constant 7 : i32
    %dma_wait3A_719 = arith.constant 0 : i32
    %dma_wait3A_720 = tpu.memref_slice %arg8[%dma_wait3A_718, %dma_wait3A_719] : memref<8x64xi32, #tpu.memory_space<vmem>> -> memref<1x64xi32, #tpu.memory_space<vmem>>
    %dma_wait3A_721 = tpu.memref_squeeze %dma_wait3A_720 : memref<1x64xi32, #tpu.memory_space<vmem>> -> memref<64xi32, #tpu.memory_space<vmem>>
    %dma_wait3A_722 = arith.constant 0 : i32
    %dma_wait3A_723 = tpu.memref_slice %arg3[%add3A, %dma_wait3A_717, %dma_wait3A_722] : memref<32x160x64xi32, #tpu.memory_space<hbm>> -> memref<1x1x64xi32, #tpu.memory_space<hbm>>
    %dma_wait3A_724 = tpu.memref_squeeze %dma_wait3A_723 : memref<1x1x64xi32, #tpu.memory_space<hbm>> -> memref<64xi32, #tpu.memory_space<hbm>>
    %dma_wait3A_725 = arith.constant 0 : i32
    %dma_wait3A_726 = tpu.memref_slice %arg8[%dma_wait3A_718, %dma_wait3A_725] : memref<8x64xi32, #tpu.memory_space<vmem>> -> memref<1x64xi32, #tpu.memory_space<vmem>>
    %dma_wait3A_727 = tpu.memref_squeeze %dma_wait3A_726 : memref<1x64xi32, #tpu.memory_space<vmem>> -> memref<64xi32, #tpu.memory_space<vmem>>
    %dma_wait3A_728 = arith.constant 0 : i32
    %dma_wait3A_729 = tpu.memref_slice %arg3[%add3A, %dma_wait3A_717, %dma_wait3A_728] : memref<32x160x64xi32, #tpu.memory_space<hbm>> -> memref<1x1x64xi32, #tpu.memory_space<hbm>>
    %dma_wait3A_730 = tpu.memref_squeeze %dma_wait3A_729 : memref<1x1x64xi32, #tpu.memory_space<hbm>> -> memref<64xi32, #tpu.memory_space<hbm>>
    tpu.wait_dma2 semaphore(%arg29 : memref<!tpu.dma_semaphore, #tpu.memory_space<semaphore_mem>>) src(%dma_wait3A_730 : memref<64xi32, #tpu.memory_space<hbm>>) dst(%dma_wait3A_727 : memref<64xi32, #tpu.memory_space<vmem>>)
    %dma_start3A_731 = arith.constant 7 : i32
    %dma_start3A_732 = arith.constant 0 : i32
    %dma_start3A_733 = tpu.memref_slice %arg7[%dma_start3A_731, %dma_start3A_732] : memref<8x64xi32, #tpu.memory_space<vmem>> -> memref<1x64xi32, #tpu.memory_space<vmem>>
    %dma_start3A_734 = tpu.memref_squeeze %dma_start3A_733 : memref<1x64xi32, #tpu.memory_space<vmem>> -> memref<64xi32, #tpu.memory_space<vmem>>
    %dma_start3A_735 = arith.constant 0 : i32
    %dma_start3A_736 = arith.constant 0 : i32
    %dma_start3A_737 = tpu.memref_slice %arg4[%dma_start3A_735, %dma_start3A_736] : memref<10000x128xf32, #tpu.memory_space<hbm>> -> memref<10000x128xf32, #tpu.memory_space<hbm>>
    tpu.enqueue_indirect_dma source(%dma_start3A_737 : memref<10000x128xf32, #tpu.memory_space<hbm>>) target(%arg12 : memref<64x128xf32, #tpu.memory_space<vmem>>) offsets(%dma_start3A_734 : memref<64xi32, #tpu.memory_space<vmem>>) semaphore(%arg33 : memref<!tpu.dma_semaphore, #tpu.memory_space<semaphore_mem>>)
    %dma_wait3A_738 = arith.constant 0 : i32
    %dma_wait3A_739 = arith.constant 0 : i32
    %dma_wait3A_740 = tpu.memref_slice %arg7[%dma_wait3A_738, %dma_wait3A_739] : memref<8x64xi32, #tpu.memory_space<vmem>> -> memref<1x64xi32, #tpu.memory_space<vmem>>
    %dma_wait3A_741 = tpu.memref_squeeze %dma_wait3A_740 : memref<1x64xi32, #tpu.memory_space<vmem>> -> memref<64xi32, #tpu.memory_space<vmem>>
    %dma_wait3A_742 = arith.constant 0 : i32
    %dma_wait3A_743 = arith.constant 0 : i32
    %dma_wait3A_744 = tpu.memref_slice %arg4[%dma_wait3A_742, %dma_wait3A_743] : memref<10000x128xf32, #tpu.memory_space<hbm>> -> memref<10000x128xf32, #tpu.memory_space<hbm>>
    tpu.wait_indirect_dma semaphore(%arg32 : memref<!tpu.dma_semaphore, #tpu.memory_space<semaphore_mem>>) src(%dma_wait3A_744 : memref<10000x128xf32, #tpu.memory_space<hbm>>) dst(%arg11 : memref<64x128xf32, #tpu.memory_space<vmem>>)
    %dma_wait3A_745 = arith.constant 5 : i32
    %dma_wait3A_746 = arith.constant 0 : i32
    %dma_wait3A_747 = tpu.memref_slice %arg8[%dma_wait3A_745, %dma_wait3A_746] : memref<8x64xi32, #tpu.memory_space<vmem>> -> memref<1x64xi32, #tpu.memory_space<vmem>>
    %dma_wait3A_748 = tpu.memref_squeeze %dma_wait3A_747 : memref<1x64xi32, #tpu.memory_space<vmem>> -> memref<64xi32, #tpu.memory_space<vmem>>
    %dma_wait3A_749 = arith.constant 0 : i32
    %dma_wait3A_750 = arith.constant 0 : i32
    %dma_wait3A_751 = tpu.memref_slice %arg13[%dma_wait3A_749, %dma_wait3A_750] : memref<10064x128xf32, #tpu.memory_space<vmem_shared>> -> memref<10064x128xf32, #tpu.memory_space<vmem_shared>>
    tpu.wait_indirect_dma semaphore(%arg35 : memref<!tpu.dma_semaphore, #tpu.memory_space<semaphore_mem>>) src(%arg10 : memref<64x128xf32, #tpu.memory_space<vmem>>) dst(%dma_wait3A_751 : memref<10064x128xf32, #tpu.memory_space<vmem_shared>>)
    %dma_start3A_752 = arith.constant 6 : i32
    %dma_start3A_753 = arith.constant 0 : i32
    %dma_start3A_754 = tpu.memref_slice %arg8[%dma_start3A_752, %dma_start3A_753] : memref<8x64xi32, #tpu.memory_space<vmem>> -> memref<1x64xi32, #tpu.memory_space<vmem>>
    %dma_start3A_755 = tpu.memref_squeeze %dma_start3A_754 : memref<1x64xi32, #tpu.memory_space<vmem>> -> memref<64xi32, #tpu.memory_space<vmem>>
    %dma_start3A_756 = arith.constant 0 : i32
    %dma_start3A_757 = arith.constant 0 : i32
    %dma_start3A_758 = tpu.memref_slice %arg13[%dma_start3A_756, %dma_start3A_757] : memref<10064x128xf32, #tpu.memory_space<vmem_shared>> -> memref<10064x128xf32, #tpu.memory_space<vmem_shared>>
    tpu.enqueue_indirect_dma source(%arg11 : memref<64x128xf32, #tpu.memory_space<vmem>>) target(%dma_start3A_758 : memref<10064x128xf32, #tpu.memory_space<vmem_shared>>) offsets(%dma_start3A_755 : memref<64xi32, #tpu.memory_space<vmem>>) semaphore(%arg36 : memref<!tpu.dma_semaphore, #tpu.memory_space<semaphore_mem>>) {add = true}
    %dma_start3A_759 = arith.constant 12 : i32
    %dma_start3A_760 = arith.constant 4 : i32
    %dma_start3A_761 = arith.constant 0 : i32
    %dma_start3A_762 = tpu.memref_slice %arg7[%dma_start3A_760, %dma_start3A_761] : memref<8x64xi32, #tpu.memory_space<vmem>> -> memref<1x64xi32, #tpu.memory_space<vmem>>
    %dma_start3A_763 = tpu.memref_squeeze %dma_start3A_762 : memref<1x64xi32, #tpu.memory_space<vmem>> -> memref<64xi32, #tpu.memory_space<vmem>>
    %dma_start3A_764 = arith.constant 0 : i32
    %dma_start3A_765 = tpu.memref_slice %arg2[%add3A, %dma_start3A_759, %dma_start3A_764] : memref<32x160x64xi32, #tpu.memory_space<hbm>> -> memref<1x1x64xi32, #tpu.memory_space<hbm>>
    %dma_start3A_766 = tpu.memref_squeeze %dma_start3A_765 : memref<1x1x64xi32, #tpu.memory_space<hbm>> -> memref<64xi32, #tpu.memory_space<hbm>>
    %dma_start3A_767 = arith.constant 0 : i32
    %dma_start3A_768 = tpu.memref_slice %arg7[%dma_start3A_760, %dma_start3A_767] : memref<8x64xi32, #tpu.memory_space<vmem>> -> memref<1x64xi32, #tpu.memory_space<vmem>>
    %dma_start3A_769 = tpu.memref_squeeze %dma_start3A_768 : memref<1x64xi32, #tpu.memory_space<vmem>> -> memref<64xi32, #tpu.memory_space<vmem>>
    %dma_start3A_770 = arith.constant 0 : i32
    %dma_start3A_771 = tpu.memref_slice %arg2[%add3A, %dma_start3A_759, %dma_start3A_770] : memref<32x160x64xi32, #tpu.memory_space<hbm>> -> memref<1x1x64xi32, #tpu.memory_space<hbm>>
    %dma_start3A_772 = tpu.memref_squeeze %dma_start3A_771 : memref<1x1x64xi32, #tpu.memory_space<hbm>> -> memref<64xi32, #tpu.memory_space<hbm>>
    tpu.enqueue_dma source(%dma_start3A_772 : memref<64xi32, #tpu.memory_space<hbm>>) target(%dma_start3A_769 : memref<64xi32, #tpu.memory_space<vmem>>) target_semaphore(%arg18 : memref<!tpu.dma_semaphore, #tpu.memory_space<semaphore_mem>>)
    %dma_start3A_773 = arith.constant 12 : i32
    %dma_start3A_774 = arith.constant 4 : i32
    %dma_start3A_775 = arith.constant 0 : i32
    %dma_start3A_776 = tpu.memref_slice %arg8[%dma_start3A_774, %dma_start3A_775] : memref<8x64xi32, #tpu.memory_space<vmem>> -> memref<1x64xi32, #tpu.memory_space<vmem>>
    %dma_start3A_777 = tpu.memref_squeeze %dma_start3A_776 : memref<1x64xi32, #tpu.memory_space<vmem>> -> memref<64xi32, #tpu.memory_space<vmem>>
    %dma_start3A_778 = arith.constant 0 : i32
    %dma_start3A_779 = tpu.memref_slice %arg3[%add3A, %dma_start3A_773, %dma_start3A_778] : memref<32x160x64xi32, #tpu.memory_space<hbm>> -> memref<1x1x64xi32, #tpu.memory_space<hbm>>
    %dma_start3A_780 = tpu.memref_squeeze %dma_start3A_779 : memref<1x1x64xi32, #tpu.memory_space<hbm>> -> memref<64xi32, #tpu.memory_space<hbm>>
    %dma_start3A_781 = arith.constant 0 : i32
    %dma_start3A_782 = tpu.memref_slice %arg8[%dma_start3A_774, %dma_start3A_781] : memref<8x64xi32, #tpu.memory_space<vmem>> -> memref<1x64xi32, #tpu.memory_space<vmem>>
    %dma_start3A_783 = tpu.memref_squeeze %dma_start3A_782 : memref<1x64xi32, #tpu.memory_space<vmem>> -> memref<64xi32, #tpu.memory_space<vmem>>
    %dma_start3A_784 = arith.constant 0 : i32
    %dma_start3A_785 = tpu.memref_slice %arg3[%add3A, %dma_start3A_773, %dma_start3A_784] : memref<32x160x64xi32, #tpu.memory_space<hbm>> -> memref<1x1x64xi32, #tpu.memory_space<hbm>>
    %dma_start3A_786 = tpu.memref_squeeze %dma_start3A_785 : memref<1x1x64xi32, #tpu.memory_space<hbm>> -> memref<64xi32, #tpu.memory_space<hbm>>
    tpu.enqueue_dma source(%dma_start3A_786 : memref<64xi32, #tpu.memory_space<hbm>>) target(%dma_start3A_783 : memref<64xi32, #tpu.memory_space<vmem>>) target_semaphore(%arg26 : memref<!tpu.dma_semaphore, #tpu.memory_space<semaphore_mem>>)
    %dma_wait3A_787 = arith.constant 0 : i32
    %dma_wait3A_788 = arith.constant 0 : i32
    %dma_wait3A_789 = arith.constant 0 : i32
    %dma_wait3A_790 = tpu.memref_slice %arg7[%dma_wait3A_788, %dma_wait3A_789] : memref<8x64xi32, #tpu.memory_space<vmem>> -> memref<1x64xi32, #tpu.memory_space<vmem>>
    %dma_wait3A_791 = tpu.memref_squeeze %dma_wait3A_790 : memref<1x64xi32, #tpu.memory_space<vmem>> -> memref<64xi32, #tpu.memory_space<vmem>>
    %dma_wait3A_792 = arith.constant 0 : i32
    %dma_wait3A_793 = tpu.memref_slice %arg2[%add3A, %dma_wait3A_787, %dma_wait3A_792] : memref<32x160x64xi32, #tpu.memory_space<hbm>> -> memref<1x1x64xi32, #tpu.memory_space<hbm>>
    %dma_wait3A_794 = tpu.memref_squeeze %dma_wait3A_793 : memref<1x1x64xi32, #tpu.memory_space<hbm>> -> memref<64xi32, #tpu.memory_space<hbm>>
    %dma_wait3A_795 = arith.constant 0 : i32
    %dma_wait3A_796 = tpu.memref_slice %arg7[%dma_wait3A_788, %dma_wait3A_795] : memref<8x64xi32, #tpu.memory_space<vmem>> -> memref<1x64xi32, #tpu.memory_space<vmem>>
    %dma_wait3A_797 = tpu.memref_squeeze %dma_wait3A_796 : memref<1x64xi32, #tpu.memory_space<vmem>> -> memref<64xi32, #tpu.memory_space<vmem>>
    %dma_wait3A_798 = arith.constant 0 : i32
    %dma_wait3A_799 = tpu.memref_slice %arg2[%add3A, %dma_wait3A_787, %dma_wait3A_798] : memref<32x160x64xi32, #tpu.memory_space<hbm>> -> memref<1x1x64xi32, #tpu.memory_space<hbm>>
    %dma_wait3A_800 = tpu.memref_squeeze %dma_wait3A_799 : memref<1x1x64xi32, #tpu.memory_space<hbm>> -> memref<64xi32, #tpu.memory_space<hbm>>
    tpu.wait_dma2 semaphore(%arg14 : memref<!tpu.dma_semaphore, #tpu.memory_space<semaphore_mem>>) src(%dma_wait3A_800 : memref<64xi32, #tpu.memory_space<hbm>>) dst(%dma_wait3A_797 : memref<64xi32, #tpu.memory_space<vmem>>)
    %dma_wait3A_801 = arith.constant 0 : i32
    %dma_wait3A_802 = arith.constant 0 : i32
    %dma_wait3A_803 = arith.constant 0 : i32
    %dma_wait3A_804 = tpu.memref_slice %arg8[%dma_wait3A_802, %dma_wait3A_803] : memref<8x64xi32, #tpu.memory_space<vmem>> -> memref<1x64xi32, #tpu.memory_space<vmem>>
    %dma_wait3A_805 = tpu.memref_squeeze %dma_wait3A_804 : memref<1x64xi32, #tpu.memory_space<vmem>> -> memref<64xi32, #tpu.memory_space<vmem>>
    %dma_wait3A_806 = arith.constant 0 : i32
    %dma_wait3A_807 = tpu.memref_slice %arg3[%add3A, %dma_wait3A_801, %dma_wait3A_806] : memref<32x160x64xi32, #tpu.memory_space<hbm>> -> memref<1x1x64xi32, #tpu.memory_space<hbm>>
    %dma_wait3A_808 = tpu.memref_squeeze %dma_wait3A_807 : memref<1x1x64xi32, #tpu.memory_space<hbm>> -> memref<64xi32, #tpu.memory_space<hbm>>
    %dma_wait3A_809 = arith.constant 0 : i32
    %dma_wait3A_810 = tpu.memref_slice %arg8[%dma_wait3A_802, %dma_wait3A_809] : memref<8x64xi32, #tpu.memory_space<vmem>> -> memref<1x64xi32, #tpu.memory_space<vmem>>
    %dma_wait3A_811 = tpu.memref_squeeze %dma_wait3A_810 : memref<1x64xi32, #tpu.memory_space<vmem>> -> memref<64xi32, #tpu.memory_space<vmem>>
    %dma_wait3A_812 = arith.constant 0 : i32
    %dma_wait3A_813 = tpu.memref_slice %arg3[%add3A, %dma_wait3A_801, %dma_wait3A_812] : memref<32x160x64xi32, #tpu.memory_space<hbm>> -> memref<1x1x64xi32, #tpu.memory_space<hbm>>
    %dma_wait3A_814 = tpu.memref_squeeze %dma_wait3A_813 : memref<1x1x64xi32, #tpu.memory_space<hbm>> -> memref<64xi32, #tpu.memory_space<hbm>>
    tpu.wait_dma2 semaphore(%arg22 : memref<!tpu.dma_semaphore, #tpu.memory_space<semaphore_mem>>) src(%dma_wait3A_814 : memref<64xi32, #tpu.memory_space<hbm>>) dst(%dma_wait3A_811 : memref<64xi32, #tpu.memory_space<vmem>>)
    %dma_start3A_815 = arith.constant 0 : i32
    %dma_start3A_816 = arith.constant 0 : i32
    %dma_start3A_817 = tpu.memref_slice %arg7[%dma_start3A_815, %dma_start3A_816] : memref<8x64xi32, #tpu.memory_space<vmem>> -> memref<1x64xi32, #tpu.memory_space<vmem>>
    %dma_start3A_818 = tpu.memref_squeeze %dma_start3A_817 : memref<1x64xi32, #tpu.memory_space<vmem>> -> memref<64xi32, #tpu.memory_space<vmem>>
    %dma_start3A_819 = arith.constant 0 : i32
    %dma_start3A_820 = arith.constant 0 : i32
    %dma_start3A_821 = tpu.memref_slice %arg4[%dma_start3A_819, %dma_start3A_820] : memref<10000x128xf32, #tpu.memory_space<hbm>> -> memref<10000x128xf32, #tpu.memory_space<hbm>>
    tpu.enqueue_indirect_dma source(%dma_start3A_821 : memref<10000x128xf32, #tpu.memory_space<hbm>>) target(%arg9 : memref<64x128xf32, #tpu.memory_space<vmem>>) offsets(%dma_start3A_818 : memref<64xi32, #tpu.memory_space<vmem>>) semaphore(%arg30 : memref<!tpu.dma_semaphore, #tpu.memory_space<semaphore_mem>>)
    %dma_wait3A_822 = arith.constant 0 : i32
    %dma_wait3A_823 = arith.constant 0 : i32
    %dma_wait3A_824 = tpu.memref_slice %arg7[%dma_wait3A_822, %dma_wait3A_823] : memref<8x64xi32, #tpu.memory_space<vmem>> -> memref<1x64xi32, #tpu.memory_space<vmem>>
    %dma_wait3A_825 = tpu.memref_squeeze %dma_wait3A_824 : memref<1x64xi32, #tpu.memory_space<vmem>> -> memref<64xi32, #tpu.memory_space<vmem>>
    %dma_wait3A_826 = arith.constant 0 : i32
    %dma_wait3A_827 = arith.constant 0 : i32
    %dma_wait3A_828 = tpu.memref_slice %arg4[%dma_wait3A_826, %dma_wait3A_827] : memref<10000x128xf32, #tpu.memory_space<hbm>> -> memref<10000x128xf32, #tpu.memory_space<hbm>>
    tpu.wait_indirect_dma semaphore(%arg33 : memref<!tpu.dma_semaphore, #tpu.memory_space<semaphore_mem>>) src(%dma_wait3A_828 : memref<10000x128xf32, #tpu.memory_space<hbm>>) dst(%arg12 : memref<64x128xf32, #tpu.memory_space<vmem>>)
    %dma_wait3A_829 = arith.constant 6 : i32
    %dma_wait3A_830 = arith.constant 0 : i32
    %dma_wait3A_831 = tpu.memref_slice %arg8[%dma_wait3A_829, %dma_wait3A_830] : memref<8x64xi32, #tpu.memory_space<vmem>> -> memref<1x64xi32, #tpu.memory_space<vmem>>
    %dma_wait3A_832 = tpu.memref_squeeze %dma_wait3A_831 : memref<1x64xi32, #tpu.memory_space<vmem>> -> memref<64xi32, #tpu.memory_space<vmem>>
    %dma_wait3A_833 = arith.constant 0 : i32
    %dma_wait3A_834 = arith.constant 0 : i32
    %dma_wait3A_835 = tpu.memref_slice %arg13[%dma_wait3A_833, %dma_wait3A_834] : memref<10064x128xf32, #tpu.memory_space<vmem_shared>> -> memref<10064x128xf32, #tpu.memory_space<vmem_shared>>
    tpu.wait_indirect_dma semaphore(%arg36 : memref<!tpu.dma_semaphore, #tpu.memory_space<semaphore_mem>>) src(%arg11 : memref<64x128xf32, #tpu.memory_space<vmem>>) dst(%dma_wait3A_835 : memref<10064x128xf32, #tpu.memory_space<vmem_shared>>)
    %dma_start3A_836 = arith.constant 7 : i32
    %dma_start3A_837 = arith.constant 0 : i32
    %dma_start3A_838 = tpu.memref_slice %arg8[%dma_start3A_836, %dma_start3A_837] : memref<8x64xi32, #tpu.memory_space<vmem>> -> memref<1x64xi32, #tpu.memory_space<vmem>>
    %dma_start3A_839 = tpu.memref_squeeze %dma_start3A_838 : memref<1x64xi32, #tpu.memory_space<vmem>> -> memref<64xi32, #tpu.memory_space<vmem>>
    %dma_start3A_840 = arith.constant 0 : i32
    %dma_start3A_841 = arith.constant 0 : i32
    %dma_start3A_842 = tpu.memref_slice %arg13[%dma_start3A_840, %dma_start3A_841] : memref<10064x128xf32, #tpu.memory_space<vmem_shared>> -> memref<10064x128xf32, #tpu.memory_space<vmem_shared>>
    tpu.enqueue_indirect_dma source(%arg12 : memref<64x128xf32, #tpu.memory_space<vmem>>) target(%dma_start3A_842 : memref<10064x128xf32, #tpu.memory_space<vmem_shared>>) offsets(%dma_start3A_839 : memref<64xi32, #tpu.memory_space<vmem>>) semaphore(%arg37 : memref<!tpu.dma_semaphore, #tpu.memory_space<semaphore_mem>>) {add = true}
    %dma_start3A_843 = arith.constant 13 : i32
    %dma_start3A_844 = arith.constant 5 : i32
    %dma_start3A_845 = arith.constant 0 : i32
    %dma_start3A_846 = tpu.memref_slice %arg7[%dma_start3A_844, %dma_start3A_845] : memref<8x64xi32, #tpu.memory_space<vmem>> -> memref<1x64xi32, #tpu.memory_space<vmem>>
    %dma_start3A_847 = tpu.memref_squeeze %dma_start3A_846 : memref<1x64xi32, #tpu.memory_space<vmem>> -> memref<64xi32, #tpu.memory_space<vmem>>
    %dma_start3A_848 = arith.constant 0 : i32
    %dma_start3A_849 = tpu.memref_slice %arg2[%add3A, %dma_start3A_843, %dma_start3A_848] : memref<32x160x64xi32, #tpu.memory_space<hbm>> -> memref<1x1x64xi32, #tpu.memory_space<hbm>>
    %dma_start3A_850 = tpu.memref_squeeze %dma_start3A_849 : memref<1x1x64xi32, #tpu.memory_space<hbm>> -> memref<64xi32, #tpu.memory_space<hbm>>
    %dma_start3A_851 = arith.constant 0 : i32
    %dma_start3A_852 = tpu.memref_slice %arg7[%dma_start3A_844, %dma_start3A_851] : memref<8x64xi32, #tpu.memory_space<vmem>> -> memref<1x64xi32, #tpu.memory_space<vmem>>
    %dma_start3A_853 = tpu.memref_squeeze %dma_start3A_852 : memref<1x64xi32, #tpu.memory_space<vmem>> -> memref<64xi32, #tpu.memory_space<vmem>>
    %dma_start3A_854 = arith.constant 0 : i32
    %dma_start3A_855 = tpu.memref_slice %arg2[%add3A, %dma_start3A_843, %dma_start3A_854] : memref<32x160x64xi32, #tpu.memory_space<hbm>> -> memref<1x1x64xi32, #tpu.memory_space<hbm>>
    %dma_start3A_856 = tpu.memref_squeeze %dma_start3A_855 : memref<1x1x64xi32, #tpu.memory_space<hbm>> -> memref<64xi32, #tpu.memory_space<hbm>>
    tpu.enqueue_dma source(%dma_start3A_856 : memref<64xi32, #tpu.memory_space<hbm>>) target(%dma_start3A_853 : memref<64xi32, #tpu.memory_space<vmem>>) target_semaphore(%arg19 : memref<!tpu.dma_semaphore, #tpu.memory_space<semaphore_mem>>)
    %dma_start3A_857 = arith.constant 13 : i32
    %dma_start3A_858 = arith.constant 5 : i32
    %dma_start3A_859 = arith.constant 0 : i32
    %dma_start3A_860 = tpu.memref_slice %arg8[%dma_start3A_858, %dma_start3A_859] : memref<8x64xi32, #tpu.memory_space<vmem>> -> memref<1x64xi32, #tpu.memory_space<vmem>>
    %dma_start3A_861 = tpu.memref_squeeze %dma_start3A_860 : memref<1x64xi32, #tpu.memory_space<vmem>> -> memref<64xi32, #tpu.memory_space<vmem>>
    %dma_start3A_862 = arith.constant 0 : i32
    %dma_start3A_863 = tpu.memref_slice %arg3[%add3A, %dma_start3A_857, %dma_start3A_862] : memref<32x160x64xi32, #tpu.memory_space<hbm>> -> memref<1x1x64xi32, #tpu.memory_space<hbm>>
    %dma_start3A_864 = tpu.memref_squeeze %dma_start3A_863 : memref<1x1x64xi32, #tpu.memory_space<hbm>> -> memref<64xi32, #tpu.memory_space<hbm>>
    %dma_start3A_865 = arith.constant 0 : i32
    %dma_start3A_866 = tpu.memref_slice %arg8[%dma_start3A_858, %dma_start3A_865] : memref<8x64xi32, #tpu.memory_space<vmem>> -> memref<1x64xi32, #tpu.memory_space<vmem>>
    %dma_start3A_867 = tpu.memref_squeeze %dma_start3A_866 : memref<1x64xi32, #tpu.memory_space<vmem>> -> memref<64xi32, #tpu.memory_space<vmem>>
    %dma_start3A_868 = arith.constant 0 : i32
    %dma_start3A_869 = tpu.memref_slice %arg3[%add3A, %dma_start3A_857, %dma_start3A_868] : memref<32x160x64xi32, #tpu.memory_space<hbm>> -> memref<1x1x64xi32, #tpu.memory_space<hbm>>
    %dma_start3A_870 = tpu.memref_squeeze %dma_start3A_869 : memref<1x1x64xi32, #tpu.memory_space<hbm>> -> memref<64xi32, #tpu.memory_space<hbm>>
    tpu.enqueue_dma source(%dma_start3A_870 : memref<64xi32, #tpu.memory_space<hbm>>) target(%dma_start3A_867 : memref<64xi32, #tpu.memory_space<vmem>>) target_semaphore(%arg27 : memref<!tpu.dma_semaphore, #tpu.memory_space<semaphore_mem>>)
    %dma_wait3A_871 = arith.constant 0 : i32
    %dma_wait3A_872 = arith.constant 1 : i32
    %dma_wait3A_873 = arith.constant 0 : i32
    %dma_wait3A_874 = tpu.memref_slice %arg7[%dma_wait3A_872, %dma_wait3A_873] : memref<8x64xi32, #tpu.memory_space<vmem>> -> memref<1x64xi32, #tpu.memory_space<vmem>>
    %dma_wait3A_875 = tpu.memref_squeeze %dma_wait3A_874 : memref<1x64xi32, #tpu.memory_space<vmem>> -> memref<64xi32, #tpu.memory_space<vmem>>
    %dma_wait3A_876 = arith.constant 0 : i32
    %dma_wait3A_877 = tpu.memref_slice %arg2[%add3A, %dma_wait3A_871, %dma_wait3A_876] : memref<32x160x64xi32, #tpu.memory_space<hbm>> -> memref<1x1x64xi32, #tpu.memory_space<hbm>>
    %dma_wait3A_878 = tpu.memref_squeeze %dma_wait3A_877 : memref<1x1x64xi32, #tpu.memory_space<hbm>> -> memref<64xi32, #tpu.memory_space<hbm>>
    %dma_wait3A_879 = arith.constant 0 : i32
    %dma_wait3A_880 = tpu.memref_slice %arg7[%dma_wait3A_872, %dma_wait3A_879] : memref<8x64xi32, #tpu.memory_space<vmem>> -> memref<1x64xi32, #tpu.memory_space<vmem>>
    %dma_wait3A_881 = tpu.memref_squeeze %dma_wait3A_880 : memref<1x64xi32, #tpu.memory_space<vmem>> -> memref<64xi32, #tpu.memory_space<vmem>>
    %dma_wait3A_882 = arith.constant 0 : i32
    %dma_wait3A_883 = tpu.memref_slice %arg2[%add3A, %dma_wait3A_871, %dma_wait3A_882] : memref<32x160x64xi32, #tpu.memory_space<hbm>> -> memref<1x1x64xi32, #tpu.memory_space<hbm>>
    %dma_wait3A_884 = tpu.memref_squeeze %dma_wait3A_883 : memref<1x1x64xi32, #tpu.memory_space<hbm>> -> memref<64xi32, #tpu.memory_space<hbm>>
    tpu.wait_dma2 semaphore(%arg15 : memref<!tpu.dma_semaphore, #tpu.memory_space<semaphore_mem>>) src(%dma_wait3A_884 : memref<64xi32, #tpu.memory_space<hbm>>) dst(%dma_wait3A_881 : memref<64xi32, #tpu.memory_space<vmem>>)
    %dma_wait3A_885 = arith.constant 0 : i32
    %dma_wait3A_886 = arith.constant 1 : i32
    %dma_wait3A_887 = arith.constant 0 : i32
    %dma_wait3A_888 = tpu.memref_slice %arg8[%dma_wait3A_886, %dma_wait3A_887] : memref<8x64xi32, #tpu.memory_space<vmem>> -> memref<1x64xi32, #tpu.memory_space<vmem>>
    %dma_wait3A_889 = tpu.memref_squeeze %dma_wait3A_888 : memref<1x64xi32, #tpu.memory_space<vmem>> -> memref<64xi32, #tpu.memory_space<vmem>>
    %dma_wait3A_890 = arith.constant 0 : i32
    %dma_wait3A_891 = tpu.memref_slice %arg3[%add3A, %dma_wait3A_885, %dma_wait3A_890] : memref<32x160x64xi32, #tpu.memory_space<hbm>> -> memref<1x1x64xi32, #tpu.memory_space<hbm>>
    %dma_wait3A_892 = tpu.memref_squeeze %dma_wait3A_891 : memref<1x1x64xi32, #tpu.memory_space<hbm>> -> memref<64xi32, #tpu.memory_space<hbm>>
    %dma_wait3A_893 = arith.constant 0 : i32
    %dma_wait3A_894 = tpu.memref_slice %arg8[%dma_wait3A_886, %dma_wait3A_893] : memref<8x64xi32, #tpu.memory_space<vmem>> -> memref<1x64xi32, #tpu.memory_space<vmem>>
    %dma_wait3A_895 = tpu.memref_squeeze %dma_wait3A_894 : memref<1x64xi32, #tpu.memory_space<vmem>> -> memref<64xi32, #tpu.memory_space<vmem>>
    %dma_wait3A_896 = arith.constant 0 : i32
    %dma_wait3A_897 = tpu.memref_slice %arg3[%add3A, %dma_wait3A_885, %dma_wait3A_896] : memref<32x160x64xi32, #tpu.memory_space<hbm>> -> memref<1x1x64xi32, #tpu.memory_space<hbm>>
    %dma_wait3A_898 = tpu.memref_squeeze %dma_wait3A_897 : memref<1x1x64xi32, #tpu.memory_space<hbm>> -> memref<64xi32, #tpu.memory_space<hbm>>
    tpu.wait_dma2 semaphore(%arg23 : memref<!tpu.dma_semaphore, #tpu.memory_space<semaphore_mem>>) src(%dma_wait3A_898 : memref<64xi32, #tpu.memory_space<hbm>>) dst(%dma_wait3A_895 : memref<64xi32, #tpu.memory_space<vmem>>)
    %dma_start3A_899 = arith.constant 1 : i32
    %dma_start3A_900 = arith.constant 0 : i32
    %dma_start3A_901 = tpu.memref_slice %arg7[%dma_start3A_899, %dma_start3A_900] : memref<8x64xi32, #tpu.memory_space<vmem>> -> memref<1x64xi32, #tpu.memory_space<vmem>>
    %dma_start3A_902 = tpu.memref_squeeze %dma_start3A_901 : memref<1x64xi32, #tpu.memory_space<vmem>> -> memref<64xi32, #tpu.memory_space<vmem>>
    %dma_start3A_903 = arith.constant 0 : i32
    %dma_start3A_904 = arith.constant 0 : i32
    %dma_start3A_905 = tpu.memref_slice %arg4[%dma_start3A_903, %dma_start3A_904] : memref<10000x128xf32, #tpu.memory_space<hbm>> -> memref<10000x128xf32, #tpu.memory_space<hbm>>
    tpu.enqueue_indirect_dma source(%dma_start3A_905 : memref<10000x128xf32, #tpu.memory_space<hbm>>) target(%arg10 : memref<64x128xf32, #tpu.memory_space<vmem>>) offsets(%dma_start3A_902 : memref<64xi32, #tpu.memory_space<vmem>>) semaphore(%arg31 : memref<!tpu.dma_semaphore, #tpu.memory_space<semaphore_mem>>)
    %dma_wait3A_906 = arith.constant 0 : i32
    %dma_wait3A_907 = arith.constant 0 : i32
    %dma_wait3A_908 = tpu.memref_slice %arg7[%dma_wait3A_906, %dma_wait3A_907] : memref<8x64xi32, #tpu.memory_space<vmem>> -> memref<1x64xi32, #tpu.memory_space<vmem>>
    %dma_wait3A_909 = tpu.memref_squeeze %dma_wait3A_908 : memref<1x64xi32, #tpu.memory_space<vmem>> -> memref<64xi32, #tpu.memory_space<vmem>>
    %dma_wait3A_910 = arith.constant 0 : i32
    %dma_wait3A_911 = arith.constant 0 : i32
    %dma_wait3A_912 = tpu.memref_slice %arg4[%dma_wait3A_910, %dma_wait3A_911] : memref<10000x128xf32, #tpu.memory_space<hbm>> -> memref<10000x128xf32, #tpu.memory_space<hbm>>
    tpu.wait_indirect_dma semaphore(%arg30 : memref<!tpu.dma_semaphore, #tpu.memory_space<semaphore_mem>>) src(%dma_wait3A_912 : memref<10000x128xf32, #tpu.memory_space<hbm>>) dst(%arg9 : memref<64x128xf32, #tpu.memory_space<vmem>>)
    %dma_wait3A_913 = arith.constant 7 : i32
    %dma_wait3A_914 = arith.constant 0 : i32
    %dma_wait3A_915 = tpu.memref_slice %arg8[%dma_wait3A_913, %dma_wait3A_914] : memref<8x64xi32, #tpu.memory_space<vmem>> -> memref<1x64xi32, #tpu.memory_space<vmem>>
    %dma_wait3A_916 = tpu.memref_squeeze %dma_wait3A_915 : memref<1x64xi32, #tpu.memory_space<vmem>> -> memref<64xi32, #tpu.memory_space<vmem>>
    %dma_wait3A_917 = arith.constant 0 : i32
    %dma_wait3A_918 = arith.constant 0 : i32
    %dma_wait3A_919 = tpu.memref_slice %arg13[%dma_wait3A_917, %dma_wait3A_918] : memref<10064x128xf32, #tpu.memory_space<vmem_shared>> -> memref<10064x128xf32, #tpu.memory_space<vmem_shared>>
    tpu.wait_indirect_dma semaphore(%arg37 : memref<!tpu.dma_semaphore, #tpu.memory_space<semaphore_mem>>) src(%arg12 : memref<64x128xf32, #tpu.memory_space<vmem>>) dst(%dma_wait3A_919 : memref<10064x128xf32, #tpu.memory_space<vmem_shared>>)
    %dma_start3A_920 = arith.constant 0 : i32
    %dma_start3A_921 = arith.constant 0 : i32
    %dma_start3A_922 = tpu.memref_slice %arg8[%dma_start3A_920, %dma_start3A_921] : memref<8x64xi32, #tpu.memory_space<vmem>> -> memref<1x64xi32, #tpu.memory_space<vmem>>
    %dma_start3A_923 = tpu.memref_squeeze %dma_start3A_922 : memref<1x64xi32, #tpu.memory_space<vmem>> -> memref<64xi32, #tpu.memory_space<vmem>>
    %dma_start3A_924 = arith.constant 0 : i32
    %dma_start3A_925 = arith.constant 0 : i32
    %dma_start3A_926 = tpu.memref_slice %arg13[%dma_start3A_924, %dma_start3A_925] : memref<10064x128xf32, #tpu.memory_space<vmem_shared>> -> memref<10064x128xf32, #tpu.memory_space<vmem_shared>>
    tpu.enqueue_indirect_dma source(%arg9 : memref<64x128xf32, #tpu.memory_space<vmem>>) target(%dma_start3A_926 : memref<10064x128xf32, #tpu.memory_space<vmem_shared>>) offsets(%dma_start3A_923 : memref<64xi32, #tpu.memory_space<vmem>>) semaphore(%arg34 : memref<!tpu.dma_semaphore, #tpu.memory_space<semaphore_mem>>) {add = true}
    %dma_start3A_927 = arith.constant 14 : i32
    %dma_start3A_928 = arith.constant 6 : i32
    %dma_start3A_929 = arith.constant 0 : i32
    %dma_start3A_930 = tpu.memref_slice %arg7[%dma_start3A_928, %dma_start3A_929] : memref<8x64xi32, #tpu.memory_space<vmem>> -> memref<1x64xi32, #tpu.memory_space<vmem>>
    %dma_start3A_931 = tpu.memref_squeeze %dma_start3A_930 : memref<1x64xi32, #tpu.memory_space<vmem>> -> memref<64xi32, #tpu.memory_space<vmem>>
    %dma_start3A_932 = arith.constant 0 : i32
    %dma_start3A_933 = tpu.memref_slice %arg2[%add3A, %dma_start3A_927, %dma_start3A_932] : memref<32x160x64xi32, #tpu.memory_space<hbm>> -> memref<1x1x64xi32, #tpu.memory_space<hbm>>
    %dma_start3A_934 = tpu.memref_squeeze %dma_start3A_933 : memref<1x1x64xi32, #tpu.memory_space<hbm>> -> memref<64xi32, #tpu.memory_space<hbm>>
    %dma_start3A_935 = arith.constant 0 : i32
    %dma_start3A_936 = tpu.memref_slice %arg7[%dma_start3A_928, %dma_start3A_935] : memref<8x64xi32, #tpu.memory_space<vmem>> -> memref<1x64xi32, #tpu.memory_space<vmem>>
    %dma_start3A_937 = tpu.memref_squeeze %dma_start3A_936 : memref<1x64xi32, #tpu.memory_space<vmem>> -> memref<64xi32, #tpu.memory_space<vmem>>
    %dma_start3A_938 = arith.constant 0 : i32
    %dma_start3A_939 = tpu.memref_slice %arg2[%add3A, %dma_start3A_927, %dma_start3A_938] : memref<32x160x64xi32, #tpu.memory_space<hbm>> -> memref<1x1x64xi32, #tpu.memory_space<hbm>>
    %dma_start3A_940 = tpu.memref_squeeze %dma_start3A_939 : memref<1x1x64xi32, #tpu.memory_space<hbm>> -> memref<64xi32, #tpu.memory_space<hbm>>
    tpu.enqueue_dma source(%dma_start3A_940 : memref<64xi32, #tpu.memory_space<hbm>>) target(%dma_start3A_937 : memref<64xi32, #tpu.memory_space<vmem>>) target_semaphore(%arg20 : memref<!tpu.dma_semaphore, #tpu.memory_space<semaphore_mem>>)
    %dma_start3A_941 = arith.constant 14 : i32
    %dma_start3A_942 = arith.constant 6 : i32
    %dma_start3A_943 = arith.constant 0 : i32
    %dma_start3A_944 = tpu.memref_slice %arg8[%dma_start3A_942, %dma_start3A_943] : memref<8x64xi32, #tpu.memory_space<vmem>> -> memref<1x64xi32, #tpu.memory_space<vmem>>
    %dma_start3A_945 = tpu.memref_squeeze %dma_start3A_944 : memref<1x64xi32, #tpu.memory_space<vmem>> -> memref<64xi32, #tpu.memory_space<vmem>>
    %dma_start3A_946 = arith.constant 0 : i32
    %dma_start3A_947 = tpu.memref_slice %arg3[%add3A, %dma_start3A_941, %dma_start3A_946] : memref<32x160x64xi32, #tpu.memory_space<hbm>> -> memref<1x1x64xi32, #tpu.memory_space<hbm>>
    %dma_start3A_948 = tpu.memref_squeeze %dma_start3A_947 : memref<1x1x64xi32, #tpu.memory_space<hbm>> -> memref<64xi32, #tpu.memory_space<hbm>>
    %dma_start3A_949 = arith.constant 0 : i32
    %dma_start3A_950 = tpu.memref_slice %arg8[%dma_start3A_942, %dma_start3A_949] : memref<8x64xi32, #tpu.memory_space<vmem>> -> memref<1x64xi32, #tpu.memory_space<vmem>>
    %dma_start3A_951 = tpu.memref_squeeze %dma_start3A_950 : memref<1x64xi32, #tpu.memory_space<vmem>> -> memref<64xi32, #tpu.memory_space<vmem>>
    %dma_start3A_952 = arith.constant 0 : i32
    %dma_start3A_953 = tpu.memref_slice %arg3[%add3A, %dma_start3A_941, %dma_start3A_952] : memref<32x160x64xi32, #tpu.memory_space<hbm>> -> memref<1x1x64xi32, #tpu.memory_space<hbm>>
    %dma_start3A_954 = tpu.memref_squeeze %dma_start3A_953 : memref<1x1x64xi32, #tpu.memory_space<hbm>> -> memref<64xi32, #tpu.memory_space<hbm>>
    tpu.enqueue_dma source(%dma_start3A_954 : memref<64xi32, #tpu.memory_space<hbm>>) target(%dma_start3A_951 : memref<64xi32, #tpu.memory_space<vmem>>) target_semaphore(%arg28 : memref<!tpu.dma_semaphore, #tpu.memory_space<semaphore_mem>>)
    %dma_wait3A_955 = arith.constant 0 : i32
    %dma_wait3A_956 = arith.constant 2 : i32
    %dma_wait3A_957 = arith.constant 0 : i32
    %dma_wait3A_958 = tpu.memref_slice %arg7[%dma_wait3A_956, %dma_wait3A_957] : memref<8x64xi32, #tpu.memory_space<vmem>> -> memref<1x64xi32, #tpu.memory_space<vmem>>
    %dma_wait3A_959 = tpu.memref_squeeze %dma_wait3A_958 : memref<1x64xi32, #tpu.memory_space<vmem>> -> memref<64xi32, #tpu.memory_space<vmem>>
    %dma_wait3A_960 = arith.constant 0 : i32
    %dma_wait3A_961 = tpu.memref_slice %arg2[%add3A, %dma_wait3A_955, %dma_wait3A_960] : memref<32x160x64xi32, #tpu.memory_space<hbm>> -> memref<1x1x64xi32, #tpu.memory_space<hbm>>
    %dma_wait3A_962 = tpu.memref_squeeze %dma_wait3A_961 : memref<1x1x64xi32, #tpu.memory_space<hbm>> -> memref<64xi32, #tpu.memory_space<hbm>>
    %dma_wait3A_963 = arith.constant 0 : i32
    %dma_wait3A_964 = tpu.memref_slice %arg7[%dma_wait3A_956, %dma_wait3A_963] : memref<8x64xi32, #tpu.memory_space<vmem>> -> memref<1x64xi32, #tpu.memory_space<vmem>>
    %dma_wait3A_965 = tpu.memref_squeeze %dma_wait3A_964 : memref<1x64xi32, #tpu.memory_space<vmem>> -> memref<64xi32, #tpu.memory_space<vmem>>
    %dma_wait3A_966 = arith.constant 0 : i32
    %dma_wait3A_967 = tpu.memref_slice %arg2[%add3A, %dma_wait3A_955, %dma_wait3A_966] : memref<32x160x64xi32, #tpu.memory_space<hbm>> -> memref<1x1x64xi32, #tpu.memory_space<hbm>>
    %dma_wait3A_968 = tpu.memref_squeeze %dma_wait3A_967 : memref<1x1x64xi32, #tpu.memory_space<hbm>> -> memref<64xi32, #tpu.memory_space<hbm>>
    tpu.wait_dma2 semaphore(%arg16 : memref<!tpu.dma_semaphore, #tpu.memory_space<semaphore_mem>>) src(%dma_wait3A_968 : memref<64xi32, #tpu.memory_space<hbm>>) dst(%dma_wait3A_965 : memref<64xi32, #tpu.memory_space<vmem>>)
    %dma_wait3A_969 = arith.constant 0 : i32
    %dma_wait3A_970 = arith.constant 2 : i32
    %dma_wait3A_971 = arith.constant 0 : i32
    %dma_wait3A_972 = tpu.memref_slice %arg8[%dma_wait3A_970, %dma_wait3A_971] : memref<8x64xi32, #tpu.memory_space<vmem>> -> memref<1x64xi32, #tpu.memory_space<vmem>>
    %dma_wait3A_973 = tpu.memref_squeeze %dma_wait3A_972 : memref<1x64xi32, #tpu.memory_space<vmem>> -> memref<64xi32, #tpu.memory_space<vmem>>
    %dma_wait3A_974 = arith.constant 0 : i32
    %dma_wait3A_975 = tpu.memref_slice %arg3[%add3A, %dma_wait3A_969, %dma_wait3A_974] : memref<32x160x64xi32, #tpu.memory_space<hbm>> -> memref<1x1x64xi32, #tpu.memory_space<hbm>>
    %dma_wait3A_976 = tpu.memref_squeeze %dma_wait3A_975 : memref<1x1x64xi32, #tpu.memory_space<hbm>> -> memref<64xi32, #tpu.memory_space<hbm>>
    %dma_wait3A_977 = arith.constant 0 : i32
    %dma_wait3A_978 = tpu.memref_slice %arg8[%dma_wait3A_970, %dma_wait3A_977] : memref<8x64xi32, #tpu.memory_space<vmem>> -> memref<1x64xi32, #tpu.memory_space<vmem>>
    %dma_wait3A_979 = tpu.memref_squeeze %dma_wait3A_978 : memref<1x64xi32, #tpu.memory_space<vmem>> -> memref<64xi32, #tpu.memory_space<vmem>>
    %dma_wait3A_980 = arith.constant 0 : i32
    %dma_wait3A_981 = tpu.memref_slice %arg3[%add3A, %dma_wait3A_969, %dma_wait3A_980] : memref<32x160x64xi32, #tpu.memory_space<hbm>> -> memref<1x1x64xi32, #tpu.memory_space<hbm>>
    %dma_wait3A_982 = tpu.memref_squeeze %dma_wait3A_981 : memref<1x1x64xi32, #tpu.memory_space<hbm>> -> memref<64xi32, #tpu.memory_space<hbm>>
    tpu.wait_dma2 semaphore(%arg24 : memref<!tpu.dma_semaphore, #tpu.memory_space<semaphore_mem>>) src(%dma_wait3A_982 : memref<64xi32, #tpu.memory_space<hbm>>) dst(%dma_wait3A_979 : memref<64xi32, #tpu.memory_space<vmem>>)
    %dma_start3A_983 = arith.constant 2 : i32
    %dma_start3A_984 = arith.constant 0 : i32
    %dma_start3A_985 = tpu.memref_slice %arg7[%dma_start3A_983, %dma_start3A_984] : memref<8x64xi32, #tpu.memory_space<vmem>> -> memref<1x64xi32, #tpu.memory_space<vmem>>
    %dma_start3A_986 = tpu.memref_squeeze %dma_start3A_985 : memref<1x64xi32, #tpu.memory_space<vmem>> -> memref<64xi32, #tpu.memory_space<vmem>>
    %dma_start3A_987 = arith.constant 0 : i32
    %dma_start3A_988 = arith.constant 0 : i32
    %dma_start3A_989 = tpu.memref_slice %arg4[%dma_start3A_987, %dma_start3A_988] : memref<10000x128xf32, #tpu.memory_space<hbm>> -> memref<10000x128xf32, #tpu.memory_space<hbm>>
    tpu.enqueue_indirect_dma source(%dma_start3A_989 : memref<10000x128xf32, #tpu.memory_space<hbm>>) target(%arg11 : memref<64x128xf32, #tpu.memory_space<vmem>>) offsets(%dma_start3A_986 : memref<64xi32, #tpu.memory_space<vmem>>) semaphore(%arg32 : memref<!tpu.dma_semaphore, #tpu.memory_space<semaphore_mem>>)
    %dma_wait3A_990 = arith.constant 0 : i32
    %dma_wait3A_991 = arith.constant 0 : i32
    %dma_wait3A_992 = tpu.memref_slice %arg7[%dma_wait3A_990, %dma_wait3A_991] : memref<8x64xi32, #tpu.memory_space<vmem>> -> memref<1x64xi32, #tpu.memory_space<vmem>>
    %dma_wait3A_993 = tpu.memref_squeeze %dma_wait3A_992 : memref<1x64xi32, #tpu.memory_space<vmem>> -> memref<64xi32, #tpu.memory_space<vmem>>
    %dma_wait3A_994 = arith.constant 0 : i32
    %dma_wait3A_995 = arith.constant 0 : i32
    %dma_wait3A_996 = tpu.memref_slice %arg4[%dma_wait3A_994, %dma_wait3A_995] : memref<10000x128xf32, #tpu.memory_space<hbm>> -> memref<10000x128xf32, #tpu.memory_space<hbm>>
    tpu.wait_indirect_dma semaphore(%arg31 : memref<!tpu.dma_semaphore, #tpu.memory_space<semaphore_mem>>) src(%dma_wait3A_996 : memref<10000x128xf32, #tpu.memory_space<hbm>>) dst(%arg10 : memref<64x128xf32, #tpu.memory_space<vmem>>)
    %dma_wait3A_997 = arith.constant 0 : i32
    %dma_wait3A_998 = arith.constant 0 : i32
    %dma_wait3A_999 = tpu.memref_slice %arg8[%dma_wait3A_997, %dma_wait3A_998] : memref<8x64xi32, #tpu.memory_space<vmem>> -> memref<1x64xi32, #tpu.memory_space<vmem>>
    %dma_wait3A_1000 = tpu.memref_squeeze %dma_wait3A_999 : memref<1x64xi32, #tpu.memory_space<vmem>> -> memref<64xi32, #tpu.memory_space<vmem>>
    %dma_wait3A_1001 = arith.constant 0 : i32
    %dma_wait3A_1002 = arith.constant 0 : i32
    %dma_wait3A_1003 = tpu.memref_slice %arg13[%dma_wait3A_1001, %dma_wait3A_1002] : memref<10064x128xf32, #tpu.memory_space<vmem_shared>> -> memref<10064x128xf32, #tpu.memory_space<vmem_shared>>
    tpu.wait_indirect_dma semaphore(%arg34 : memref<!tpu.dma_semaphore, #tpu.memory_space<semaphore_mem>>) src(%arg9 : memref<64x128xf32, #tpu.memory_space<vmem>>) dst(%dma_wait3A_1003 : memref<10064x128xf32, #tpu.memory_space<vmem_shared>>)
    %dma_start3A_1004 = arith.constant 1 : i32
    %dma_start3A_1005 = arith.constant 0 : i32
    %dma_start3A_1006 = tpu.memref_slice %arg8[%dma_start3A_1004, %dma_start3A_1005] : memref<8x64xi32, #tpu.memory_space<vmem>> -> memref<1x64xi32, #tpu.memory_space<vmem>>
    %dma_start3A_1007 = tpu.memref_squeeze %dma_start3A_1006 : memref<1x64xi32, #tpu.memory_space<vmem>> -> memref<64xi32, #tpu.memory_space<vmem>>
    %dma_start3A_1008 = arith.constant 0 : i32
    %dma_start3A_1009 = arith.constant 0 : i32
    %dma_start3A_1010 = tpu.memref_slice %arg13[%dma_start3A_1008, %dma_start3A_1009] : memref<10064x128xf32, #tpu.memory_space<vmem_shared>> -> memref<10064x128xf32, #tpu.memory_space<vmem_shared>>
    tpu.enqueue_indirect_dma source(%arg10 : memref<64x128xf32, #tpu.memory_space<vmem>>) target(%dma_start3A_1010 : memref<10064x128xf32, #tpu.memory_space<vmem_shared>>) offsets(%dma_start3A_1007 : memref<64xi32, #tpu.memory_space<vmem>>) semaphore(%arg35 : memref<!tpu.dma_semaphore, #tpu.memory_space<semaphore_mem>>) {add = true}
    %dma_start3A_1011 = arith.constant 15 : i32
    %dma_start3A_1012 = arith.constant 7 : i32
    %dma_start3A_1013 = arith.constant 0 : i32
    %dma_start3A_1014 = tpu.memref_slice %arg7[%dma_start3A_1012, %dma_start3A_1013] : memref<8x64xi32, #tpu.memory_space<vmem>> -> memref<1x64xi32, #tpu.memory_space<vmem>>
    %dma_start3A_1015 = tpu.memref_squeeze %dma_start3A_1014 : memref<1x64xi32, #tpu.memory_space<vmem>> -> memref<64xi32, #tpu.memory_space<vmem>>
    %dma_start3A_1016 = arith.constant 0 : i32
    %dma_start3A_1017 = tpu.memref_slice %arg2[%add3A, %dma_start3A_1011, %dma_start3A_1016] : memref<32x160x64xi32, #tpu.memory_space<hbm>> -> memref<1x1x64xi32, #tpu.memory_space<hbm>>
    %dma_start3A_1018 = tpu.memref_squeeze %dma_start3A_1017 : memref<1x1x64xi32, #tpu.memory_space<hbm>> -> memref<64xi32, #tpu.memory_space<hbm>>
    %dma_start3A_1019 = arith.constant 0 : i32
    %dma_start3A_1020 = tpu.memref_slice %arg7[%dma_start3A_1012, %dma_start3A_1019] : memref<8x64xi32, #tpu.memory_space<vmem>> -> memref<1x64xi32, #tpu.memory_space<vmem>>
    %dma_start3A_1021 = tpu.memref_squeeze %dma_start3A_1020 : memref<1x64xi32, #tpu.memory_space<vmem>> -> memref<64xi32, #tpu.memory_space<vmem>>
    %dma_start3A_1022 = arith.constant 0 : i32
    %dma_start3A_1023 = tpu.memref_slice %arg2[%add3A, %dma_start3A_1011, %dma_start3A_1022] : memref<32x160x64xi32, #tpu.memory_space<hbm>> -> memref<1x1x64xi32, #tpu.memory_space<hbm>>
    %dma_start3A_1024 = tpu.memref_squeeze %dma_start3A_1023 : memref<1x1x64xi32, #tpu.memory_space<hbm>> -> memref<64xi32, #tpu.memory_space<hbm>>
    tpu.enqueue_dma source(%dma_start3A_1024 : memref<64xi32, #tpu.memory_space<hbm>>) target(%dma_start3A_1021 : memref<64xi32, #tpu.memory_space<vmem>>) target_semaphore(%arg21 : memref<!tpu.dma_semaphore, #tpu.memory_space<semaphore_mem>>)
    %dma_start3A_1025 = arith.constant 15 : i32
    %dma_start3A_1026 = arith.constant 7 : i32
    %dma_start3A_1027 = arith.constant 0 : i32
    %dma_start3A_1028 = tpu.memref_slice %arg8[%dma_start3A_1026, %dma_start3A_1027] : memref<8x64xi32, #tpu.memory_space<vmem>> -> memref<1x64xi32, #tpu.memory_space<vmem>>
    %dma_start3A_1029 = tpu.memref_squeeze %dma_start3A_1028 : memref<1x64xi32, #tpu.memory_space<vmem>> -> memref<64xi32, #tpu.memory_space<vmem>>
    %dma_start3A_1030 = arith.constant 0 : i32
    %dma_start3A_1031 = tpu.memref_slice %arg3[%add3A, %dma_start3A_1025, %dma_start3A_1030] : memref<32x160x64xi32, #tpu.memory_space<hbm>> -> memref<1x1x64xi32, #tpu.memory_space<hbm>>
    %dma_start3A_1032 = tpu.memref_squeeze %dma_start3A_1031 : memref<1x1x64xi32, #tpu.memory_space<hbm>> -> memref<64xi32, #tpu.memory_space<hbm>>
    %dma_start3A_1033 = arith.constant 0 : i32
    %dma_start3A_1034 = tpu.memref_slice %arg8[%dma_start3A_1026, %dma_start3A_1033] : memref<8x64xi32, #tpu.memory_space<vmem>> -> memref<1x64xi32, #tpu.memory_space<vmem>>
    %dma_start3A_1035 = tpu.memref_squeeze %dma_start3A_1034 : memref<1x64xi32, #tpu.memory_space<vmem>> -> memref<64xi32, #tpu.memory_space<vmem>>
    %dma_start3A_1036 = arith.constant 0 : i32
    %dma_start3A_1037 = tpu.memref_slice %arg3[%add3A, %dma_start3A_1025, %dma_start3A_1036] : memref<32x160x64xi32, #tpu.memory_space<hbm>> -> memref<1x1x64xi32, #tpu.memory_space<hbm>>
    %dma_start3A_1038 = tpu.memref_squeeze %dma_start3A_1037 : memref<1x1x64xi32, #tpu.memory_space<hbm>> -> memref<64xi32, #tpu.memory_space<hbm>>
    tpu.enqueue_dma source(%dma_start3A_1038 : memref<64xi32, #tpu.memory_space<hbm>>) target(%dma_start3A_1035 : memref<64xi32, #tpu.memory_space<vmem>>) target_semaphore(%arg29 : memref<!tpu.dma_semaphore, #tpu.memory_space<semaphore_mem>>)
    %dma_wait3A_1039 = arith.constant 0 : i32
    %dma_wait3A_1040 = arith.constant 3 : i32
    %dma_wait3A_1041 = arith.constant 0 : i32
    %dma_wait3A_1042 = tpu.memref_slice %arg7[%dma_wait3A_1040, %dma_wait3A_1041] : memref<8x64xi32, #tpu.memory_space<vmem>> -> memref<1x64xi32, #tpu.memory_space<vmem>>
    %dma_wait3A_1043 = tpu.memref_squeeze %dma_wait3A_1042 : memref<1x64xi32, #tpu.memory_space<vmem>> -> memref<64xi32, #tpu.memory_space<vmem>>
    %dma_wait3A_1044 = arith.constant 0 : i32
    %dma_wait3A_1045 = tpu.memref_slice %arg2[%add3A, %dma_wait3A_1039, %dma_wait3A_1044] : memref<32x160x64xi32, #tpu.memory_space<hbm>> -> memref<1x1x64xi32, #tpu.memory_space<hbm>>
    %dma_wait3A_1046 = tpu.memref_squeeze %dma_wait3A_1045 : memref<1x1x64xi32, #tpu.memory_space<hbm>> -> memref<64xi32, #tpu.memory_space<hbm>>
    %dma_wait3A_1047 = arith.constant 0 : i32
    %dma_wait3A_1048 = tpu.memref_slice %arg7[%dma_wait3A_1040, %dma_wait3A_1047] : memref<8x64xi32, #tpu.memory_space<vmem>> -> memref<1x64xi32, #tpu.memory_space<vmem>>
    %dma_wait3A_1049 = tpu.memref_squeeze %dma_wait3A_1048 : memref<1x64xi32, #tpu.memory_space<vmem>> -> memref<64xi32, #tpu.memory_space<vmem>>
    %dma_wait3A_1050 = arith.constant 0 : i32
    %dma_wait3A_1051 = tpu.memref_slice %arg2[%add3A, %dma_wait3A_1039, %dma_wait3A_1050] : memref<32x160x64xi32, #tpu.memory_space<hbm>> -> memref<1x1x64xi32, #tpu.memory_space<hbm>>
    %dma_wait3A_1052 = tpu.memref_squeeze %dma_wait3A_1051 : memref<1x1x64xi32, #tpu.memory_space<hbm>> -> memref<64xi32, #tpu.memory_space<hbm>>
    tpu.wait_dma2 semaphore(%arg17 : memref<!tpu.dma_semaphore, #tpu.memory_space<semaphore_mem>>) src(%dma_wait3A_1052 : memref<64xi32, #tpu.memory_space<hbm>>) dst(%dma_wait3A_1049 : memref<64xi32, #tpu.memory_space<vmem>>)
    %dma_wait3A_1053 = arith.constant 0 : i32
    %dma_wait3A_1054 = arith.constant 3 : i32
    %dma_wait3A_1055 = arith.constant 0 : i32
    %dma_wait3A_1056 = tpu.memref_slice %arg8[%dma_wait3A_1054, %dma_wait3A_1055] : memref<8x64xi32, #tpu.memory_space<vmem>> -> memref<1x64xi32, #tpu.memory_space<vmem>>
    %dma_wait3A_1057 = tpu.memref_squeeze %dma_wait3A_1056 : memref<1x64xi32, #tpu.memory_space<vmem>> -> memref<64xi32, #tpu.memory_space<vmem>>
    %dma_wait3A_1058 = arith.constant 0 : i32
    %dma_wait3A_1059 = tpu.memref_slice %arg3[%add3A, %dma_wait3A_1053, %dma_wait3A_1058] : memref<32x160x64xi32, #tpu.memory_space<hbm>> -> memref<1x1x64xi32, #tpu.memory_space<hbm>>
    %dma_wait3A_1060 = tpu.memref_squeeze %dma_wait3A_1059 : memref<1x1x64xi32, #tpu.memory_space<hbm>> -> memref<64xi32, #tpu.memory_space<hbm>>
    %dma_wait3A_1061 = arith.constant 0 : i32
    %dma_wait3A_1062 = tpu.memref_slice %arg8[%dma_wait3A_1054, %dma_wait3A_1061] : memref<8x64xi32, #tpu.memory_space<vmem>> -> memref<1x64xi32, #tpu.memory_space<vmem>>
    %dma_wait3A_1063 = tpu.memref_squeeze %dma_wait3A_1062 : memref<1x64xi32, #tpu.memory_space<vmem>> -> memref<64xi32, #tpu.memory_space<vmem>>
    %dma_wait3A_1064 = arith.constant 0 : i32
    %dma_wait3A_1065 = tpu.memref_slice %arg3[%add3A, %dma_wait3A_1053, %dma_wait3A_1064] : memref<32x160x64xi32, #tpu.memory_space<hbm>> -> memref<1x1x64xi32, #tpu.memory_space<hbm>>
    %dma_wait3A_1066 = tpu.memref_squeeze %dma_wait3A_1065 : memref<1x1x64xi32, #tpu.memory_space<hbm>> -> memref<64xi32, #tpu.memory_space<hbm>>
    tpu.wait_dma2 semaphore(%arg25 : memref<!tpu.dma_semaphore, #tpu.memory_space<semaphore_mem>>) src(%dma_wait3A_1066 : memref<64xi32, #tpu.memory_space<hbm>>) dst(%dma_wait3A_1063 : memref<64xi32, #tpu.memory_space<vmem>>)
    %dma_start3A_1067 = arith.constant 3 : i32
    %dma_start3A_1068 = arith.constant 0 : i32
    %dma_start3A_1069 = tpu.memref_slice %arg7[%dma_start3A_1067, %dma_start3A_1068] : memref<8x64xi32, #tpu.memory_space<vmem>> -> memref<1x64xi32, #tpu.memory_space<vmem>>
    %dma_start3A_1070 = tpu.memref_squeeze %dma_start3A_1069 : memref<1x64xi32, #tpu.memory_space<vmem>> -> memref<64xi32, #tpu.memory_space<vmem>>
    %dma_start3A_1071 = arith.constant 0 : i32
    %dma_start3A_1072 = arith.constant 0 : i32
    %dma_start3A_1073 = tpu.memref_slice %arg4[%dma_start3A_1071, %dma_start3A_1072] : memref<10000x128xf32, #tpu.memory_space<hbm>> -> memref<10000x128xf32, #tpu.memory_space<hbm>>
    tpu.enqueue_indirect_dma source(%dma_start3A_1073 : memref<10000x128xf32, #tpu.memory_space<hbm>>) target(%arg12 : memref<64x128xf32, #tpu.memory_space<vmem>>) offsets(%dma_start3A_1070 : memref<64xi32, #tpu.memory_space<vmem>>) semaphore(%arg33 : memref<!tpu.dma_semaphore, #tpu.memory_space<semaphore_mem>>)
    %scan3A = arith.constant 0 : i32
    %scan3A_1074 = arith.constant 0 : i32
    %scan3A_1075 = arith.constant 18 : i32
    %scan3A_1076 = arith.addi %scan3A_1074, %scan3A_1075 : i32
    %scan3A_1077 = arith.constant 1 : i32
    scf.for %scan3A_1362 = %scan3A_1074 to %scan3A_1076 step %scan3A_1077  : i32 {
      %mul3A_1363 = arith.constant 8 : i32
      %mul3A_1364 = arith.muli %mul3A_1363, %scan3A_1362 : i32
      %add3A_1365 = arith.constant 10 : i32
      %add3A_1366 = arith.addi %mul3A_1364, %add3A_1365 : i32
      %add3A_1367 = arith.constant 0 : i32
      %add3A_1368 = arith.addi %add3A_1366, %add3A_1367 : i32
      %dma_wait3A_1369 = arith.constant 0 : i32
      %dma_wait3A_1370 = arith.constant 0 : i32
      %dma_wait3A_1371 = tpu.memref_slice %arg7[%dma_wait3A_1369, %dma_wait3A_1370] : memref<8x64xi32, #tpu.memory_space<vmem>> -> memref<1x64xi32, #tpu.memory_space<vmem>>
      %dma_wait3A_1372 = tpu.memref_squeeze %dma_wait3A_1371 : memref<1x64xi32, #tpu.memory_space<vmem>> -> memref<64xi32, #tpu.memory_space<vmem>>
      %dma_wait3A_1373 = arith.constant 0 : i32
      %dma_wait3A_1374 = arith.constant 0 : i32
      %dma_wait3A_1375 = tpu.memref_slice %arg4[%dma_wait3A_1373, %dma_wait3A_1374] : memref<10000x128xf32, #tpu.memory_space<hbm>> -> memref<10000x128xf32, #tpu.memory_space<hbm>>
      tpu.wait_indirect_dma semaphore(%arg32 : memref<!tpu.dma_semaphore, #tpu.memory_space<semaphore_mem>>) src(%dma_wait3A_1375 : memref<10000x128xf32, #tpu.memory_space<hbm>>) dst(%arg11 : memref<64x128xf32, #tpu.memory_space<vmem>>)
      %dma_wait3A_1376 = arith.constant 1 : i32
      %dma_wait3A_1377 = arith.constant 0 : i32
      %dma_wait3A_1378 = tpu.memref_slice %arg8[%dma_wait3A_1376, %dma_wait3A_1377] : memref<8x64xi32, #tpu.memory_space<vmem>> -> memref<1x64xi32, #tpu.memory_space<vmem>>
      %dma_wait3A_1379 = tpu.memref_squeeze %dma_wait3A_1378 : memref<1x64xi32, #tpu.memory_space<vmem>> -> memref<64xi32, #tpu.memory_space<vmem>>
      %dma_wait3A_1380 = arith.constant 0 : i32
      %dma_wait3A_1381 = arith.constant 0 : i32
      %dma_wait3A_1382 = tpu.memref_slice %arg13[%dma_wait3A_1380, %dma_wait3A_1381] : memref<10064x128xf32, #tpu.memory_space<vmem_shared>> -> memref<10064x128xf32, #tpu.memory_space<vmem_shared>>
      tpu.wait_indirect_dma semaphore(%arg35 : memref<!tpu.dma_semaphore, #tpu.memory_space<semaphore_mem>>) src(%arg10 : memref<64x128xf32, #tpu.memory_space<vmem>>) dst(%dma_wait3A_1382 : memref<10064x128xf32, #tpu.memory_space<vmem_shared>>)
      %dma_start3A_1383 = arith.constant 2 : i32
      %dma_start3A_1384 = arith.constant 0 : i32
      %dma_start3A_1385 = tpu.memref_slice %arg8[%dma_start3A_1383, %dma_start3A_1384] : memref<8x64xi32, #tpu.memory_space<vmem>> -> memref<1x64xi32, #tpu.memory_space<vmem>>
      %dma_start3A_1386 = tpu.memref_squeeze %dma_start3A_1385 : memref<1x64xi32, #tpu.memory_space<vmem>> -> memref<64xi32, #tpu.memory_space<vmem>>
      %dma_start3A_1387 = arith.constant 0 : i32
      %dma_start3A_1388 = arith.constant 0 : i32
      %dma_start3A_1389 = tpu.memref_slice %arg13[%dma_start3A_1387, %dma_start3A_1388] : memref<10064x128xf32, #tpu.memory_space<vmem_shared>> -> memref<10064x128xf32, #tpu.memory_space<vmem_shared>>
      tpu.enqueue_indirect_dma source(%arg11 : memref<64x128xf32, #tpu.memory_space<vmem>>) target(%dma_start3A_1389 : memref<10064x128xf32, #tpu.memory_space<vmem_shared>>) offsets(%dma_start3A_1386 : memref<64xi32, #tpu.memory_space<vmem>>) semaphore(%arg36 : memref<!tpu.dma_semaphore, #tpu.memory_space<semaphore_mem>>) {add = true}
      %add3A_1390 = arith.constant 6 : i32
      %add3A_1391 = arith.addi %add3A_1368, %add3A_1390 : i32
      %dma_start3A_1392 = arith.constant 0 : i32
      %dma_start3A_1393 = arith.constant 0 : i32
      %dma_start3A_1394 = tpu.memref_slice %arg7[%dma_start3A_1392, %dma_start3A_1393] : memref<8x64xi32, #tpu.memory_space<vmem>> -> memref<1x64xi32, #tpu.memory_space<vmem>>
      %dma_start3A_1395 = tpu.memref_squeeze %dma_start3A_1394 : memref<1x64xi32, #tpu.memory_space<vmem>> -> memref<64xi32, #tpu.memory_space<vmem>>
      %dma_start3A_1396 = arith.constant 0 : i32
      %dma_start3A_1397 = tpu.memref_slice %arg2[%add3A, %add3A_1391, %dma_start3A_1396] : memref<32x160x64xi32, #tpu.memory_space<hbm>> -> memref<1x1x64xi32, #tpu.memory_space<hbm>>
      %dma_start3A_1398 = tpu.memref_squeeze %dma_start3A_1397 : memref<1x1x64xi32, #tpu.memory_space<hbm>> -> memref<64xi32, #tpu.memory_space<hbm>>
      %dma_start3A_1399 = arith.constant 0 : i32
      %dma_start3A_1400 = tpu.memref_slice %arg7[%dma_start3A_1392, %dma_start3A_1399] : memref<8x64xi32, #tpu.memory_space<vmem>> -> memref<1x64xi32, #tpu.memory_space<vmem>>
      %dma_start3A_1401 = tpu.memref_squeeze %dma_start3A_1400 : memref<1x64xi32, #tpu.memory_space<vmem>> -> memref<64xi32, #tpu.memory_space<vmem>>
      %dma_start3A_1402 = arith.constant 0 : i32
      %dma_start3A_1403 = tpu.memref_slice %arg2[%add3A, %add3A_1391, %dma_start3A_1402] : memref<32x160x64xi32, #tpu.memory_space<hbm>> -> memref<1x1x64xi32, #tpu.memory_space<hbm>>
      %dma_start3A_1404 = tpu.memref_squeeze %dma_start3A_1403 : memref<1x1x64xi32, #tpu.memory_space<hbm>> -> memref<64xi32, #tpu.memory_space<hbm>>
      tpu.enqueue_dma source(%dma_start3A_1404 : memref<64xi32, #tpu.memory_space<hbm>>) target(%dma_start3A_1401 : memref<64xi32, #tpu.memory_space<vmem>>) target_semaphore(%arg14 : memref<!tpu.dma_semaphore, #tpu.memory_space<semaphore_mem>>)
      %dma_start3A_1405 = arith.constant 0 : i32
      %dma_start3A_1406 = arith.constant 0 : i32
      %dma_start3A_1407 = tpu.memref_slice %arg8[%dma_start3A_1405, %dma_start3A_1406] : memref<8x64xi32, #tpu.memory_space<vmem>> -> memref<1x64xi32, #tpu.memory_space<vmem>>
      %dma_start3A_1408 = tpu.memref_squeeze %dma_start3A_1407 : memref<1x64xi32, #tpu.memory_space<vmem>> -> memref<64xi32, #tpu.memory_space<vmem>>
      %dma_start3A_1409 = arith.constant 0 : i32
      %dma_start3A_1410 = tpu.memref_slice %arg3[%add3A, %add3A_1391, %dma_start3A_1409] : memref<32x160x64xi32, #tpu.memory_space<hbm>> -> memref<1x1x64xi32, #tpu.memory_space<hbm>>
      %dma_start3A_1411 = tpu.memref_squeeze %dma_start3A_1410 : memref<1x1x64xi32, #tpu.memory_space<hbm>> -> memref<64xi32, #tpu.memory_space<hbm>>
      %dma_start3A_1412 = arith.constant 0 : i32
      %dma_start3A_1413 = tpu.memref_slice %arg8[%dma_start3A_1405, %dma_start3A_1412] : memref<8x64xi32, #tpu.memory_space<vmem>> -> memref<1x64xi32, #tpu.memory_space<vmem>>
      %dma_start3A_1414 = tpu.memref_squeeze %dma_start3A_1413 : memref<1x64xi32, #tpu.memory_space<vmem>> -> memref<64xi32, #tpu.memory_space<vmem>>
      %dma_start3A_1415 = arith.constant 0 : i32
      %dma_start3A_1416 = tpu.memref_slice %arg3[%add3A, %add3A_1391, %dma_start3A_1415] : memref<32x160x64xi32, #tpu.memory_space<hbm>> -> memref<1x1x64xi32, #tpu.memory_space<hbm>>
      %dma_start3A_1417 = tpu.memref_squeeze %dma_start3A_1416 : memref<1x1x64xi32, #tpu.memory_space<hbm>> -> memref<64xi32, #tpu.memory_space<hbm>>
      tpu.enqueue_dma source(%dma_start3A_1417 : memref<64xi32, #tpu.memory_space<hbm>>) target(%dma_start3A_1414 : memref<64xi32, #tpu.memory_space<vmem>>) target_semaphore(%arg22 : memref<!tpu.dma_semaphore, #tpu.memory_space<semaphore_mem>>)
      %dma_wait3A_1418 = arith.constant 0 : i32
      %dma_wait3A_1419 = arith.constant 4 : i32
      %dma_wait3A_1420 = arith.constant 0 : i32
      %dma_wait3A_1421 = tpu.memref_slice %arg7[%dma_wait3A_1419, %dma_wait3A_1420] : memref<8x64xi32, #tpu.memory_space<vmem>> -> memref<1x64xi32, #tpu.memory_space<vmem>>
      %dma_wait3A_1422 = tpu.memref_squeeze %dma_wait3A_1421 : memref<1x64xi32, #tpu.memory_space<vmem>> -> memref<64xi32, #tpu.memory_space<vmem>>
      %dma_wait3A_1423 = arith.constant 0 : i32
      %dma_wait3A_1424 = tpu.memref_slice %arg2[%add3A, %dma_wait3A_1418, %dma_wait3A_1423] : memref<32x160x64xi32, #tpu.memory_space<hbm>> -> memref<1x1x64xi32, #tpu.memory_space<hbm>>
      %dma_wait3A_1425 = tpu.memref_squeeze %dma_wait3A_1424 : memref<1x1x64xi32, #tpu.memory_space<hbm>> -> memref<64xi32, #tpu.memory_space<hbm>>
      %dma_wait3A_1426 = arith.constant 0 : i32
      %dma_wait3A_1427 = tpu.memref_slice %arg7[%dma_wait3A_1419, %dma_wait3A_1426] : memref<8x64xi32, #tpu.memory_space<vmem>> -> memref<1x64xi32, #tpu.memory_space<vmem>>
      %dma_wait3A_1428 = tpu.memref_squeeze %dma_wait3A_1427 : memref<1x64xi32, #tpu.memory_space<vmem>> -> memref<64xi32, #tpu.memory_space<vmem>>
      %dma_wait3A_1429 = arith.constant 0 : i32
      %dma_wait3A_1430 = tpu.memref_slice %arg2[%add3A, %dma_wait3A_1418, %dma_wait3A_1429] : memref<32x160x64xi32, #tpu.memory_space<hbm>> -> memref<1x1x64xi32, #tpu.memory_space<hbm>>
      %dma_wait3A_1431 = tpu.memref_squeeze %dma_wait3A_1430 : memref<1x1x64xi32, #tpu.memory_space<hbm>> -> memref<64xi32, #tpu.memory_space<hbm>>
      tpu.wait_dma2 semaphore(%arg18 : memref<!tpu.dma_semaphore, #tpu.memory_space<semaphore_mem>>) src(%dma_wait3A_1431 : memref<64xi32, #tpu.memory_space<hbm>>) dst(%dma_wait3A_1428 : memref<64xi32, #tpu.memory_space<vmem>>)
      %dma_wait3A_1432 = arith.constant 0 : i32
      %dma_wait3A_1433 = arith.constant 4 : i32
      %dma_wait3A_1434 = arith.constant 0 : i32
      %dma_wait3A_1435 = tpu.memref_slice %arg8[%dma_wait3A_1433, %dma_wait3A_1434] : memref<8x64xi32, #tpu.memory_space<vmem>> -> memref<1x64xi32, #tpu.memory_space<vmem>>
      %dma_wait3A_1436 = tpu.memref_squeeze %dma_wait3A_1435 : memref<1x64xi32, #tpu.memory_space<vmem>> -> memref<64xi32, #tpu.memory_space<vmem>>
      %dma_wait3A_1437 = arith.constant 0 : i32
      %dma_wait3A_1438 = tpu.memref_slice %arg3[%add3A, %dma_wait3A_1432, %dma_wait3A_1437] : memref<32x160x64xi32, #tpu.memory_space<hbm>> -> memref<1x1x64xi32, #tpu.memory_space<hbm>>
      %dma_wait3A_1439 = tpu.memref_squeeze %dma_wait3A_1438 : memref<1x1x64xi32, #tpu.memory_space<hbm>> -> memref<64xi32, #tpu.memory_space<hbm>>
      %dma_wait3A_1440 = arith.constant 0 : i32
      %dma_wait3A_1441 = tpu.memref_slice %arg8[%dma_wait3A_1433, %dma_wait3A_1440] : memref<8x64xi32, #tpu.memory_space<vmem>> -> memref<1x64xi32, #tpu.memory_space<vmem>>
      %dma_wait3A_1442 = tpu.memref_squeeze %dma_wait3A_1441 : memref<1x64xi32, #tpu.memory_space<vmem>> -> memref<64xi32, #tpu.memory_space<vmem>>
      %dma_wait3A_1443 = arith.constant 0 : i32
      %dma_wait3A_1444 = tpu.memref_slice %arg3[%add3A, %dma_wait3A_1432, %dma_wait3A_1443] : memref<32x160x64xi32, #tpu.memory_space<hbm>> -> memref<1x1x64xi32, #tpu.memory_space<hbm>>
      %dma_wait3A_1445 = tpu.memref_squeeze %dma_wait3A_1444 : memref<1x1x64xi32, #tpu.memory_space<hbm>> -> memref<64xi32, #tpu.memory_space<hbm>>
      tpu.wait_dma2 semaphore(%arg26 : memref<!tpu.dma_semaphore, #tpu.memory_space<semaphore_mem>>) src(%dma_wait3A_1445 : memref<64xi32, #tpu.memory_space<hbm>>) dst(%dma_wait3A_1442 : memref<64xi32, #tpu.memory_space<vmem>>)
      %dma_start3A_1446 = arith.constant 4 : i32
      %dma_start3A_1447 = arith.constant 0 : i32
      %dma_start3A_1448 = tpu.memref_slice %arg7[%dma_start3A_1446, %dma_start3A_1447] : memref<8x64xi32, #tpu.memory_space<vmem>> -> memref<1x64xi32, #tpu.memory_space<vmem>>
      %dma_start3A_1449 = tpu.memref_squeeze %dma_start3A_1448 : memref<1x64xi32, #tpu.memory_space<vmem>> -> memref<64xi32, #tpu.memory_space<vmem>>
      %dma_start3A_1450 = arith.constant 0 : i32
      %dma_start3A_1451 = arith.constant 0 : i32
      %dma_start3A_1452 = tpu.memref_slice %arg4[%dma_start3A_1450, %dma_start3A_1451] : memref<10000x128xf32, #tpu.memory_space<hbm>> -> memref<10000x128xf32, #tpu.memory_space<hbm>>
      tpu.enqueue_indirect_dma source(%dma_start3A_1452 : memref<10000x128xf32, #tpu.memory_space<hbm>>) target(%arg9 : memref<64x128xf32, #tpu.memory_space<vmem>>) offsets(%dma_start3A_1449 : memref<64xi32, #tpu.memory_space<vmem>>) semaphore(%arg30 : memref<!tpu.dma_semaphore, #tpu.memory_space<semaphore_mem>>)
      %add3A_1453 = arith.constant 1 : i32
      %add3A_1454 = arith.addi %add3A_1366, %add3A_1453 : i32
      %dma_wait3A_1455 = arith.constant 0 : i32
      %dma_wait3A_1456 = arith.constant 0 : i32
      %dma_wait3A_1457 = tpu.memref_slice %arg7[%dma_wait3A_1455, %dma_wait3A_1456] : memref<8x64xi32, #tpu.memory_space<vmem>> -> memref<1x64xi32, #tpu.memory_space<vmem>>
      %dma_wait3A_1458 = tpu.memref_squeeze %dma_wait3A_1457 : memref<1x64xi32, #tpu.memory_space<vmem>> -> memref<64xi32, #tpu.memory_space<vmem>>
      %dma_wait3A_1459 = arith.constant 0 : i32
      %dma_wait3A_1460 = arith.constant 0 : i32
      %dma_wait3A_1461 = tpu.memref_slice %arg4[%dma_wait3A_1459, %dma_wait3A_1460] : memref<10000x128xf32, #tpu.memory_space<hbm>> -> memref<10000x128xf32, #tpu.memory_space<hbm>>
      tpu.wait_indirect_dma semaphore(%arg33 : memref<!tpu.dma_semaphore, #tpu.memory_space<semaphore_mem>>) src(%dma_wait3A_1461 : memref<10000x128xf32, #tpu.memory_space<hbm>>) dst(%arg12 : memref<64x128xf32, #tpu.memory_space<vmem>>)
      %dma_wait3A_1462 = arith.constant 2 : i32
      %dma_wait3A_1463 = arith.constant 0 : i32
      %dma_wait3A_1464 = tpu.memref_slice %arg8[%dma_wait3A_1462, %dma_wait3A_1463] : memref<8x64xi32, #tpu.memory_space<vmem>> -> memref<1x64xi32, #tpu.memory_space<vmem>>
      %dma_wait3A_1465 = tpu.memref_squeeze %dma_wait3A_1464 : memref<1x64xi32, #tpu.memory_space<vmem>> -> memref<64xi32, #tpu.memory_space<vmem>>
      %dma_wait3A_1466 = arith.constant 0 : i32
      %dma_wait3A_1467 = arith.constant 0 : i32
      %dma_wait3A_1468 = tpu.memref_slice %arg13[%dma_wait3A_1466, %dma_wait3A_1467] : memref<10064x128xf32, #tpu.memory_space<vmem_shared>> -> memref<10064x128xf32, #tpu.memory_space<vmem_shared>>
      tpu.wait_indirect_dma semaphore(%arg36 : memref<!tpu.dma_semaphore, #tpu.memory_space<semaphore_mem>>) src(%arg11 : memref<64x128xf32, #tpu.memory_space<vmem>>) dst(%dma_wait3A_1468 : memref<10064x128xf32, #tpu.memory_space<vmem_shared>>)
      %dma_start3A_1469 = arith.constant 3 : i32
      %dma_start3A_1470 = arith.constant 0 : i32
      %dma_start3A_1471 = tpu.memref_slice %arg8[%dma_start3A_1469, %dma_start3A_1470] : memref<8x64xi32, #tpu.memory_space<vmem>> -> memref<1x64xi32, #tpu.memory_space<vmem>>
      %dma_start3A_1472 = tpu.memref_squeeze %dma_start3A_1471 : memref<1x64xi32, #tpu.memory_space<vmem>> -> memref<64xi32, #tpu.memory_space<vmem>>
      %dma_start3A_1473 = arith.constant 0 : i32
      %dma_start3A_1474 = arith.constant 0 : i32
      %dma_start3A_1475 = tpu.memref_slice %arg13[%dma_start3A_1473, %dma_start3A_1474] : memref<10064x128xf32, #tpu.memory_space<vmem_shared>> -> memref<10064x128xf32, #tpu.memory_space<vmem_shared>>
      tpu.enqueue_indirect_dma source(%arg12 : memref<64x128xf32, #tpu.memory_space<vmem>>) target(%dma_start3A_1475 : memref<10064x128xf32, #tpu.memory_space<vmem_shared>>) offsets(%dma_start3A_1472 : memref<64xi32, #tpu.memory_space<vmem>>) semaphore(%arg37 : memref<!tpu.dma_semaphore, #tpu.memory_space<semaphore_mem>>) {add = true}
      %add3A_1476 = arith.constant 6 : i32
      %add3A_1477 = arith.addi %add3A_1454, %add3A_1476 : i32
      %dma_start3A_1478 = arith.constant 1 : i32
      %dma_start3A_1479 = arith.constant 0 : i32
      %dma_start3A_1480 = tpu.memref_slice %arg7[%dma_start3A_1478, %dma_start3A_1479] : memref<8x64xi32, #tpu.memory_space<vmem>> -> memref<1x64xi32, #tpu.memory_space<vmem>>
      %dma_start3A_1481 = tpu.memref_squeeze %dma_start3A_1480 : memref<1x64xi32, #tpu.memory_space<vmem>> -> memref<64xi32, #tpu.memory_space<vmem>>
      %dma_start3A_1482 = arith.constant 0 : i32
      %dma_start3A_1483 = tpu.memref_slice %arg2[%add3A, %add3A_1477, %dma_start3A_1482] : memref<32x160x64xi32, #tpu.memory_space<hbm>> -> memref<1x1x64xi32, #tpu.memory_space<hbm>>
      %dma_start3A_1484 = tpu.memref_squeeze %dma_start3A_1483 : memref<1x1x64xi32, #tpu.memory_space<hbm>> -> memref<64xi32, #tpu.memory_space<hbm>>
      %dma_start3A_1485 = arith.constant 0 : i32
      %dma_start3A_1486 = tpu.memref_slice %arg7[%dma_start3A_1478, %dma_start3A_1485] : memref<8x64xi32, #tpu.memory_space<vmem>> -> memref<1x64xi32, #tpu.memory_space<vmem>>
      %dma_start3A_1487 = tpu.memref_squeeze %dma_start3A_1486 : memref<1x64xi32, #tpu.memory_space<vmem>> -> memref<64xi32, #tpu.memory_space<vmem>>
      %dma_start3A_1488 = arith.constant 0 : i32
      %dma_start3A_1489 = tpu.memref_slice %arg2[%add3A, %add3A_1477, %dma_start3A_1488] : memref<32x160x64xi32, #tpu.memory_space<hbm>> -> memref<1x1x64xi32, #tpu.memory_space<hbm>>
      %dma_start3A_1490 = tpu.memref_squeeze %dma_start3A_1489 : memref<1x1x64xi32, #tpu.memory_space<hbm>> -> memref<64xi32, #tpu.memory_space<hbm>>
      tpu.enqueue_dma source(%dma_start3A_1490 : memref<64xi32, #tpu.memory_space<hbm>>) target(%dma_start3A_1487 : memref<64xi32, #tpu.memory_space<vmem>>) target_semaphore(%arg15 : memref<!tpu.dma_semaphore, #tpu.memory_space<semaphore_mem>>)
      %dma_start3A_1491 = arith.constant 1 : i32
      %dma_start3A_1492 = arith.constant 0 : i32
      %dma_start3A_1493 = tpu.memref_slice %arg8[%dma_start3A_1491, %dma_start3A_1492] : memref<8x64xi32, #tpu.memory_space<vmem>> -> memref<1x64xi32, #tpu.memory_space<vmem>>
      %dma_start3A_1494 = tpu.memref_squeeze %dma_start3A_1493 : memref<1x64xi32, #tpu.memory_space<vmem>> -> memref<64xi32, #tpu.memory_space<vmem>>
      %dma_start3A_1495 = arith.constant 0 : i32
      %dma_start3A_1496 = tpu.memref_slice %arg3[%add3A, %add3A_1477, %dma_start3A_1495] : memref<32x160x64xi32, #tpu.memory_space<hbm>> -> memref<1x1x64xi32, #tpu.memory_space<hbm>>
      %dma_start3A_1497 = tpu.memref_squeeze %dma_start3A_1496 : memref<1x1x64xi32, #tpu.memory_space<hbm>> -> memref<64xi32, #tpu.memory_space<hbm>>
      %dma_start3A_1498 = arith.constant 0 : i32
      %dma_start3A_1499 = tpu.memref_slice %arg8[%dma_start3A_1491, %dma_start3A_1498] : memref<8x64xi32, #tpu.memory_space<vmem>> -> memref<1x64xi32, #tpu.memory_space<vmem>>
      %dma_start3A_1500 = tpu.memref_squeeze %dma_start3A_1499 : memref<1x64xi32, #tpu.memory_space<vmem>> -> memref<64xi32, #tpu.memory_space<vmem>>
      %dma_start3A_1501 = arith.constant 0 : i32
      %dma_start3A_1502 = tpu.memref_slice %arg3[%add3A, %add3A_1477, %dma_start3A_1501] : memref<32x160x64xi32, #tpu.memory_space<hbm>> -> memref<1x1x64xi32, #tpu.memory_space<hbm>>
      %dma_start3A_1503 = tpu.memref_squeeze %dma_start3A_1502 : memref<1x1x64xi32, #tpu.memory_space<hbm>> -> memref<64xi32, #tpu.memory_space<hbm>>
      tpu.enqueue_dma source(%dma_start3A_1503 : memref<64xi32, #tpu.memory_space<hbm>>) target(%dma_start3A_1500 : memref<64xi32, #tpu.memory_space<vmem>>) target_semaphore(%arg23 : memref<!tpu.dma_semaphore, #tpu.memory_space<semaphore_mem>>)
      %dma_wait3A_1504 = arith.constant 0 : i32
      %dma_wait3A_1505 = arith.constant 5 : i32
      %dma_wait3A_1506 = arith.constant 0 : i32
      %dma_wait3A_1507 = tpu.memref_slice %arg7[%dma_wait3A_1505, %dma_wait3A_1506] : memref<8x64xi32, #tpu.memory_space<vmem>> -> memref<1x64xi32, #tpu.memory_space<vmem>>
      %dma_wait3A_1508 = tpu.memref_squeeze %dma_wait3A_1507 : memref<1x64xi32, #tpu.memory_space<vmem>> -> memref<64xi32, #tpu.memory_space<vmem>>
      %dma_wait3A_1509 = arith.constant 0 : i32
      %dma_wait3A_1510 = tpu.memref_slice %arg2[%add3A, %dma_wait3A_1504, %dma_wait3A_1509] : memref<32x160x64xi32, #tpu.memory_space<hbm>> -> memref<1x1x64xi32, #tpu.memory_space<hbm>>
      %dma_wait3A_1511 = tpu.memref_squeeze %dma_wait3A_1510 : memref<1x1x64xi32, #tpu.memory_space<hbm>> -> memref<64xi32, #tpu.memory_space<hbm>>
      %dma_wait3A_1512 = arith.constant 0 : i32
      %dma_wait3A_1513 = tpu.memref_slice %arg7[%dma_wait3A_1505, %dma_wait3A_1512] : memref<8x64xi32, #tpu.memory_space<vmem>> -> memref<1x64xi32, #tpu.memory_space<vmem>>
      %dma_wait3A_1514 = tpu.memref_squeeze %dma_wait3A_1513 : memref<1x64xi32, #tpu.memory_space<vmem>> -> memref<64xi32, #tpu.memory_space<vmem>>
      %dma_wait3A_1515 = arith.constant 0 : i32
      %dma_wait3A_1516 = tpu.memref_slice %arg2[%add3A, %dma_wait3A_1504, %dma_wait3A_1515] : memref<32x160x64xi32, #tpu.memory_space<hbm>> -> memref<1x1x64xi32, #tpu.memory_space<hbm>>
      %dma_wait3A_1517 = tpu.memref_squeeze %dma_wait3A_1516 : memref<1x1x64xi32, #tpu.memory_space<hbm>> -> memref<64xi32, #tpu.memory_space<hbm>>
      tpu.wait_dma2 semaphore(%arg19 : memref<!tpu.dma_semaphore, #tpu.memory_space<semaphore_mem>>) src(%dma_wait3A_1517 : memref<64xi32, #tpu.memory_space<hbm>>) dst(%dma_wait3A_1514 : memref<64xi32, #tpu.memory_space<vmem>>)
      %dma_wait3A_1518 = arith.constant 0 : i32
      %dma_wait3A_1519 = arith.constant 5 : i32
      %dma_wait3A_1520 = arith.constant 0 : i32
      %dma_wait3A_1521 = tpu.memref_slice %arg8[%dma_wait3A_1519, %dma_wait3A_1520] : memref<8x64xi32, #tpu.memory_space<vmem>> -> memref<1x64xi32, #tpu.memory_space<vmem>>
      %dma_wait3A_1522 = tpu.memref_squeeze %dma_wait3A_1521 : memref<1x64xi32, #tpu.memory_space<vmem>> -> memref<64xi32, #tpu.memory_space<vmem>>
      %dma_wait3A_1523 = arith.constant 0 : i32
      %dma_wait3A_1524 = tpu.memref_slice %arg3[%add3A, %dma_wait3A_1518, %dma_wait3A_1523] : memref<32x160x64xi32, #tpu.memory_space<hbm>> -> memref<1x1x64xi32, #tpu.memory_space<hbm>>
      %dma_wait3A_1525 = tpu.memref_squeeze %dma_wait3A_1524 : memref<1x1x64xi32, #tpu.memory_space<hbm>> -> memref<64xi32, #tpu.memory_space<hbm>>
      %dma_wait3A_1526 = arith.constant 0 : i32
      %dma_wait3A_1527 = tpu.memref_slice %arg8[%dma_wait3A_1519, %dma_wait3A_1526] : memref<8x64xi32, #tpu.memory_space<vmem>> -> memref<1x64xi32, #tpu.memory_space<vmem>>
      %dma_wait3A_1528 = tpu.memref_squeeze %dma_wait3A_1527 : memref<1x64xi32, #tpu.memory_space<vmem>> -> memref<64xi32, #tpu.memory_space<vmem>>
      %dma_wait3A_1529 = arith.constant 0 : i32
      %dma_wait3A_1530 = tpu.memref_slice %arg3[%add3A, %dma_wait3A_1518, %dma_wait3A_1529] : memref<32x160x64xi32, #tpu.memory_space<hbm>> -> memref<1x1x64xi32, #tpu.memory_space<hbm>>
      %dma_wait3A_1531 = tpu.memref_squeeze %dma_wait3A_1530 : memref<1x1x64xi32, #tpu.memory_space<hbm>> -> memref<64xi32, #tpu.memory_space<hbm>>
      tpu.wait_dma2 semaphore(%arg27 : memref<!tpu.dma_semaphore, #tpu.memory_space<semaphore_mem>>) src(%dma_wait3A_1531 : memref<64xi32, #tpu.memory_space<hbm>>) dst(%dma_wait3A_1528 : memref<64xi32, #tpu.memory_space<vmem>>)
      %dma_start3A_1532 = arith.constant 5 : i32
      %dma_start3A_1533 = arith.constant 0 : i32
      %dma_start3A_1534 = tpu.memref_slice %arg7[%dma_start3A_1532, %dma_start3A_1533] : memref<8x64xi32, #tpu.memory_space<vmem>> -> memref<1x64xi32, #tpu.memory_space<vmem>>
      %dma_start3A_1535 = tpu.memref_squeeze %dma_start3A_1534 : memref<1x64xi32, #tpu.memory_space<vmem>> -> memref<64xi32, #tpu.memory_space<vmem>>
      %dma_start3A_1536 = arith.constant 0 : i32
      %dma_start3A_1537 = arith.constant 0 : i32
      %dma_start3A_1538 = tpu.memref_slice %arg4[%dma_start3A_1536, %dma_start3A_1537] : memref<10000x128xf32, #tpu.memory_space<hbm>> -> memref<10000x128xf32, #tpu.memory_space<hbm>>
      tpu.enqueue_indirect_dma source(%dma_start3A_1538 : memref<10000x128xf32, #tpu.memory_space<hbm>>) target(%arg10 : memref<64x128xf32, #tpu.memory_space<vmem>>) offsets(%dma_start3A_1535 : memref<64xi32, #tpu.memory_space<vmem>>) semaphore(%arg31 : memref<!tpu.dma_semaphore, #tpu.memory_space<semaphore_mem>>)
      %add3A_1539 = arith.constant 2 : i32
      %add3A_1540 = arith.addi %add3A_1366, %add3A_1539 : i32
      %dma_wait3A_1541 = arith.constant 0 : i32
      %dma_wait3A_1542 = arith.constant 0 : i32
      %dma_wait3A_1543 = tpu.memref_slice %arg7[%dma_wait3A_1541, %dma_wait3A_1542] : memref<8x64xi32, #tpu.memory_space<vmem>> -> memref<1x64xi32, #tpu.memory_space<vmem>>
      %dma_wait3A_1544 = tpu.memref_squeeze %dma_wait3A_1543 : memref<1x64xi32, #tpu.memory_space<vmem>> -> memref<64xi32, #tpu.memory_space<vmem>>
      %dma_wait3A_1545 = arith.constant 0 : i32
      %dma_wait3A_1546 = arith.constant 0 : i32
      %dma_wait3A_1547 = tpu.memref_slice %arg4[%dma_wait3A_1545, %dma_wait3A_1546] : memref<10000x128xf32, #tpu.memory_space<hbm>> -> memref<10000x128xf32, #tpu.memory_space<hbm>>
      tpu.wait_indirect_dma semaphore(%arg30 : memref<!tpu.dma_semaphore, #tpu.memory_space<semaphore_mem>>) src(%dma_wait3A_1547 : memref<10000x128xf32, #tpu.memory_space<hbm>>) dst(%arg9 : memref<64x128xf32, #tpu.memory_space<vmem>>)
      %dma_wait3A_1548 = arith.constant 3 : i32
      %dma_wait3A_1549 = arith.constant 0 : i32
      %dma_wait3A_1550 = tpu.memref_slice %arg8[%dma_wait3A_1548, %dma_wait3A_1549] : memref<8x64xi32, #tpu.memory_space<vmem>> -> memref<1x64xi32, #tpu.memory_space<vmem>>
      %dma_wait3A_1551 = tpu.memref_squeeze %dma_wait3A_1550 : memref<1x64xi32, #tpu.memory_space<vmem>> -> memref<64xi32, #tpu.memory_space<vmem>>
      %dma_wait3A_1552 = arith.constant 0 : i32
      %dma_wait3A_1553 = arith.constant 0 : i32
      %dma_wait3A_1554 = tpu.memref_slice %arg13[%dma_wait3A_1552, %dma_wait3A_1553] : memref<10064x128xf32, #tpu.memory_space<vmem_shared>> -> memref<10064x128xf32, #tpu.memory_space<vmem_shared>>
      tpu.wait_indirect_dma semaphore(%arg37 : memref<!tpu.dma_semaphore, #tpu.memory_space<semaphore_mem>>) src(%arg12 : memref<64x128xf32, #tpu.memory_space<vmem>>) dst(%dma_wait3A_1554 : memref<10064x128xf32, #tpu.memory_space<vmem_shared>>)
      %dma_start3A_1555 = arith.constant 4 : i32
      %dma_start3A_1556 = arith.constant 0 : i32
      %dma_start3A_1557 = tpu.memref_slice %arg8[%dma_start3A_1555, %dma_start3A_1556] : memref<8x64xi32, #tpu.memory_space<vmem>> -> memref<1x64xi32, #tpu.memory_space<vmem>>
      %dma_start3A_1558 = tpu.memref_squeeze %dma_start3A_1557 : memref<1x64xi32, #tpu.memory_space<vmem>> -> memref<64xi32, #tpu.memory_space<vmem>>
      %dma_start3A_1559 = arith.constant 0 : i32
      %dma_start3A_1560 = arith.constant 0 : i32
      %dma_start3A_1561 = tpu.memref_slice %arg13[%dma_start3A_1559, %dma_start3A_1560] : memref<10064x128xf32, #tpu.memory_space<vmem_shared>> -> memref<10064x128xf32, #tpu.memory_space<vmem_shared>>
      tpu.enqueue_indirect_dma source(%arg9 : memref<64x128xf32, #tpu.memory_space<vmem>>) target(%dma_start3A_1561 : memref<10064x128xf32, #tpu.memory_space<vmem_shared>>) offsets(%dma_start3A_1558 : memref<64xi32, #tpu.memory_space<vmem>>) semaphore(%arg34 : memref<!tpu.dma_semaphore, #tpu.memory_space<semaphore_mem>>) {add = true}
      %add3A_1562 = arith.constant 6 : i32
      %add3A_1563 = arith.addi %add3A_1540, %add3A_1562 : i32
      %dma_start3A_1564 = arith.constant 2 : i32
      %dma_start3A_1565 = arith.constant 0 : i32
      %dma_start3A_1566 = tpu.memref_slice %arg7[%dma_start3A_1564, %dma_start3A_1565] : memref<8x64xi32, #tpu.memory_space<vmem>> -> memref<1x64xi32, #tpu.memory_space<vmem>>
      %dma_start3A_1567 = tpu.memref_squeeze %dma_start3A_1566 : memref<1x64xi32, #tpu.memory_space<vmem>> -> memref<64xi32, #tpu.memory_space<vmem>>
      %dma_start3A_1568 = arith.constant 0 : i32
      %dma_start3A_1569 = tpu.memref_slice %arg2[%add3A, %add3A_1563, %dma_start3A_1568] : memref<32x160x64xi32, #tpu.memory_space<hbm>> -> memref<1x1x64xi32, #tpu.memory_space<hbm>>
      %dma_start3A_1570 = tpu.memref_squeeze %dma_start3A_1569 : memref<1x1x64xi32, #tpu.memory_space<hbm>> -> memref<64xi32, #tpu.memory_space<hbm>>
      %dma_start3A_1571 = arith.constant 0 : i32
      %dma_start3A_1572 = tpu.memref_slice %arg7[%dma_start3A_1564, %dma_start3A_1571] : memref<8x64xi32, #tpu.memory_space<vmem>> -> memref<1x64xi32, #tpu.memory_space<vmem>>
      %dma_start3A_1573 = tpu.memref_squeeze %dma_start3A_1572 : memref<1x64xi32, #tpu.memory_space<vmem>> -> memref<64xi32, #tpu.memory_space<vmem>>
      %dma_start3A_1574 = arith.constant 0 : i32
      %dma_start3A_1575 = tpu.memref_slice %arg2[%add3A, %add3A_1563, %dma_start3A_1574] : memref<32x160x64xi32, #tpu.memory_space<hbm>> -> memref<1x1x64xi32, #tpu.memory_space<hbm>>
      %dma_start3A_1576 = tpu.memref_squeeze %dma_start3A_1575 : memref<1x1x64xi32, #tpu.memory_space<hbm>> -> memref<64xi32, #tpu.memory_space<hbm>>
      tpu.enqueue_dma source(%dma_start3A_1576 : memref<64xi32, #tpu.memory_space<hbm>>) target(%dma_start3A_1573 : memref<64xi32, #tpu.memory_space<vmem>>) target_semaphore(%arg16 : memref<!tpu.dma_semaphore, #tpu.memory_space<semaphore_mem>>)
      %dma_start3A_1577 = arith.constant 2 : i32
      %dma_start3A_1578 = arith.constant 0 : i32
      %dma_start3A_1579 = tpu.memref_slice %arg8[%dma_start3A_1577, %dma_start3A_1578] : memref<8x64xi32, #tpu.memory_space<vmem>> -> memref<1x64xi32, #tpu.memory_space<vmem>>
      %dma_start3A_1580 = tpu.memref_squeeze %dma_start3A_1579 : memref<1x64xi32, #tpu.memory_space<vmem>> -> memref<64xi32, #tpu.memory_space<vmem>>
      %dma_start3A_1581 = arith.constant 0 : i32
      %dma_start3A_1582 = tpu.memref_slice %arg3[%add3A, %add3A_1563, %dma_start3A_1581] : memref<32x160x64xi32, #tpu.memory_space<hbm>> -> memref<1x1x64xi32, #tpu.memory_space<hbm>>
      %dma_start3A_1583 = tpu.memref_squeeze %dma_start3A_1582 : memref<1x1x64xi32, #tpu.memory_space<hbm>> -> memref<64xi32, #tpu.memory_space<hbm>>
      %dma_start3A_1584 = arith.constant 0 : i32
      %dma_start3A_1585 = tpu.memref_slice %arg8[%dma_start3A_1577, %dma_start3A_1584] : memref<8x64xi32, #tpu.memory_space<vmem>> -> memref<1x64xi32, #tpu.memory_space<vmem>>
      %dma_start3A_1586 = tpu.memref_squeeze %dma_start3A_1585 : memref<1x64xi32, #tpu.memory_space<vmem>> -> memref<64xi32, #tpu.memory_space<vmem>>
      %dma_start3A_1587 = arith.constant 0 : i32
      %dma_start3A_1588 = tpu.memref_slice %arg3[%add3A, %add3A_1563, %dma_start3A_1587] : memref<32x160x64xi32, #tpu.memory_space<hbm>> -> memref<1x1x64xi32, #tpu.memory_space<hbm>>
      %dma_start3A_1589 = tpu.memref_squeeze %dma_start3A_1588 : memref<1x1x64xi32, #tpu.memory_space<hbm>> -> memref<64xi32, #tpu.memory_space<hbm>>
      tpu.enqueue_dma source(%dma_start3A_1589 : memref<64xi32, #tpu.memory_space<hbm>>) target(%dma_start3A_1586 : memref<64xi32, #tpu.memory_space<vmem>>) target_semaphore(%arg24 : memref<!tpu.dma_semaphore, #tpu.memory_space<semaphore_mem>>)
      %dma_wait3A_1590 = arith.constant 0 : i32
      %dma_wait3A_1591 = arith.constant 6 : i32
      %dma_wait3A_1592 = arith.constant 0 : i32
      %dma_wait3A_1593 = tpu.memref_slice %arg7[%dma_wait3A_1591, %dma_wait3A_1592] : memref<8x64xi32, #tpu.memory_space<vmem>> -> memref<1x64xi32, #tpu.memory_space<vmem>>
      %dma_wait3A_1594 = tpu.memref_squeeze %dma_wait3A_1593 : memref<1x64xi32, #tpu.memory_space<vmem>> -> memref<64xi32, #tpu.memory_space<vmem>>
      %dma_wait3A_1595 = arith.constant 0 : i32
      %dma_wait3A_1596 = tpu.memref_slice %arg2[%add3A, %dma_wait3A_1590, %dma_wait3A_1595] : memref<32x160x64xi32, #tpu.memory_space<hbm>> -> memref<1x1x64xi32, #tpu.memory_space<hbm>>
      %dma_wait3A_1597 = tpu.memref_squeeze %dma_wait3A_1596 : memref<1x1x64xi32, #tpu.memory_space<hbm>> -> memref<64xi32, #tpu.memory_space<hbm>>
      %dma_wait3A_1598 = arith.constant 0 : i32
      %dma_wait3A_1599 = tpu.memref_slice %arg7[%dma_wait3A_1591, %dma_wait3A_1598] : memref<8x64xi32, #tpu.memory_space<vmem>> -> memref<1x64xi32, #tpu.memory_space<vmem>>
      %dma_wait3A_1600 = tpu.memref_squeeze %dma_wait3A_1599 : memref<1x64xi32, #tpu.memory_space<vmem>> -> memref<64xi32, #tpu.memory_space<vmem>>
      %dma_wait3A_1601 = arith.constant 0 : i32
      %dma_wait3A_1602 = tpu.memref_slice %arg2[%add3A, %dma_wait3A_1590, %dma_wait3A_1601] : memref<32x160x64xi32, #tpu.memory_space<hbm>> -> memref<1x1x64xi32, #tpu.memory_space<hbm>>
      %dma_wait3A_1603 = tpu.memref_squeeze %dma_wait3A_1602 : memref<1x1x64xi32, #tpu.memory_space<hbm>> -> memref<64xi32, #tpu.memory_space<hbm>>
      tpu.wait_dma2 semaphore(%arg20 : memref<!tpu.dma_semaphore, #tpu.memory_space<semaphore_mem>>) src(%dma_wait3A_1603 : memref<64xi32, #tpu.memory_space<hbm>>) dst(%dma_wait3A_1600 : memref<64xi32, #tpu.memory_space<vmem>>)
      %dma_wait3A_1604 = arith.constant 0 : i32
      %dma_wait3A_1605 = arith.constant 6 : i32
      %dma_wait3A_1606 = arith.constant 0 : i32
      %dma_wait3A_1607 = tpu.memref_slice %arg8[%dma_wait3A_1605, %dma_wait3A_1606] : memref<8x64xi32, #tpu.memory_space<vmem>> -> memref<1x64xi32, #tpu.memory_space<vmem>>
      %dma_wait3A_1608 = tpu.memref_squeeze %dma_wait3A_1607 : memref<1x64xi32, #tpu.memory_space<vmem>> -> memref<64xi32, #tpu.memory_space<vmem>>
      %dma_wait3A_1609 = arith.constant 0 : i32
      %dma_wait3A_1610 = tpu.memref_slice %arg3[%add3A, %dma_wait3A_1604, %dma_wait3A_1609] : memref<32x160x64xi32, #tpu.memory_space<hbm>> -> memref<1x1x64xi32, #tpu.memory_space<hbm>>
      %dma_wait3A_1611 = tpu.memref_squeeze %dma_wait3A_1610 : memref<1x1x64xi32, #tpu.memory_space<hbm>> -> memref<64xi32, #tpu.memory_space<hbm>>
      %dma_wait3A_1612 = arith.constant 0 : i32
      %dma_wait3A_1613 = tpu.memref_slice %arg8[%dma_wait3A_1605, %dma_wait3A_1612] : memref<8x64xi32, #tpu.memory_space<vmem>> -> memref<1x64xi32, #tpu.memory_space<vmem>>
      %dma_wait3A_1614 = tpu.memref_squeeze %dma_wait3A_1613 : memref<1x64xi32, #tpu.memory_space<vmem>> -> memref<64xi32, #tpu.memory_space<vmem>>
      %dma_wait3A_1615 = arith.constant 0 : i32
      %dma_wait3A_1616 = tpu.memref_slice %arg3[%add3A, %dma_wait3A_1604, %dma_wait3A_1615] : memref<32x160x64xi32, #tpu.memory_space<hbm>> -> memref<1x1x64xi32, #tpu.memory_space<hbm>>
      %dma_wait3A_1617 = tpu.memref_squeeze %dma_wait3A_1616 : memref<1x1x64xi32, #tpu.memory_space<hbm>> -> memref<64xi32, #tpu.memory_space<hbm>>
      tpu.wait_dma2 semaphore(%arg28 : memref<!tpu.dma_semaphore, #tpu.memory_space<semaphore_mem>>) src(%dma_wait3A_1617 : memref<64xi32, #tpu.memory_space<hbm>>) dst(%dma_wait3A_1614 : memref<64xi32, #tpu.memory_space<vmem>>)
      %dma_start3A_1618 = arith.constant 6 : i32
      %dma_start3A_1619 = arith.constant 0 : i32
      %dma_start3A_1620 = tpu.memref_slice %arg7[%dma_start3A_1618, %dma_start3A_1619] : memref<8x64xi32, #tpu.memory_space<vmem>> -> memref<1x64xi32, #tpu.memory_space<vmem>>
      %dma_start3A_1621 = tpu.memref_squeeze %dma_start3A_1620 : memref<1x64xi32, #tpu.memory_space<vmem>> -> memref<64xi32, #tpu.memory_space<vmem>>
      %dma_start3A_1622 = arith.constant 0 : i32
      %dma_start3A_1623 = arith.constant 0 : i32
      %dma_start3A_1624 = tpu.memref_slice %arg4[%dma_start3A_1622, %dma_start3A_1623] : memref<10000x128xf32, #tpu.memory_space<hbm>> -> memref<10000x128xf32, #tpu.memory_space<hbm>>
      tpu.enqueue_indirect_dma source(%dma_start3A_1624 : memref<10000x128xf32, #tpu.memory_space<hbm>>) target(%arg11 : memref<64x128xf32, #tpu.memory_space<vmem>>) offsets(%dma_start3A_1621 : memref<64xi32, #tpu.memory_space<vmem>>) semaphore(%arg32 : memref<!tpu.dma_semaphore, #tpu.memory_space<semaphore_mem>>)
      %add3A_1625 = arith.constant 3 : i32
      %add3A_1626 = arith.addi %add3A_1366, %add3A_1625 : i32
      %dma_wait3A_1627 = arith.constant 0 : i32
      %dma_wait3A_1628 = arith.constant 0 : i32
      %dma_wait3A_1629 = tpu.memref_slice %arg7[%dma_wait3A_1627, %dma_wait3A_1628] : memref<8x64xi32, #tpu.memory_space<vmem>> -> memref<1x64xi32, #tpu.memory_space<vmem>>
      %dma_wait3A_1630 = tpu.memref_squeeze %dma_wait3A_1629 : memref<1x64xi32, #tpu.memory_space<vmem>> -> memref<64xi32, #tpu.memory_space<vmem>>
      %dma_wait3A_1631 = arith.constant 0 : i32
      %dma_wait3A_1632 = arith.constant 0 : i32
      %dma_wait3A_1633 = tpu.memref_slice %arg4[%dma_wait3A_1631, %dma_wait3A_1632] : memref<10000x128xf32, #tpu.memory_space<hbm>> -> memref<10000x128xf32, #tpu.memory_space<hbm>>
      tpu.wait_indirect_dma semaphore(%arg31 : memref<!tpu.dma_semaphore, #tpu.memory_space<semaphore_mem>>) src(%dma_wait3A_1633 : memref<10000x128xf32, #tpu.memory_space<hbm>>) dst(%arg10 : memref<64x128xf32, #tpu.memory_space<vmem>>)
      %dma_wait3A_1634 = arith.constant 4 : i32
      %dma_wait3A_1635 = arith.constant 0 : i32
      %dma_wait3A_1636 = tpu.memref_slice %arg8[%dma_wait3A_1634, %dma_wait3A_1635] : memref<8x64xi32, #tpu.memory_space<vmem>> -> memref<1x64xi32, #tpu.memory_space<vmem>>
      %dma_wait3A_1637 = tpu.memref_squeeze %dma_wait3A_1636 : memref<1x64xi32, #tpu.memory_space<vmem>> -> memref<64xi32, #tpu.memory_space<vmem>>
      %dma_wait3A_1638 = arith.constant 0 : i32
      %dma_wait3A_1639 = arith.constant 0 : i32
      %dma_wait3A_1640 = tpu.memref_slice %arg13[%dma_wait3A_1638, %dma_wait3A_1639] : memref<10064x128xf32, #tpu.memory_space<vmem_shared>> -> memref<10064x128xf32, #tpu.memory_space<vmem_shared>>
      tpu.wait_indirect_dma semaphore(%arg34 : memref<!tpu.dma_semaphore, #tpu.memory_space<semaphore_mem>>) src(%arg9 : memref<64x128xf32, #tpu.memory_space<vmem>>) dst(%dma_wait3A_1640 : memref<10064x128xf32, #tpu.memory_space<vmem_shared>>)
      %dma_start3A_1641 = arith.constant 5 : i32
      %dma_start3A_1642 = arith.constant 0 : i32
      %dma_start3A_1643 = tpu.memref_slice %arg8[%dma_start3A_1641, %dma_start3A_1642] : memref<8x64xi32, #tpu.memory_space<vmem>> -> memref<1x64xi32, #tpu.memory_space<vmem>>
      %dma_start3A_1644 = tpu.memref_squeeze %dma_start3A_1643 : memref<1x64xi32, #tpu.memory_space<vmem>> -> memref<64xi32, #tpu.memory_space<vmem>>
      %dma_start3A_1645 = arith.constant 0 : i32
      %dma_start3A_1646 = arith.constant 0 : i32
      %dma_start3A_1647 = tpu.memref_slice %arg13[%dma_start3A_1645, %dma_start3A_1646] : memref<10064x128xf32, #tpu.memory_space<vmem_shared>> -> memref<10064x128xf32, #tpu.memory_space<vmem_shared>>
      tpu.enqueue_indirect_dma source(%arg10 : memref<64x128xf32, #tpu.memory_space<vmem>>) target(%dma_start3A_1647 : memref<10064x128xf32, #tpu.memory_space<vmem_shared>>) offsets(%dma_start3A_1644 : memref<64xi32, #tpu.memory_space<vmem>>) semaphore(%arg35 : memref<!tpu.dma_semaphore, #tpu.memory_space<semaphore_mem>>) {add = true}
      %add3A_1648 = arith.constant 6 : i32
      %add3A_1649 = arith.addi %add3A_1626, %add3A_1648 : i32
      %dma_start3A_1650 = arith.constant 3 : i32
      %dma_start3A_1651 = arith.constant 0 : i32
      %dma_start3A_1652 = tpu.memref_slice %arg7[%dma_start3A_1650, %dma_start3A_1651] : memref<8x64xi32, #tpu.memory_space<vmem>> -> memref<1x64xi32, #tpu.memory_space<vmem>>
      %dma_start3A_1653 = tpu.memref_squeeze %dma_start3A_1652 : memref<1x64xi32, #tpu.memory_space<vmem>> -> memref<64xi32, #tpu.memory_space<vmem>>
      %dma_start3A_1654 = arith.constant 0 : i32
      %dma_start3A_1655 = tpu.memref_slice %arg2[%add3A, %add3A_1649, %dma_start3A_1654] : memref<32x160x64xi32, #tpu.memory_space<hbm>> -> memref<1x1x64xi32, #tpu.memory_space<hbm>>
      %dma_start3A_1656 = tpu.memref_squeeze %dma_start3A_1655 : memref<1x1x64xi32, #tpu.memory_space<hbm>> -> memref<64xi32, #tpu.memory_space<hbm>>
      %dma_start3A_1657 = arith.constant 0 : i32
      %dma_start3A_1658 = tpu.memref_slice %arg7[%dma_start3A_1650, %dma_start3A_1657] : memref<8x64xi32, #tpu.memory_space<vmem>> -> memref<1x64xi32, #tpu.memory_space<vmem>>
      %dma_start3A_1659 = tpu.memref_squeeze %dma_start3A_1658 : memref<1x64xi32, #tpu.memory_space<vmem>> -> memref<64xi32, #tpu.memory_space<vmem>>
      %dma_start3A_1660 = arith.constant 0 : i32
      %dma_start3A_1661 = tpu.memref_slice %arg2[%add3A, %add3A_1649, %dma_start3A_1660] : memref<32x160x64xi32, #tpu.memory_space<hbm>> -> memref<1x1x64xi32, #tpu.memory_space<hbm>>
      %dma_start3A_1662 = tpu.memref_squeeze %dma_start3A_1661 : memref<1x1x64xi32, #tpu.memory_space<hbm>> -> memref<64xi32, #tpu.memory_space<hbm>>
      tpu.enqueue_dma source(%dma_start3A_1662 : memref<64xi32, #tpu.memory_space<hbm>>) target(%dma_start3A_1659 : memref<64xi32, #tpu.memory_space<vmem>>) target_semaphore(%arg17 : memref<!tpu.dma_semaphore, #tpu.memory_space<semaphore_mem>>)
      %dma_start3A_1663 = arith.constant 3 : i32
      %dma_start3A_1664 = arith.constant 0 : i32
      %dma_start3A_1665 = tpu.memref_slice %arg8[%dma_start3A_1663, %dma_start3A_1664] : memref<8x64xi32, #tpu.memory_space<vmem>> -> memref<1x64xi32, #tpu.memory_space<vmem>>
      %dma_start3A_1666 = tpu.memref_squeeze %dma_start3A_1665 : memref<1x64xi32, #tpu.memory_space<vmem>> -> memref<64xi32, #tpu.memory_space<vmem>>
      %dma_start3A_1667 = arith.constant 0 : i32
      %dma_start3A_1668 = tpu.memref_slice %arg3[%add3A, %add3A_1649, %dma_start3A_1667] : memref<32x160x64xi32, #tpu.memory_space<hbm>> -> memref<1x1x64xi32, #tpu.memory_space<hbm>>
      %dma_start3A_1669 = tpu.memref_squeeze %dma_start3A_1668 : memref<1x1x64xi32, #tpu.memory_space<hbm>> -> memref<64xi32, #tpu.memory_space<hbm>>
      %dma_start3A_1670 = arith.constant 0 : i32
      %dma_start3A_1671 = tpu.memref_slice %arg8[%dma_start3A_1663, %dma_start3A_1670] : memref<8x64xi32, #tpu.memory_space<vmem>> -> memref<1x64xi32, #tpu.memory_space<vmem>>
      %dma_start3A_1672 = tpu.memref_squeeze %dma_start3A_1671 : memref<1x64xi32, #tpu.memory_space<vmem>> -> memref<64xi32, #tpu.memory_space<vmem>>
      %dma_start3A_1673 = arith.constant 0 : i32
      %dma_start3A_1674 = tpu.memref_slice %arg3[%add3A, %add3A_1649, %dma_start3A_1673] : memref<32x160x64xi32, #tpu.memory_space<hbm>> -> memref<1x1x64xi32, #tpu.memory_space<hbm>>
      %dma_start3A_1675 = tpu.memref_squeeze %dma_start3A_1674 : memref<1x1x64xi32, #tpu.memory_space<hbm>> -> memref<64xi32, #tpu.memory_space<hbm>>
      tpu.enqueue_dma source(%dma_start3A_1675 : memref<64xi32, #tpu.memory_space<hbm>>) target(%dma_start3A_1672 : memref<64xi32, #tpu.memory_space<vmem>>) target_semaphore(%arg25 : memref<!tpu.dma_semaphore, #tpu.memory_space<semaphore_mem>>)
      %dma_wait3A_1676 = arith.constant 0 : i32
      %dma_wait3A_1677 = arith.constant 7 : i32
      %dma_wait3A_1678 = arith.constant 0 : i32
      %dma_wait3A_1679 = tpu.memref_slice %arg7[%dma_wait3A_1677, %dma_wait3A_1678] : memref<8x64xi32, #tpu.memory_space<vmem>> -> memref<1x64xi32, #tpu.memory_space<vmem>>
      %dma_wait3A_1680 = tpu.memref_squeeze %dma_wait3A_1679 : memref<1x64xi32, #tpu.memory_space<vmem>> -> memref<64xi32, #tpu.memory_space<vmem>>
      %dma_wait3A_1681 = arith.constant 0 : i32
      %dma_wait3A_1682 = tpu.memref_slice %arg2[%add3A, %dma_wait3A_1676, %dma_wait3A_1681] : memref<32x160x64xi32, #tpu.memory_space<hbm>> -> memref<1x1x64xi32, #tpu.memory_space<hbm>>
      %dma_wait3A_1683 = tpu.memref_squeeze %dma_wait3A_1682 : memref<1x1x64xi32, #tpu.memory_space<hbm>> -> memref<64xi32, #tpu.memory_space<hbm>>
      %dma_wait3A_1684 = arith.constant 0 : i32
      %dma_wait3A_1685 = tpu.memref_slice %arg7[%dma_wait3A_1677, %dma_wait3A_1684] : memref<8x64xi32, #tpu.memory_space<vmem>> -> memref<1x64xi32, #tpu.memory_space<vmem>>
      %dma_wait3A_1686 = tpu.memref_squeeze %dma_wait3A_1685 : memref<1x64xi32, #tpu.memory_space<vmem>> -> memref<64xi32, #tpu.memory_space<vmem>>
      %dma_wait3A_1687 = arith.constant 0 : i32
      %dma_wait3A_1688 = tpu.memref_slice %arg2[%add3A, %dma_wait3A_1676, %dma_wait3A_1687] : memref<32x160x64xi32, #tpu.memory_space<hbm>> -> memref<1x1x64xi32, #tpu.memory_space<hbm>>
      %dma_wait3A_1689 = tpu.memref_squeeze %dma_wait3A_1688 : memref<1x1x64xi32, #tpu.memory_space<hbm>> -> memref<64xi32, #tpu.memory_space<hbm>>
      tpu.wait_dma2 semaphore(%arg21 : memref<!tpu.dma_semaphore, #tpu.memory_space<semaphore_mem>>) src(%dma_wait3A_1689 : memref<64xi32, #tpu.memory_space<hbm>>) dst(%dma_wait3A_1686 : memref<64xi32, #tpu.memory_space<vmem>>)
      %dma_wait3A_1690 = arith.constant 0 : i32
      %dma_wait3A_1691 = arith.constant 7 : i32
      %dma_wait3A_1692 = arith.constant 0 : i32
      %dma_wait3A_1693 = tpu.memref_slice %arg8[%dma_wait3A_1691, %dma_wait3A_1692] : memref<8x64xi32, #tpu.memory_space<vmem>> -> memref<1x64xi32, #tpu.memory_space<vmem>>
      %dma_wait3A_1694 = tpu.memref_squeeze %dma_wait3A_1693 : memref<1x64xi32, #tpu.memory_space<vmem>> -> memref<64xi32, #tpu.memory_space<vmem>>
      %dma_wait3A_1695 = arith.constant 0 : i32
      %dma_wait3A_1696 = tpu.memref_slice %arg3[%add3A, %dma_wait3A_1690, %dma_wait3A_1695] : memref<32x160x64xi32, #tpu.memory_space<hbm>> -> memref<1x1x64xi32, #tpu.memory_space<hbm>>
      %dma_wait3A_1697 = tpu.memref_squeeze %dma_wait3A_1696 : memref<1x1x64xi32, #tpu.memory_space<hbm>> -> memref<64xi32, #tpu.memory_space<hbm>>
      %dma_wait3A_1698 = arith.constant 0 : i32
      %dma_wait3A_1699 = tpu.memref_slice %arg8[%dma_wait3A_1691, %dma_wait3A_1698] : memref<8x64xi32, #tpu.memory_space<vmem>> -> memref<1x64xi32, #tpu.memory_space<vmem>>
      %dma_wait3A_1700 = tpu.memref_squeeze %dma_wait3A_1699 : memref<1x64xi32, #tpu.memory_space<vmem>> -> memref<64xi32, #tpu.memory_space<vmem>>
      %dma_wait3A_1701 = arith.constant 0 : i32
      %dma_wait3A_1702 = tpu.memref_slice %arg3[%add3A, %dma_wait3A_1690, %dma_wait3A_1701] : memref<32x160x64xi32, #tpu.memory_space<hbm>> -> memref<1x1x64xi32, #tpu.memory_space<hbm>>
      %dma_wait3A_1703 = tpu.memref_squeeze %dma_wait3A_1702 : memref<1x1x64xi32, #tpu.memory_space<hbm>> -> memref<64xi32, #tpu.memory_space<hbm>>
      tpu.wait_dma2 semaphore(%arg29 : memref<!tpu.dma_semaphore, #tpu.memory_space<semaphore_mem>>) src(%dma_wait3A_1703 : memref<64xi32, #tpu.memory_space<hbm>>) dst(%dma_wait3A_1700 : memref<64xi32, #tpu.memory_space<vmem>>)
      %dma_start3A_1704 = arith.constant 7 : i32
      %dma_start3A_1705 = arith.constant 0 : i32
      %dma_start3A_1706 = tpu.memref_slice %arg7[%dma_start3A_1704, %dma_start3A_1705] : memref<8x64xi32, #tpu.memory_space<vmem>> -> memref<1x64xi32, #tpu.memory_space<vmem>>
      %dma_start3A_1707 = tpu.memref_squeeze %dma_start3A_1706 : memref<1x64xi32, #tpu.memory_space<vmem>> -> memref<64xi32, #tpu.memory_space<vmem>>
      %dma_start3A_1708 = arith.constant 0 : i32
      %dma_start3A_1709 = arith.constant 0 : i32
      %dma_start3A_1710 = tpu.memref_slice %arg4[%dma_start3A_1708, %dma_start3A_1709] : memref<10000x128xf32, #tpu.memory_space<hbm>> -> memref<10000x128xf32, #tpu.memory_space<hbm>>
      tpu.enqueue_indirect_dma source(%dma_start3A_1710 : memref<10000x128xf32, #tpu.memory_space<hbm>>) target(%arg12 : memref<64x128xf32, #tpu.memory_space<vmem>>) offsets(%dma_start3A_1707 : memref<64xi32, #tpu.memory_space<vmem>>) semaphore(%arg33 : memref<!tpu.dma_semaphore, #tpu.memory_space<semaphore_mem>>)
      %add3A_1711 = arith.constant 4 : i32
      %add3A_1712 = arith.addi %add3A_1366, %add3A_1711 : i32
      %dma_wait3A_1713 = arith.constant 0 : i32
      %dma_wait3A_1714 = arith.constant 0 : i32
      %dma_wait3A_1715 = tpu.memref_slice %arg7[%dma_wait3A_1713, %dma_wait3A_1714] : memref<8x64xi32, #tpu.memory_space<vmem>> -> memref<1x64xi32, #tpu.memory_space<vmem>>
      %dma_wait3A_1716 = tpu.memref_squeeze %dma_wait3A_1715 : memref<1x64xi32, #tpu.memory_space<vmem>> -> memref<64xi32, #tpu.memory_space<vmem>>
      %dma_wait3A_1717 = arith.constant 0 : i32
      %dma_wait3A_1718 = arith.constant 0 : i32
      %dma_wait3A_1719 = tpu.memref_slice %arg4[%dma_wait3A_1717, %dma_wait3A_1718] : memref<10000x128xf32, #tpu.memory_space<hbm>> -> memref<10000x128xf32, #tpu.memory_space<hbm>>
      tpu.wait_indirect_dma semaphore(%arg32 : memref<!tpu.dma_semaphore, #tpu.memory_space<semaphore_mem>>) src(%dma_wait3A_1719 : memref<10000x128xf32, #tpu.memory_space<hbm>>) dst(%arg11 : memref<64x128xf32, #tpu.memory_space<vmem>>)
      %dma_wait3A_1720 = arith.constant 5 : i32
      %dma_wait3A_1721 = arith.constant 0 : i32
      %dma_wait3A_1722 = tpu.memref_slice %arg8[%dma_wait3A_1720, %dma_wait3A_1721] : memref<8x64xi32, #tpu.memory_space<vmem>> -> memref<1x64xi32, #tpu.memory_space<vmem>>
      %dma_wait3A_1723 = tpu.memref_squeeze %dma_wait3A_1722 : memref<1x64xi32, #tpu.memory_space<vmem>> -> memref<64xi32, #tpu.memory_space<vmem>>
      %dma_wait3A_1724 = arith.constant 0 : i32
      %dma_wait3A_1725 = arith.constant 0 : i32
      %dma_wait3A_1726 = tpu.memref_slice %arg13[%dma_wait3A_1724, %dma_wait3A_1725] : memref<10064x128xf32, #tpu.memory_space<vmem_shared>> -> memref<10064x128xf32, #tpu.memory_space<vmem_shared>>
      tpu.wait_indirect_dma semaphore(%arg35 : memref<!tpu.dma_semaphore, #tpu.memory_space<semaphore_mem>>) src(%arg10 : memref<64x128xf32, #tpu.memory_space<vmem>>) dst(%dma_wait3A_1726 : memref<10064x128xf32, #tpu.memory_space<vmem_shared>>)
      %dma_start3A_1727 = arith.constant 6 : i32
      %dma_start3A_1728 = arith.constant 0 : i32
      %dma_start3A_1729 = tpu.memref_slice %arg8[%dma_start3A_1727, %dma_start3A_1728] : memref<8x64xi32, #tpu.memory_space<vmem>> -> memref<1x64xi32, #tpu.memory_space<vmem>>
      %dma_start3A_1730 = tpu.memref_squeeze %dma_start3A_1729 : memref<1x64xi32, #tpu.memory_space<vmem>> -> memref<64xi32, #tpu.memory_space<vmem>>
      %dma_start3A_1731 = arith.constant 0 : i32
      %dma_start3A_1732 = arith.constant 0 : i32
      %dma_start3A_1733 = tpu.memref_slice %arg13[%dma_start3A_1731, %dma_start3A_1732] : memref<10064x128xf32, #tpu.memory_space<vmem_shared>> -> memref<10064x128xf32, #tpu.memory_space<vmem_shared>>
      tpu.enqueue_indirect_dma source(%arg11 : memref<64x128xf32, #tpu.memory_space<vmem>>) target(%dma_start3A_1733 : memref<10064x128xf32, #tpu.memory_space<vmem_shared>>) offsets(%dma_start3A_1730 : memref<64xi32, #tpu.memory_space<vmem>>) semaphore(%arg36 : memref<!tpu.dma_semaphore, #tpu.memory_space<semaphore_mem>>) {add = true}
      %add3A_1734 = arith.constant 6 : i32
      %add3A_1735 = arith.addi %add3A_1712, %add3A_1734 : i32
      %dma_start3A_1736 = arith.constant 4 : i32
      %dma_start3A_1737 = arith.constant 0 : i32
      %dma_start3A_1738 = tpu.memref_slice %arg7[%dma_start3A_1736, %dma_start3A_1737] : memref<8x64xi32, #tpu.memory_space<vmem>> -> memref<1x64xi32, #tpu.memory_space<vmem>>
      %dma_start3A_1739 = tpu.memref_squeeze %dma_start3A_1738 : memref<1x64xi32, #tpu.memory_space<vmem>> -> memref<64xi32, #tpu.memory_space<vmem>>
      %dma_start3A_1740 = arith.constant 0 : i32
      %dma_start3A_1741 = tpu.memref_slice %arg2[%add3A, %add3A_1735, %dma_start3A_1740] : memref<32x160x64xi32, #tpu.memory_space<hbm>> -> memref<1x1x64xi32, #tpu.memory_space<hbm>>
      %dma_start3A_1742 = tpu.memref_squeeze %dma_start3A_1741 : memref<1x1x64xi32, #tpu.memory_space<hbm>> -> memref<64xi32, #tpu.memory_space<hbm>>
      %dma_start3A_1743 = arith.constant 0 : i32
      %dma_start3A_1744 = tpu.memref_slice %arg7[%dma_start3A_1736, %dma_start3A_1743] : memref<8x64xi32, #tpu.memory_space<vmem>> -> memref<1x64xi32, #tpu.memory_space<vmem>>
      %dma_start3A_1745 = tpu.memref_squeeze %dma_start3A_1744 : memref<1x64xi32, #tpu.memory_space<vmem>> -> memref<64xi32, #tpu.memory_space<vmem>>
      %dma_start3A_1746 = arith.constant 0 : i32
      %dma_start3A_1747 = tpu.memref_slice %arg2[%add3A, %add3A_1735, %dma_start3A_1746] : memref<32x160x64xi32, #tpu.memory_space<hbm>> -> memref<1x1x64xi32, #tpu.memory_space<hbm>>
      %dma_start3A_1748 = tpu.memref_squeeze %dma_start3A_1747 : memref<1x1x64xi32, #tpu.memory_space<hbm>> -> memref<64xi32, #tpu.memory_space<hbm>>
      tpu.enqueue_dma source(%dma_start3A_1748 : memref<64xi32, #tpu.memory_space<hbm>>) target(%dma_start3A_1745 : memref<64xi32, #tpu.memory_space<vmem>>) target_semaphore(%arg18 : memref<!tpu.dma_semaphore, #tpu.memory_space<semaphore_mem>>)
      %dma_start3A_1749 = arith.constant 4 : i32
      %dma_start3A_1750 = arith.constant 0 : i32
      %dma_start3A_1751 = tpu.memref_slice %arg8[%dma_start3A_1749, %dma_start3A_1750] : memref<8x64xi32, #tpu.memory_space<vmem>> -> memref<1x64xi32, #tpu.memory_space<vmem>>
      %dma_start3A_1752 = tpu.memref_squeeze %dma_start3A_1751 : memref<1x64xi32, #tpu.memory_space<vmem>> -> memref<64xi32, #tpu.memory_space<vmem>>
      %dma_start3A_1753 = arith.constant 0 : i32
      %dma_start3A_1754 = tpu.memref_slice %arg3[%add3A, %add3A_1735, %dma_start3A_1753] : memref<32x160x64xi32, #tpu.memory_space<hbm>> -> memref<1x1x64xi32, #tpu.memory_space<hbm>>
      %dma_start3A_1755 = tpu.memref_squeeze %dma_start3A_1754 : memref<1x1x64xi32, #tpu.memory_space<hbm>> -> memref<64xi32, #tpu.memory_space<hbm>>
      %dma_start3A_1756 = arith.constant 0 : i32
      %dma_start3A_1757 = tpu.memref_slice %arg8[%dma_start3A_1749, %dma_start3A_1756] : memref<8x64xi32, #tpu.memory_space<vmem>> -> memref<1x64xi32, #tpu.memory_space<vmem>>
      %dma_start3A_1758 = tpu.memref_squeeze %dma_start3A_1757 : memref<1x64xi32, #tpu.memory_space<vmem>> -> memref<64xi32, #tpu.memory_space<vmem>>
      %dma_start3A_1759 = arith.constant 0 : i32
      %dma_start3A_1760 = tpu.memref_slice %arg3[%add3A, %add3A_1735, %dma_start3A_1759] : memref<32x160x64xi32, #tpu.memory_space<hbm>> -> memref<1x1x64xi32, #tpu.memory_space<hbm>>
      %dma_start3A_1761 = tpu.memref_squeeze %dma_start3A_1760 : memref<1x1x64xi32, #tpu.memory_space<hbm>> -> memref<64xi32, #tpu.memory_space<hbm>>
      tpu.enqueue_dma source(%dma_start3A_1761 : memref<64xi32, #tpu.memory_space<hbm>>) target(%dma_start3A_1758 : memref<64xi32, #tpu.memory_space<vmem>>) target_semaphore(%arg26 : memref<!tpu.dma_semaphore, #tpu.memory_space<semaphore_mem>>)
      %dma_wait3A_1762 = arith.constant 0 : i32
      %dma_wait3A_1763 = arith.constant 0 : i32
      %dma_wait3A_1764 = arith.constant 0 : i32
      %dma_wait3A_1765 = tpu.memref_slice %arg7[%dma_wait3A_1763, %dma_wait3A_1764] : memref<8x64xi32, #tpu.memory_space<vmem>> -> memref<1x64xi32, #tpu.memory_space<vmem>>
      %dma_wait3A_1766 = tpu.memref_squeeze %dma_wait3A_1765 : memref<1x64xi32, #tpu.memory_space<vmem>> -> memref<64xi32, #tpu.memory_space<vmem>>
      %dma_wait3A_1767 = arith.constant 0 : i32
      %dma_wait3A_1768 = tpu.memref_slice %arg2[%add3A, %dma_wait3A_1762, %dma_wait3A_1767] : memref<32x160x64xi32, #tpu.memory_space<hbm>> -> memref<1x1x64xi32, #tpu.memory_space<hbm>>
      %dma_wait3A_1769 = tpu.memref_squeeze %dma_wait3A_1768 : memref<1x1x64xi32, #tpu.memory_space<hbm>> -> memref<64xi32, #tpu.memory_space<hbm>>
      %dma_wait3A_1770 = arith.constant 0 : i32
      %dma_wait3A_1771 = tpu.memref_slice %arg7[%dma_wait3A_1763, %dma_wait3A_1770] : memref<8x64xi32, #tpu.memory_space<vmem>> -> memref<1x64xi32, #tpu.memory_space<vmem>>
      %dma_wait3A_1772 = tpu.memref_squeeze %dma_wait3A_1771 : memref<1x64xi32, #tpu.memory_space<vmem>> -> memref<64xi32, #tpu.memory_space<vmem>>
      %dma_wait3A_1773 = arith.constant 0 : i32
      %dma_wait3A_1774 = tpu.memref_slice %arg2[%add3A, %dma_wait3A_1762, %dma_wait3A_1773] : memref<32x160x64xi32, #tpu.memory_space<hbm>> -> memref<1x1x64xi32, #tpu.memory_space<hbm>>
      %dma_wait3A_1775 = tpu.memref_squeeze %dma_wait3A_1774 : memref<1x1x64xi32, #tpu.memory_space<hbm>> -> memref<64xi32, #tpu.memory_space<hbm>>
      tpu.wait_dma2 semaphore(%arg14 : memref<!tpu.dma_semaphore, #tpu.memory_space<semaphore_mem>>) src(%dma_wait3A_1775 : memref<64xi32, #tpu.memory_space<hbm>>) dst(%dma_wait3A_1772 : memref<64xi32, #tpu.memory_space<vmem>>)
      %dma_wait3A_1776 = arith.constant 0 : i32
      %dma_wait3A_1777 = arith.constant 0 : i32
      %dma_wait3A_1778 = arith.constant 0 : i32
      %dma_wait3A_1779 = tpu.memref_slice %arg8[%dma_wait3A_1777, %dma_wait3A_1778] : memref<8x64xi32, #tpu.memory_space<vmem>> -> memref<1x64xi32, #tpu.memory_space<vmem>>
      %dma_wait3A_1780 = tpu.memref_squeeze %dma_wait3A_1779 : memref<1x64xi32, #tpu.memory_space<vmem>> -> memref<64xi32, #tpu.memory_space<vmem>>
      %dma_wait3A_1781 = arith.constant 0 : i32
      %dma_wait3A_1782 = tpu.memref_slice %arg3[%add3A, %dma_wait3A_1776, %dma_wait3A_1781] : memref<32x160x64xi32, #tpu.memory_space<hbm>> -> memref<1x1x64xi32, #tpu.memory_space<hbm>>
      %dma_wait3A_1783 = tpu.memref_squeeze %dma_wait3A_1782 : memref<1x1x64xi32, #tpu.memory_space<hbm>> -> memref<64xi32, #tpu.memory_space<hbm>>
      %dma_wait3A_1784 = arith.constant 0 : i32
      %dma_wait3A_1785 = tpu.memref_slice %arg8[%dma_wait3A_1777, %dma_wait3A_1784] : memref<8x64xi32, #tpu.memory_space<vmem>> -> memref<1x64xi32, #tpu.memory_space<vmem>>
      %dma_wait3A_1786 = tpu.memref_squeeze %dma_wait3A_1785 : memref<1x64xi32, #tpu.memory_space<vmem>> -> memref<64xi32, #tpu.memory_space<vmem>>
      %dma_wait3A_1787 = arith.constant 0 : i32
      %dma_wait3A_1788 = tpu.memref_slice %arg3[%add3A, %dma_wait3A_1776, %dma_wait3A_1787] : memref<32x160x64xi32, #tpu.memory_space<hbm>> -> memref<1x1x64xi32, #tpu.memory_space<hbm>>
      %dma_wait3A_1789 = tpu.memref_squeeze %dma_wait3A_1788 : memref<1x1x64xi32, #tpu.memory_space<hbm>> -> memref<64xi32, #tpu.memory_space<hbm>>
      tpu.wait_dma2 semaphore(%arg22 : memref<!tpu.dma_semaphore, #tpu.memory_space<semaphore_mem>>) src(%dma_wait3A_1789 : memref<64xi32, #tpu.memory_space<hbm>>) dst(%dma_wait3A_1786 : memref<64xi32, #tpu.memory_space<vmem>>)
      %dma_start3A_1790 = arith.constant 0 : i32
      %dma_start3A_1791 = arith.constant 0 : i32
      %dma_start3A_1792 = tpu.memref_slice %arg7[%dma_start3A_1790, %dma_start3A_1791] : memref<8x64xi32, #tpu.memory_space<vmem>> -> memref<1x64xi32, #tpu.memory_space<vmem>>
      %dma_start3A_1793 = tpu.memref_squeeze %dma_start3A_1792 : memref<1x64xi32, #tpu.memory_space<vmem>> -> memref<64xi32, #tpu.memory_space<vmem>>
      %dma_start3A_1794 = arith.constant 0 : i32
      %dma_start3A_1795 = arith.constant 0 : i32
      %dma_start3A_1796 = tpu.memref_slice %arg4[%dma_start3A_1794, %dma_start3A_1795] : memref<10000x128xf32, #tpu.memory_space<hbm>> -> memref<10000x128xf32, #tpu.memory_space<hbm>>
      tpu.enqueue_indirect_dma source(%dma_start3A_1796 : memref<10000x128xf32, #tpu.memory_space<hbm>>) target(%arg9 : memref<64x128xf32, #tpu.memory_space<vmem>>) offsets(%dma_start3A_1793 : memref<64xi32, #tpu.memory_space<vmem>>) semaphore(%arg30 : memref<!tpu.dma_semaphore, #tpu.memory_space<semaphore_mem>>)
      %add3A_1797 = arith.constant 5 : i32
      %add3A_1798 = arith.addi %add3A_1366, %add3A_1797 : i32
      %dma_wait3A_1799 = arith.constant 0 : i32
      %dma_wait3A_1800 = arith.constant 0 : i32
      %dma_wait3A_1801 = tpu.memref_slice %arg7[%dma_wait3A_1799, %dma_wait3A_1800] : memref<8x64xi32, #tpu.memory_space<vmem>> -> memref<1x64xi32, #tpu.memory_space<vmem>>
      %dma_wait3A_1802 = tpu.memref_squeeze %dma_wait3A_1801 : memref<1x64xi32, #tpu.memory_space<vmem>> -> memref<64xi32, #tpu.memory_space<vmem>>
      %dma_wait3A_1803 = arith.constant 0 : i32
      %dma_wait3A_1804 = arith.constant 0 : i32
      %dma_wait3A_1805 = tpu.memref_slice %arg4[%dma_wait3A_1803, %dma_wait3A_1804] : memref<10000x128xf32, #tpu.memory_space<hbm>> -> memref<10000x128xf32, #tpu.memory_space<hbm>>
      tpu.wait_indirect_dma semaphore(%arg33 : memref<!tpu.dma_semaphore, #tpu.memory_space<semaphore_mem>>) src(%dma_wait3A_1805 : memref<10000x128xf32, #tpu.memory_space<hbm>>) dst(%arg12 : memref<64x128xf32, #tpu.memory_space<vmem>>)
      %dma_wait3A_1806 = arith.constant 6 : i32
      %dma_wait3A_1807 = arith.constant 0 : i32
      %dma_wait3A_1808 = tpu.memref_slice %arg8[%dma_wait3A_1806, %dma_wait3A_1807] : memref<8x64xi32, #tpu.memory_space<vmem>> -> memref<1x64xi32, #tpu.memory_space<vmem>>
      %dma_wait3A_1809 = tpu.memref_squeeze %dma_wait3A_1808 : memref<1x64xi32, #tpu.memory_space<vmem>> -> memref<64xi32, #tpu.memory_space<vmem>>
      %dma_wait3A_1810 = arith.constant 0 : i32
      %dma_wait3A_1811 = arith.constant 0 : i32
      %dma_wait3A_1812 = tpu.memref_slice %arg13[%dma_wait3A_1810, %dma_wait3A_1811] : memref<10064x128xf32, #tpu.memory_space<vmem_shared>> -> memref<10064x128xf32, #tpu.memory_space<vmem_shared>>
      tpu.wait_indirect_dma semaphore(%arg36 : memref<!tpu.dma_semaphore, #tpu.memory_space<semaphore_mem>>) src(%arg11 : memref<64x128xf32, #tpu.memory_space<vmem>>) dst(%dma_wait3A_1812 : memref<10064x128xf32, #tpu.memory_space<vmem_shared>>)
      %dma_start3A_1813 = arith.constant 7 : i32
      %dma_start3A_1814 = arith.constant 0 : i32
      %dma_start3A_1815 = tpu.memref_slice %arg8[%dma_start3A_1813, %dma_start3A_1814] : memref<8x64xi32, #tpu.memory_space<vmem>> -> memref<1x64xi32, #tpu.memory_space<vmem>>
      %dma_start3A_1816 = tpu.memref_squeeze %dma_start3A_1815 : memref<1x64xi32, #tpu.memory_space<vmem>> -> memref<64xi32, #tpu.memory_space<vmem>>
      %dma_start3A_1817 = arith.constant 0 : i32
      %dma_start3A_1818 = arith.constant 0 : i32
      %dma_start3A_1819 = tpu.memref_slice %arg13[%dma_start3A_1817, %dma_start3A_1818] : memref<10064x128xf32, #tpu.memory_space<vmem_shared>> -> memref<10064x128xf32, #tpu.memory_space<vmem_shared>>
      tpu.enqueue_indirect_dma source(%arg12 : memref<64x128xf32, #tpu.memory_space<vmem>>) target(%dma_start3A_1819 : memref<10064x128xf32, #tpu.memory_space<vmem_shared>>) offsets(%dma_start3A_1816 : memref<64xi32, #tpu.memory_space<vmem>>) semaphore(%arg37 : memref<!tpu.dma_semaphore, #tpu.memory_space<semaphore_mem>>) {add = true}
      %add3A_1820 = arith.constant 6 : i32
      %add3A_1821 = arith.addi %add3A_1798, %add3A_1820 : i32
      %dma_start3A_1822 = arith.constant 5 : i32
      %dma_start3A_1823 = arith.constant 0 : i32
      %dma_start3A_1824 = tpu.memref_slice %arg7[%dma_start3A_1822, %dma_start3A_1823] : memref<8x64xi32, #tpu.memory_space<vmem>> -> memref<1x64xi32, #tpu.memory_space<vmem>>
      %dma_start3A_1825 = tpu.memref_squeeze %dma_start3A_1824 : memref<1x64xi32, #tpu.memory_space<vmem>> -> memref<64xi32, #tpu.memory_space<vmem>>
      %dma_start3A_1826 = arith.constant 0 : i32
      %dma_start3A_1827 = tpu.memref_slice %arg2[%add3A, %add3A_1821, %dma_start3A_1826] : memref<32x160x64xi32, #tpu.memory_space<hbm>> -> memref<1x1x64xi32, #tpu.memory_space<hbm>>
      %dma_start3A_1828 = tpu.memref_squeeze %dma_start3A_1827 : memref<1x1x64xi32, #tpu.memory_space<hbm>> -> memref<64xi32, #tpu.memory_space<hbm>>
      %dma_start3A_1829 = arith.constant 0 : i32
      %dma_start3A_1830 = tpu.memref_slice %arg7[%dma_start3A_1822, %dma_start3A_1829] : memref<8x64xi32, #tpu.memory_space<vmem>> -> memref<1x64xi32, #tpu.memory_space<vmem>>
      %dma_start3A_1831 = tpu.memref_squeeze %dma_start3A_1830 : memref<1x64xi32, #tpu.memory_space<vmem>> -> memref<64xi32, #tpu.memory_space<vmem>>
      %dma_start3A_1832 = arith.constant 0 : i32
      %dma_start3A_1833 = tpu.memref_slice %arg2[%add3A, %add3A_1821, %dma_start3A_1832] : memref<32x160x64xi32, #tpu.memory_space<hbm>> -> memref<1x1x64xi32, #tpu.memory_space<hbm>>
      %dma_start3A_1834 = tpu.memref_squeeze %dma_start3A_1833 : memref<1x1x64xi32, #tpu.memory_space<hbm>> -> memref<64xi32, #tpu.memory_space<hbm>>
      tpu.enqueue_dma source(%dma_start3A_1834 : memref<64xi32, #tpu.memory_space<hbm>>) target(%dma_start3A_1831 : memref<64xi32, #tpu.memory_space<vmem>>) target_semaphore(%arg19 : memref<!tpu.dma_semaphore, #tpu.memory_space<semaphore_mem>>)
      %dma_start3A_1835 = arith.constant 5 : i32
      %dma_start3A_1836 = arith.constant 0 : i32
      %dma_start3A_1837 = tpu.memref_slice %arg8[%dma_start3A_1835, %dma_start3A_1836] : memref<8x64xi32, #tpu.memory_space<vmem>> -> memref<1x64xi32, #tpu.memory_space<vmem>>
      %dma_start3A_1838 = tpu.memref_squeeze %dma_start3A_1837 : memref<1x64xi32, #tpu.memory_space<vmem>> -> memref<64xi32, #tpu.memory_space<vmem>>
      %dma_start3A_1839 = arith.constant 0 : i32
      %dma_start3A_1840 = tpu.memref_slice %arg3[%add3A, %add3A_1821, %dma_start3A_1839] : memref<32x160x64xi32, #tpu.memory_space<hbm>> -> memref<1x1x64xi32, #tpu.memory_space<hbm>>
      %dma_start3A_1841 = tpu.memref_squeeze %dma_start3A_1840 : memref<1x1x64xi32, #tpu.memory_space<hbm>> -> memref<64xi32, #tpu.memory_space<hbm>>
      %dma_start3A_1842 = arith.constant 0 : i32
      %dma_start3A_1843 = tpu.memref_slice %arg8[%dma_start3A_1835, %dma_start3A_1842] : memref<8x64xi32, #tpu.memory_space<vmem>> -> memref<1x64xi32, #tpu.memory_space<vmem>>
      %dma_start3A_1844 = tpu.memref_squeeze %dma_start3A_1843 : memref<1x64xi32, #tpu.memory_space<vmem>> -> memref<64xi32, #tpu.memory_space<vmem>>
      %dma_start3A_1845 = arith.constant 0 : i32
      %dma_start3A_1846 = tpu.memref_slice %arg3[%add3A, %add3A_1821, %dma_start3A_1845] : memref<32x160x64xi32, #tpu.memory_space<hbm>> -> memref<1x1x64xi32, #tpu.memory_space<hbm>>
      %dma_start3A_1847 = tpu.memref_squeeze %dma_start3A_1846 : memref<1x1x64xi32, #tpu.memory_space<hbm>> -> memref<64xi32, #tpu.memory_space<hbm>>
      tpu.enqueue_dma source(%dma_start3A_1847 : memref<64xi32, #tpu.memory_space<hbm>>) target(%dma_start3A_1844 : memref<64xi32, #tpu.memory_space<vmem>>) target_semaphore(%arg27 : memref<!tpu.dma_semaphore, #tpu.memory_space<semaphore_mem>>)
      %dma_wait3A_1848 = arith.constant 0 : i32
      %dma_wait3A_1849 = arith.constant 1 : i32
      %dma_wait3A_1850 = arith.constant 0 : i32
      %dma_wait3A_1851 = tpu.memref_slice %arg7[%dma_wait3A_1849, %dma_wait3A_1850] : memref<8x64xi32, #tpu.memory_space<vmem>> -> memref<1x64xi32, #tpu.memory_space<vmem>>
      %dma_wait3A_1852 = tpu.memref_squeeze %dma_wait3A_1851 : memref<1x64xi32, #tpu.memory_space<vmem>> -> memref<64xi32, #tpu.memory_space<vmem>>
      %dma_wait3A_1853 = arith.constant 0 : i32
      %dma_wait3A_1854 = tpu.memref_slice %arg2[%add3A, %dma_wait3A_1848, %dma_wait3A_1853] : memref<32x160x64xi32, #tpu.memory_space<hbm>> -> memref<1x1x64xi32, #tpu.memory_space<hbm>>
      %dma_wait3A_1855 = tpu.memref_squeeze %dma_wait3A_1854 : memref<1x1x64xi32, #tpu.memory_space<hbm>> -> memref<64xi32, #tpu.memory_space<hbm>>
      %dma_wait3A_1856 = arith.constant 0 : i32
      %dma_wait3A_1857 = tpu.memref_slice %arg7[%dma_wait3A_1849, %dma_wait3A_1856] : memref<8x64xi32, #tpu.memory_space<vmem>> -> memref<1x64xi32, #tpu.memory_space<vmem>>
      %dma_wait3A_1858 = tpu.memref_squeeze %dma_wait3A_1857 : memref<1x64xi32, #tpu.memory_space<vmem>> -> memref<64xi32, #tpu.memory_space<vmem>>
      %dma_wait3A_1859 = arith.constant 0 : i32
      %dma_wait3A_1860 = tpu.memref_slice %arg2[%add3A, %dma_wait3A_1848, %dma_wait3A_1859] : memref<32x160x64xi32, #tpu.memory_space<hbm>> -> memref<1x1x64xi32, #tpu.memory_space<hbm>>
      %dma_wait3A_1861 = tpu.memref_squeeze %dma_wait3A_1860 : memref<1x1x64xi32, #tpu.memory_space<hbm>> -> memref<64xi32, #tpu.memory_space<hbm>>
      tpu.wait_dma2 semaphore(%arg15 : memref<!tpu.dma_semaphore, #tpu.memory_space<semaphore_mem>>) src(%dma_wait3A_1861 : memref<64xi32, #tpu.memory_space<hbm>>) dst(%dma_wait3A_1858 : memref<64xi32, #tpu.memory_space<vmem>>)
      %dma_wait3A_1862 = arith.constant 0 : i32
      %dma_wait3A_1863 = arith.constant 1 : i32
      %dma_wait3A_1864 = arith.constant 0 : i32
      %dma_wait3A_1865 = tpu.memref_slice %arg8[%dma_wait3A_1863, %dma_wait3A_1864] : memref<8x64xi32, #tpu.memory_space<vmem>> -> memref<1x64xi32, #tpu.memory_space<vmem>>
      %dma_wait3A_1866 = tpu.memref_squeeze %dma_wait3A_1865 : memref<1x64xi32, #tpu.memory_space<vmem>> -> memref<64xi32, #tpu.memory_space<vmem>>
      %dma_wait3A_1867 = arith.constant 0 : i32
      %dma_wait3A_1868 = tpu.memref_slice %arg3[%add3A, %dma_wait3A_1862, %dma_wait3A_1867] : memref<32x160x64xi32, #tpu.memory_space<hbm>> -> memref<1x1x64xi32, #tpu.memory_space<hbm>>
      %dma_wait3A_1869 = tpu.memref_squeeze %dma_wait3A_1868 : memref<1x1x64xi32, #tpu.memory_space<hbm>> -> memref<64xi32, #tpu.memory_space<hbm>>
      %dma_wait3A_1870 = arith.constant 0 : i32
      %dma_wait3A_1871 = tpu.memref_slice %arg8[%dma_wait3A_1863, %dma_wait3A_1870] : memref<8x64xi32, #tpu.memory_space<vmem>> -> memref<1x64xi32, #tpu.memory_space<vmem>>
      %dma_wait3A_1872 = tpu.memref_squeeze %dma_wait3A_1871 : memref<1x64xi32, #tpu.memory_space<vmem>> -> memref<64xi32, #tpu.memory_space<vmem>>
      %dma_wait3A_1873 = arith.constant 0 : i32
      %dma_wait3A_1874 = tpu.memref_slice %arg3[%add3A, %dma_wait3A_1862, %dma_wait3A_1873] : memref<32x160x64xi32, #tpu.memory_space<hbm>> -> memref<1x1x64xi32, #tpu.memory_space<hbm>>
      %dma_wait3A_1875 = tpu.memref_squeeze %dma_wait3A_1874 : memref<1x1x64xi32, #tpu.memory_space<hbm>> -> memref<64xi32, #tpu.memory_space<hbm>>
      tpu.wait_dma2 semaphore(%arg23 : memref<!tpu.dma_semaphore, #tpu.memory_space<semaphore_mem>>) src(%dma_wait3A_1875 : memref<64xi32, #tpu.memory_space<hbm>>) dst(%dma_wait3A_1872 : memref<64xi32, #tpu.memory_space<vmem>>)
      %dma_start3A_1876 = arith.constant 1 : i32
      %dma_start3A_1877 = arith.constant 0 : i32
      %dma_start3A_1878 = tpu.memref_slice %arg7[%dma_start3A_1876, %dma_start3A_1877] : memref<8x64xi32, #tpu.memory_space<vmem>> -> memref<1x64xi32, #tpu.memory_space<vmem>>
      %dma_start3A_1879 = tpu.memref_squeeze %dma_start3A_1878 : memref<1x64xi32, #tpu.memory_space<vmem>> -> memref<64xi32, #tpu.memory_space<vmem>>
      %dma_start3A_1880 = arith.constant 0 : i32
      %dma_start3A_1881 = arith.constant 0 : i32
      %dma_start3A_1882 = tpu.memref_slice %arg4[%dma_start3A_1880, %dma_start3A_1881] : memref<10000x128xf32, #tpu.memory_space<hbm>> -> memref<10000x128xf32, #tpu.memory_space<hbm>>
      tpu.enqueue_indirect_dma source(%dma_start3A_1882 : memref<10000x128xf32, #tpu.memory_space<hbm>>) target(%arg10 : memref<64x128xf32, #tpu.memory_space<vmem>>) offsets(%dma_start3A_1879 : memref<64xi32, #tpu.memory_space<vmem>>) semaphore(%arg31 : memref<!tpu.dma_semaphore, #tpu.memory_space<semaphore_mem>>)
      %add3A_1883 = arith.constant 6 : i32
      %add3A_1884 = arith.addi %add3A_1366, %add3A_1883 : i32
      %dma_wait3A_1885 = arith.constant 0 : i32
      %dma_wait3A_1886 = arith.constant 0 : i32
      %dma_wait3A_1887 = tpu.memref_slice %arg7[%dma_wait3A_1885, %dma_wait3A_1886] : memref<8x64xi32, #tpu.memory_space<vmem>> -> memref<1x64xi32, #tpu.memory_space<vmem>>
      %dma_wait3A_1888 = tpu.memref_squeeze %dma_wait3A_1887 : memref<1x64xi32, #tpu.memory_space<vmem>> -> memref<64xi32, #tpu.memory_space<vmem>>
      %dma_wait3A_1889 = arith.constant 0 : i32
      %dma_wait3A_1890 = arith.constant 0 : i32
      %dma_wait3A_1891 = tpu.memref_slice %arg4[%dma_wait3A_1889, %dma_wait3A_1890] : memref<10000x128xf32, #tpu.memory_space<hbm>> -> memref<10000x128xf32, #tpu.memory_space<hbm>>
      tpu.wait_indirect_dma semaphore(%arg30 : memref<!tpu.dma_semaphore, #tpu.memory_space<semaphore_mem>>) src(%dma_wait3A_1891 : memref<10000x128xf32, #tpu.memory_space<hbm>>) dst(%arg9 : memref<64x128xf32, #tpu.memory_space<vmem>>)
      %dma_wait3A_1892 = arith.constant 7 : i32
      %dma_wait3A_1893 = arith.constant 0 : i32
      %dma_wait3A_1894 = tpu.memref_slice %arg8[%dma_wait3A_1892, %dma_wait3A_1893] : memref<8x64xi32, #tpu.memory_space<vmem>> -> memref<1x64xi32, #tpu.memory_space<vmem>>
      %dma_wait3A_1895 = tpu.memref_squeeze %dma_wait3A_1894 : memref<1x64xi32, #tpu.memory_space<vmem>> -> memref<64xi32, #tpu.memory_space<vmem>>
      %dma_wait3A_1896 = arith.constant 0 : i32
      %dma_wait3A_1897 = arith.constant 0 : i32
      %dma_wait3A_1898 = tpu.memref_slice %arg13[%dma_wait3A_1896, %dma_wait3A_1897] : memref<10064x128xf32, #tpu.memory_space<vmem_shared>> -> memref<10064x128xf32, #tpu.memory_space<vmem_shared>>
      tpu.wait_indirect_dma semaphore(%arg37 : memref<!tpu.dma_semaphore, #tpu.memory_space<semaphore_mem>>) src(%arg12 : memref<64x128xf32, #tpu.memory_space<vmem>>) dst(%dma_wait3A_1898 : memref<10064x128xf32, #tpu.memory_space<vmem_shared>>)
      %dma_start3A_1899 = arith.constant 0 : i32
      %dma_start3A_1900 = arith.constant 0 : i32
      %dma_start3A_1901 = tpu.memref_slice %arg8[%dma_start3A_1899, %dma_start3A_1900] : memref<8x64xi32, #tpu.memory_space<vmem>> -> memref<1x64xi32, #tpu.memory_space<vmem>>
      %dma_start3A_1902 = tpu.memref_squeeze %dma_start3A_1901 : memref<1x64xi32, #tpu.memory_space<vmem>> -> memref<64xi32, #tpu.memory_space<vmem>>
      %dma_start3A_1903 = arith.constant 0 : i32
      %dma_start3A_1904 = arith.constant 0 : i32
      %dma_start3A_1905 = tpu.memref_slice %arg13[%dma_start3A_1903, %dma_start3A_1904] : memref<10064x128xf32, #tpu.memory_space<vmem_shared>> -> memref<10064x128xf32, #tpu.memory_space<vmem_shared>>
      tpu.enqueue_indirect_dma source(%arg9 : memref<64x128xf32, #tpu.memory_space<vmem>>) target(%dma_start3A_1905 : memref<10064x128xf32, #tpu.memory_space<vmem_shared>>) offsets(%dma_start3A_1902 : memref<64xi32, #tpu.memory_space<vmem>>) semaphore(%arg34 : memref<!tpu.dma_semaphore, #tpu.memory_space<semaphore_mem>>) {add = true}
      %add3A_1906 = arith.constant 6 : i32
      %add3A_1907 = arith.addi %add3A_1884, %add3A_1906 : i32
      %dma_start3A_1908 = arith.constant 6 : i32
      %dma_start3A_1909 = arith.constant 0 : i32
      %dma_start3A_1910 = tpu.memref_slice %arg7[%dma_start3A_1908, %dma_start3A_1909] : memref<8x64xi32, #tpu.memory_space<vmem>> -> memref<1x64xi32, #tpu.memory_space<vmem>>
      %dma_start3A_1911 = tpu.memref_squeeze %dma_start3A_1910 : memref<1x64xi32, #tpu.memory_space<vmem>> -> memref<64xi32, #tpu.memory_space<vmem>>
      %dma_start3A_1912 = arith.constant 0 : i32
      %dma_start3A_1913 = tpu.memref_slice %arg2[%add3A, %add3A_1907, %dma_start3A_1912] : memref<32x160x64xi32, #tpu.memory_space<hbm>> -> memref<1x1x64xi32, #tpu.memory_space<hbm>>
      %dma_start3A_1914 = tpu.memref_squeeze %dma_start3A_1913 : memref<1x1x64xi32, #tpu.memory_space<hbm>> -> memref<64xi32, #tpu.memory_space<hbm>>
      %dma_start3A_1915 = arith.constant 0 : i32
      %dma_start3A_1916 = tpu.memref_slice %arg7[%dma_start3A_1908, %dma_start3A_1915] : memref<8x64xi32, #tpu.memory_space<vmem>> -> memref<1x64xi32, #tpu.memory_space<vmem>>
      %dma_start3A_1917 = tpu.memref_squeeze %dma_start3A_1916 : memref<1x64xi32, #tpu.memory_space<vmem>> -> memref<64xi32, #tpu.memory_space<vmem>>
      %dma_start3A_1918 = arith.constant 0 : i32
      %dma_start3A_1919 = tpu.memref_slice %arg2[%add3A, %add3A_1907, %dma_start3A_1918] : memref<32x160x64xi32, #tpu.memory_space<hbm>> -> memref<1x1x64xi32, #tpu.memory_space<hbm>>
      %dma_start3A_1920 = tpu.memref_squeeze %dma_start3A_1919 : memref<1x1x64xi32, #tpu.memory_space<hbm>> -> memref<64xi32, #tpu.memory_space<hbm>>
      tpu.enqueue_dma source(%dma_start3A_1920 : memref<64xi32, #tpu.memory_space<hbm>>) target(%dma_start3A_1917 : memref<64xi32, #tpu.memory_space<vmem>>) target_semaphore(%arg20 : memref<!tpu.dma_semaphore, #tpu.memory_space<semaphore_mem>>)
      %dma_start3A_1921 = arith.constant 6 : i32
      %dma_start3A_1922 = arith.constant 0 : i32
      %dma_start3A_1923 = tpu.memref_slice %arg8[%dma_start3A_1921, %dma_start3A_1922] : memref<8x64xi32, #tpu.memory_space<vmem>> -> memref<1x64xi32, #tpu.memory_space<vmem>>
      %dma_start3A_1924 = tpu.memref_squeeze %dma_start3A_1923 : memref<1x64xi32, #tpu.memory_space<vmem>> -> memref<64xi32, #tpu.memory_space<vmem>>
      %dma_start3A_1925 = arith.constant 0 : i32
      %dma_start3A_1926 = tpu.memref_slice %arg3[%add3A, %add3A_1907, %dma_start3A_1925] : memref<32x160x64xi32, #tpu.memory_space<hbm>> -> memref<1x1x64xi32, #tpu.memory_space<hbm>>
      %dma_start3A_1927 = tpu.memref_squeeze %dma_start3A_1926 : memref<1x1x64xi32, #tpu.memory_space<hbm>> -> memref<64xi32, #tpu.memory_space<hbm>>
      %dma_start3A_1928 = arith.constant 0 : i32
      %dma_start3A_1929 = tpu.memref_slice %arg8[%dma_start3A_1921, %dma_start3A_1928] : memref<8x64xi32, #tpu.memory_space<vmem>> -> memref<1x64xi32, #tpu.memory_space<vmem>>
      %dma_start3A_1930 = tpu.memref_squeeze %dma_start3A_1929 : memref<1x64xi32, #tpu.memory_space<vmem>> -> memref<64xi32, #tpu.memory_space<vmem>>
      %dma_start3A_1931 = arith.constant 0 : i32
      %dma_start3A_1932 = tpu.memref_slice %arg3[%add3A, %add3A_1907, %dma_start3A_1931] : memref<32x160x64xi32, #tpu.memory_space<hbm>> -> memref<1x1x64xi32, #tpu.memory_space<hbm>>
      %dma_start3A_1933 = tpu.memref_squeeze %dma_start3A_1932 : memref<1x1x64xi32, #tpu.memory_space<hbm>> -> memref<64xi32, #tpu.memory_space<hbm>>
      tpu.enqueue_dma source(%dma_start3A_1933 : memref<64xi32, #tpu.memory_space<hbm>>) target(%dma_start3A_1930 : memref<64xi32, #tpu.memory_space<vmem>>) target_semaphore(%arg28 : memref<!tpu.dma_semaphore, #tpu.memory_space<semaphore_mem>>)
      %dma_wait3A_1934 = arith.constant 0 : i32
      %dma_wait3A_1935 = arith.constant 2 : i32
      %dma_wait3A_1936 = arith.constant 0 : i32
      %dma_wait3A_1937 = tpu.memref_slice %arg7[%dma_wait3A_1935, %dma_wait3A_1936] : memref<8x64xi32, #tpu.memory_space<vmem>> -> memref<1x64xi32, #tpu.memory_space<vmem>>
      %dma_wait3A_1938 = tpu.memref_squeeze %dma_wait3A_1937 : memref<1x64xi32, #tpu.memory_space<vmem>> -> memref<64xi32, #tpu.memory_space<vmem>>
      %dma_wait3A_1939 = arith.constant 0 : i32
      %dma_wait3A_1940 = tpu.memref_slice %arg2[%add3A, %dma_wait3A_1934, %dma_wait3A_1939] : memref<32x160x64xi32, #tpu.memory_space<hbm>> -> memref<1x1x64xi32, #tpu.memory_space<hbm>>
      %dma_wait3A_1941 = tpu.memref_squeeze %dma_wait3A_1940 : memref<1x1x64xi32, #tpu.memory_space<hbm>> -> memref<64xi32, #tpu.memory_space<hbm>>
      %dma_wait3A_1942 = arith.constant 0 : i32
      %dma_wait3A_1943 = tpu.memref_slice %arg7[%dma_wait3A_1935, %dma_wait3A_1942] : memref<8x64xi32, #tpu.memory_space<vmem>> -> memref<1x64xi32, #tpu.memory_space<vmem>>
      %dma_wait3A_1944 = tpu.memref_squeeze %dma_wait3A_1943 : memref<1x64xi32, #tpu.memory_space<vmem>> -> memref<64xi32, #tpu.memory_space<vmem>>
      %dma_wait3A_1945 = arith.constant 0 : i32
      %dma_wait3A_1946 = tpu.memref_slice %arg2[%add3A, %dma_wait3A_1934, %dma_wait3A_1945] : memref<32x160x64xi32, #tpu.memory_space<hbm>> -> memref<1x1x64xi32, #tpu.memory_space<hbm>>
      %dma_wait3A_1947 = tpu.memref_squeeze %dma_wait3A_1946 : memref<1x1x64xi32, #tpu.memory_space<hbm>> -> memref<64xi32, #tpu.memory_space<hbm>>
      tpu.wait_dma2 semaphore(%arg16 : memref<!tpu.dma_semaphore, #tpu.memory_space<semaphore_mem>>) src(%dma_wait3A_1947 : memref<64xi32, #tpu.memory_space<hbm>>) dst(%dma_wait3A_1944 : memref<64xi32, #tpu.memory_space<vmem>>)
      %dma_wait3A_1948 = arith.constant 0 : i32
      %dma_wait3A_1949 = arith.constant 2 : i32
      %dma_wait3A_1950 = arith.constant 0 : i32
      %dma_wait3A_1951 = tpu.memref_slice %arg8[%dma_wait3A_1949, %dma_wait3A_1950] : memref<8x64xi32, #tpu.memory_space<vmem>> -> memref<1x64xi32, #tpu.memory_space<vmem>>
      %dma_wait3A_1952 = tpu.memref_squeeze %dma_wait3A_1951 : memref<1x64xi32, #tpu.memory_space<vmem>> -> memref<64xi32, #tpu.memory_space<vmem>>
      %dma_wait3A_1953 = arith.constant 0 : i32
      %dma_wait3A_1954 = tpu.memref_slice %arg3[%add3A, %dma_wait3A_1948, %dma_wait3A_1953] : memref<32x160x64xi32, #tpu.memory_space<hbm>> -> memref<1x1x64xi32, #tpu.memory_space<hbm>>
      %dma_wait3A_1955 = tpu.memref_squeeze %dma_wait3A_1954 : memref<1x1x64xi32, #tpu.memory_space<hbm>> -> memref<64xi32, #tpu.memory_space<hbm>>
      %dma_wait3A_1956 = arith.constant 0 : i32
      %dma_wait3A_1957 = tpu.memref_slice %arg8[%dma_wait3A_1949, %dma_wait3A_1956] : memref<8x64xi32, #tpu.memory_space<vmem>> -> memref<1x64xi32, #tpu.memory_space<vmem>>
      %dma_wait3A_1958 = tpu.memref_squeeze %dma_wait3A_1957 : memref<1x64xi32, #tpu.memory_space<vmem>> -> memref<64xi32, #tpu.memory_space<vmem>>
      %dma_wait3A_1959 = arith.constant 0 : i32
      %dma_wait3A_1960 = tpu.memref_slice %arg3[%add3A, %dma_wait3A_1948, %dma_wait3A_1959] : memref<32x160x64xi32, #tpu.memory_space<hbm>> -> memref<1x1x64xi32, #tpu.memory_space<hbm>>
      %dma_wait3A_1961 = tpu.memref_squeeze %dma_wait3A_1960 : memref<1x1x64xi32, #tpu.memory_space<hbm>> -> memref<64xi32, #tpu.memory_space<hbm>>
      tpu.wait_dma2 semaphore(%arg24 : memref<!tpu.dma_semaphore, #tpu.memory_space<semaphore_mem>>) src(%dma_wait3A_1961 : memref<64xi32, #tpu.memory_space<hbm>>) dst(%dma_wait3A_1958 : memref<64xi32, #tpu.memory_space<vmem>>)
      %dma_start3A_1962 = arith.constant 2 : i32
      %dma_start3A_1963 = arith.constant 0 : i32
      %dma_start3A_1964 = tpu.memref_slice %arg7[%dma_start3A_1962, %dma_start3A_1963] : memref<8x64xi32, #tpu.memory_space<vmem>> -> memref<1x64xi32, #tpu.memory_space<vmem>>
      %dma_start3A_1965 = tpu.memref_squeeze %dma_start3A_1964 : memref<1x64xi32, #tpu.memory_space<vmem>> -> memref<64xi32, #tpu.memory_space<vmem>>
      %dma_start3A_1966 = arith.constant 0 : i32
      %dma_start3A_1967 = arith.constant 0 : i32
      %dma_start3A_1968 = tpu.memref_slice %arg4[%dma_start3A_1966, %dma_start3A_1967] : memref<10000x128xf32, #tpu.memory_space<hbm>> -> memref<10000x128xf32, #tpu.memory_space<hbm>>
      tpu.enqueue_indirect_dma source(%dma_start3A_1968 : memref<10000x128xf32, #tpu.memory_space<hbm>>) target(%arg11 : memref<64x128xf32, #tpu.memory_space<vmem>>) offsets(%dma_start3A_1965 : memref<64xi32, #tpu.memory_space<vmem>>) semaphore(%arg32 : memref<!tpu.dma_semaphore, #tpu.memory_space<semaphore_mem>>)
      %add3A_1969 = arith.constant 7 : i32
      %add3A_1970 = arith.addi %add3A_1366, %add3A_1969 : i32
      %dma_wait3A_1971 = arith.constant 0 : i32
      %dma_wait3A_1972 = arith.constant 0 : i32
      %dma_wait3A_1973 = tpu.memref_slice %arg7[%dma_wait3A_1971, %dma_wait3A_1972] : memref<8x64xi32, #tpu.memory_space<vmem>> -> memref<1x64xi32, #tpu.memory_space<vmem>>
      %dma_wait3A_1974 = tpu.memref_squeeze %dma_wait3A_1973 : memref<1x64xi32, #tpu.memory_space<vmem>> -> memref<64xi32, #tpu.memory_space<vmem>>
      %dma_wait3A_1975 = arith.constant 0 : i32
      %dma_wait3A_1976 = arith.constant 0 : i32
      %dma_wait3A_1977 = tpu.memref_slice %arg4[%dma_wait3A_1975, %dma_wait3A_1976] : memref<10000x128xf32, #tpu.memory_space<hbm>> -> memref<10000x128xf32, #tpu.memory_space<hbm>>
      tpu.wait_indirect_dma semaphore(%arg31 : memref<!tpu.dma_semaphore, #tpu.memory_space<semaphore_mem>>) src(%dma_wait3A_1977 : memref<10000x128xf32, #tpu.memory_space<hbm>>) dst(%arg10 : memref<64x128xf32, #tpu.memory_space<vmem>>)
      %dma_wait3A_1978 = arith.constant 0 : i32
      %dma_wait3A_1979 = arith.constant 0 : i32
      %dma_wait3A_1980 = tpu.memref_slice %arg8[%dma_wait3A_1978, %dma_wait3A_1979] : memref<8x64xi32, #tpu.memory_space<vmem>> -> memref<1x64xi32, #tpu.memory_space<vmem>>
      %dma_wait3A_1981 = tpu.memref_squeeze %dma_wait3A_1980 : memref<1x64xi32, #tpu.memory_space<vmem>> -> memref<64xi32, #tpu.memory_space<vmem>>
      %dma_wait3A_1982 = arith.constant 0 : i32
      %dma_wait3A_1983 = arith.constant 0 : i32
      %dma_wait3A_1984 = tpu.memref_slice %arg13[%dma_wait3A_1982, %dma_wait3A_1983] : memref<10064x128xf32, #tpu.memory_space<vmem_shared>> -> memref<10064x128xf32, #tpu.memory_space<vmem_shared>>
      tpu.wait_indirect_dma semaphore(%arg34 : memref<!tpu.dma_semaphore, #tpu.memory_space<semaphore_mem>>) src(%arg9 : memref<64x128xf32, #tpu.memory_space<vmem>>) dst(%dma_wait3A_1984 : memref<10064x128xf32, #tpu.memory_space<vmem_shared>>)
      %dma_start3A_1985 = arith.constant 1 : i32
      %dma_start3A_1986 = arith.constant 0 : i32
      %dma_start3A_1987 = tpu.memref_slice %arg8[%dma_start3A_1985, %dma_start3A_1986] : memref<8x64xi32, #tpu.memory_space<vmem>> -> memref<1x64xi32, #tpu.memory_space<vmem>>
      %dma_start3A_1988 = tpu.memref_squeeze %dma_start3A_1987 : memref<1x64xi32, #tpu.memory_space<vmem>> -> memref<64xi32, #tpu.memory_space<vmem>>
      %dma_start3A_1989 = arith.constant 0 : i32
      %dma_start3A_1990 = arith.constant 0 : i32
      %dma_start3A_1991 = tpu.memref_slice %arg13[%dma_start3A_1989, %dma_start3A_1990] : memref<10064x128xf32, #tpu.memory_space<vmem_shared>> -> memref<10064x128xf32, #tpu.memory_space<vmem_shared>>
      tpu.enqueue_indirect_dma source(%arg10 : memref<64x128xf32, #tpu.memory_space<vmem>>) target(%dma_start3A_1991 : memref<10064x128xf32, #tpu.memory_space<vmem_shared>>) offsets(%dma_start3A_1988 : memref<64xi32, #tpu.memory_space<vmem>>) semaphore(%arg35 : memref<!tpu.dma_semaphore, #tpu.memory_space<semaphore_mem>>) {add = true}
      %add3A_1992 = arith.constant 6 : i32
      %add3A_1993 = arith.addi %add3A_1970, %add3A_1992 : i32
      %dma_start3A_1994 = arith.constant 7 : i32
      %dma_start3A_1995 = arith.constant 0 : i32
      %dma_start3A_1996 = tpu.memref_slice %arg7[%dma_start3A_1994, %dma_start3A_1995] : memref<8x64xi32, #tpu.memory_space<vmem>> -> memref<1x64xi32, #tpu.memory_space<vmem>>
      %dma_start3A_1997 = tpu.memref_squeeze %dma_start3A_1996 : memref<1x64xi32, #tpu.memory_space<vmem>> -> memref<64xi32, #tpu.memory_space<vmem>>
      %dma_start3A_1998 = arith.constant 0 : i32
      %dma_start3A_1999 = tpu.memref_slice %arg2[%add3A, %add3A_1993, %dma_start3A_1998] : memref<32x160x64xi32, #tpu.memory_space<hbm>> -> memref<1x1x64xi32, #tpu.memory_space<hbm>>
      %dma_start3A_2000 = tpu.memref_squeeze %dma_start3A_1999 : memref<1x1x64xi32, #tpu.memory_space<hbm>> -> memref<64xi32, #tpu.memory_space<hbm>>
      %dma_start3A_2001 = arith.constant 0 : i32
      %dma_start3A_2002 = tpu.memref_slice %arg7[%dma_start3A_1994, %dma_start3A_2001] : memref<8x64xi32, #tpu.memory_space<vmem>> -> memref<1x64xi32, #tpu.memory_space<vmem>>
      %dma_start3A_2003 = tpu.memref_squeeze %dma_start3A_2002 : memref<1x64xi32, #tpu.memory_space<vmem>> -> memref<64xi32, #tpu.memory_space<vmem>>
      %dma_start3A_2004 = arith.constant 0 : i32
      %dma_start3A_2005 = tpu.memref_slice %arg2[%add3A, %add3A_1993, %dma_start3A_2004] : memref<32x160x64xi32, #tpu.memory_space<hbm>> -> memref<1x1x64xi32, #tpu.memory_space<hbm>>
      %dma_start3A_2006 = tpu.memref_squeeze %dma_start3A_2005 : memref<1x1x64xi32, #tpu.memory_space<hbm>> -> memref<64xi32, #tpu.memory_space<hbm>>
      tpu.enqueue_dma source(%dma_start3A_2006 : memref<64xi32, #tpu.memory_space<hbm>>) target(%dma_start3A_2003 : memref<64xi32, #tpu.memory_space<vmem>>) target_semaphore(%arg21 : memref<!tpu.dma_semaphore, #tpu.memory_space<semaphore_mem>>)
      %dma_start3A_2007 = arith.constant 7 : i32
      %dma_start3A_2008 = arith.constant 0 : i32
      %dma_start3A_2009 = tpu.memref_slice %arg8[%dma_start3A_2007, %dma_start3A_2008] : memref<8x64xi32, #tpu.memory_space<vmem>> -> memref<1x64xi32, #tpu.memory_space<vmem>>
      %dma_start3A_2010 = tpu.memref_squeeze %dma_start3A_2009 : memref<1x64xi32, #tpu.memory_space<vmem>> -> memref<64xi32, #tpu.memory_space<vmem>>
      %dma_start3A_2011 = arith.constant 0 : i32
      %dma_start3A_2012 = tpu.memref_slice %arg3[%add3A, %add3A_1993, %dma_start3A_2011] : memref<32x160x64xi32, #tpu.memory_space<hbm>> -> memref<1x1x64xi32, #tpu.memory_space<hbm>>
      %dma_start3A_2013 = tpu.memref_squeeze %dma_start3A_2012 : memref<1x1x64xi32, #tpu.memory_space<hbm>> -> memref<64xi32, #tpu.memory_space<hbm>>
      %dma_start3A_2014 = arith.constant 0 : i32
      %dma_start3A_2015 = tpu.memref_slice %arg8[%dma_start3A_2007, %dma_start3A_2014] : memref<8x64xi32, #tpu.memory_space<vmem>> -> memref<1x64xi32, #tpu.memory_space<vmem>>
      %dma_start3A_2016 = tpu.memref_squeeze %dma_start3A_2015 : memref<1x64xi32, #tpu.memory_space<vmem>> -> memref<64xi32, #tpu.memory_space<vmem>>
      %dma_start3A_2017 = arith.constant 0 : i32
      %dma_start3A_2018 = tpu.memref_slice %arg3[%add3A, %add3A_1993, %dma_start3A_2017] : memref<32x160x64xi32, #tpu.memory_space<hbm>> -> memref<1x1x64xi32, #tpu.memory_space<hbm>>
      %dma_start3A_2019 = tpu.memref_squeeze %dma_start3A_2018 : memref<1x1x64xi32, #tpu.memory_space<hbm>> -> memref<64xi32, #tpu.memory_space<hbm>>
      tpu.enqueue_dma source(%dma_start3A_2019 : memref<64xi32, #tpu.memory_space<hbm>>) target(%dma_start3A_2016 : memref<64xi32, #tpu.memory_space<vmem>>) target_semaphore(%arg29 : memref<!tpu.dma_semaphore, #tpu.memory_space<semaphore_mem>>)
      %dma_wait3A_2020 = arith.constant 0 : i32
      %dma_wait3A_2021 = arith.constant 3 : i32
      %dma_wait3A_2022 = arith.constant 0 : i32
      %dma_wait3A_2023 = tpu.memref_slice %arg7[%dma_wait3A_2021, %dma_wait3A_2022] : memref<8x64xi32, #tpu.memory_space<vmem>> -> memref<1x64xi32, #tpu.memory_space<vmem>>
      %dma_wait3A_2024 = tpu.memref_squeeze %dma_wait3A_2023 : memref<1x64xi32, #tpu.memory_space<vmem>> -> memref<64xi32, #tpu.memory_space<vmem>>
      %dma_wait3A_2025 = arith.constant 0 : i32
      %dma_wait3A_2026 = tpu.memref_slice %arg2[%add3A, %dma_wait3A_2020, %dma_wait3A_2025] : memref<32x160x64xi32, #tpu.memory_space<hbm>> -> memref<1x1x64xi32, #tpu.memory_space<hbm>>
      %dma_wait3A_2027 = tpu.memref_squeeze %dma_wait3A_2026 : memref<1x1x64xi32, #tpu.memory_space<hbm>> -> memref<64xi32, #tpu.memory_space<hbm>>
      %dma_wait3A_2028 = arith.constant 0 : i32
      %dma_wait3A_2029 = tpu.memref_slice %arg7[%dma_wait3A_2021, %dma_wait3A_2028] : memref<8x64xi32, #tpu.memory_space<vmem>> -> memref<1x64xi32, #tpu.memory_space<vmem>>
      %dma_wait3A_2030 = tpu.memref_squeeze %dma_wait3A_2029 : memref<1x64xi32, #tpu.memory_space<vmem>> -> memref<64xi32, #tpu.memory_space<vmem>>
      %dma_wait3A_2031 = arith.constant 0 : i32
      %dma_wait3A_2032 = tpu.memref_slice %arg2[%add3A, %dma_wait3A_2020, %dma_wait3A_2031] : memref<32x160x64xi32, #tpu.memory_space<hbm>> -> memref<1x1x64xi32, #tpu.memory_space<hbm>>
      %dma_wait3A_2033 = tpu.memref_squeeze %dma_wait3A_2032 : memref<1x1x64xi32, #tpu.memory_space<hbm>> -> memref<64xi32, #tpu.memory_space<hbm>>
      tpu.wait_dma2 semaphore(%arg17 : memref<!tpu.dma_semaphore, #tpu.memory_space<semaphore_mem>>) src(%dma_wait3A_2033 : memref<64xi32, #tpu.memory_space<hbm>>) dst(%dma_wait3A_2030 : memref<64xi32, #tpu.memory_space<vmem>>)
      %dma_wait3A_2034 = arith.constant 0 : i32
      %dma_wait3A_2035 = arith.constant 3 : i32
      %dma_wait3A_2036 = arith.constant 0 : i32
      %dma_wait3A_2037 = tpu.memref_slice %arg8[%dma_wait3A_2035, %dma_wait3A_2036] : memref<8x64xi32, #tpu.memory_space<vmem>> -> memref<1x64xi32, #tpu.memory_space<vmem>>
      %dma_wait3A_2038 = tpu.memref_squeeze %dma_wait3A_2037 : memref<1x64xi32, #tpu.memory_space<vmem>> -> memref<64xi32, #tpu.memory_space<vmem>>
      %dma_wait3A_2039 = arith.constant 0 : i32
      %dma_wait3A_2040 = tpu.memref_slice %arg3[%add3A, %dma_wait3A_2034, %dma_wait3A_2039] : memref<32x160x64xi32, #tpu.memory_space<hbm>> -> memref<1x1x64xi32, #tpu.memory_space<hbm>>
      %dma_wait3A_2041 = tpu.memref_squeeze %dma_wait3A_2040 : memref<1x1x64xi32, #tpu.memory_space<hbm>> -> memref<64xi32, #tpu.memory_space<hbm>>
      %dma_wait3A_2042 = arith.constant 0 : i32
      %dma_wait3A_2043 = tpu.memref_slice %arg8[%dma_wait3A_2035, %dma_wait3A_2042] : memref<8x64xi32, #tpu.memory_space<vmem>> -> memref<1x64xi32, #tpu.memory_space<vmem>>
      %dma_wait3A_2044 = tpu.memref_squeeze %dma_wait3A_2043 : memref<1x64xi32, #tpu.memory_space<vmem>> -> memref<64xi32, #tpu.memory_space<vmem>>
      %dma_wait3A_2045 = arith.constant 0 : i32
      %dma_wait3A_2046 = tpu.memref_slice %arg3[%add3A, %dma_wait3A_2034, %dma_wait3A_2045] : memref<32x160x64xi32, #tpu.memory_space<hbm>> -> memref<1x1x64xi32, #tpu.memory_space<hbm>>
      %dma_wait3A_2047 = tpu.memref_squeeze %dma_wait3A_2046 : memref<1x1x64xi32, #tpu.memory_space<hbm>> -> memref<64xi32, #tpu.memory_space<hbm>>
      tpu.wait_dma2 semaphore(%arg25 : memref<!tpu.dma_semaphore, #tpu.memory_space<semaphore_mem>>) src(%dma_wait3A_2047 : memref<64xi32, #tpu.memory_space<hbm>>) dst(%dma_wait3A_2044 : memref<64xi32, #tpu.memory_space<vmem>>)
      %dma_start3A_2048 = arith.constant 3 : i32
      %dma_start3A_2049 = arith.constant 0 : i32
      %dma_start3A_2050 = tpu.memref_slice %arg7[%dma_start3A_2048, %dma_start3A_2049] : memref<8x64xi32, #tpu.memory_space<vmem>> -> memref<1x64xi32, #tpu.memory_space<vmem>>
      %dma_start3A_2051 = tpu.memref_squeeze %dma_start3A_2050 : memref<1x64xi32, #tpu.memory_space<vmem>> -> memref<64xi32, #tpu.memory_space<vmem>>
      %dma_start3A_2052 = arith.constant 0 : i32
      %dma_start3A_2053 = arith.constant 0 : i32
      %dma_start3A_2054 = tpu.memref_slice %arg4[%dma_start3A_2052, %dma_start3A_2053] : memref<10000x128xf32, #tpu.memory_space<hbm>> -> memref<10000x128xf32, #tpu.memory_space<hbm>>
      tpu.enqueue_indirect_dma source(%dma_start3A_2054 : memref<10000x128xf32, #tpu.memory_space<hbm>>) target(%arg12 : memref<64x128xf32, #tpu.memory_space<vmem>>) offsets(%dma_start3A_2051 : memref<64xi32, #tpu.memory_space<vmem>>) semaphore(%arg33 : memref<!tpu.dma_semaphore, #tpu.memory_space<semaphore_mem>>)
    }
    %scan3A_1078 = arith.constant 18 : i32
    %dma_wait3A_1079 = arith.constant 0 : i32
    %dma_wait3A_1080 = arith.constant 0 : i32
    %dma_wait3A_1081 = tpu.memref_slice %arg7[%dma_wait3A_1079, %dma_wait3A_1080] : memref<8x64xi32, #tpu.memory_space<vmem>> -> memref<1x64xi32, #tpu.memory_space<vmem>>
    %dma_wait3A_1082 = tpu.memref_squeeze %dma_wait3A_1081 : memref<1x64xi32, #tpu.memory_space<vmem>> -> memref<64xi32, #tpu.memory_space<vmem>>
    %dma_wait3A_1083 = arith.constant 0 : i32
    %dma_wait3A_1084 = arith.constant 0 : i32
    %dma_wait3A_1085 = tpu.memref_slice %arg4[%dma_wait3A_1083, %dma_wait3A_1084] : memref<10000x128xf32, #tpu.memory_space<hbm>> -> memref<10000x128xf32, #tpu.memory_space<hbm>>
    tpu.wait_indirect_dma semaphore(%arg32 : memref<!tpu.dma_semaphore, #tpu.memory_space<semaphore_mem>>) src(%dma_wait3A_1085 : memref<10000x128xf32, #tpu.memory_space<hbm>>) dst(%arg11 : memref<64x128xf32, #tpu.memory_space<vmem>>)
    %dma_wait3A_1086 = arith.constant 1 : i32
    %dma_wait3A_1087 = arith.constant 0 : i32
    %dma_wait3A_1088 = tpu.memref_slice %arg8[%dma_wait3A_1086, %dma_wait3A_1087] : memref<8x64xi32, #tpu.memory_space<vmem>> -> memref<1x64xi32, #tpu.memory_space<vmem>>
    %dma_wait3A_1089 = tpu.memref_squeeze %dma_wait3A_1088 : memref<1x64xi32, #tpu.memory_space<vmem>> -> memref<64xi32, #tpu.memory_space<vmem>>
    %dma_wait3A_1090 = arith.constant 0 : i32
    %dma_wait3A_1091 = arith.constant 0 : i32
    %dma_wait3A_1092 = tpu.memref_slice %arg13[%dma_wait3A_1090, %dma_wait3A_1091] : memref<10064x128xf32, #tpu.memory_space<vmem_shared>> -> memref<10064x128xf32, #tpu.memory_space<vmem_shared>>
    tpu.wait_indirect_dma semaphore(%arg35 : memref<!tpu.dma_semaphore, #tpu.memory_space<semaphore_mem>>) src(%arg10 : memref<64x128xf32, #tpu.memory_space<vmem>>) dst(%dma_wait3A_1092 : memref<10064x128xf32, #tpu.memory_space<vmem_shared>>)
    %dma_start3A_1093 = arith.constant 2 : i32
    %dma_start3A_1094 = arith.constant 0 : i32
    %dma_start3A_1095 = tpu.memref_slice %arg8[%dma_start3A_1093, %dma_start3A_1094] : memref<8x64xi32, #tpu.memory_space<vmem>> -> memref<1x64xi32, #tpu.memory_space<vmem>>
    %dma_start3A_1096 = tpu.memref_squeeze %dma_start3A_1095 : memref<1x64xi32, #tpu.memory_space<vmem>> -> memref<64xi32, #tpu.memory_space<vmem>>
    %dma_start3A_1097 = arith.constant 0 : i32
    %dma_start3A_1098 = arith.constant 0 : i32
    %dma_start3A_1099 = tpu.memref_slice %arg13[%dma_start3A_1097, %dma_start3A_1098] : memref<10064x128xf32, #tpu.memory_space<vmem_shared>> -> memref<10064x128xf32, #tpu.memory_space<vmem_shared>>
    tpu.enqueue_indirect_dma source(%arg11 : memref<64x128xf32, #tpu.memory_space<vmem>>) target(%dma_start3A_1099 : memref<10064x128xf32, #tpu.memory_space<vmem_shared>>) offsets(%dma_start3A_1096 : memref<64xi32, #tpu.memory_space<vmem>>) semaphore(%arg36 : memref<!tpu.dma_semaphore, #tpu.memory_space<semaphore_mem>>) {add = true}
    %dma_wait3A_1100 = arith.constant 0 : i32
    %dma_wait3A_1101 = arith.constant 4 : i32
    %dma_wait3A_1102 = arith.constant 0 : i32
    %dma_wait3A_1103 = tpu.memref_slice %arg7[%dma_wait3A_1101, %dma_wait3A_1102] : memref<8x64xi32, #tpu.memory_space<vmem>> -> memref<1x64xi32, #tpu.memory_space<vmem>>
    %dma_wait3A_1104 = tpu.memref_squeeze %dma_wait3A_1103 : memref<1x64xi32, #tpu.memory_space<vmem>> -> memref<64xi32, #tpu.memory_space<vmem>>
    %dma_wait3A_1105 = arith.constant 0 : i32
    %dma_wait3A_1106 = tpu.memref_slice %arg2[%add3A, %dma_wait3A_1100, %dma_wait3A_1105] : memref<32x160x64xi32, #tpu.memory_space<hbm>> -> memref<1x1x64xi32, #tpu.memory_space<hbm>>
    %dma_wait3A_1107 = tpu.memref_squeeze %dma_wait3A_1106 : memref<1x1x64xi32, #tpu.memory_space<hbm>> -> memref<64xi32, #tpu.memory_space<hbm>>
    %dma_wait3A_1108 = arith.constant 0 : i32
    %dma_wait3A_1109 = tpu.memref_slice %arg7[%dma_wait3A_1101, %dma_wait3A_1108] : memref<8x64xi32, #tpu.memory_space<vmem>> -> memref<1x64xi32, #tpu.memory_space<vmem>>
    %dma_wait3A_1110 = tpu.memref_squeeze %dma_wait3A_1109 : memref<1x64xi32, #tpu.memory_space<vmem>> -> memref<64xi32, #tpu.memory_space<vmem>>
    %dma_wait3A_1111 = arith.constant 0 : i32
    %dma_wait3A_1112 = tpu.memref_slice %arg2[%add3A, %dma_wait3A_1100, %dma_wait3A_1111] : memref<32x160x64xi32, #tpu.memory_space<hbm>> -> memref<1x1x64xi32, #tpu.memory_space<hbm>>
    %dma_wait3A_1113 = tpu.memref_squeeze %dma_wait3A_1112 : memref<1x1x64xi32, #tpu.memory_space<hbm>> -> memref<64xi32, #tpu.memory_space<hbm>>
    tpu.wait_dma2 semaphore(%arg18 : memref<!tpu.dma_semaphore, #tpu.memory_space<semaphore_mem>>) src(%dma_wait3A_1113 : memref<64xi32, #tpu.memory_space<hbm>>) dst(%dma_wait3A_1110 : memref<64xi32, #tpu.memory_space<vmem>>)
    %dma_wait3A_1114 = arith.constant 0 : i32
    %dma_wait3A_1115 = arith.constant 4 : i32
    %dma_wait3A_1116 = arith.constant 0 : i32
    %dma_wait3A_1117 = tpu.memref_slice %arg8[%dma_wait3A_1115, %dma_wait3A_1116] : memref<8x64xi32, #tpu.memory_space<vmem>> -> memref<1x64xi32, #tpu.memory_space<vmem>>
    %dma_wait3A_1118 = tpu.memref_squeeze %dma_wait3A_1117 : memref<1x64xi32, #tpu.memory_space<vmem>> -> memref<64xi32, #tpu.memory_space<vmem>>
    %dma_wait3A_1119 = arith.constant 0 : i32
    %dma_wait3A_1120 = tpu.memref_slice %arg3[%add3A, %dma_wait3A_1114, %dma_wait3A_1119] : memref<32x160x64xi32, #tpu.memory_space<hbm>> -> memref<1x1x64xi32, #tpu.memory_space<hbm>>
    %dma_wait3A_1121 = tpu.memref_squeeze %dma_wait3A_1120 : memref<1x1x64xi32, #tpu.memory_space<hbm>> -> memref<64xi32, #tpu.memory_space<hbm>>
    %dma_wait3A_1122 = arith.constant 0 : i32
    %dma_wait3A_1123 = tpu.memref_slice %arg8[%dma_wait3A_1115, %dma_wait3A_1122] : memref<8x64xi32, #tpu.memory_space<vmem>> -> memref<1x64xi32, #tpu.memory_space<vmem>>
    %dma_wait3A_1124 = tpu.memref_squeeze %dma_wait3A_1123 : memref<1x64xi32, #tpu.memory_space<vmem>> -> memref<64xi32, #tpu.memory_space<vmem>>
    %dma_wait3A_1125 = arith.constant 0 : i32
    %dma_wait3A_1126 = tpu.memref_slice %arg3[%add3A, %dma_wait3A_1114, %dma_wait3A_1125] : memref<32x160x64xi32, #tpu.memory_space<hbm>> -> memref<1x1x64xi32, #tpu.memory_space<hbm>>
    %dma_wait3A_1127 = tpu.memref_squeeze %dma_wait3A_1126 : memref<1x1x64xi32, #tpu.memory_space<hbm>> -> memref<64xi32, #tpu.memory_space<hbm>>
    tpu.wait_dma2 semaphore(%arg26 : memref<!tpu.dma_semaphore, #tpu.memory_space<semaphore_mem>>) src(%dma_wait3A_1127 : memref<64xi32, #tpu.memory_space<hbm>>) dst(%dma_wait3A_1124 : memref<64xi32, #tpu.memory_space<vmem>>)
    %dma_start3A_1128 = arith.constant 4 : i32
    %dma_start3A_1129 = arith.constant 0 : i32
    %dma_start3A_1130 = tpu.memref_slice %arg7[%dma_start3A_1128, %dma_start3A_1129] : memref<8x64xi32, #tpu.memory_space<vmem>> -> memref<1x64xi32, #tpu.memory_space<vmem>>
    %dma_start3A_1131 = tpu.memref_squeeze %dma_start3A_1130 : memref<1x64xi32, #tpu.memory_space<vmem>> -> memref<64xi32, #tpu.memory_space<vmem>>
    %dma_start3A_1132 = arith.constant 0 : i32
    %dma_start3A_1133 = arith.constant 0 : i32
    %dma_start3A_1134 = tpu.memref_slice %arg4[%dma_start3A_1132, %dma_start3A_1133] : memref<10000x128xf32, #tpu.memory_space<hbm>> -> memref<10000x128xf32, #tpu.memory_space<hbm>>
    tpu.enqueue_indirect_dma source(%dma_start3A_1134 : memref<10000x128xf32, #tpu.memory_space<hbm>>) target(%arg9 : memref<64x128xf32, #tpu.memory_space<vmem>>) offsets(%dma_start3A_1131 : memref<64xi32, #tpu.memory_space<vmem>>) semaphore(%arg30 : memref<!tpu.dma_semaphore, #tpu.memory_space<semaphore_mem>>)
    %dma_wait3A_1135 = arith.constant 0 : i32
    %dma_wait3A_1136 = arith.constant 0 : i32
    %dma_wait3A_1137 = tpu.memref_slice %arg7[%dma_wait3A_1135, %dma_wait3A_1136] : memref<8x64xi32, #tpu.memory_space<vmem>> -> memref<1x64xi32, #tpu.memory_space<vmem>>
    %dma_wait3A_1138 = tpu.memref_squeeze %dma_wait3A_1137 : memref<1x64xi32, #tpu.memory_space<vmem>> -> memref<64xi32, #tpu.memory_space<vmem>>
    %dma_wait3A_1139 = arith.constant 0 : i32
    %dma_wait3A_1140 = arith.constant 0 : i32
    %dma_wait3A_1141 = tpu.memref_slice %arg4[%dma_wait3A_1139, %dma_wait3A_1140] : memref<10000x128xf32, #tpu.memory_space<hbm>> -> memref<10000x128xf32, #tpu.memory_space<hbm>>
    tpu.wait_indirect_dma semaphore(%arg33 : memref<!tpu.dma_semaphore, #tpu.memory_space<semaphore_mem>>) src(%dma_wait3A_1141 : memref<10000x128xf32, #tpu.memory_space<hbm>>) dst(%arg12 : memref<64x128xf32, #tpu.memory_space<vmem>>)
    %dma_wait3A_1142 = arith.constant 2 : i32
    %dma_wait3A_1143 = arith.constant 0 : i32
    %dma_wait3A_1144 = tpu.memref_slice %arg8[%dma_wait3A_1142, %dma_wait3A_1143] : memref<8x64xi32, #tpu.memory_space<vmem>> -> memref<1x64xi32, #tpu.memory_space<vmem>>
    %dma_wait3A_1145 = tpu.memref_squeeze %dma_wait3A_1144 : memref<1x64xi32, #tpu.memory_space<vmem>> -> memref<64xi32, #tpu.memory_space<vmem>>
    %dma_wait3A_1146 = arith.constant 0 : i32
    %dma_wait3A_1147 = arith.constant 0 : i32
    %dma_wait3A_1148 = tpu.memref_slice %arg13[%dma_wait3A_1146, %dma_wait3A_1147] : memref<10064x128xf32, #tpu.memory_space<vmem_shared>> -> memref<10064x128xf32, #tpu.memory_space<vmem_shared>>
    tpu.wait_indirect_dma semaphore(%arg36 : memref<!tpu.dma_semaphore, #tpu.memory_space<semaphore_mem>>) src(%arg11 : memref<64x128xf32, #tpu.memory_space<vmem>>) dst(%dma_wait3A_1148 : memref<10064x128xf32, #tpu.memory_space<vmem_shared>>)
    %dma_start3A_1149 = arith.constant 3 : i32
    %dma_start3A_1150 = arith.constant 0 : i32
    %dma_start3A_1151 = tpu.memref_slice %arg8[%dma_start3A_1149, %dma_start3A_1150] : memref<8x64xi32, #tpu.memory_space<vmem>> -> memref<1x64xi32, #tpu.memory_space<vmem>>
    %dma_start3A_1152 = tpu.memref_squeeze %dma_start3A_1151 : memref<1x64xi32, #tpu.memory_space<vmem>> -> memref<64xi32, #tpu.memory_space<vmem>>
    %dma_start3A_1153 = arith.constant 0 : i32
    %dma_start3A_1154 = arith.constant 0 : i32
    %dma_start3A_1155 = tpu.memref_slice %arg13[%dma_start3A_1153, %dma_start3A_1154] : memref<10064x128xf32, #tpu.memory_space<vmem_shared>> -> memref<10064x128xf32, #tpu.memory_space<vmem_shared>>
    tpu.enqueue_indirect_dma source(%arg12 : memref<64x128xf32, #tpu.memory_space<vmem>>) target(%dma_start3A_1155 : memref<10064x128xf32, #tpu.memory_space<vmem_shared>>) offsets(%dma_start3A_1152 : memref<64xi32, #tpu.memory_space<vmem>>) semaphore(%arg37 : memref<!tpu.dma_semaphore, #tpu.memory_space<semaphore_mem>>) {add = true}
    %dma_wait3A_1156 = arith.constant 0 : i32
    %dma_wait3A_1157 = arith.constant 5 : i32
    %dma_wait3A_1158 = arith.constant 0 : i32
    %dma_wait3A_1159 = tpu.memref_slice %arg7[%dma_wait3A_1157, %dma_wait3A_1158] : memref<8x64xi32, #tpu.memory_space<vmem>> -> memref<1x64xi32, #tpu.memory_space<vmem>>
    %dma_wait3A_1160 = tpu.memref_squeeze %dma_wait3A_1159 : memref<1x64xi32, #tpu.memory_space<vmem>> -> memref<64xi32, #tpu.memory_space<vmem>>
    %dma_wait3A_1161 = arith.constant 0 : i32
    %dma_wait3A_1162 = tpu.memref_slice %arg2[%add3A, %dma_wait3A_1156, %dma_wait3A_1161] : memref<32x160x64xi32, #tpu.memory_space<hbm>> -> memref<1x1x64xi32, #tpu.memory_space<hbm>>
    %dma_wait3A_1163 = tpu.memref_squeeze %dma_wait3A_1162 : memref<1x1x64xi32, #tpu.memory_space<hbm>> -> memref<64xi32, #tpu.memory_space<hbm>>
    %dma_wait3A_1164 = arith.constant 0 : i32
    %dma_wait3A_1165 = tpu.memref_slice %arg7[%dma_wait3A_1157, %dma_wait3A_1164] : memref<8x64xi32, #tpu.memory_space<vmem>> -> memref<1x64xi32, #tpu.memory_space<vmem>>
    %dma_wait3A_1166 = tpu.memref_squeeze %dma_wait3A_1165 : memref<1x64xi32, #tpu.memory_space<vmem>> -> memref<64xi32, #tpu.memory_space<vmem>>
    %dma_wait3A_1167 = arith.constant 0 : i32
    %dma_wait3A_1168 = tpu.memref_slice %arg2[%add3A, %dma_wait3A_1156, %dma_wait3A_1167] : memref<32x160x64xi32, #tpu.memory_space<hbm>> -> memref<1x1x64xi32, #tpu.memory_space<hbm>>
    %dma_wait3A_1169 = tpu.memref_squeeze %dma_wait3A_1168 : memref<1x1x64xi32, #tpu.memory_space<hbm>> -> memref<64xi32, #tpu.memory_space<hbm>>
    tpu.wait_dma2 semaphore(%arg19 : memref<!tpu.dma_semaphore, #tpu.memory_space<semaphore_mem>>) src(%dma_wait3A_1169 : memref<64xi32, #tpu.memory_space<hbm>>) dst(%dma_wait3A_1166 : memref<64xi32, #tpu.memory_space<vmem>>)
    %dma_wait3A_1170 = arith.constant 0 : i32
    %dma_wait3A_1171 = arith.constant 5 : i32
    %dma_wait3A_1172 = arith.constant 0 : i32
    %dma_wait3A_1173 = tpu.memref_slice %arg8[%dma_wait3A_1171, %dma_wait3A_1172] : memref<8x64xi32, #tpu.memory_space<vmem>> -> memref<1x64xi32, #tpu.memory_space<vmem>>
    %dma_wait3A_1174 = tpu.memref_squeeze %dma_wait3A_1173 : memref<1x64xi32, #tpu.memory_space<vmem>> -> memref<64xi32, #tpu.memory_space<vmem>>
    %dma_wait3A_1175 = arith.constant 0 : i32
    %dma_wait3A_1176 = tpu.memref_slice %arg3[%add3A, %dma_wait3A_1170, %dma_wait3A_1175] : memref<32x160x64xi32, #tpu.memory_space<hbm>> -> memref<1x1x64xi32, #tpu.memory_space<hbm>>
    %dma_wait3A_1177 = tpu.memref_squeeze %dma_wait3A_1176 : memref<1x1x64xi32, #tpu.memory_space<hbm>> -> memref<64xi32, #tpu.memory_space<hbm>>
    %dma_wait3A_1178 = arith.constant 0 : i32
    %dma_wait3A_1179 = tpu.memref_slice %arg8[%dma_wait3A_1171, %dma_wait3A_1178] : memref<8x64xi32, #tpu.memory_space<vmem>> -> memref<1x64xi32, #tpu.memory_space<vmem>>
    %dma_wait3A_1180 = tpu.memref_squeeze %dma_wait3A_1179 : memref<1x64xi32, #tpu.memory_space<vmem>> -> memref<64xi32, #tpu.memory_space<vmem>>
    %dma_wait3A_1181 = arith.constant 0 : i32
    %dma_wait3A_1182 = tpu.memref_slice %arg3[%add3A, %dma_wait3A_1170, %dma_wait3A_1181] : memref<32x160x64xi32, #tpu.memory_space<hbm>> -> memref<1x1x64xi32, #tpu.memory_space<hbm>>
    %dma_wait3A_1183 = tpu.memref_squeeze %dma_wait3A_1182 : memref<1x1x64xi32, #tpu.memory_space<hbm>> -> memref<64xi32, #tpu.memory_space<hbm>>
    tpu.wait_dma2 semaphore(%arg27 : memref<!tpu.dma_semaphore, #tpu.memory_space<semaphore_mem>>) src(%dma_wait3A_1183 : memref<64xi32, #tpu.memory_space<hbm>>) dst(%dma_wait3A_1180 : memref<64xi32, #tpu.memory_space<vmem>>)
    %dma_start3A_1184 = arith.constant 5 : i32
    %dma_start3A_1185 = arith.constant 0 : i32
    %dma_start3A_1186 = tpu.memref_slice %arg7[%dma_start3A_1184, %dma_start3A_1185] : memref<8x64xi32, #tpu.memory_space<vmem>> -> memref<1x64xi32, #tpu.memory_space<vmem>>
    %dma_start3A_1187 = tpu.memref_squeeze %dma_start3A_1186 : memref<1x64xi32, #tpu.memory_space<vmem>> -> memref<64xi32, #tpu.memory_space<vmem>>
    %dma_start3A_1188 = arith.constant 0 : i32
    %dma_start3A_1189 = arith.constant 0 : i32
    %dma_start3A_1190 = tpu.memref_slice %arg4[%dma_start3A_1188, %dma_start3A_1189] : memref<10000x128xf32, #tpu.memory_space<hbm>> -> memref<10000x128xf32, #tpu.memory_space<hbm>>
    tpu.enqueue_indirect_dma source(%dma_start3A_1190 : memref<10000x128xf32, #tpu.memory_space<hbm>>) target(%arg10 : memref<64x128xf32, #tpu.memory_space<vmem>>) offsets(%dma_start3A_1187 : memref<64xi32, #tpu.memory_space<vmem>>) semaphore(%arg31 : memref<!tpu.dma_semaphore, #tpu.memory_space<semaphore_mem>>)
    %dma_wait3A_1191 = arith.constant 0 : i32
    %dma_wait3A_1192 = arith.constant 0 : i32
    %dma_wait3A_1193 = tpu.memref_slice %arg7[%dma_wait3A_1191, %dma_wait3A_1192] : memref<8x64xi32, #tpu.memory_space<vmem>> -> memref<1x64xi32, #tpu.memory_space<vmem>>
    %dma_wait3A_1194 = tpu.memref_squeeze %dma_wait3A_1193 : memref<1x64xi32, #tpu.memory_space<vmem>> -> memref<64xi32, #tpu.memory_space<vmem>>
    %dma_wait3A_1195 = arith.constant 0 : i32
    %dma_wait3A_1196 = arith.constant 0 : i32
    %dma_wait3A_1197 = tpu.memref_slice %arg4[%dma_wait3A_1195, %dma_wait3A_1196] : memref<10000x128xf32, #tpu.memory_space<hbm>> -> memref<10000x128xf32, #tpu.memory_space<hbm>>
    tpu.wait_indirect_dma semaphore(%arg30 : memref<!tpu.dma_semaphore, #tpu.memory_space<semaphore_mem>>) src(%dma_wait3A_1197 : memref<10000x128xf32, #tpu.memory_space<hbm>>) dst(%arg9 : memref<64x128xf32, #tpu.memory_space<vmem>>)
    %dma_wait3A_1198 = arith.constant 3 : i32
    %dma_wait3A_1199 = arith.constant 0 : i32
    %dma_wait3A_1200 = tpu.memref_slice %arg8[%dma_wait3A_1198, %dma_wait3A_1199] : memref<8x64xi32, #tpu.memory_space<vmem>> -> memref<1x64xi32, #tpu.memory_space<vmem>>
    %dma_wait3A_1201 = tpu.memref_squeeze %dma_wait3A_1200 : memref<1x64xi32, #tpu.memory_space<vmem>> -> memref<64xi32, #tpu.memory_space<vmem>>
    %dma_wait3A_1202 = arith.constant 0 : i32
    %dma_wait3A_1203 = arith.constant 0 : i32
    %dma_wait3A_1204 = tpu.memref_slice %arg13[%dma_wait3A_1202, %dma_wait3A_1203] : memref<10064x128xf32, #tpu.memory_space<vmem_shared>> -> memref<10064x128xf32, #tpu.memory_space<vmem_shared>>
    tpu.wait_indirect_dma semaphore(%arg37 : memref<!tpu.dma_semaphore, #tpu.memory_space<semaphore_mem>>) src(%arg12 : memref<64x128xf32, #tpu.memory_space<vmem>>) dst(%dma_wait3A_1204 : memref<10064x128xf32, #tpu.memory_space<vmem_shared>>)
    %dma_start3A_1205 = arith.constant 4 : i32
    %dma_start3A_1206 = arith.constant 0 : i32
    %dma_start3A_1207 = tpu.memref_slice %arg8[%dma_start3A_1205, %dma_start3A_1206] : memref<8x64xi32, #tpu.memory_space<vmem>> -> memref<1x64xi32, #tpu.memory_space<vmem>>
    %dma_start3A_1208 = tpu.memref_squeeze %dma_start3A_1207 : memref<1x64xi32, #tpu.memory_space<vmem>> -> memref<64xi32, #tpu.memory_space<vmem>>
    %dma_start3A_1209 = arith.constant 0 : i32
    %dma_start3A_1210 = arith.constant 0 : i32
    %dma_start3A_1211 = tpu.memref_slice %arg13[%dma_start3A_1209, %dma_start3A_1210] : memref<10064x128xf32, #tpu.memory_space<vmem_shared>> -> memref<10064x128xf32, #tpu.memory_space<vmem_shared>>
    tpu.enqueue_indirect_dma source(%arg9 : memref<64x128xf32, #tpu.memory_space<vmem>>) target(%dma_start3A_1211 : memref<10064x128xf32, #tpu.memory_space<vmem_shared>>) offsets(%dma_start3A_1208 : memref<64xi32, #tpu.memory_space<vmem>>) semaphore(%arg34 : memref<!tpu.dma_semaphore, #tpu.memory_space<semaphore_mem>>) {add = true}
    %dma_wait3A_1212 = arith.constant 0 : i32
    %dma_wait3A_1213 = arith.constant 6 : i32
    %dma_wait3A_1214 = arith.constant 0 : i32
    %dma_wait3A_1215 = tpu.memref_slice %arg7[%dma_wait3A_1213, %dma_wait3A_1214] : memref<8x64xi32, #tpu.memory_space<vmem>> -> memref<1x64xi32, #tpu.memory_space<vmem>>
    %dma_wait3A_1216 = tpu.memref_squeeze %dma_wait3A_1215 : memref<1x64xi32, #tpu.memory_space<vmem>> -> memref<64xi32, #tpu.memory_space<vmem>>
    %dma_wait3A_1217 = arith.constant 0 : i32
    %dma_wait3A_1218 = tpu.memref_slice %arg2[%add3A, %dma_wait3A_1212, %dma_wait3A_1217] : memref<32x160x64xi32, #tpu.memory_space<hbm>> -> memref<1x1x64xi32, #tpu.memory_space<hbm>>
    %dma_wait3A_1219 = tpu.memref_squeeze %dma_wait3A_1218 : memref<1x1x64xi32, #tpu.memory_space<hbm>> -> memref<64xi32, #tpu.memory_space<hbm>>
    %dma_wait3A_1220 = arith.constant 0 : i32
    %dma_wait3A_1221 = tpu.memref_slice %arg7[%dma_wait3A_1213, %dma_wait3A_1220] : memref<8x64xi32, #tpu.memory_space<vmem>> -> memref<1x64xi32, #tpu.memory_space<vmem>>
    %dma_wait3A_1222 = tpu.memref_squeeze %dma_wait3A_1221 : memref<1x64xi32, #tpu.memory_space<vmem>> -> memref<64xi32, #tpu.memory_space<vmem>>
    %dma_wait3A_1223 = arith.constant 0 : i32
    %dma_wait3A_1224 = tpu.memref_slice %arg2[%add3A, %dma_wait3A_1212, %dma_wait3A_1223] : memref<32x160x64xi32, #tpu.memory_space<hbm>> -> memref<1x1x64xi32, #tpu.memory_space<hbm>>
    %dma_wait3A_1225 = tpu.memref_squeeze %dma_wait3A_1224 : memref<1x1x64xi32, #tpu.memory_space<hbm>> -> memref<64xi32, #tpu.memory_space<hbm>>
    tpu.wait_dma2 semaphore(%arg20 : memref<!tpu.dma_semaphore, #tpu.memory_space<semaphore_mem>>) src(%dma_wait3A_1225 : memref<64xi32, #tpu.memory_space<hbm>>) dst(%dma_wait3A_1222 : memref<64xi32, #tpu.memory_space<vmem>>)
    %dma_wait3A_1226 = arith.constant 0 : i32
    %dma_wait3A_1227 = arith.constant 6 : i32
    %dma_wait3A_1228 = arith.constant 0 : i32
    %dma_wait3A_1229 = tpu.memref_slice %arg8[%dma_wait3A_1227, %dma_wait3A_1228] : memref<8x64xi32, #tpu.memory_space<vmem>> -> memref<1x64xi32, #tpu.memory_space<vmem>>
    %dma_wait3A_1230 = tpu.memref_squeeze %dma_wait3A_1229 : memref<1x64xi32, #tpu.memory_space<vmem>> -> memref<64xi32, #tpu.memory_space<vmem>>
    %dma_wait3A_1231 = arith.constant 0 : i32
    %dma_wait3A_1232 = tpu.memref_slice %arg3[%add3A, %dma_wait3A_1226, %dma_wait3A_1231] : memref<32x160x64xi32, #tpu.memory_space<hbm>> -> memref<1x1x64xi32, #tpu.memory_space<hbm>>
    %dma_wait3A_1233 = tpu.memref_squeeze %dma_wait3A_1232 : memref<1x1x64xi32, #tpu.memory_space<hbm>> -> memref<64xi32, #tpu.memory_space<hbm>>
    %dma_wait3A_1234 = arith.constant 0 : i32
    %dma_wait3A_1235 = tpu.memref_slice %arg8[%dma_wait3A_1227, %dma_wait3A_1234] : memref<8x64xi32, #tpu.memory_space<vmem>> -> memref<1x64xi32, #tpu.memory_space<vmem>>
    %dma_wait3A_1236 = tpu.memref_squeeze %dma_wait3A_1235 : memref<1x64xi32, #tpu.memory_space<vmem>> -> memref<64xi32, #tpu.memory_space<vmem>>
    %dma_wait3A_1237 = arith.constant 0 : i32
    %dma_wait3A_1238 = tpu.memref_slice %arg3[%add3A, %dma_wait3A_1226, %dma_wait3A_1237] : memref<32x160x64xi32, #tpu.memory_space<hbm>> -> memref<1x1x64xi32, #tpu.memory_space<hbm>>
    %dma_wait3A_1239 = tpu.memref_squeeze %dma_wait3A_1238 : memref<1x1x64xi32, #tpu.memory_space<hbm>> -> memref<64xi32, #tpu.memory_space<hbm>>
    tpu.wait_dma2 semaphore(%arg28 : memref<!tpu.dma_semaphore, #tpu.memory_space<semaphore_mem>>) src(%dma_wait3A_1239 : memref<64xi32, #tpu.memory_space<hbm>>) dst(%dma_wait3A_1236 : memref<64xi32, #tpu.memory_space<vmem>>)
    %dma_start3A_1240 = arith.constant 6 : i32
    %dma_start3A_1241 = arith.constant 0 : i32
    %dma_start3A_1242 = tpu.memref_slice %arg7[%dma_start3A_1240, %dma_start3A_1241] : memref<8x64xi32, #tpu.memory_space<vmem>> -> memref<1x64xi32, #tpu.memory_space<vmem>>
    %dma_start3A_1243 = tpu.memref_squeeze %dma_start3A_1242 : memref<1x64xi32, #tpu.memory_space<vmem>> -> memref<64xi32, #tpu.memory_space<vmem>>
    %dma_start3A_1244 = arith.constant 0 : i32
    %dma_start3A_1245 = arith.constant 0 : i32
    %dma_start3A_1246 = tpu.memref_slice %arg4[%dma_start3A_1244, %dma_start3A_1245] : memref<10000x128xf32, #tpu.memory_space<hbm>> -> memref<10000x128xf32, #tpu.memory_space<hbm>>
    tpu.enqueue_indirect_dma source(%dma_start3A_1246 : memref<10000x128xf32, #tpu.memory_space<hbm>>) target(%arg11 : memref<64x128xf32, #tpu.memory_space<vmem>>) offsets(%dma_start3A_1243 : memref<64xi32, #tpu.memory_space<vmem>>) semaphore(%arg32 : memref<!tpu.dma_semaphore, #tpu.memory_space<semaphore_mem>>)
    %dma_wait3A_1247 = arith.constant 0 : i32
    %dma_wait3A_1248 = arith.constant 0 : i32
    %dma_wait3A_1249 = tpu.memref_slice %arg7[%dma_wait3A_1247, %dma_wait3A_1248] : memref<8x64xi32, #tpu.memory_space<vmem>> -> memref<1x64xi32, #tpu.memory_space<vmem>>
    %dma_wait3A_1250 = tpu.memref_squeeze %dma_wait3A_1249 : memref<1x64xi32, #tpu.memory_space<vmem>> -> memref<64xi32, #tpu.memory_space<vmem>>
    %dma_wait3A_1251 = arith.constant 0 : i32
    %dma_wait3A_1252 = arith.constant 0 : i32
    %dma_wait3A_1253 = tpu.memref_slice %arg4[%dma_wait3A_1251, %dma_wait3A_1252] : memref<10000x128xf32, #tpu.memory_space<hbm>> -> memref<10000x128xf32, #tpu.memory_space<hbm>>
    tpu.wait_indirect_dma semaphore(%arg31 : memref<!tpu.dma_semaphore, #tpu.memory_space<semaphore_mem>>) src(%dma_wait3A_1253 : memref<10000x128xf32, #tpu.memory_space<hbm>>) dst(%arg10 : memref<64x128xf32, #tpu.memory_space<vmem>>)
    %dma_wait3A_1254 = arith.constant 4 : i32
    %dma_wait3A_1255 = arith.constant 0 : i32
    %dma_wait3A_1256 = tpu.memref_slice %arg8[%dma_wait3A_1254, %dma_wait3A_1255] : memref<8x64xi32, #tpu.memory_space<vmem>> -> memref<1x64xi32, #tpu.memory_space<vmem>>
    %dma_wait3A_1257 = tpu.memref_squeeze %dma_wait3A_1256 : memref<1x64xi32, #tpu.memory_space<vmem>> -> memref<64xi32, #tpu.memory_space<vmem>>
    %dma_wait3A_1258 = arith.constant 0 : i32
    %dma_wait3A_1259 = arith.constant 0 : i32
    %dma_wait3A_1260 = tpu.memref_slice %arg13[%dma_wait3A_1258, %dma_wait3A_1259] : memref<10064x128xf32, #tpu.memory_space<vmem_shared>> -> memref<10064x128xf32, #tpu.memory_space<vmem_shared>>
    tpu.wait_indirect_dma semaphore(%arg34 : memref<!tpu.dma_semaphore, #tpu.memory_space<semaphore_mem>>) src(%arg9 : memref<64x128xf32, #tpu.memory_space<vmem>>) dst(%dma_wait3A_1260 : memref<10064x128xf32, #tpu.memory_space<vmem_shared>>)
    %dma_start3A_1261 = arith.constant 5 : i32
    %dma_start3A_1262 = arith.constant 0 : i32
    %dma_start3A_1263 = tpu.memref_slice %arg8[%dma_start3A_1261, %dma_start3A_1262] : memref<8x64xi32, #tpu.memory_space<vmem>> -> memref<1x64xi32, #tpu.memory_space<vmem>>
    %dma_start3A_1264 = tpu.memref_squeeze %dma_start3A_1263 : memref<1x64xi32, #tpu.memory_space<vmem>> -> memref<64xi32, #tpu.memory_space<vmem>>
    %dma_start3A_1265 = arith.constant 0 : i32
    %dma_start3A_1266 = arith.constant 0 : i32
    %dma_start3A_1267 = tpu.memref_slice %arg13[%dma_start3A_1265, %dma_start3A_1266] : memref<10064x128xf32, #tpu.memory_space<vmem_shared>> -> memref<10064x128xf32, #tpu.memory_space<vmem_shared>>
    tpu.enqueue_indirect_dma source(%arg10 : memref<64x128xf32, #tpu.memory_space<vmem>>) target(%dma_start3A_1267 : memref<10064x128xf32, #tpu.memory_space<vmem_shared>>) offsets(%dma_start3A_1264 : memref<64xi32, #tpu.memory_space<vmem>>) semaphore(%arg35 : memref<!tpu.dma_semaphore, #tpu.memory_space<semaphore_mem>>) {add = true}
    %dma_wait3A_1268 = arith.constant 0 : i32
    %dma_wait3A_1269 = arith.constant 7 : i32
    %dma_wait3A_1270 = arith.constant 0 : i32
    %dma_wait3A_1271 = tpu.memref_slice %arg7[%dma_wait3A_1269, %dma_wait3A_1270] : memref<8x64xi32, #tpu.memory_space<vmem>> -> memref<1x64xi32, #tpu.memory_space<vmem>>
    %dma_wait3A_1272 = tpu.memref_squeeze %dma_wait3A_1271 : memref<1x64xi32, #tpu.memory_space<vmem>> -> memref<64xi32, #tpu.memory_space<vmem>>
    %dma_wait3A_1273 = arith.constant 0 : i32
    %dma_wait3A_1274 = tpu.memref_slice %arg2[%add3A, %dma_wait3A_1268, %dma_wait3A_1273] : memref<32x160x64xi32, #tpu.memory_space<hbm>> -> memref<1x1x64xi32, #tpu.memory_space<hbm>>
    %dma_wait3A_1275 = tpu.memref_squeeze %dma_wait3A_1274 : memref<1x1x64xi32, #tpu.memory_space<hbm>> -> memref<64xi32, #tpu.memory_space<hbm>>
    %dma_wait3A_1276 = arith.constant 0 : i32
    %dma_wait3A_1277 = tpu.memref_slice %arg7[%dma_wait3A_1269, %dma_wait3A_1276] : memref<8x64xi32, #tpu.memory_space<vmem>> -> memref<1x64xi32, #tpu.memory_space<vmem>>
    %dma_wait3A_1278 = tpu.memref_squeeze %dma_wait3A_1277 : memref<1x64xi32, #tpu.memory_space<vmem>> -> memref<64xi32, #tpu.memory_space<vmem>>
    %dma_wait3A_1279 = arith.constant 0 : i32
    %dma_wait3A_1280 = tpu.memref_slice %arg2[%add3A, %dma_wait3A_1268, %dma_wait3A_1279] : memref<32x160x64xi32, #tpu.memory_space<hbm>> -> memref<1x1x64xi32, #tpu.memory_space<hbm>>
    %dma_wait3A_1281 = tpu.memref_squeeze %dma_wait3A_1280 : memref<1x1x64xi32, #tpu.memory_space<hbm>> -> memref<64xi32, #tpu.memory_space<hbm>>
    tpu.wait_dma2 semaphore(%arg21 : memref<!tpu.dma_semaphore, #tpu.memory_space<semaphore_mem>>) src(%dma_wait3A_1281 : memref<64xi32, #tpu.memory_space<hbm>>) dst(%dma_wait3A_1278 : memref<64xi32, #tpu.memory_space<vmem>>)
    %dma_wait3A_1282 = arith.constant 0 : i32
    %dma_wait3A_1283 = arith.constant 7 : i32
    %dma_wait3A_1284 = arith.constant 0 : i32
    %dma_wait3A_1285 = tpu.memref_slice %arg8[%dma_wait3A_1283, %dma_wait3A_1284] : memref<8x64xi32, #tpu.memory_space<vmem>> -> memref<1x64xi32, #tpu.memory_space<vmem>>
    %dma_wait3A_1286 = tpu.memref_squeeze %dma_wait3A_1285 : memref<1x64xi32, #tpu.memory_space<vmem>> -> memref<64xi32, #tpu.memory_space<vmem>>
    %dma_wait3A_1287 = arith.constant 0 : i32
    %dma_wait3A_1288 = tpu.memref_slice %arg3[%add3A, %dma_wait3A_1282, %dma_wait3A_1287] : memref<32x160x64xi32, #tpu.memory_space<hbm>> -> memref<1x1x64xi32, #tpu.memory_space<hbm>>
    %dma_wait3A_1289 = tpu.memref_squeeze %dma_wait3A_1288 : memref<1x1x64xi32, #tpu.memory_space<hbm>> -> memref<64xi32, #tpu.memory_space<hbm>>
    %dma_wait3A_1290 = arith.constant 0 : i32
    %dma_wait3A_1291 = tpu.memref_slice %arg8[%dma_wait3A_1283, %dma_wait3A_1290] : memref<8x64xi32, #tpu.memory_space<vmem>> -> memref<1x64xi32, #tpu.memory_space<vmem>>
    %dma_wait3A_1292 = tpu.memref_squeeze %dma_wait3A_1291 : memref<1x64xi32, #tpu.memory_space<vmem>> -> memref<64xi32, #tpu.memory_space<vmem>>
    %dma_wait3A_1293 = arith.constant 0 : i32
    %dma_wait3A_1294 = tpu.memref_slice %arg3[%add3A, %dma_wait3A_1282, %dma_wait3A_1293] : memref<32x160x64xi32, #tpu.memory_space<hbm>> -> memref<1x1x64xi32, #tpu.memory_space<hbm>>
    %dma_wait3A_1295 = tpu.memref_squeeze %dma_wait3A_1294 : memref<1x1x64xi32, #tpu.memory_space<hbm>> -> memref<64xi32, #tpu.memory_space<hbm>>
    tpu.wait_dma2 semaphore(%arg29 : memref<!tpu.dma_semaphore, #tpu.memory_space<semaphore_mem>>) src(%dma_wait3A_1295 : memref<64xi32, #tpu.memory_space<hbm>>) dst(%dma_wait3A_1292 : memref<64xi32, #tpu.memory_space<vmem>>)
    %dma_start3A_1296 = arith.constant 7 : i32
    %dma_start3A_1297 = arith.constant 0 : i32
    %dma_start3A_1298 = tpu.memref_slice %arg7[%dma_start3A_1296, %dma_start3A_1297] : memref<8x64xi32, #tpu.memory_space<vmem>> -> memref<1x64xi32, #tpu.memory_space<vmem>>
    %dma_start3A_1299 = tpu.memref_squeeze %dma_start3A_1298 : memref<1x64xi32, #tpu.memory_space<vmem>> -> memref<64xi32, #tpu.memory_space<vmem>>
    %dma_start3A_1300 = arith.constant 0 : i32
    %dma_start3A_1301 = arith.constant 0 : i32
    %dma_start3A_1302 = tpu.memref_slice %arg4[%dma_start3A_1300, %dma_start3A_1301] : memref<10000x128xf32, #tpu.memory_space<hbm>> -> memref<10000x128xf32, #tpu.memory_space<hbm>>
    tpu.enqueue_indirect_dma source(%dma_start3A_1302 : memref<10000x128xf32, #tpu.memory_space<hbm>>) target(%arg12 : memref<64x128xf32, #tpu.memory_space<vmem>>) offsets(%dma_start3A_1299 : memref<64xi32, #tpu.memory_space<vmem>>) semaphore(%arg33 : memref<!tpu.dma_semaphore, #tpu.memory_space<semaphore_mem>>)
    %dma_wait3A_1303 = arith.constant 0 : i32
    %dma_wait3A_1304 = arith.constant 0 : i32
    %dma_wait3A_1305 = tpu.memref_slice %arg7[%dma_wait3A_1303, %dma_wait3A_1304] : memref<8x64xi32, #tpu.memory_space<vmem>> -> memref<1x64xi32, #tpu.memory_space<vmem>>
    %dma_wait3A_1306 = tpu.memref_squeeze %dma_wait3A_1305 : memref<1x64xi32, #tpu.memory_space<vmem>> -> memref<64xi32, #tpu.memory_space<vmem>>
    %dma_wait3A_1307 = arith.constant 0 : i32
    %dma_wait3A_1308 = arith.constant 0 : i32
    %dma_wait3A_1309 = tpu.memref_slice %arg4[%dma_wait3A_1307, %dma_wait3A_1308] : memref<10000x128xf32, #tpu.memory_space<hbm>> -> memref<10000x128xf32, #tpu.memory_space<hbm>>
    tpu.wait_indirect_dma semaphore(%arg32 : memref<!tpu.dma_semaphore, #tpu.memory_space<semaphore_mem>>) src(%dma_wait3A_1309 : memref<10000x128xf32, #tpu.memory_space<hbm>>) dst(%arg11 : memref<64x128xf32, #tpu.memory_space<vmem>>)
    %dma_wait3A_1310 = arith.constant 5 : i32
    %dma_wait3A_1311 = arith.constant 0 : i32
    %dma_wait3A_1312 = tpu.memref_slice %arg8[%dma_wait3A_1310, %dma_wait3A_1311] : memref<8x64xi32, #tpu.memory_space<vmem>> -> memref<1x64xi32, #tpu.memory_space<vmem>>
    %dma_wait3A_1313 = tpu.memref_squeeze %dma_wait3A_1312 : memref<1x64xi32, #tpu.memory_space<vmem>> -> memref<64xi32, #tpu.memory_space<vmem>>
    %dma_wait3A_1314 = arith.constant 0 : i32
    %dma_wait3A_1315 = arith.constant 0 : i32
    %dma_wait3A_1316 = tpu.memref_slice %arg13[%dma_wait3A_1314, %dma_wait3A_1315] : memref<10064x128xf32, #tpu.memory_space<vmem_shared>> -> memref<10064x128xf32, #tpu.memory_space<vmem_shared>>
    tpu.wait_indirect_dma semaphore(%arg35 : memref<!tpu.dma_semaphore, #tpu.memory_space<semaphore_mem>>) src(%arg10 : memref<64x128xf32, #tpu.memory_space<vmem>>) dst(%dma_wait3A_1316 : memref<10064x128xf32, #tpu.memory_space<vmem_shared>>)
    %dma_start3A_1317 = arith.constant 6 : i32
    %dma_start3A_1318 = arith.constant 0 : i32
    %dma_start3A_1319 = tpu.memref_slice %arg8[%dma_start3A_1317, %dma_start3A_1318] : memref<8x64xi32, #tpu.memory_space<vmem>> -> memref<1x64xi32, #tpu.memory_space<vmem>>
    %dma_start3A_1320 = tpu.memref_squeeze %dma_start3A_1319 : memref<1x64xi32, #tpu.memory_space<vmem>> -> memref<64xi32, #tpu.memory_space<vmem>>
    %dma_start3A_1321 = arith.constant 0 : i32
    %dma_start3A_1322 = arith.constant 0 : i32
    %dma_start3A_1323 = tpu.memref_slice %arg13[%dma_start3A_1321, %dma_start3A_1322] : memref<10064x128xf32, #tpu.memory_space<vmem_shared>> -> memref<10064x128xf32, #tpu.memory_space<vmem_shared>>
    tpu.enqueue_indirect_dma source(%arg11 : memref<64x128xf32, #tpu.memory_space<vmem>>) target(%dma_start3A_1323 : memref<10064x128xf32, #tpu.memory_space<vmem_shared>>) offsets(%dma_start3A_1320 : memref<64xi32, #tpu.memory_space<vmem>>) semaphore(%arg36 : memref<!tpu.dma_semaphore, #tpu.memory_space<semaphore_mem>>) {add = true}
    %dma_wait3A_1324 = arith.constant 0 : i32
    %dma_wait3A_1325 = arith.constant 0 : i32
    %dma_wait3A_1326 = tpu.memref_slice %arg7[%dma_wait3A_1324, %dma_wait3A_1325] : memref<8x64xi32, #tpu.memory_space<vmem>> -> memref<1x64xi32, #tpu.memory_space<vmem>>
    %dma_wait3A_1327 = tpu.memref_squeeze %dma_wait3A_1326 : memref<1x64xi32, #tpu.memory_space<vmem>> -> memref<64xi32, #tpu.memory_space<vmem>>
    %dma_wait3A_1328 = arith.constant 0 : i32
    %dma_wait3A_1329 = arith.constant 0 : i32
    %dma_wait3A_1330 = tpu.memref_slice %arg4[%dma_wait3A_1328, %dma_wait3A_1329] : memref<10000x128xf32, #tpu.memory_space<hbm>> -> memref<10000x128xf32, #tpu.memory_space<hbm>>
    tpu.wait_indirect_dma semaphore(%arg33 : memref<!tpu.dma_semaphore, #tpu.memory_space<semaphore_mem>>) src(%dma_wait3A_1330 : memref<10000x128xf32, #tpu.memory_space<hbm>>) dst(%arg12 : memref<64x128xf32, #tpu.memory_space<vmem>>)
    %dma_wait3A_1331 = arith.constant 6 : i32
    %dma_wait3A_1332 = arith.constant 0 : i32
    %dma_wait3A_1333 = tpu.memref_slice %arg8[%dma_wait3A_1331, %dma_wait3A_1332] : memref<8x64xi32, #tpu.memory_space<vmem>> -> memref<1x64xi32, #tpu.memory_space<vmem>>
    %dma_wait3A_1334 = tpu.memref_squeeze %dma_wait3A_1333 : memref<1x64xi32, #tpu.memory_space<vmem>> -> memref<64xi32, #tpu.memory_space<vmem>>
    %dma_wait3A_1335 = arith.constant 0 : i32
    %dma_wait3A_1336 = arith.constant 0 : i32
    %dma_wait3A_1337 = tpu.memref_slice %arg13[%dma_wait3A_1335, %dma_wait3A_1336] : memref<10064x128xf32, #tpu.memory_space<vmem_shared>> -> memref<10064x128xf32, #tpu.memory_space<vmem_shared>>
    tpu.wait_indirect_dma semaphore(%arg36 : memref<!tpu.dma_semaphore, #tpu.memory_space<semaphore_mem>>) src(%arg11 : memref<64x128xf32, #tpu.memory_space<vmem>>) dst(%dma_wait3A_1337 : memref<10064x128xf32, #tpu.memory_space<vmem_shared>>)
    %dma_start3A_1338 = arith.constant 7 : i32
    %dma_start3A_1339 = arith.constant 0 : i32
    %dma_start3A_1340 = tpu.memref_slice %arg8[%dma_start3A_1338, %dma_start3A_1339] : memref<8x64xi32, #tpu.memory_space<vmem>> -> memref<1x64xi32, #tpu.memory_space<vmem>>
    %dma_start3A_1341 = tpu.memref_squeeze %dma_start3A_1340 : memref<1x64xi32, #tpu.memory_space<vmem>> -> memref<64xi32, #tpu.memory_space<vmem>>
    %dma_start3A_1342 = arith.constant 0 : i32
    %dma_start3A_1343 = arith.constant 0 : i32
    %dma_start3A_1344 = tpu.memref_slice %arg13[%dma_start3A_1342, %dma_start3A_1343] : memref<10064x128xf32, #tpu.memory_space<vmem_shared>> -> memref<10064x128xf32, #tpu.memory_space<vmem_shared>>
    tpu.enqueue_indirect_dma source(%arg12 : memref<64x128xf32, #tpu.memory_space<vmem>>) target(%dma_start3A_1344 : memref<10064x128xf32, #tpu.memory_space<vmem_shared>>) offsets(%dma_start3A_1341 : memref<64xi32, #tpu.memory_space<vmem>>) semaphore(%arg37 : memref<!tpu.dma_semaphore, #tpu.memory_space<semaphore_mem>>) {add = true}
    %dma_wait3A_1345 = arith.constant 7 : i32
    %dma_wait3A_1346 = arith.constant 0 : i32
    %dma_wait3A_1347 = tpu.memref_slice %arg8[%dma_wait3A_1345, %dma_wait3A_1346] : memref<8x64xi32, #tpu.memory_space<vmem>> -> memref<1x64xi32, #tpu.memory_space<vmem>>
    %dma_wait3A_1348 = tpu.memref_squeeze %dma_wait3A_1347 : memref<1x64xi32, #tpu.memory_space<vmem>> -> memref<64xi32, #tpu.memory_space<vmem>>
    %dma_wait3A_1349 = arith.constant 0 : i32
    %dma_wait3A_1350 = arith.constant 0 : i32
    %dma_wait3A_1351 = tpu.memref_slice %arg13[%dma_wait3A_1349, %dma_wait3A_1350] : memref<10064x128xf32, #tpu.memory_space<vmem_shared>> -> memref<10064x128xf32, #tpu.memory_space<vmem_shared>>
    tpu.wait_indirect_dma semaphore(%arg37 : memref<!tpu.dma_semaphore, #tpu.memory_space<semaphore_mem>>) src(%arg12 : memref<64x128xf32, #tpu.memory_space<vmem>>) dst(%dma_wait3A_1351 : memref<10064x128xf32, #tpu.memory_space<vmem_shared>>)
    %barrier3A_1352 = arith.constant 0 : index
    tpu.barrier barrier_id(%barrier3A_1352)
    %mul3A_1353 = arith.constant 624 : i32
    %mul3A_1354 = arith.muli %arg1, %mul3A_1353 : i32
    %mul3A_1355 = arith.constant 624 : i32
    %mul3A_1356 = arith.muli %arg1, %mul3A_1355 : i32
    "tpu.region"() ({
      %run_scoped3A = tpu.sem_alloc : memref<!tpu.dma_semaphore, #tpu.memory_space<semaphore_mem>>
      %dma_start3A_1362 = arith.constant 0 : i32
      %dma_start3A_1363 = tpu.memref_slice %arg6[%arg0, %mul3A_1356, %dma_start3A_1362] : memref<2x10000x128xf32, #tpu.memory_space<hbm>> -> memref<1x624x128xf32, #tpu.memory_space<hbm>>
      %dma_start3A_1364 = tpu.memref_squeeze %dma_start3A_1363 : memref<1x624x128xf32, #tpu.memory_space<hbm>> -> memref<624x128xf32, #tpu.memory_space<hbm>>
      %dma_start3A_1365 = arith.constant 0 : i32
      %dma_start3A_1366 = tpu.memref_slice %arg13[%mul3A_1354, %dma_start3A_1365] : memref<10064x128xf32, #tpu.memory_space<vmem_shared>> -> memref<624x128xf32, #tpu.memory_space<vmem_shared>>
      tpu.enqueue_dma source(%dma_start3A_1366 : memref<624x128xf32, #tpu.memory_space<vmem_shared>>) target(%dma_start3A_1364 : memref<624x128xf32, #tpu.memory_space<hbm>>) target_semaphore(%run_scoped3A : memref<!tpu.dma_semaphore, #tpu.memory_space<semaphore_mem>>)
      %dma_wait3A_1367 = arith.constant 0 : i32
      %dma_wait3A_1368 = tpu.memref_slice %arg6[%arg0, %mul3A_1356, %dma_wait3A_1367] : memref<2x10000x128xf32, #tpu.memory_space<hbm>> -> memref<1x624x128xf32, #tpu.memory_space<hbm>>
      %dma_wait3A_1369 = tpu.memref_squeeze %dma_wait3A_1368 : memref<1x624x128xf32, #tpu.memory_space<hbm>> -> memref<624x128xf32, #tpu.memory_space<hbm>>
      %dma_wait3A_1370 = arith.constant 0 : i32
      %dma_wait3A_1371 = tpu.memref_slice %arg13[%mul3A_1354, %dma_wait3A_1370] : memref<10064x128xf32, #tpu.memory_space<vmem_shared>> -> memref<624x128xf32, #tpu.memory_space<vmem_shared>>
      tpu.wait_dma2 semaphore(%run_scoped3A : memref<!tpu.dma_semaphore, #tpu.memory_space<semaphore_mem>>) src(%dma_wait3A_1371 : memref<624x128xf32, #tpu.memory_space<vmem_shared>>) dst(%dma_wait3A_1369 : memref<624x128xf32, #tpu.memory_space<hbm>>)
      tpu.yield
    }) : () -> ()
    %eq3A_1357 = arith.constant 0 : i32
    %eq3A_1358 = arith.cmpi eq, %arg1, %eq3A_1357 : i32
    %convert_element_type3A_1359 = arith.extui %eq3A_1358 : i1 to i32
    %cond3A_1360 = arith.constant 0 : i32
    %cond3A_1361 = arith.cmpi ne, %convert_element_type3A_1359, %cond3A_1360 : i32
    scf.if %cond3A_1361 {
      "tpu.region"() ({
        %run_scoped3A = tpu.sem_alloc : memref<!tpu.dma_semaphore, #tpu.memory_space<semaphore_mem>>
        %dma_start3A_1362 = arith.constant 9984 : i32
        %dma_start3A_1363 = arith.constant 0 : i32
        %dma_start3A_1364 = tpu.memref_slice %arg6[%arg0, %dma_start3A_1362, %dma_start3A_1363] : memref<2x10000x128xf32, #tpu.memory_space<hbm>> -> memref<1x16x128xf32, #tpu.memory_space<hbm>>
        %dma_start3A_1365 = tpu.memref_squeeze %dma_start3A_1364 : memref<1x16x128xf32, #tpu.memory_space<hbm>> -> memref<16x128xf32, #tpu.memory_space<hbm>>
        %dma_start3A_1366 = arith.constant 9984 : i32
        %dma_start3A_1367 = arith.constant 0 : i32
        %dma_start3A_1368 = tpu.memref_slice %arg13[%dma_start3A_1366, %dma_start3A_1367] : memref<10064x128xf32, #tpu.memory_space<vmem_shared>> -> memref<16x128xf32, #tpu.memory_space<vmem_shared>>
        tpu.enqueue_dma source(%dma_start3A_1368 : memref<16x128xf32, #tpu.memory_space<vmem_shared>>) target(%dma_start3A_1365 : memref<16x128xf32, #tpu.memory_space<hbm>>) target_semaphore(%run_scoped3A : memref<!tpu.dma_semaphore, #tpu.memory_space<semaphore_mem>>)
        %dma_wait3A_1369 = arith.constant 9984 : i32
        %dma_wait3A_1370 = arith.constant 0 : i32
        %dma_wait3A_1371 = tpu.memref_slice %arg6[%arg0, %dma_wait3A_1369, %dma_wait3A_1370] : memref<2x10000x128xf32, #tpu.memory_space<hbm>> -> memref<1x16x128xf32, #tpu.memory_space<hbm>>
        %dma_wait3A_1372 = tpu.memref_squeeze %dma_wait3A_1371 : memref<1x16x128xf32, #tpu.memory_space<hbm>> -> memref<16x128xf32, #tpu.memory_space<hbm>>
        %dma_wait3A_1373 = arith.constant 9984 : i32
        %dma_wait3A_1374 = arith.constant 0 : i32
        %dma_wait3A_1375 = tpu.memref_slice %arg13[%dma_wait3A_1373, %dma_wait3A_1374] : memref<10064x128xf32, #tpu.memory_space<vmem_shared>> -> memref<16x128xf32, #tpu.memory_space<vmem_shared>>
        tpu.wait_dma2 semaphore(%run_scoped3A : memref<!tpu.dma_semaphore, #tpu.memory_space<semaphore_mem>>) src(%dma_wait3A_1375 : memref<16x128xf32, #tpu.memory_space<vmem_shared>>) dst(%dma_wait3A_1372 : memref<16x128xf32, #tpu.memory_space<hbm>>)
        tpu.yield
      }) : () -> ()
    } else {
    }
    return
  }
}

module attributes {stable_mosaic.version = 14 : i64} {
  func.func @_tc_block(%arg0: i32, %arg1: memref<400x128xf32, #tpu.memory_space<vmem>>, %arg2: memref<1x400x128xf32, #tpu.memory_space<vmem>>, %arg3: memref<1x400x128xf32, #tpu.memory_space<vmem>>, %arg4: memref<128x128xf32, #tpu.memory_space<vmem>>, %arg5: memref<1x128xf32, #tpu.memory_space<vmem>>, %arg6: memref<128x128xf32, #tpu.memory_space<vmem>>, %arg7: memref<1x128xf32, #tpu.memory_space<vmem>>, %arg8: memref<1x128xf32, #tpu.memory_space<vmem>>, %arg9: memref<1x128xf32, #tpu.memory_space<vmem>>, %arg10: memref<400x128xf32, #tpu.memory_space<vmem>>) attributes {dimension_semantics = [#tpu.dimension_semantics<arbitrary>], iteration_bounds = array<i64: 25>, scalar_prefetch = 0 : i64, scratch_operands = 0 : i64, tpu.core_type = #tpu.core_type<tc>, window_params = [{transform_indices = @transform_0, window_bounds = array<i64: 400, 128>}, {transform_indices = @transform_1, window_bounds = array<i64: 1, 400, 128>}, {transform_indices = @transform_2, window_bounds = array<i64: 1, 400, 128>}, {pipeline_mode = #tpu.pipeline_mode<synchronous>, transform_indices = @transform_3, window_bounds = array<i64: 128, 128>}, {pipeline_mode = #tpu.pipeline_mode<synchronous>, transform_indices = @transform_4, window_bounds = array<i64: 1, 128>}, {pipeline_mode = #tpu.pipeline_mode<synchronous>, transform_indices = @transform_5, window_bounds = array<i64: 128, 128>}, {pipeline_mode = #tpu.pipeline_mode<synchronous>, transform_indices = @transform_6, window_bounds = array<i64: 1, 128>}, {pipeline_mode = #tpu.pipeline_mode<synchronous>, transform_indices = @transform_7, window_bounds = array<i64: 1, 128>}, {pipeline_mode = #tpu.pipeline_mode<synchronous>, transform_indices = @transform_8, window_bounds = array<i64: 1, 128>}, {transform_indices = @transform_9, window_bounds = array<i64: 400, 128>}]} {
    %get3A = arith.constant 0 : index
    %get3A_0 = arith.constant 0 : index
    %get3A_1 = vector.load %arg1[%get3A, %get3A_0] : memref<400x128xf32, #tpu.memory_space<vmem>>, vector<400x128xf32>
    %get3A_2 = arith.constant 0 : index
    %get3A_3 = arith.constant 0 : index
    %get3A_4 = arith.constant 0 : index
    %get3A_5 = vector.load %arg2[%get3A_2, %get3A_3, %get3A_4] : memref<1x400x128xf32, #tpu.memory_space<vmem>>, vector<1x400x128xf32>
    %get3A_6 = vector.shape_cast %get3A_5 : vector<1x400x128xf32> to vector<400x128xf32>
    %add3A = arith.addf %get3A_1, %get3A_6 : vector<400x128xf32>
    %get3A_7 = arith.constant 0 : index
    %get3A_8 = arith.constant 0 : index
    %get3A_9 = arith.constant 0 : index
    %get3A_10 = vector.load %arg3[%get3A_7, %get3A_8, %get3A_9] : memref<1x400x128xf32, #tpu.memory_space<vmem>>, vector<1x400x128xf32>
    %get3A_11 = vector.shape_cast %get3A_10 : vector<1x400x128xf32> to vector<400x128xf32>
    %add3A_12 = arith.addf %add3A, %get3A_11 : vector<400x128xf32>
    %get3A_13 = arith.constant 0 : index
    %get3A_14 = arith.constant 0 : index
    %get3A_15 = vector.load %arg4[%get3A_13, %get3A_14] : memref<128x128xf32, #tpu.memory_space<vmem>>, vector<128x128xf32>
    %dot_general3A = arith.constant dense<0.000000e+00> : vector<400x128xf32>
    %dot_general3A_16 = tpu.matmul %add3A_12, %get3A_15, %dot_general3A {dimension_numbers = #tpu.dot_dimension_numbers<[1], [0], [0], [1], [0, 0, 1, 1], [], []>, transpose_lhs_hint = false} : vector<400x128xf32>, vector<128x128xf32>, vector<400x128xf32> -> vector<400x128xf32>
    %get3A_17 = arith.constant 0 : index
    %get3A_18 = arith.constant 0 : index
    %get3A_19 = vector.load %arg5[%get3A_17, %get3A_18] : memref<1x128xf32, #tpu.memory_space<vmem>>, vector<1x128xf32>
    %add3A_20 = vector.broadcast %get3A_19 : vector<1x128xf32> to vector<400x128xf32>
    %add3A_21 = arith.addf %dot_general3A_16, %add3A_20 : vector<400x128xf32>
    %max3A = arith.constant 0.000000e+00 : f32
    %max3A_22 = vector.broadcast %max3A : f32 to vector<400x128xf32>
    %max3A_23 = arith.maximumf %add3A_21, %max3A_22 : vector<400x128xf32>
    %get3A_24 = arith.constant 0 : index
    %get3A_25 = arith.constant 0 : index
    %get3A_26 = vector.load %arg6[%get3A_24, %get3A_25] : memref<128x128xf32, #tpu.memory_space<vmem>>, vector<128x128xf32>
    %dot_general3A_27 = arith.constant dense<0.000000e+00> : vector<400x128xf32>
    %dot_general3A_28 = tpu.matmul %max3A_23, %get3A_26, %dot_general3A_27 {dimension_numbers = #tpu.dot_dimension_numbers<[1], [0], [0], [1], [0, 0, 1, 1], [], []>, transpose_lhs_hint = false} : vector<400x128xf32>, vector<128x128xf32>, vector<400x128xf32> -> vector<400x128xf32>
    %get3A_29 = arith.constant 0 : index
    %get3A_30 = arith.constant 0 : index
    %get3A_31 = vector.load %arg7[%get3A_29, %get3A_30] : memref<1x128xf32, #tpu.memory_space<vmem>>, vector<1x128xf32>
    %add3A_32 = vector.broadcast %get3A_31 : vector<1x128xf32> to vector<400x128xf32>
    %add3A_33 = arith.addf %dot_general3A_28, %add3A_32 : vector<400x128xf32>
    %reduce_sum3A = arith.constant dense<0.000000e+00> : vector<400xf32>
    %reduce_sum3A_34 = vector.multi_reduction <add>, %add3A_33, %reduce_sum3A [1] : vector<400x128xf32> to vector<400xf32>
    %broadcast_in_dim3A = vector.shape_cast %reduce_sum3A_34 : vector<400xf32> to vector<400x1xf32>
    %div3A = arith.constant 1.280000e+02 : f32
    %div3A_35 = vector.broadcast %div3A : f32 to vector<400x1xf32>
    %div3A_36 = arith.divf %broadcast_in_dim3A, %div3A_35 : vector<400x1xf32>
    %sub3A = vector.broadcast %div3A_36 : vector<400x1xf32> to vector<400x128xf32>
    %sub3A_37 = arith.subf %add3A_33, %sub3A : vector<400x128xf32>
    %mul3A = arith.mulf %sub3A_37, %sub3A_37 : vector<400x128xf32>
    %reduce_sum3A_38 = arith.constant dense<0.000000e+00> : vector<400xf32>
    %reduce_sum3A_39 = vector.multi_reduction <add>, %mul3A, %reduce_sum3A_38 [1] : vector<400x128xf32> to vector<400xf32>
    %broadcast_in_dim3A_40 = vector.shape_cast %reduce_sum3A_39 : vector<400xf32> to vector<400x1xf32>
    %div3A_41 = arith.constant 1.280000e+02 : f32
    %div3A_42 = vector.broadcast %div3A_41 : f32 to vector<400x1xf32>
    %div3A_43 = arith.divf %broadcast_in_dim3A_40, %div3A_42 : vector<400x1xf32>
    %add3A_44 = arith.constant 9.99999974E-6 : f32
    %add3A_45 = vector.broadcast %add3A_44 : f32 to vector<400x1xf32>
    %add3A_46 = arith.addf %div3A_43, %add3A_45 : vector<400x1xf32>
    %rsqrt3A = math.rsqrt %add3A_46 : vector<400x1xf32>
    %mul3A_47 = vector.broadcast %rsqrt3A : vector<400x1xf32> to vector<400x128xf32>
    %mul3A_48 = arith.mulf %sub3A_37, %mul3A_47 : vector<400x128xf32>
    %get3A_49 = arith.constant 0 : index
    %get3A_50 = arith.constant 0 : index
    %get3A_51 = vector.load %arg8[%get3A_49, %get3A_50] : memref<1x128xf32, #tpu.memory_space<vmem>>, vector<1x128xf32>
    %mul3A_52 = vector.broadcast %get3A_51 : vector<1x128xf32> to vector<400x128xf32>
    %mul3A_53 = arith.mulf %mul3A_48, %mul3A_52 : vector<400x128xf32>
    %get3A_54 = arith.constant 0 : index
    %get3A_55 = arith.constant 0 : index
    %get3A_56 = vector.load %arg9[%get3A_54, %get3A_55] : memref<1x128xf32, #tpu.memory_space<vmem>>, vector<1x128xf32>
    %add3A_57 = vector.broadcast %get3A_56 : vector<1x128xf32> to vector<400x128xf32>
    %add3A_58 = arith.addf %mul3A_53, %add3A_57 : vector<400x128xf32>
    %max3A_59 = arith.constant 0.000000e+00 : f32
    %max3A_60 = vector.broadcast %max3A_59 : f32 to vector<400x128xf32>
    %max3A_61 = arith.maximumf %add3A_58, %max3A_60 : vector<400x128xf32>
    %add3A_62 = arith.addf %get3A_1, %max3A_61 : vector<400x128xf32>
    %swap3A = arith.constant 0 : index
    %swap3A_63 = arith.constant 0 : index
    %swap3A_64 = vector.load %arg10[%swap3A, %swap3A_63] : memref<400x128xf32, #tpu.memory_space<vmem>>, vector<400x128xf32>
    tpu.vector_store %arg10[%swap3A, %swap3A_63], %add3A_62 {strides = array<i32>} : memref<400x128xf32, #tpu.memory_space<vmem>>, vector<400x128xf32>,
    return
  }
  func.func @transform_0(%arg0: i32) -> (i32, i32) {
    %c0_i32 = arith.constant 0 : i32
    %c0_i32_0 = arith.constant 0 : i32
    return %arg0, %c0_i32 : i32, i32
  }
  func.func @transform_1(%arg0: i32) -> (i32, i32, i32) {
    %c0_i32 = arith.constant 0 : i32
    %c0_i32_0 = arith.constant 0 : i32
    %c0_i32_1 = arith.constant 0 : i32
    return %c0_i32, %arg0, %c0_i32_0 : i32, i32, i32
  }
  func.func @transform_2(%arg0: i32) -> (i32, i32, i32) {
    %c1_i32 = arith.constant 1 : i32
    %c0_i32 = arith.constant 0 : i32
    %c0_i32_0 = arith.constant 0 : i32
    return %c1_i32, %arg0, %c0_i32 : i32, i32, i32
  }
  func.func @transform_3(%arg0: i32) -> (i32, i32) {
    %c0_i32 = arith.constant 0 : i32
    %c0_i32_0 = arith.constant 0 : i32
    %c0_i32_1 = arith.constant 0 : i32
    return %c0_i32, %c0_i32_0 : i32, i32
  }
  func.func @transform_4(%arg0: i32) -> (i32, i32) {
    %c0_i32 = arith.constant 0 : i32
    %c0_i32_0 = arith.constant 0 : i32
    %c0_i32_1 = arith.constant 0 : i32
    return %c0_i32, %c0_i32_0 : i32, i32
  }
  func.func @transform_5(%arg0: i32) -> (i32, i32) {
    %c0_i32 = arith.constant 0 : i32
    %c0_i32_0 = arith.constant 0 : i32
    %c0_i32_1 = arith.constant 0 : i32
    return %c0_i32, %c0_i32_0 : i32, i32
  }
  func.func @transform_6(%arg0: i32) -> (i32, i32) {
    %c0_i32 = arith.constant 0 : i32
    %c0_i32_0 = arith.constant 0 : i32
    %c0_i32_1 = arith.constant 0 : i32
    return %c0_i32, %c0_i32_0 : i32, i32
  }
  func.func @transform_7(%arg0: i32) -> (i32, i32) {
    %c0_i32 = arith.constant 0 : i32
    %c0_i32_0 = arith.constant 0 : i32
    %c0_i32_1 = arith.constant 0 : i32
    return %c0_i32, %c0_i32_0 : i32, i32
  }
  func.func @transform_8(%arg0: i32) -> (i32, i32) {
    %c0_i32 = arith.constant 0 : i32
    %c0_i32_0 = arith.constant 0 : i32
    %c0_i32_1 = arith.constant 0 : i32
    return %c0_i32, %c0_i32_0 : i32, i32
  }
  func.func @transform_9(%arg0: i32) -> (i32, i32) {
    %c0_i32 = arith.constant 0 : i32
    %c0_i32_0 = arith.constant 0 : i32
    return %arg0, %c0_i32 : i32, i32
  }
}

</mosaic_0001>

<sc_bundles>
// kernel: kernel.4.cloned.1.call-start
scs
__scs_entry_jumppad:
0x0: {  	(pc) =	sbr.rel $0x88, $3  }
0x1: {  	(tag) =	ssettag $0x0;
	lr =	simm.s32 $0x1  }
0x2: {  	[smem:$0x3F99] =	sst lr;
	_ =	strace $0xD0000000  }
0x3: {  	_ = 	snop  }
0x4: {  	_ = 	snop  }
0x5: {  	_ = 	snop  }
0x6: {  	_ = 	snop  }
0x7: {  	_ = 	snop  }
__scs_overlays_trampoline_lowered:
0x8: {  	[smem:$0x3FA8] =	sst s0  }
0x9: {  	[smem:$0x3FA9] =	sst s1  }
0xa: {  	[smem:$0x3FAA] =	sst s2  }
0xb: {  	[smem:$0x3FAB] =	sst s3  }
0xc: {  	[smem:$0x3FAC] =	sst s4  }
0xd: {  	[smem:$0x3FAD] =	sst s5  }
0xe: {  	[smem:$0x3FAE] =	sst s6  }
0xf: {  	[smem:$0x3FAF] =	sst s7  }
0x10: {  	[smem:$0x3FB0] =	sst s8  }
0x11: {  	[smem:$0x3FB1] =	sst s9;
	s0 =	simm.s32 @!p0 $0x0  }
0x12: {  	s1 =	sld [smem:$0x3F97];
	s0 =	simm.s32 @p0 $0x1  }
0x13: {  	[smem:$0x3FB2] =	sst s0;
	s0 =	simm.s32 @!p1 $0x0  }
0x14: {  	s2 =	sld [smem:$0x3F96];
	s0 =	simm.s32 @p1 $0x1  }
0x15: {  	[smem:$0x3FB3] =	sst s0;
	s0 =	simm.s32 @!p2 $0x0  }
0x16: {  	s3 =	sld [smem:$0x3FDB];
	s0 =	simm.s32 @p2 $0x1  }
0x17: {  	s4 =	simm.s32 $0x1BF5;
	[smem:$0x3FB5] =	sst s0  }
0x18: {  	s0 =	sld [smem:$0x3F98];
	_ =	swait.ge [sflag:s4], $0x0  }
0x19: {  	s7 =	sld [smem:$0x3F99]  }
0x1a: {  	s8 =	sadd.s32 $0xFFFFE003, lr  }
0x1b: {  	s9 =	sadd.s32 $0xFFFFFEF7, lr;
	s5 =	simm.s32 $0xFFFFFFFF;
	p2 =	slt.u32 s8, $0xFFFFF086  }
0x1c: {  	p1 =	slt.u32 s9, $0xF7A;
	s5 =	simm.s32 @!p2 $0x0  }
0x1d: {  	s5 =	simm.s32 @p1 $0x1;
	p0 =	seq.s32 s7, s2  }
0x1e: {  	s7 =	smul.u32 @!p0 $0xF7A, s2;
	p2 =	seq.s32 @!p0 s5, $0x0  }
0x1f: {  	s9 =	smul.u32 $0xF7A, s1;
	s8 =	simm.s32 @!p0 $0x1BF5;
	p2 =	por !p2, p0  }
0x20: {  	[sflag:s8] =	ssyncset.s32 @!p0 $0xFFFFF086;
	s6 =	sadd.s32 @!p0 s3, s7;
	s7 =	simm.s32 @!p0 $0x108  }
0x21: {  	s3 =	sadd.s32 s3, s9;
	s6 =	sadd.s32 @!p0 $0x88, s6;
	s7 =	simm.s32 @p2 $0x1082  }
0x22: {  	[simem:s7], [sflag:s8] =	dma.local @!p0 [hbm:s6], $0xF7A  }
0x23: {  	s9 =	sor.u32 $0xD0000000, s2;
	s6 =	simm.s32 $0x108;
	_ =	swait.ge @!p0 [sflag:s8], $0x0  }
0x24: {  	s3 =	sadd.s32 $0x88, s3;
	s6 =	simm.s32 @!p1 $0x1082;
	[sflag:s4] =	ssyncset.s32 $0xFFFFF086  }
0x25: {  	[simem:s6], [sflag:s4] =	dma.local [hbm:s3], $0xF7A  }
0x26: {  	[smem:$0x3F99] =	sst s1;
	(tag) =	ssettag s2;
	_ =	strace s9  }
0x27: {  	s1 =	sld [smem:$0x3FA9]  }
0x28: {  	s2 =	sld [smem:$0x3FAA]  }
0x29: {  	s4 =	sld [smem:$0x3FAC]  }
0x2a: {  	p0 =	seq.s32 s5, $0x0;
	s5 =	sld [smem:$0x3FAD]  }
0x2b: {  	s6 =	sld [smem:$0x3FAE]  }
0x2c: {  	s7 =	sld [smem:$0x3FAF]  }
0x2d: {  	s3 =	simm.s32 $0x108;
	s8 =	sld [smem:$0x3FB0]  }
0x2e: {  	s3 =	simm.s32 @!p0 $0x1082;
	s9 =	sld [smem:$0x3FB1]  }
0x2f: {  	lr =	sadd.s32 s0, s3;
	s0 =	sld [smem:$0x3FA8]  }
0x30: {  	s3 =	sld [smem:$0x3FAB]  }
0x31: {  	[smem:$0x3FB4] =	sst s10  }
0x32: {  	s10 =	sld [smem:$0x3FB2];
	_ =	sdelay $0x3  }
0x33: {  	p0 =	seq.s32 s10, $0x1;
	s10 =	sld [smem:$0x3FB4];
	_ =	sdelay $0x3  }
0x34: {  	[smem:$0x3FB4] =	sst s10  }
0x35: {  	s10 =	sld [smem:$0x3FB3];
	_ =	sdelay $0x3  }
0x36: {  	p1 =	seq.s32 s10, $0x1;
	s10 =	sld [smem:$0x3FB4];
	_ =	sdelay $0x3  }
0x37: {  	[smem:$0x3FB4] =	sst s10  }
0x38: {  	s10 =	sld [smem:$0x3FB5]  }
0x39: {  	_ = 	snop;
	(pc) =	sbr.ind lr, $3  }
0x3a: {  	_ = 	snop  }
0x3b: {  	_ = 	snop  }
0x3c: {  	p2 =	seq.s32 s10, $0x1;
	s10 =	sld [smem:$0x3FB4]  }
0x3d: {  	_ =	shalt  }
0x3e: {  	_ =	shalt  }
0x3f: {  	_ =	shalt  }
0x40: {  	_ =	shalt  }
0x41: {  	_ =	shalt  }
0x42: {  	_ =	shalt  }
0x43: {  	_ =	shalt  }
0x44: {  	_ =	shalt  }
0x45: {  	_ =	shalt  }
0x46: {  	_ =	shalt  }
0x47: {  	_ =	shalt  }
0x48: {  	_ =	shalt  }
0x49: {  	_ =	shalt  }
0x4a: {  	_ =	shalt  }
0x4b: {  	_ =	shalt  }
0x4c: {  	_ =	shalt  }
0x4d: {  	_ =	shalt  }
0x4e: {  	_ =	shalt  }
0x4f: {  	_ =	shalt  }
0x50: {  	_ =	shalt  }
0x51: {  	_ =	shalt  }
0x52: {  	_ =	shalt  }
0x53: {  	_ =	shalt  }
0x54: {  	_ =	shalt  }
0x55: {  	_ =	shalt  }
0x56: {  	_ =	shalt  }
0x57: {  	_ =	shalt  }
0x58: {  	_ =	shalt  }
0x59: {  	_ =	shalt  }
0x5a: {  	_ =	shalt  }
0x5b: {  	_ =	shalt  }
0x5c: {  	_ =	shalt  }
0x5d: {  	_ =	shalt  }
0x5e: {  	_ =	shalt  }
0x5f: {  	_ =	shalt  }
0x60: {  	_ =	shalt  }
0x61: {  	_ =	shalt  }
0x62: {  	_ =	shalt  }
0x63: {  	_ =	shalt  }
0x64: {  	_ =	shalt  }
0x65: {  	_ =	shalt  }
0x66: {  	_ =	shalt  }
0x67: {  	_ =	shalt  }
0x68: {  	_ =	shalt  }
0x69: {  	_ =	shalt  }
0x6a: {  	_ =	shalt  }
0x6b: {  	_ =	shalt  }
0x6c: {  	_ =	shalt  }
0x6d: {  	_ =	shalt  }
0x6e: {  	_ =	shalt  }
0x6f: {  	_ =	shalt  }
0x70: {  	_ =	shalt  }
0x71: {  	_ =	shalt  }
0x72: {  	_ =	shalt  }
0x73: {  	_ =	shalt  }
0x74: {  	_ =	shalt  }
0x75: {  	_ =	shalt  }
0x76: {  	_ =	shalt  }
0x77: {  	_ =	shalt  }
0x78: {  	_ =	shalt  }
0x79: {  	_ =	shalt  }
0x7a: {  	_ =	shalt  }
0x7b: {  	_ =	shalt  }
0x7c: {  	_ =	shalt  }
0x7d: {  	_ =	shalt  }
0x7e: {  	_ =	shalt  }
0x7f: {  	_ =	shalt  }
0x80: {  	_ =	shalt  }
0x81: {  	_ =	shalt  }
0x82: {  	_ =	shalt  }
0x83: {  	_ =	shalt  }
0x84: {  	_ =	shalt  }
0x85: {  	_ =	shalt  }
0x86: {  	_ =	shalt  }
0x87: {  	_ =	shalt  }
.Lfunc_end0:
.L_simem_size_0:
called_computation_lowered:
.L_overlay_start_0:
0x88: {  	s2 =	sld [smem:$0x3FD9]  }
0x89: {  	s3 =	sld [smem:$0x3FFE];
	_ =	sdelay $0x1  }
0x8a: {  	s1 =	srdreg.scid  }
0x8b: {  	s0 =	sand.u32 $0x1, s1  }
0x8c: {  	s17 =	sshll.u32 s0, $0xA;
	s2 =	sadd.s32 s3, s2  }
0x8d: {  	s2 =	sadd.s32 s2, s17  }
0x8e: {  	[smem:$0x3FC0] =	sst s2  }
0x8f: {  	_ = 	snop  }
0x90: {  	s2 =	sld [smem:$0x3FC9]  }
0x91: {  	s18 =	sld [smem:$0x3FD0];
	(tm) =	ssettm $0x1  }
0x92: {  	s4 =	sld [smem:$0x3FFB];
	_ =	sdelay $0x3  }
0x93: {  	_ =	strace s4  }
0x94: {  	s4 =	sld [smem:$0x3FFC];
	_ =	sdelay $0x3  }
0x95: {  	_ =	strace s4  }
0x96: {  	s4 =	sld [smem:$0x3FFD];
	_ =	sdelay $0x3  }
0x97: {  	_ =	strace s4  }
0x98: {  	_ =	strace $0x8FFFFFFF  }
0x99: {  	s19 =	sld [smem:$0x3FDB];
	_ =	sdelay $0x1  }
0x9a: {  	s5 =	simm.s32 $_scs_section_size  }
0x9b: {  	s6 =	simm.s32 $_size__tile_overlayer_lowered;
	s7 =	simm.s32 $_tile_overlayer_lowered  }
0x9c: {  	s22 =	simm.s32 $0x1BFF;
	s21 =	sshll.u32 s7, $0x1;
	s4 =	sadd.s32 s5, s19  }
0x9d: {  	s8 =	simm.s32 $0x0;
	s20 =	sshll.u32 s6, $0x1;
	s6 =	sadd.s32 s21, s4  }
0x9e: {  	[timem:s8], [sflag:s22] =	dma.local [hbm:s6], s20  }
0x9f: {  	_ =	swait.ge [sflag:s22], s20  }
0xa0: {  	s5 =	ssub.s32 $0x0, s20;
	[sflag:s22] =	ssyncset.done $0x0  }
0xa1: {  	[sflag:s22] =	ssyncadd.s32 s5;
	_ =	sdelay $0x1  }
0xa2: {  	s23 =	simm.s32 $0x1B8B  }
0xa3: {  	_ =	swait.ge [sflag:s23], $0x1  }
0xa4: {  	[sflag:s23] =	ssyncset.done $0x0  }
0xa5: {  	s25 =	simm.s32 $0x1B8E;
	s24 =	sld [smem:$0x3FFE];
	[sflag:s23] =	ssyncadd.s32 $0xFFFFFFFF  }
0xa6: {  	s26 =	simm.s32 $execute0_lowered;
	[smem:$0x3FD2] =	sst s25  }
0xa7: {  	s6 =	sshll.u32 s26, $0x1;
	_ =	strace $0x80000046;
	[dreg:$0x1] =	wrdreg $0xFFFFFFFF  }
0xa8: {  	s28 =	simm.s32 $_size_execute0_lowered;
	s4 =	sadd.s32 s4, s6;
	[dreg:$0x0] =	wrdreg $0x0  }
0xa9: {  	s6 =	sshll.u32 s28, $0x1;
	[dreg:$0x2] =	wrdreg s4  }
0xaa: {  	[dreg:$0x3] =	wrdreg s6  }
0xab: {  	[dreg:$0x4] =	wrdreg $0xC0  }
0xac: {  	_ =	task [dreg:s8], $0x5FFFF  }
0xad: {  	[dreg:$0x1] =	wrdreg $0xFFFFFFFF  }
0xae: {  	[dreg:$0x0] =	wrdreg $0x60  }
0xaf: {  	[dreg:$0x2] =	wrdreg s18  }
0xb0: {  	[dreg:$0x3] =	wrdreg s24  }
0xb1: {  	[dreg:$0x4] =	wrdreg s2  }
0xb2: {  	[dreg:$0x5] =	wrdreg $0x88000  }
0xb3: {  	[dreg:$0x6] =	wrdreg $0x9  }
0xb4: {  	_ =	task.clear_ibuf [dreg:s8], $0x7FFFF;
	_ =	strace $0x90000046  }
0xb5: {  	s29 =	simm.s32 $0x9;
	_ =	strace $0x80000048  }
0xb6: {  	_ =	swait.ge [sflag:s29], $0x1  }
0xb7: {  	[sflag:s29] =	ssyncadd.s32 $0xFFFFFFFF  }
0xb8: {  	_ =	strace $0x90000048  }
0xb9: {  	_ =	sfence  }
0xba: {  	s30 =	sld [smem:$0x0];
	_ =	sdelay $0x2  }
0xbb: {  	s31 =	sshll.u32 s1, $0xD;
	s1 =	sshrl.u32 s1, $0x2  }
0xbc: {  	s3 =	sand.u32 $0x4000, s31;
	s1 =	sadd.s32 s1, s30  }
0xbd: {  	s0 =	sor.u32 s3, s0;
	s1 =	sshll.u32 s1, $0x11  }
0xbe: {  	s0 =	sor.u32 s1, s0  }
0xbf: {  	s0 =	sadd.s32 $0x8F2B, s0  }
0xc0: {  	[sflag:s0] =	ssyncadd.remote.s32 $0x1  }
0xc1: {  	_ =	sfence.sel $0xFFFF  }
0xc2: {  	[dreg:$0x0] =	wrdreg $0xFFFFFFFF;
	(pc) =	sbr.abs _section_cstart, $3  }
0xc3: {  	[dreg:$0x1] =	wrdreg $0xFFFFFFFF  }
0xc4: {  	_ =	task.clear_ibuf [dreg:s8], $0x2FFFF;
	_ =	strace $0x9FFFFFFF  }
0xc5: {  	(tm) =	ssettm $0x7FFFFFFF  }
tec
execute0_lowered:
.L_overlay_start_1:
0x0: {  	(tag) =	ssettag $0x1  }
0x1: {  	s0 =	srdreg.scid  }
0x2: {  	s7 =	sand.u32 $0x1, s0  }
0x3: {  	s0 =	stileid.u32;
	s3 =	sshll.u32 s7, $0x4  }
0x4: {  	s5 =	rddreg [dreg:$0x0];
	s6 =	sor.u32 s0, s3  }
0x5: {  	s4 =	rddreg [dreg:$0x1];
	s6 =	smul.u32 $0x5000, s6  }
0x6: {  	s1 =	rddreg [dreg:$0x3]  }
0x7: {  	s10 =	sadd.s32 $0x1200, s4;
	s3 =	simm.s32 $0x0;
	s9 =	sshrl.u32 s6, $0x3  }
0x8: {  	s8 =	ssub.s32 $0x2, s7;
	[smem:$0x7FF] =	sst s3;
	s11 =	sor.u32 $0x10, s9  }
0x9: {  	s13 =	sshrl.u32 s8, $0x1;
	_ =	strace $0x80000047;
	s14 =	sadd.s32 s5, s11  }
0xa: {  	s15 =	sor.u32 $0x20, s9;
	s11 =	sadd.s32 s10, s11;
	[dreg:$0x7] =	wrdreg s14  }
0xb: {  	s6 =	ssub.s32 s8, s13;
	s16 =	sadd.s32 s5, s15;
	[dreg:$0x8] =	wrdreg s11  }
0xc: {  	s18 =	sor.u32 $0x30, s9;
	s8 =	sadd.s32 s10, s15;
	[dreg:$0x9] =	wrdreg s16  }
0xd: {  	s19 =	sor.u32 $0x40, s9;
	s13 =	sadd.s32 s5, s18;
	[dreg:$0xa] =	wrdreg s8  }
0xe: {  	s21 =	sor.u32 $0x50, s9;
	s20 =	sadd.s32 s5, s19;
	[dreg:$0xb] =	wrdreg s13  }
0xf: {  	s17 =	smul.u32 $0x50000, s7;
	s22 =	sadd.s32 s5, s21;
	[dreg:$0xd] =	wrdreg s20  }
0x10: {  	s25 =	sor.u32 $0x60, s9;
	s24 =	sadd.s32 s10, s21;
	[dreg:$0xf] =	wrdreg s22  }
0x11: {  	s12 =	smul.u32 $0x5000, s0;
	s26 =	sadd.s32 s5, s25;
	[dreg:$0x10] =	wrdreg s24  }
0x12: {  	s28 =	sor.u32 $0x70, s9;
	s8 =	sadd.s32 s10, s18;
	[dreg:$0x11] =	wrdreg s26  }
0x13: {  	s15 =	sor.u32 $0x80, s9;
	s13 =	sadd.s32 s5, s28;
	[dreg:$0xc] =	wrdreg s8  }
0x14: {  	s21 =	sor.u32 $0xB0, s9;
	s14 =	sadd.s32 s10, s28;
	[dreg:$0x13] =	wrdreg s13  }
0x15: {  	s11 =	sadd.s32 s12, s17;
	s17 =	sadd.s32 s5, s15;
	[dreg:$0x14] =	wrdreg s14  }
0x16: {  	s24 =	sadd.s32 s10, s21;
	[dreg:$0x15] =	wrdreg s17  }
0x17: {  	s16 =	sor.u32 $0x90, s9;
	s8 =	sadd.s32 s10, s19;
	[dreg:$0x1c] =	wrdreg s24  }
0x18: {  	s23 =	sor.u32 $0x800, s11;
	s11 =	sadd.s32 s10, s25;
	[dreg:$0xe] =	wrdreg s8  }
0x19: {  	s29 =	simm.s32 $0x19;
	s18 =	sadd.s32 s5, s16;
	[dreg:$0x12] =	wrdreg s11  }
0x1a: {  	s20 =	sor.u32 $0xA0, s9;
	s19 =	sadd.s32 s10, s16;
	[dreg:$0x17] =	wrdreg s18  }
0x1b: {  	s26 =	sor.u32 $0xD0, s9;
	s22 =	sadd.s32 s5, s20;
	[dreg:$0x18] =	wrdreg s19  }
0x1c: {  	s30 =	simm.s32 $0x40;
	s13 =	sadd.s32 s10, s26;
	[dreg:$0x19] =	wrdreg s22  }
0x1d: {  	s31 =	simm.s32 $0xB;
	s17 =	sadd.s32 s5, s9;
	[smem:$0x7F0] =	sst s13  }
0x1e: {  	s25 =	sor.u32 $0xC0, s9;
	s11 =	sadd.s32 s10, s15;
	[smem:$0x7F3] =	sst s17  }
0x1f: {  	s8 =	sshrl.u32 s23, $0x3;
	s23 =	sadd.s32 s5, s21;
	[dreg:$0x16] =	wrdreg s11  }
0x20: {  	s14 =	sor.u32 $0xE0, s9;
	s28 =	sadd.s32 s5, s25;
	[dreg:$0x1b] =	wrdreg s23  }
0x21: {  	s7 =	smul.u32 $0x138800, s7;
	s15 =	sadd.s32 s5, s14;
	[dreg:$0x1d] =	wrdreg s28  }
0x22: {  	p0 =	sne.s32 s0, $0x0;
	s18 =	sadd.s32 s10, s9;
	[smem:$0x7F1] =	sst s15  }
0x23: {  	s21 =	sadd.s32 $0x17A00, s4;
	s4 =	sadd.s32 $0x15200, s4;
	[smem:$0x7F4] =	sst s18  }
0x24: {  	s16 =	smul.u32 $0x13800, s0;
	s2 =	sadd.s32 s8, s5;
	[smem:$0x7F8] =	sst s4  }
0x25: {  	s9 =	sor.u32 $0xF0, s9;
	s11 =	sadd.s32 s10, s20;
	[dreg:$0x5] =	wrdreg s2  }
0x26: {  	s22 =	sshrl.u32 s7, $0x3;
	s19 =	sadd.s32 s10, s9;
	[dreg:$0x1a] =	wrdreg s11  }
0x27: {  	s20 =	sadd.s32 s16, s7;
	s8 =	sadd.s32 s8, s10;
	[smem:$0x7F6] =	sst s19  }
0x28: {  	s23 =	smul.u32 $0x4E000, s0;
	s28 =	sadd.s32 $0x138000, s1;
	[dreg:$0x6] =	wrdreg s8  }
0x29: {  	s0 =	sshll.u32 s0, $0x6;
	s11 =	sadd.s32 s10, s25;
	[smem:$0x7FC] =	sst s28  }
0x2a: {  	s15 =	simm.s32 $0x9;
	s2 =	sadd.s32 s5, s26;
	[dreg:$0x1e] =	wrdreg s11  }
0x2b: {  	s7 =	simm.s32 $0x4;
	s5 =	sadd.s32 s5, s9;
	[dreg:$0x1f] =	wrdreg s2  }
0x2c: {  	s26 =	smax.u32 s6, $0x1;
	s8 =	simm.s32 $0x1;
	[smem:$0x7F5] =	sst s5  }
0x2d: {  	s11 =	sadd.s32 s10, s14;
	s5 =	sshrl.u32 s20, $0x3;
	[smem:$0x7FB] =	sst s26  }
0x2e: {  	s24 =	sshrl.u32 s23, $0x2;
	[smem:$0x7F2] =	sst s11;
	s5 =	sadd.s32 s21, s5  }
0x2f: {  	s26 =	simm.s32 $0xA;
	s4 =	sadd.s32 s24, s1;
	[smem:$0x7F7] =	sst s5  }
0x30: {  	s5 =	sadd.s32 s21, s22;
	[smem:$0x7F9] =	sst s4;
	s4 =	sor.u32 $0x1C19, s0  }
0x31: {  	s14 =	simm.s32 $0x3;
	s25 =	sadd.s32 $0x27000, s5;
	[smem:$0x7FD] =	sst s4  }
0x32: {  	s11 =	simm.s32 $0x2;
	s1 =	simm.s32 $0x0;
	[smem:$0x7FA] =	sst s25  }
.LBB2_1:
0x33: {  	s0 =	sld [smem:$0x7F9];
	_ =	sdelay $0x2  }
0x34: {  	s10 =	sshrl.u32 s0, $0x3;
	s0 =	sld [smem:$0x7F8]  }
0x35: {  	[smem:$0x7ED] =	sst s1  }
0x36: {  	[smem:$0x7EE] =	sst s10  }
0x37: {  	[spmem:s10], [sflag:s4] =	dma.local [hbm:s0], $0x2700  }
0x38: {  	_ =	swait.ge [sflag:s29], $0x2700  }
0x39: {  	s10 =	sld [smem:$0x7FC];
	_ =	sdelay $0x2  }
0x3a: {  	[sflag:s29] =	ssyncset.done $0x0;
	s1 =	sshrl.u32 @!p0 s10, $0x3  }
0x3b: {  	[sflag:s29] =	ssyncadd.s32 $0xFFFFD900;
	[smem:$0x7EF] =	sst s1  }
0x3c: {  	[spmem:s1], [sflag:s4] =	dma.local @!p0 [hbm:s0], $0x100  }
0x3d: {  	s0 =	simm.s32 @!p0 $0x19  }
0x3e: {  	_ =	swait.ge @!p0 [sflag:s0], $0x100  }
0x3f: {  	[sflag:s0] =	ssyncset.done @!p0 $0x0  }
0x40: {  	[sflag:s0] =	ssyncadd.s32 @!p0 $0xFFFFFF00  }
0x41: {  	[bflag:$0x0] =	sbarrier.arrive $0xFFFF  }
0x42: {  	s12 =	sld [smem:$0x7F3];
	_ =	sdelay $0x1  }
0x43: {  	s13 =	sld [smem:$0x7F4]  }
0x44: {  	[tilespmem:s3], [sflag:$0x1] =	stream.linear.gather [hbm4b:s12+s3], $0x80, $0x38;
	[tilespmem:$0x1C280] =	vst v63  }
0x45: {  	s16 =	simm.s32 $0x400  }
0x46: {  	[tilespmem:s16], [sflag:$0x9] =	stream.linear.gather [hbm4b:s13+s3], $0x80, $0x38;
	[tilespmem:$0x1C280] =	vst v63  }
0x47: {  	s18 =	simm.s32 $0x80;
	s17 =	rddreg [dreg:$0x7]  }
0x48: {  	[tilespmem:s18], [sflag:$0x2] =	stream.linear.gather [hbm4b:s17+s3], $0x80, $0x38;
	[tilespmem:$0x1C280] =	vst v63  }
0x49: {  	s20 =	simm.s32 $0x480;
	s19 =	rddreg [dreg:$0x8]  }
0x4a: {  	[tilespmem:s20], [sflag:$0xA] =	stream.linear.gather [hbm4b:s19+s3], $0x80, $0x38;
	[tilespmem:$0x1C280] =	vst v63  }
0x4b: {  	s22 =	simm.s32 $0x100;
	s21 =	rddreg [dreg:$0x9]  }
0x4c: {  	[tilespmem:s22], [sflag:$0x3] =	stream.linear.gather [hbm4b:s21+s3], $0x80, $0x38;
	[tilespmem:$0x1C280] =	vst v63  }
0x4d: {  	s24 =	simm.s32 $0x500;
	s23 =	rddreg [dreg:$0xa]  }
0x4e: {  	[tilespmem:s24], [sflag:$0xB] =	stream.linear.gather [hbm4b:s23+s3], $0x80, $0x38;
	[tilespmem:$0x1C280] =	vst v63  }
0x4f: {  	s28 =	simm.s32 $0x180;
	s25 =	rddreg [dreg:$0xb]  }
0x50: {  	[tilespmem:s28], [sflag:$0x4] =	stream.linear.gather [hbm4b:s25+s3], $0x80, $0x38;
	[tilespmem:$0x1C280] =	vst v63  }
0x51: {  	s9 =	simm.s32 $0x580;
	s1 =	rddreg [dreg:$0xc]  }
0x52: {  	[tilespmem:s9], [sflag:$0xC] =	stream.linear.gather [hbm4b:s1+s3], $0x80, $0x38;
	[tilespmem:$0x1C280] =	vst v63  }
0x53: {  	s10 =	rddreg [dreg:$0xd];
	s12 =	simm.s32 $0x200  }
0x54: {  	[tilespmem:s12], [sflag:$0x5] =	stream.linear.gather [hbm4b:s10+s3], $0x80, $0x38;
	[tilespmem:$0x1C280] =	vst v63  }
0x55: {  	s13 =	rddreg [dreg:$0xe];
	s16 =	simm.s32 $0x600  }
0x56: {  	[tilespmem:s16], [sflag:$0xD] =	stream.linear.gather [hbm4b:s13+s3], $0x80, $0x38;
	[tilespmem:$0x1C280] =	vst v63  }
0x57: {  	s19 =	rddreg [dreg:$0xf];
	s20 =	simm.s32 $0x280  }
0x58: {  	[tilespmem:s20], [sflag:$0x6] =	stream.linear.gather [hbm4b:s19+s3], $0x80, $0x38;
	[tilespmem:$0x1C280] =	vst v63  }
0x59: {  	s22 =	rddreg [dreg:$0x10];
	s24 =	simm.s32 $0x680  }
0x5a: {  	[tilespmem:s24], [sflag:$0xE] =	stream.linear.gather [hbm4b:s22+s3], $0x80, $0x38;
	[tilespmem:$0x1C280] =	vst v63  }
0x5b: {  	_ =	swait.ge [sflag:s8], $0x80  }
0x5c: {  	[sflag:s8] =	ssyncset.done $0x0  }
0x5d: {  	[sflag:s8] =	ssyncadd.s32 $0xFFFFFF80  }
0x5e: {  	_ =	swait.ge [sflag:s15], $0x80  }
0x5f: {  	[sflag:s15] =	ssyncset.done $0x0  }
0x60: {  	[sflag:s15] =	ssyncadd.s32 $0xFFFFFF80  }
0x61: {  	s25 =	simm.s32 $0x800;
	s1 =	rddreg [dreg:$0x2]  }
0x62: {  	[tilespmem:s25], [sflag:$0x11] =	stream.indirect.gather [hbm4b:s1+s30], $0x80, s3, s30, $0xb8;
	[tilespmem:$0x1C280] =	vst v63  }
0x63: {  	_ =	swait.ge [sflag:s11], $0x80  }
0x64: {  	[sflag:s11] =	ssyncset.done $0x0  }
0x65: {  	[sflag:s11] =	ssyncadd.s32 $0xFFFFFF80  }
0x66: {  	_ =	swait.ge [sflag:s26], $0x80  }
0x67: {  	s2 =	simm.s32 $0x80;
	[sflag:s26] =	ssyncset.done $0x0  }
0x68: {  	s9 =	simm.s32 $0x2800;
	s19 =	simm.s32 $0x11;
	[sflag:s26] =	ssyncadd.s32 $0xFFFFFF80  }
0x69: {  	[tilespmem:s9], [sflag:$0x12] =	stream.indirect.gather [hbm4b:s1+s30], $0x80, s2, s30, $0xb8;
	[tilespmem:$0x1C280] =	vst v63  }
0x6a: {  	_ =	swait.ge [sflag:s19], $0x2000  }
0x6b: {  	[sflag:s19] =	ssyncset.done $0x0  }
0x6c: {  	[sflag:s19] =	ssyncadd.s32 $0xFFFFE000  }
0x6d: {  	s6 =	simm.s32 $0x400;
	s28 =	simm.s32 $0x800;
	s2 =	rddreg [dreg:$0x3]  }
0x6e: {  	[spmem:s2] =	stream.indirect.scatter.add.f32 [tilespmem:s28], [sflag:$0x15], $0x80, s6, s30, $0xb8;
	[tilespmem:$0x1C280] =	vst v63  }
0x6f: {  	s12 =	simm.s32 $0x300;
	s10 =	rddreg [dreg:$0x11]  }
0x70: {  	[tilespmem:s12], [sflag:$0x7] =	stream.linear.gather [hbm4b:s10+s3], $0x80, $0x38;
	[tilespmem:$0x1C280] =	vst v63  }
0x71: {  	s20 =	simm.s32 $0x700;
	s13 =	rddreg [dreg:$0x12]  }
0x72: {  	[tilespmem:s20], [sflag:$0xF] =	stream.linear.gather [hbm4b:s13+s3], $0x80, $0x38;
	[tilespmem:$0x1C280] =	vst v63  }
0x73: {  	_ =	swait.ge [sflag:s14], $0x80  }
0x74: {  	[sflag:s14] =	ssyncset.done $0x0  }
0x75: {  	[sflag:s14] =	ssyncadd.s32 $0xFFFFFF80  }
0x76: {  	_ =	swait.ge [sflag:s31], $0x80  }
0x77: {  	[sflag:s31] =	ssyncset.done $0x0  }
0x78: {  	s5 =	simm.s32 $0x100;
	s24 =	simm.s32 $0x4800;
	[sflag:s31] =	ssyncadd.s32 $0xFFFFFF80  }
0x79: {  	[tilespmem:s24], [sflag:$0x13] =	stream.indirect.gather [hbm4b:s1+s30], $0x80, s5, s30, $0xb8;
	[tilespmem:$0x1C280] =	vst v63  }
0x7a: {  	s24 =	simm.s32 $0x12  }
0x7b: {  	_ =	swait.ge [sflag:s24], $0x2000  }
0x7c: {  	[sflag:s24] =	ssyncset.done $0x0  }
0x7d: {  	s20 =	simm.s32 $0x15;
	[sflag:s24] =	ssyncadd.s32 $0xFFFFE000  }
0x7e: {  	_ =	swait.ge [sflag:s20], $0x2000  }
0x7f: {  	[sflag:s20] =	ssyncset.done $0x0  }
0x80: {  	s4 =	simm.s32 $0x480;
	s9 =	simm.s32 $0x2800;
	[sflag:s20] =	ssyncadd.s32 $0xFFFFE000  }
0x81: {  	[spmem:s2] =	stream.indirect.scatter.add.f32 [tilespmem:s9], [sflag:$0x16], $0x80, s4, s30, $0xb8;
	[tilespmem:$0x1C280] =	vst v63  }
0x82: {  	s28 =	simm.s32 $0x380;
	s25 =	rddreg [dreg:$0x13]  }
0x83: {  	[tilespmem:s28], [sflag:$0x8] =	stream.linear.gather [hbm4b:s25+s3], $0x80, $0x38;
	[tilespmem:$0x1C280] =	vst v63  }
0x84: {  	s6 =	rddreg [dreg:$0x14];
	s9 =	simm.s32 $0x780  }
0x85: {  	[tilespmem:s9], [sflag:$0x10] =	stream.linear.gather [hbm4b:s6+s3], $0x80, $0x38;
	[tilespmem:$0x1C280] =	vst v63  }
0x86: {  	_ =	swait.ge [sflag:s7], $0x80  }
0x87: {  	[sflag:s7] =	ssyncset.done $0x0  }
0x88: {  	s12 =	simm.s32 $0xC;
	[sflag:s7] =	ssyncadd.s32 $0xFFFFFF80  }
0x89: {  	_ =	swait.ge [sflag:s12], $0x80  }
0x8a: {  	s17 =	simm.s32 $0x180;
	[sflag:s12] =	ssyncset.done $0x0  }
0x8b: {  	s25 =	simm.s32 $0x6800;
	s9 =	simm.s32 $0x13;
	[sflag:s12] =	ssyncadd.s32 $0xFFFFFF80  }
0x8c: {  	[tilespmem:s25], [sflag:$0x14] =	stream.indirect.gather [hbm4b:s1+s30], $0x80, s17, s30, $0xb8;
	[tilespmem:$0x1C280] =	vst v63  }
0x8d: {  	_ =	swait.ge [sflag:s9], $0x2000  }
0x8e: {  	[sflag:s9] =	ssyncset.done $0x0  }
0x8f: {  	s6 =	simm.s32 $0x16;
	[sflag:s9] =	ssyncadd.s32 $0xFFFFE000  }
0x90: {  	_ =	swait.ge [sflag:s6], $0x2000  }
0x91: {  	[sflag:s6] =	ssyncset.done $0x0  }
0x92: {  	s18 =	simm.s32 $0x500;
	s10 =	simm.s32 $0x4800;
	[sflag:s6] =	ssyncadd.s32 $0xFFFFE000  }
0x93: {  	[spmem:s2] =	stream.indirect.scatter.add.f32 [tilespmem:s10], [sflag:$0x17], $0x80, s18, s30, $0xb8;
	[tilespmem:$0x1C280] =	vst v63  }
0x94: {  	s12 =	rddreg [dreg:$0x15]  }
0x95: {  	[tilespmem:s3], [sflag:$0x1] =	stream.linear.gather [hbm4b:s12+s3], $0x80, $0x38;
	[tilespmem:$0x1C280] =	vst v63  }
0x96: {  	s29 =	simm.s32 $0x5;
	s16 =	simm.s32 $0x400;
	s18 =	rddreg [dreg:$0x16]  }
0x97: {  	[tilespmem:s16], [sflag:$0x9] =	stream.linear.gather [hbm4b:s18+s3], $0x80, $0x38;
	[tilespmem:$0x1C280] =	vst v63  }
0x98: {  	_ =	swait.ge [sflag:s29], $0x80  }
0x99: {  	[sflag:s29] =	ssyncset.done $0x0  }
0x9a: {  	s18 =	simm.s32 $0xD;
	[sflag:s29] =	ssyncadd.s32 $0xFFFFFF80  }
0x9b: {  	_ =	swait.ge [sflag:s18], $0x80  }
0x9c: {  	s21 =	simm.s32 $0x200;
	[sflag:s18] =	ssyncset.done $0x0  }
0x9d: {  	s4 =	simm.s32 $0x800;
	s12 =	simm.s32 $0x14;
	[sflag:s18] =	ssyncadd.s32 $0xFFFFFF80  }
0x9e: {  	[tilespmem:s4], [sflag:$0x11] =	stream.indirect.gather [hbm4b:s1+s30], $0x80, s21, s30, $0xb8;
	[tilespmem:$0x1C280] =	vst v63  }
0x9f: {  	_ =	swait.ge [sflag:s12], $0x2000  }
0xa0: {  	[sflag:s12] =	ssyncset.done $0x0  }
0xa1: {  	s10 =	simm.s32 $0x17;
	[sflag:s12] =	ssyncadd.s32 $0xFFFFE000  }
0xa2: {  	_ =	swait.ge [sflag:s10], $0x2000  }
0xa3: {  	[sflag:s10] =	ssyncset.done $0x0  }
0xa4: {  	s23 =	simm.s32 $0x580;
	s28 =	simm.s32 $0x6800;
	[sflag:s10] =	ssyncadd.s32 $0xFFFFE000  }
0xa5: {  	[spmem:s2] =	stream.indirect.scatter.add.f32 [tilespmem:s28], [sflag:$0x18], $0x80, s23, s30, $0xb8;
	[tilespmem:$0x1C280] =	vst v63  }
0xa6: {  	s22 =	simm.s32 $0x80;
	s28 =	rddreg [dreg:$0x17]  }
0xa7: {  	[tilespmem:s22], [sflag:$0x2] =	stream.linear.gather [hbm4b:s28+s3], $0x80, $0x38;
	[tilespmem:$0x1C280] =	vst v63  }
0xa8: {  	s13 =	simm.s32 $0x480;
	s16 =	rddreg [dreg:$0x18];
	s22 =	simm.s32 $0x6  }
0xa9: {  	[tilespmem:s13], [sflag:$0xA] =	stream.linear.gather [hbm4b:s16+s3], $0x80, $0x38;
	[tilespmem:$0x1C280] =	vst v63  }
0xaa: {  	_ =	swait.ge [sflag:s22], $0x80  }
0xab: {  	[sflag:s22] =	ssyncset.done $0x0  }
0xac: {  	s28 =	simm.s32 $0xE;
	[sflag:s22] =	ssyncadd.s32 $0xFFFFFF80  }
0xad: {  	_ =	swait.ge [sflag:s28], $0x80  }
0xae: {  	[sflag:s28] =	ssyncset.done $0x0  }
0xaf: {  	s17 =	simm.s32 $0x280;
	s23 =	simm.s32 $0x2800;
	[sflag:s28] =	ssyncadd.s32 $0xFFFFFF80  }
0xb0: {  	[tilespmem:s23], [sflag:$0x12] =	stream.indirect.gather [hbm4b:s1+s30], $0x80, s17, s30, $0xb8;
	[tilespmem:$0x1C280] =	vst v63  }
0xb1: {  	_ =	swait.ge [sflag:s19], $0x2000  }
0xb2: {  	[sflag:s19] =	ssyncset.done $0x0  }
0xb3: {  	s13 =	simm.s32 $0x18;
	[sflag:s19] =	ssyncadd.s32 $0xFFFFE000  }
0xb4: {  	_ =	swait.ge [sflag:s13], $0x2000  }
0xb5: {  	[sflag:s13] =	ssyncset.done $0x0  }
0xb6: {  	s16 =	simm.s32 $0x600;
	[sflag:s13] =	ssyncadd.s32 $0xFFFFE000  }
0xb7: {  	[spmem:s2] =	stream.indirect.scatter.add.f32 [tilespmem:s4], [sflag:$0x15], $0x80, s16, s30, $0xb8;
	[tilespmem:$0x1C280] =	vst v63  }
0xb8: {  	s5 =	simm.s32 $0x100;
	s4 =	rddreg [dreg:$0x19]  }
0xb9: {  	[tilespmem:s5], [sflag:$0x3] =	stream.linear.gather [hbm4b:s4+s3], $0x80, $0x38;
	[tilespmem:$0x1C280] =	vst v63  }
0xba: {  	s25 =	simm.s32 $0x500;
	s17 =	rddreg [dreg:$0x1a];
	s4 =	simm.s32 $0x7  }
0xbb: {  	[tilespmem:s25], [sflag:$0xB] =	stream.linear.gather [hbm4b:s17+s3], $0x80, $0x38;
	[tilespmem:$0x1C280] =	vst v63  }
0xbc: {  	_ =	swait.ge [sflag:s4], $0x80  }
0xbd: {  	[sflag:s4] =	ssyncset.done $0x0  }
0xbe: {  	s5 =	simm.s32 $0xF;
	[sflag:s4] =	ssyncadd.s32 $0xFFFFFF80  }
0xbf: {  	_ =	swait.ge [sflag:s5], $0x80  }
0xc0: {  	[sflag:s5] =	ssyncset.done $0x0  }
0xc1: {  	s17 =	simm.s32 $0x300;
	s25 =	simm.s32 $0x4800;
	[sflag:s5] =	ssyncadd.s32 $0xFFFFFF80  }
0xc2: {  	[tilespmem:s25], [sflag:$0x13] =	stream.indirect.gather [hbm4b:s1+s30], $0x80, s17, s30, $0xb8;
	[tilespmem:$0x1C280] =	vst v63  }
0xc3: {  	_ =	swait.ge [sflag:s24], $0x2000  }
0xc4: {  	[sflag:s24] =	ssyncset.done $0x0  }
0xc5: {  	[sflag:s24] =	ssyncadd.s32 $0xFFFFE000  }
0xc6: {  	_ =	swait.ge [sflag:s20], $0x2000  }
0xc7: {  	[sflag:s20] =	ssyncset.done $0x0  }
0xc8: {  	s4 =	simm.s32 $0x680;
	[sflag:s20] =	ssyncadd.s32 $0xFFFFE000  }
0xc9: {  	[spmem:s2] =	stream.indirect.scatter.add.f32 [tilespmem:s23], [sflag:$0x16], $0x80, s4, s30, $0xb8;
	[tilespmem:$0x1C280] =	vst v63  }
0xca: {  	s5 =	rddreg [dreg:$0x1b];
	s23 =	simm.s32 $0x180  }
0xcb: {  	[tilespmem:s23], [sflag:$0x4] =	stream.linear.gather [hbm4b:s5+s3], $0x80, $0x38;
	[tilespmem:$0x1C280] =	vst v63  }
0xcc: {  	s21 =	simm.s32 $0x580;
	s5 =	rddreg [dreg:$0x1c];
	s23 =	simm.s32 $0x8  }
0xcd: {  	[tilespmem:s21], [sflag:$0xC] =	stream.linear.gather [hbm4b:s5+s3], $0x80, $0x38;
	[tilespmem:$0x1C280] =	vst v63  }
0xce: {  	_ =	swait.ge [sflag:s23], $0x80  }
0xcf: {  	[sflag:s23] =	ssyncset.done $0x0  }
0xd0: {  	s5 =	simm.s32 $0x10;
	[sflag:s23] =	ssyncadd.s32 $0xFFFFFF80  }
0xd1: {  	_ =	swait.ge [sflag:s5], $0x80  }
0xd2: {  	[sflag:s5] =	ssyncset.done $0x0  }
0xd3: {  	s21 =	simm.s32 $0x380;
	s23 =	simm.s32 $0x6800;
	[sflag:s5] =	ssyncadd.s32 $0xFFFFFF80  }
0xd4: {  	[tilespmem:s23], [sflag:$0x14] =	stream.indirect.gather [hbm4b:s1+s30], $0x80, s21, s30, $0xb8;
	[tilespmem:$0x1C280] =	vst v63  }
0xd5: {  	_ =	swait.ge [sflag:s9], $0x2000  }
0xd6: {  	[sflag:s9] =	ssyncset.done $0x0  }
0xd7: {  	[sflag:s9] =	ssyncadd.s32 $0xFFFFE000  }
0xd8: {  	_ =	swait.ge [sflag:s6], $0x2000  }
0xd9: {  	[sflag:s6] =	ssyncset.done $0x0  }
0xda: {  	s17 =	simm.s32 $0x4800;
	s5 =	simm.s32 $0x700;
	[sflag:s6] =	ssyncadd.s32 $0xFFFFE000  }
0xdb: {  	[spmem:s2] =	stream.indirect.scatter.add.f32 [tilespmem:s17], [sflag:$0x17], $0x80, s5, s30, $0xb8;
	[tilespmem:$0x1C280] =	vst v63  }
0xdc: {  	s21 =	simm.s32 $0x200;
	s17 =	rddreg [dreg:$0x1d]  }
0xdd: {  	[tilespmem:s21], [sflag:$0x5] =	stream.linear.gather [hbm4b:s17+s3], $0x80, $0x38;
	[tilespmem:$0x1C280] =	vst v63  }
0xde: {  	s21 =	rddreg [dreg:$0x1e]  }
0xdf: {  	[tilespmem:s16], [sflag:$0xD] =	stream.linear.gather [hbm4b:s21+s3], $0x80, $0x38;
	[tilespmem:$0x1C280] =	vst v63  }
0xe0: {  	_ =	swait.ge [sflag:s8], $0x80  }
0xe1: {  	[sflag:s8] =	ssyncset.done $0x0  }
0xe2: {  	[sflag:s8] =	ssyncadd.s32 $0xFFFFFF80  }
0xe3: {  	_ =	swait.ge [sflag:s15], $0x80  }
0xe4: {  	[sflag:s15] =	ssyncset.done $0x0  }
0xe5: {  	s21 =	simm.s32 $0x800;
	[sflag:s15] =	ssyncadd.s32 $0xFFFFFF80  }
0xe6: {  	[tilespmem:s21], [sflag:$0x11] =	stream.indirect.gather [hbm4b:s1+s30], $0x80, s3, s30, $0xb8;
	[tilespmem:$0x1C280] =	vst v63  }
0xe7: {  	_ =	swait.ge [sflag:s12], $0x2000  }
0xe8: {  	[sflag:s12] =	ssyncset.done $0x0  }
0xe9: {  	[sflag:s12] =	ssyncadd.s32 $0xFFFFE000  }
0xea: {  	_ =	swait.ge [sflag:s10], $0x2000  }
0xeb: {  	[sflag:s10] =	ssyncset.done $0x0  }
0xec: {  	s23 =	simm.s32 $0x6800;
	s16 =	simm.s32 $0x780;
	[sflag:s10] =	ssyncadd.s32 $0xFFFFE000  }
0xed: {  	[spmem:s2] =	stream.indirect.scatter.add.f32 [tilespmem:s23], [sflag:$0x18], $0x80, s16, s30, $0xb8;
	[tilespmem:$0x1C280] =	vst v63  }
0xee: {  	s17 =	simm.s32 $0x280;
	s0 =	rddreg [dreg:$0x1f]  }
0xef: {  	[tilespmem:s17], [sflag:$0x6] =	stream.linear.gather [hbm4b:s0+s3], $0x80, $0x38;
	[tilespmem:$0x1C280] =	vst v63  }
0xf0: {  	s17 =	sld [smem:$0x7F0];
	_ =	sdelay $0x2  }
0xf1: {  	[tilespmem:s4], [sflag:$0xE] =	stream.linear.gather [hbm4b:s17+s3], $0x80, $0x38;
	[tilespmem:$0x1C280] =	vst v63  }
0xf2: {  	_ =	swait.ge [sflag:s11], $0x80  }
0xf3: {  	[sflag:s11] =	ssyncset.done $0x0  }
0xf4: {  	[sflag:s11] =	ssyncadd.s32 $0xFFFFFF80  }
0xf5: {  	_ =	swait.ge [sflag:s26], $0x80  }
0xf6: {  	[sflag:s26] =	ssyncset.done $0x0  }
0xf7: {  	s25 =	simm.s32 $0x2800;
	s17 =	simm.s32 $0x80;
	[sflag:s26] =	ssyncadd.s32 $0xFFFFFF80  }
0xf8: {  	[tilespmem:s25], [sflag:$0x12] =	stream.indirect.gather [hbm4b:s1+s30], $0x80, s17, s30, $0xb8;
	[tilespmem:$0x1C280] =	vst v63  }
0xf9: {  	_ =	swait.ge [sflag:s19], $0x2000  }
0xfa: {  	[sflag:s19] =	ssyncset.done $0x0  }
0xfb: {  	[sflag:s19] =	ssyncadd.s32 $0xFFFFE000  }
0xfc: {  	_ =	swait.ge [sflag:s13], $0x2000  }
0xfd: {  	[sflag:s13] =	ssyncset.done $0x0  }
0xfe: {  	s17 =	simm.s32 $0x400;
	s4 =	sld [smem:$0x7F1];
	[sflag:s13] =	ssyncadd.s32 $0xFFFFE000  }
0xff: {  	[spmem:s2] =	stream.indirect.scatter.add.f32 [tilespmem:s21], [sflag:$0x15], $0x80, s17, s30, $0xb8;
	[tilespmem:$0x1C280] =	vst v63  }
0x100: {  	s21 =	simm.s32 $0x300  }
0x101: {  	[tilespmem:s21], [sflag:$0x7] =	stream.linear.gather [hbm4b:s4+s3], $0x80, $0x38;
	[tilespmem:$0x1C280] =	vst v63  }
0x102: {  	s4 =	sld [smem:$0x7F2];
	_ =	sdelay $0x2  }
0x103: {  	[tilespmem:s5], [sflag:$0xF] =	stream.linear.gather [hbm4b:s4+s3], $0x80, $0x38;
	[tilespmem:$0x1C280] =	vst v63  }
0x104: {  	_ =	swait.ge [sflag:s14], $0x80  }
0x105: {  	[sflag:s14] =	ssyncset.done $0x0  }
0x106: {  	[sflag:s14] =	ssyncadd.s32 $0xFFFFFF80  }
0x107: {  	_ =	swait.ge [sflag:s31], $0x80  }
0x108: {  	[sflag:s31] =	ssyncset.done $0x0  }
0x109: {  	s21 =	simm.s32 $0x100;
	s5 =	simm.s32 $0x4800;
	[sflag:s31] =	ssyncadd.s32 $0xFFFFFF80  }
0x10a: {  	[tilespmem:s5], [sflag:$0x13] =	stream.indirect.gather [hbm4b:s1+s30], $0x80, s21, s30, $0xb8;
	[tilespmem:$0x1C280] =	vst v63  }
0x10b: {  	_ =	swait.ge [sflag:s24], $0x2000  }
0x10c: {  	[sflag:s24] =	ssyncset.done $0x0  }
0x10d: {  	[sflag:s24] =	ssyncadd.s32 $0xFFFFE000  }
0x10e: {  	_ =	swait.ge [sflag:s20], $0x2000  }
0x10f: {  	[sflag:s20] =	ssyncset.done $0x0  }
0x110: {  	s21 =	simm.s32 $0x480;
	s4 =	sld [smem:$0x7F5];
	[sflag:s20] =	ssyncadd.s32 $0xFFFFE000  }
0x111: {  	[spmem:s2] =	stream.indirect.scatter.add.f32 [tilespmem:s25], [sflag:$0x16], $0x80, s21, s30, $0xb8;
	[tilespmem:$0x1C280] =	vst v63  }
0x112: {  	s25 =	simm.s32 $0x380  }
0x113: {  	[tilespmem:s25], [sflag:$0x8] =	stream.linear.gather [hbm4b:s4+s3], $0x80, $0x38;
	[tilespmem:$0x1C280] =	vst v63  }
0x114: {  	s4 =	sld [smem:$0x7F6];
	_ =	sdelay $0x2  }
0x115: {  	[tilespmem:s16], [sflag:$0x10] =	stream.linear.gather [hbm4b:s4+s3], $0x80, $0x38;
	[tilespmem:$0x1C280] =	vst v63  }
0x116: {  	_ =	swait.ge [sflag:s7], $0x80  }
0x117: {  	[sflag:s7] =	ssyncset.done $0x0  }
0x118: {  	s16 =	simm.s32 $0xC;
	[sflag:s7] =	ssyncadd.s32 $0xFFFFFF80  }
0x119: {  	_ =	swait.ge [sflag:s16], $0x80  }
0x11a: {  	[sflag:s16] =	ssyncset.done $0x0  }
0x11b: {  	s23 =	simm.s32 $0x6800;
	s25 =	simm.s32 $0x180;
	[sflag:s16] =	ssyncadd.s32 $0xFFFFFF80  }
0x11c: {  	[tilespmem:s23], [sflag:$0x14] =	stream.indirect.gather [hbm4b:s1+s30], $0x80, s25, s30, $0xb8;
	[tilespmem:$0x1C280] =	vst v63  }
0x11d: {  	_ =	swait.ge [sflag:s9], $0x2000  }
0x11e: {  	[sflag:s9] =	ssyncset.done $0x0  }
0x11f: {  	[sflag:s9] =	ssyncadd.s32 $0xFFFFE000  }
0x120: {  	_ =	swait.ge [sflag:s6], $0x2000  }
0x121: {  	[sflag:s6] =	ssyncset.done $0x0  }
0x122: {  	s25 =	simm.s32 $0x500;
	s4 =	rddreg [dreg:$0x5];
	[sflag:s6] =	ssyncadd.s32 $0xFFFFE000  }
0x123: {  	[spmem:s2] =	stream.indirect.scatter.add.f32 [tilespmem:s5], [sflag:$0x17], $0x80, s25, s30, $0xb8;
	[tilespmem:$0x1C280] =	vst v63  }
0x124: {  	s16 =	rddreg [dreg:$0x6];
	s0 =	sadd.s32 $0x0, s4  }
0x125: {  	[tilespmem:s3], [sflag:$0x1] =	stream.linear.gather [hbm4b:s0+s3], $0x80, $0x38;
	[tilespmem:$0x1C280] =	vst v63  }
0x126: {  	s4 =	sadd.s32 $0x0, s16  }
0x127: {  	[tilespmem:s17], [sflag:$0x9] =	stream.linear.gather [hbm4b:s4+s3], $0x80, $0x38;
	[tilespmem:$0x1C280] =	vst v63  }
0x128: {  	_ =	swait.ge [sflag:s29], $0x80  }
0x129: {  	[sflag:s29] =	ssyncset.done $0x0  }
0x12a: {  	[sflag:s29] =	ssyncadd.s32 $0xFFFFFF80  }
0x12b: {  	_ =	swait.ge [sflag:s18], $0x80  }
0x12c: {  	[sflag:s18] =	ssyncset.done $0x0  }
0x12d: {  	s23 =	simm.s32 $0x800;
	[sflag:s18] =	ssyncadd.s32 $0xFFFFFF80;
	s18 =	simm.s32 $0x200  }
0x12e: {  	[tilespmem:s23], [sflag:$0x11] =	stream.indirect.gather [hbm4b:s1+s30], $0x80, s18, s30, $0xb8;
	[tilespmem:$0x1C280] =	vst v63  }
0x12f: {  	_ =	swait.ge [sflag:s12], $0x2000  }
0x130: {  	[sflag:s12] =	ssyncset.done $0x0  }
0x131: {  	[sflag:s12] =	ssyncadd.s32 $0xFFFFE000  }
0x132: {  	_ =	swait.ge [sflag:s10], $0x2000  }
0x133: {  	[sflag:s10] =	ssyncset.done $0x0  }
0x134: {  	s16 =	simm.s32 $0x6800;
	s23 =	simm.s32 $0x580;
	[sflag:s10] =	ssyncadd.s32 $0xFFFFE000  }
0x135: {  	[spmem:s2] =	stream.indirect.scatter.add.f32 [tilespmem:s16], [sflag:$0x18], $0x80, s23, s30, $0xb8;
	[tilespmem:$0x1C280] =	vst v63  }
0x136: {  	s17 =	simm.s32 $0x80;
	s29 =	sadd.s32 $0x10, s0  }
0x137: {  	[tilespmem:s17], [sflag:$0x2] =	stream.linear.gather [hbm4b:s29+s3], $0x80, $0x38;
	[tilespmem:$0x1C280] =	vst v63  }
0x138: {  	s29 =	sadd.s32 $0x10, s4  }
0x139: {  	[tilespmem:s21], [sflag:$0xA] =	stream.linear.gather [hbm4b:s29+s3], $0x80, $0x38;
	[tilespmem:$0x1C280] =	vst v63  }
0x13a: {  	_ =	swait.ge [sflag:s22], $0x80  }
0x13b: {  	[sflag:s22] =	ssyncset.done $0x0  }
0x13c: {  	[sflag:s22] =	ssyncadd.s32 $0xFFFFFF80  }
0x13d: {  	_ =	swait.ge [sflag:s28], $0x80  }
0x13e: {  	[sflag:s28] =	ssyncset.done $0x0  }
0x13f: {  	s18 =	simm.s32 $0x280;
	[sflag:s28] =	ssyncadd.s32 $0xFFFFFF80;
	s28 =	simm.s32 $0x2800  }
0x140: {  	[tilespmem:s28], [sflag:$0x12] =	stream.indirect.gather [hbm4b:s1+s30], $0x80, s18, s30, $0xb8;
	[tilespmem:$0x1C280] =	vst v63  }
0x141: {  	_ =	swait.ge [sflag:s19], $0x2000  }
0x142: {  	[sflag:s19] =	ssyncset.done $0x0  }
0x143: {  	[sflag:s19] =	ssyncadd.s32 $0xFFFFE000  }
0x144: {  	_ =	swait.ge [sflag:s13], $0x2000  }
0x145: {  	[sflag:s13] =	ssyncset.done $0x0  }
0x146: {  	s5 =	simm.s32 $0x800;
	s16 =	simm.s32 $0x600;
	[sflag:s13] =	ssyncadd.s32 $0xFFFFE000  }
0x147: {  	[spmem:s2] =	stream.indirect.scatter.add.f32 [tilespmem:s5], [sflag:$0x15], $0x80, s16, s30, $0xb8;
	[tilespmem:$0x1C280] =	vst v63  }
0x148: {  	s17 =	simm.s32 $0x100;
	s29 =	sadd.s32 $0x20, s0  }
0x149: {  	[tilespmem:s17], [sflag:$0x3] =	stream.linear.gather [hbm4b:s29+s3], $0x80, $0x38;
	[tilespmem:$0x1C280] =	vst v63  }
0x14a: {  	s22 =	simm.s32 $0x7;
	s29 =	sadd.s32 $0x20, s4  }
0x14b: {  	[tilespmem:s25], [sflag:$0xB] =	stream.linear.gather [hbm4b:s29+s3], $0x80, $0x38;
	[tilespmem:$0x1C280] =	vst v63  }
0x14c: {  	_ =	swait.ge [sflag:s22], $0x80  }
0x14d: {  	[sflag:s22] =	ssyncset.done $0x0  }
0x14e: {  	s25 =	simm.s32 $0xF;
	[sflag:s22] =	ssyncadd.s32 $0xFFFFFF80  }
0x14f: {  	_ =	swait.ge [sflag:s25], $0x80  }
0x150: {  	[sflag:s25] =	ssyncset.done $0x0  }
0x151: {  	s22 =	simm.s32 $0x4800;
	[sflag:s25] =	ssyncadd.s32 $0xFFFFFF80;
	s25 =	simm.s32 $0x300  }
0x152: {  	[tilespmem:s22], [sflag:$0x13] =	stream.indirect.gather [hbm4b:s1+s30], $0x80, s25, s30, $0xb8;
	[tilespmem:$0x1C280] =	vst v63  }
0x153: {  	_ =	swait.ge [sflag:s24], $0x2000  }
0x154: {  	[sflag:s24] =	ssyncset.done $0x0  }
0x155: {  	[sflag:s24] =	ssyncadd.s32 $0xFFFFE000  }
0x156: {  	_ =	swait.ge [sflag:s20], $0x2000  }
0x157: {  	[sflag:s20] =	ssyncset.done $0x0  }
0x158: {  	s17 =	simm.s32 $0x680;
	[sflag:s20] =	ssyncadd.s32 $0xFFFFE000  }
0x159: {  	[spmem:s2] =	stream.indirect.scatter.add.f32 [tilespmem:s28], [sflag:$0x16], $0x80, s17, s30, $0xb8;
	[tilespmem:$0x1C280] =	vst v63  }
0x15a: {  	s29 =	sadd.s32 $0x30, s0;
	s28 =	simm.s32 $0x180  }
0x15b: {  	[tilespmem:s28], [sflag:$0x4] =	stream.linear.gather [hbm4b:s29+s3], $0x80, $0x38;
	[tilespmem:$0x1C280] =	vst v63  }
0x15c: {  	s29 =	sadd.s32 $0x30, s4;
	s28 =	simm.s32 $0x8  }
0x15d: {  	[tilespmem:s23], [sflag:$0xC] =	stream.linear.gather [hbm4b:s29+s3], $0x80, $0x38;
	[tilespmem:$0x1C280] =	vst v63  }
0x15e: {  	_ =	swait.ge [sflag:s28], $0x80  }
0x15f: {  	[sflag:s28] =	ssyncset.done $0x0  }
0x160: {  	[sflag:s28] =	ssyncadd.s32 $0xFFFFFF80;
	s28 =	simm.s32 $0x10  }
0x161: {  	_ =	swait.ge [sflag:s28], $0x80  }
0x162: {  	[sflag:s28] =	ssyncset.done $0x0  }
0x163: {  	s23 =	simm.s32 $0x6800;
	[sflag:s28] =	ssyncadd.s32 $0xFFFFFF80;
	s28 =	simm.s32 $0x380  }
0x164: {  	[tilespmem:s23], [sflag:$0x14] =	stream.indirect.gather [hbm4b:s1+s30], $0x80, s28, s30, $0xb8;
	[tilespmem:$0x1C280] =	vst v63  }
0x165: {  	_ =	swait.ge [sflag:s9], $0x2000  }
0x166: {  	[sflag:s9] =	ssyncset.done $0x0  }
0x167: {  	[sflag:s9] =	ssyncadd.s32 $0xFFFFE000  }
0x168: {  	_ =	swait.ge [sflag:s6], $0x2000  }
0x169: {  	[sflag:s6] =	ssyncset.done $0x0  }
0x16a: {  	[sflag:s6] =	ssyncadd.s32 $0xFFFFE000;
	s6 =	simm.s32 $0x700  }
0x16b: {  	[spmem:s2] =	stream.indirect.scatter.add.f32 [tilespmem:s22], [sflag:$0x17], $0x80, s6, s30, $0xb8;
	[tilespmem:$0x1C280] =	vst v63  }
0x16c: {  	s29 =	sadd.s32 $0x40, s0;
	s9 =	simm.s32 $0x200  }
0x16d: {  	[tilespmem:s9], [sflag:$0x5] =	stream.linear.gather [hbm4b:s29+s3], $0x80, $0x38;
	[tilespmem:$0x1C280] =	vst v63  }
0x16e: {  	s29 =	sadd.s32 $0x40, s4  }
0x16f: {  	[tilespmem:s16], [sflag:$0xD] =	stream.linear.gather [hbm4b:s29+s3], $0x80, $0x38;
	[tilespmem:$0x1C280] =	vst v63  }
0x170: {  	_ =	swait.ge [sflag:s8], $0x80  }
0x171: {  	[sflag:s8] =	ssyncset.done $0x0  }
0x172: {  	[sflag:s8] =	ssyncadd.s32 $0xFFFFFF80  }
0x173: {  	_ =	swait.ge [sflag:s15], $0x80  }
0x174: {  	[sflag:s15] =	ssyncset.done $0x0  }
0x175: {  	[sflag:s15] =	ssyncadd.s32 $0xFFFFFF80  }
0x176: {  	[tilespmem:s5], [sflag:$0x11] =	stream.indirect.gather [hbm4b:s1+s30], $0x80, s3, s30, $0xb8;
	[tilespmem:$0x1C280] =	vst v63  }
0x177: {  	_ =	swait.ge [sflag:s12], $0x2000  }
0x178: {  	[sflag:s12] =	ssyncset.done $0x0  }
0x179: {  	[sflag:s12] =	ssyncadd.s32 $0xFFFFE000  }
0x17a: {  	_ =	swait.ge [sflag:s10], $0x2000  }
0x17b: {  	[sflag:s10] =	ssyncset.done $0x0  }
0x17c: {  	s16 =	simm.s32 $0x780;
	[sflag:s10] =	ssyncadd.s32 $0xFFFFE000  }
0x17d: {  	[spmem:s2] =	stream.indirect.scatter.add.f32 [tilespmem:s23], [sflag:$0x18], $0x80, s16, s30, $0xb8;
	[tilespmem:$0x1C280] =	vst v63  }
0x17e: {  	s29 =	sadd.s32 $0x50, s0  }
0x17f: {  	[tilespmem:s18], [sflag:$0x6] =	stream.linear.gather [hbm4b:s29+s3], $0x80, $0x38;
	[tilespmem:$0x1C280] =	vst v63  }
0x180: {  	s29 =	sadd.s32 $0x50, s4  }
0x181: {  	[tilespmem:s17], [sflag:$0xE] =	stream.linear.gather [hbm4b:s29+s3], $0x80, $0x38;
	[tilespmem:$0x1C280] =	vst v63  }
0x182: {  	_ =	swait.ge [sflag:s11], $0x80  }
0x183: {  	[sflag:s11] =	ssyncset.done $0x0  }
0x184: {  	[sflag:s11] =	ssyncadd.s32 $0xFFFFFF80  }
0x185: {  	_ =	swait.ge [sflag:s26], $0x80  }
0x186: {  	[sflag:s26] =	ssyncset.done $0x0  }
0x187: {  	s21 =	simm.s32 $0x2800;
	s18 =	simm.s32 $0x80;
	[sflag:s26] =	ssyncadd.s32 $0xFFFFFF80  }
0x188: {  	[tilespmem:s21], [sflag:$0x12] =	stream.indirect.gather [hbm4b:s1+s30], $0x80, s18, s30, $0xb8;
	[tilespmem:$0x1C280] =	vst v63  }
0x189: {  	_ =	swait.ge [sflag:s19], $0x2000  }
0x18a: {  	[sflag:s19] =	ssyncset.done $0x0  }
0x18b: {  	[sflag:s19] =	ssyncadd.s32 $0xFFFFE000  }
0x18c: {  	_ =	swait.ge [sflag:s13], $0x2000  }
0x18d: {  	[sflag:s13] =	ssyncset.done $0x0  }
0x18e: {  	s15 =	simm.s32 $0x800;
	s19 =	simm.s32 $0x400;
	[sflag:s13] =	ssyncadd.s32 $0xFFFFE000  }
0x18f: {  	[spmem:s2] =	stream.indirect.scatter.add.f32 [tilespmem:s15], [sflag:$0x15], $0x80, s19, s30, $0xb8;
	[tilespmem:$0x1C280] =	vst v63  }
0x190: {  	s29 =	sadd.s32 $0x60, s0  }
0x191: {  	[tilespmem:s25], [sflag:$0x7] =	stream.linear.gather [hbm4b:s29+s3], $0x80, $0x38;
	[tilespmem:$0x1C280] =	vst v63  }
0x192: {  	s29 =	sadd.s32 $0x60, s4  }
0x193: {  	[tilespmem:s6], [sflag:$0xF] =	stream.linear.gather [hbm4b:s29+s3], $0x80, $0x38;
	[tilespmem:$0x1C280] =	vst v63  }
0x194: {  	_ =	swait.ge [sflag:s14], $0x80  }
0x195: {  	[sflag:s14] =	ssyncset.done $0x0  }
0x196: {  	[sflag:s14] =	ssyncadd.s32 $0xFFFFFF80  }
0x197: {  	_ =	swait.ge [sflag:s31], $0x80  }
0x198: {  	[sflag:s31] =	ssyncset.done $0x0  }
0x199: {  	s22 =	simm.s32 $0x4800;
	s23 =	simm.s32 $0x100;
	[sflag:s31] =	ssyncadd.s32 $0xFFFFFF80  }
0x19a: {  	[tilespmem:s22], [sflag:$0x13] =	stream.indirect.gather [hbm4b:s1+s30], $0x80, s23, s30, $0xb8;
	[tilespmem:$0x1C280] =	vst v63  }
0x19b: {  	_ =	swait.ge [sflag:s24], $0x2000  }
0x19c: {  	[sflag:s24] =	ssyncset.done $0x0  }
0x19d: {  	[sflag:s24] =	ssyncadd.s32 $0xFFFFE000  }
0x19e: {  	_ =	swait.ge [sflag:s20], $0x2000  }
0x19f: {  	[sflag:s20] =	ssyncset.done $0x0  }
0x1a0: {  	s25 =	simm.s32 $0x480;
	[sflag:s20] =	ssyncadd.s32 $0xFFFFE000  }
0x1a1: {  	[spmem:s2] =	stream.indirect.scatter.add.f32 [tilespmem:s21], [sflag:$0x16], $0x80, s25, s30, $0xb8;
	[tilespmem:$0x1C280] =	vst v63  }
0x1a2: {  	s0 =	sadd.s32 $0x70, s0  }
0x1a3: {  	[tilespmem:s28], [sflag:$0x8] =	stream.linear.gather [hbm4b:s0+s3], $0x80, $0x38;
	[tilespmem:$0x1C280] =	vst v63  }
0x1a4: {  	s26 =	sadd.s32 $0x70, s4  }
0x1a5: {  	[tilespmem:s16], [sflag:$0x10] =	stream.linear.gather [hbm4b:s26+s3], $0x80, $0x38;
	[tilespmem:$0x1C280] =	vst v63  }
0x1a6: {  	_ =	swait.ge [sflag:s7], $0x80  }
0x1a7: {  	[sflag:s7] =	ssyncset.done $0x0  }
0x1a8: {  	s28 =	simm.s32 $0xC;
	[sflag:s7] =	ssyncadd.s32 $0xFFFFFF80  }
0x1a9: {  	_ =	swait.ge [sflag:s28], $0x80  }
0x1aa: {  	s31 =	simm.s32 $0xC;
	[sflag:s28] =	ssyncset.done $0x0  }
0x1ab: {  	s29 =	simm.s32 $0x80;
	[sflag:s31] =	ssyncadd.s32 $0xFFFFFF80  }
.LBB2_2:
0x1ac: {  	s17 =	simm.s32 $0x180  }
0x1ad: {  	s1 =	simm.s32 $0x6800;
	s2 =	rddreg [dreg:$0x2];
	s6 =	simm.s32 $0x13  }
0x1ae: {  	[tilespmem:s1], [sflag:$0x14] =	stream.indirect.gather [hbm4b:s2+s30], $0x80, s17, s30, $0xb8;
	[tilespmem:$0x1C280] =	vst v63  }
0x1af: {  	_ =	swait.ge [sflag:s6], $0x2000  }
0x1b0: {  	[sflag:s6] =	ssyncset.done $0x0  }
0x1b1: {  	s7 =	simm.s32 $0x16;
	[sflag:s6] =	ssyncadd.s32 $0xFFFFE000  }
0x1b2: {  	_ =	swait.ge [sflag:s7], $0x2000  }
0x1b3: {  	[sflag:s7] =	ssyncset.done $0x0  }
0x1b4: {  	s4 =	smov.u32 s29;
	s0 =	rddreg [dreg:$0x5];
	[sflag:s7] =	ssyncadd.s32 $0xFFFFE000  }
0x1b5: {  	s16 =	simm.s32 $0x500;
	s19 =	simm.s32 $0x4800;
	s11 =	rddreg [dreg:$0x3]  }
0x1b6: {  	[spmem:s11] =	stream.indirect.scatter.add.f32 [tilespmem:s19], [sflag:$0x17], $0x80, s16, s30, $0xb8;
	[tilespmem:$0x1C280] =	vst v63  }
0x1b7: {  	s10 =	rddreg [dreg:$0x6];
	s0 =	sadd.s32 s4, s0  }
0x1b8: {  	[tilespmem:s3], [sflag:$0x1] =	stream.linear.gather [hbm4b:s0+s3], $0x80, $0x38;
	[tilespmem:$0x1C280] =	vst v63  }
0x1b9: {  	s5 =	simm.s32 $0x400;
	s22 =	simm.s32 $0x5;
	s4 =	sadd.s32 s4, s10  }
0x1ba: {  	[tilespmem:s5], [sflag:$0x9] =	stream.linear.gather [hbm4b:s4+s3], $0x80, $0x38;
	[tilespmem:$0x1C280] =	vst v63  }
0x1bb: {  	_ =	swait.ge [sflag:s22], $0x80  }
0x1bc: {  	[sflag:s22] =	ssyncset.done $0x0  }
0x1bd: {  	s23 =	simm.s32 $0xD;
	[sflag:s22] =	ssyncadd.s32 $0xFFFFFF80  }
0x1be: {  	_ =	swait.ge [sflag:s23], $0x80  }
0x1bf: {  	s15 =	simm.s32 $0x14;
	[sflag:s23] =	ssyncset.done $0x0  }
0x1c0: {  	s5 =	simm.s32 $0x800;
	s22 =	simm.s32 $0x200;
	[sflag:s23] =	ssyncadd.s32 $0xFFFFFF80  }
0x1c1: {  	[tilespmem:s5], [sflag:$0x11] =	stream.indirect.gather [hbm4b:s2+s30], $0x80, s22, s30, $0xb8;
	[tilespmem:$0x1C280] =	vst v63  }
0x1c2: {  	_ =	swait.ge [sflag:s15], $0x2000  }
0x1c3: {  	[sflag:s15] =	ssyncset.done $0x0  }
0x1c4: {  	s28 =	simm.s32 $0x17;
	[sflag:s15] =	ssyncadd.s32 $0xFFFFE000  }
0x1c5: {  	_ =	swait.ge [sflag:s28], $0x2000  }
0x1c6: {  	[sflag:s28] =	ssyncset.done $0x0  }
0x1c7: {  	s21 =	simm.s32 $0x580;
	[sflag:s28] =	ssyncadd.s32 $0xFFFFE000  }
0x1c8: {  	[spmem:s11] =	stream.indirect.scatter.add.f32 [tilespmem:s1], [sflag:$0x18], $0x80, s21, s30, $0xb8;
	[tilespmem:$0x1C280] =	vst v63  }
0x1c9: {  	s9 =	simm.s32 $0x80;
	s24 =	sadd.s32 $0x10, s0  }
0x1ca: {  	[tilespmem:s9], [sflag:$0x2] =	stream.linear.gather [hbm4b:s24+s3], $0x80, $0x38;
	[tilespmem:$0x1C280] =	vst v63  }
0x1cb: {  	s8 =	simm.s32 $0x480;
	s26 =	simm.s32 $0x6;
	s25 =	sadd.s32 $0x10, s4  }
0x1cc: {  	[tilespmem:s8], [sflag:$0xA] =	stream.linear.gather [hbm4b:s25+s3], $0x80, $0x38;
	[tilespmem:$0x1C280] =	vst v63  }
0x1cd: {  	_ =	swait.ge [sflag:s26], $0x80  }
0x1ce: {  	[sflag:s26] =	ssyncset.done $0x0  }
0x1cf: {  	s31 =	simm.s32 $0xE;
	[sflag:s26] =	ssyncadd.s32 $0xFFFFFF80  }
0x1d0: {  	_ =	swait.ge [sflag:s31], $0x80  }
0x1d1: {  	s13 =	simm.s32 $0x2800;
	[sflag:s31] =	ssyncset.done $0x0  }
0x1d2: {  	s14 =	simm.s32 $0x11;
	s26 =	simm.s32 $0x280;
	[sflag:s31] =	ssyncadd.s32 $0xFFFFFF80  }
0x1d3: {  	[tilespmem:s13], [sflag:$0x12] =	stream.indirect.gather [hbm4b:s2+s30], $0x80, s26, s30, $0xb8;
	[tilespmem:$0x1C280] =	vst v63  }
0x1d4: {  	_ =	swait.ge [sflag:s14], $0x2000  }
0x1d5: {  	[sflag:s14] =	ssyncset.done $0x0  }
0x1d6: {  	s31 =	simm.s32 $0x18;
	[sflag:s14] =	ssyncadd.s32 $0xFFFFE000  }
0x1d7: {  	_ =	swait.ge [sflag:s31], $0x2000  }
0x1d8: {  	[sflag:s31] =	ssyncset.done $0x0  }
0x1d9: {  	s25 =	simm.s32 $0x600;
	[sflag:s31] =	ssyncadd.s32 $0xFFFFE000  }
0x1da: {  	[spmem:s11] =	stream.indirect.scatter.add.f32 [tilespmem:s5], [sflag:$0x15], $0x80, s25, s30, $0xb8;
	[tilespmem:$0x1C280] =	vst v63  }
0x1db: {  	s12 =	simm.s32 $0x100;
	s8 =	sadd.s32 $0x20, s0  }
0x1dc: {  	[tilespmem:s12], [sflag:$0x3] =	stream.linear.gather [hbm4b:s8+s3], $0x80, $0x38;
	[tilespmem:$0x1C280] =	vst v63  }
0x1dd: {  	s20 =	simm.s32 $0x7;
	s18 =	sadd.s32 $0x20, s4  }
0x1de: {  	[tilespmem:s16], [sflag:$0xB] =	stream.linear.gather [hbm4b:s18+s3], $0x80, $0x38;
	[tilespmem:$0x1C280] =	vst v63  }
0x1df: {  	_ =	swait.ge [sflag:s20], $0x80  }
0x1e0: {  	[sflag:s20] =	ssyncset.done $0x0  }
0x1e1: {  	s23 =	simm.s32 $0xF;
	[sflag:s20] =	ssyncadd.s32 $0xFFFFFF80  }
0x1e2: {  	_ =	swait.ge [sflag:s23], $0x80  }
0x1e3: {  	[sflag:s23] =	ssyncset.done $0x0  }
0x1e4: {  	s18 =	simm.s32 $0x300;
	s20 =	simm.s32 $0x12;
	[sflag:s23] =	ssyncadd.s32 $0xFFFFFF80  }
0x1e5: {  	[tilespmem:s19], [sflag:$0x13] =	stream.indirect.gather [hbm4b:s2+s30], $0x80, s18, s30, $0xb8;
	[tilespmem:$0x1C280] =	vst v63  }
0x1e6: {  	_ =	swait.ge [sflag:s20], $0x2000  }
0x1e7: {  	[sflag:s20] =	ssyncset.done $0x0  }
0x1e8: {  	s23 =	simm.s32 $0x15;
	[sflag:s20] =	ssyncadd.s32 $0xFFFFE000  }
0x1e9: {  	_ =	swait.ge [sflag:s23], $0x2000  }
0x1ea: {  	[sflag:s23] =	ssyncset.done $0x0  }
0x1eb: {  	s8 =	simm.s32 $0x680;
	[sflag:s23] =	ssyncadd.s32 $0xFFFFE000  }
0x1ec: {  	[spmem:s11] =	stream.indirect.scatter.add.f32 [tilespmem:s13], [sflag:$0x16], $0x80, s8, s30, $0xb8;
	[tilespmem:$0x1C280] =	vst v63  }
0x1ed: {  	s24 =	sadd.s32 $0x30, s0  }
0x1ee: {  	[tilespmem:s17], [sflag:$0x4] =	stream.linear.gather [hbm4b:s24+s3], $0x80, $0x38;
	[tilespmem:$0x1C280] =	vst v63  }
0x1ef: {  	s24 =	sadd.s32 $0x30, s4  }
0x1f0: {  	[tilespmem:s21], [sflag:$0xC] =	stream.linear.gather [hbm4b:s24+s3], $0x80, $0x38;
	[tilespmem:$0x1C280] =	vst v63  }
0x1f1: {  	s21 =	simm.s32 $0x8  }
0x1f2: {  	_ =	swait.ge [sflag:s21], $0x80  }
0x1f3: {  	[sflag:s21] =	ssyncset.done $0x0  }
0x1f4: {  	s24 =	simm.s32 $0x10;
	[sflag:s21] =	ssyncadd.s32 $0xFFFFFF80  }
0x1f5: {  	_ =	swait.ge [sflag:s24], $0x80  }
0x1f6: {  	[sflag:s24] =	ssyncset.done $0x0  }
0x1f7: {  	[sflag:s24] =	ssyncadd.s32 $0xFFFFFF80;
	s24 =	simm.s32 $0x380  }
0x1f8: {  	[tilespmem:s1], [sflag:$0x14] =	stream.indirect.gather [hbm4b:s2+s30], $0x80, s24, s30, $0xb8;
	[tilespmem:$0x1C280] =	vst v63  }
0x1f9: {  	_ =	swait.ge [sflag:s6], $0x2000  }
0x1fa: {  	[sflag:s6] =	ssyncset.done $0x0  }
0x1fb: {  	[sflag:s6] =	ssyncadd.s32 $0xFFFFE000  }
0x1fc: {  	_ =	swait.ge [sflag:s7], $0x2000  }
0x1fd: {  	[sflag:s7] =	ssyncset.done $0x0  }
0x1fe: {  	s6 =	simm.s32 $0x700;
	[sflag:s7] =	ssyncadd.s32 $0xFFFFE000  }
0x1ff: {  	[spmem:s11] =	stream.indirect.scatter.add.f32 [tilespmem:s19], [sflag:$0x17], $0x80, s6, s30, $0xb8;
	[tilespmem:$0x1C280] =	vst v63  }
0x200: {  	s7 =	sadd.s32 $0x40, s0  }
0x201: {  	[tilespmem:s22], [sflag:$0x5] =	stream.linear.gather [hbm4b:s7+s3], $0x80, $0x38;
	[tilespmem:$0x1C280] =	vst v63  }
0x202: {  	s10 =	simm.s32 $0x1;
	s7 =	sadd.s32 $0x40, s4  }
0x203: {  	[tilespmem:s25], [sflag:$0xD] =	stream.linear.gather [hbm4b:s7+s3], $0x80, $0x38;
	[tilespmem:$0x1C280] =	vst v63  }
0x204: {  	_ =	swait.ge [sflag:s10], $0x80  }
0x205: {  	[sflag:s10] =	ssyncset.done $0x0  }
0x206: {  	s25 =	simm.s32 $0x9;
	[sflag:s10] =	ssyncadd.s32 $0xFFFFFF80  }
0x207: {  	_ =	swait.ge [sflag:s25], $0x80  }
0x208: {  	[sflag:s25] =	ssyncset.done $0x0  }
0x209: {  	[sflag:s25] =	ssyncadd.s32 $0xFFFFFF80  }
0x20a: {  	[tilespmem:s5], [sflag:$0x11] =	stream.indirect.gather [hbm4b:s2+s30], $0x80, s3, s30, $0xb8;
	[tilespmem:$0x1C280] =	vst v63  }
0x20b: {  	_ =	swait.ge [sflag:s15], $0x2000  }
0x20c: {  	[sflag:s15] =	ssyncset.done $0x0  }
0x20d: {  	[sflag:s15] =	ssyncadd.s32 $0xFFFFE000  }
0x20e: {  	_ =	swait.ge [sflag:s28], $0x2000  }
0x20f: {  	[sflag:s28] =	ssyncset.done $0x0  }
0x210: {  	s7 =	simm.s32 $0x780;
	[sflag:s28] =	ssyncadd.s32 $0xFFFFE000  }
0x211: {  	[spmem:s11] =	stream.indirect.scatter.add.f32 [tilespmem:s1], [sflag:$0x18], $0x80, s7, s30, $0xb8;
	[tilespmem:$0x1C280] =	vst v63  }
0x212: {  	s28 =	sadd.s32 $0x50, s0  }
0x213: {  	[tilespmem:s26], [sflag:$0x6] =	stream.linear.gather [hbm4b:s28+s3], $0x80, $0x38;
	[tilespmem:$0x1C280] =	vst v63  }
0x214: {  	s15 =	simm.s32 $0x2;
	s1 =	sadd.s32 $0x50, s4  }
0x215: {  	[tilespmem:s8], [sflag:$0xE] =	stream.linear.gather [hbm4b:s1+s3], $0x80, $0x38;
	[tilespmem:$0x1C280] =	vst v63  }
0x216: {  	_ =	swait.ge [sflag:s15], $0x80  }
0x217: {  	[sflag:s15] =	ssyncset.done $0x0  }
0x218: {  	s28 =	simm.s32 $0xA;
	[sflag:s15] =	ssyncadd.s32 $0xFFFFFF80  }
0x219: {  	_ =	swait.ge [sflag:s28], $0x80  }
0x21a: {  	[sflag:s28] =	ssyncset.done $0x0  }
0x21b: {  	[sflag:s28] =	ssyncadd.s32 $0xFFFFFF80  }
0x21c: {  	[tilespmem:s13], [sflag:$0x12] =	stream.indirect.gather [hbm4b:s2+s30], $0x80, s9, s30, $0xb8;
	[tilespmem:$0x1C280] =	vst v63  }
0x21d: {  	_ =	swait.ge [sflag:s14], $0x2000  }
0x21e: {  	[sflag:s14] =	ssyncset.done $0x0  }
0x21f: {  	[sflag:s14] =	ssyncadd.s32 $0xFFFFE000  }
0x220: {  	_ =	swait.ge [sflag:s31], $0x2000  }
0x221: {  	[sflag:s31] =	ssyncset.done $0x0  }
0x222: {  	s8 =	simm.s32 $0x400;
	[sflag:s31] =	ssyncadd.s32 $0xFFFFE000  }
0x223: {  	[spmem:s11] =	stream.indirect.scatter.add.f32 [tilespmem:s5], [sflag:$0x15], $0x80, s8, s30, $0xb8;
	[tilespmem:$0x1C280] =	vst v63  }
0x224: {  	s9 =	sadd.s32 $0x60, s0  }
0x225: {  	[tilespmem:s18], [sflag:$0x7] =	stream.linear.gather [hbm4b:s9+s3], $0x80, $0x38;
	[tilespmem:$0x1C280] =	vst v63  }
0x226: {  	s15 =	sadd.s32 $0x60, s4;
	s14 =	simm.s32 $0x3  }
0x227: {  	[tilespmem:s6], [sflag:$0xF] =	stream.linear.gather [hbm4b:s15+s3], $0x80, $0x38;
	[tilespmem:$0x1C280] =	vst v63  }
0x228: {  	_ =	swait.ge [sflag:s14], $0x80  }
0x229: {  	[sflag:s14] =	ssyncset.done $0x0  }
0x22a: {  	s18 =	simm.s32 $0xB;
	[sflag:s14] =	ssyncadd.s32 $0xFFFFFF80  }
0x22b: {  	_ =	swait.ge [sflag:s18], $0x80  }
0x22c: {  	[sflag:s18] =	ssyncset.done $0x0  }
0x22d: {  	[sflag:s18] =	ssyncadd.s32 $0xFFFFFF80  }
0x22e: {  	[tilespmem:s19], [sflag:$0x13] =	stream.indirect.gather [hbm4b:s2+s30], $0x80, s12, s30, $0xb8;
	[tilespmem:$0x1C280] =	vst v63  }
0x22f: {  	_ =	swait.ge [sflag:s20], $0x2000  }
0x230: {  	[sflag:s20] =	ssyncset.done $0x0  }
0x231: {  	[sflag:s20] =	ssyncadd.s32 $0xFFFFE000  }
0x232: {  	_ =	swait.ge [sflag:s23], $0x2000  }
0x233: {  	[sflag:s23] =	ssyncset.done $0x0  }
0x234: {  	[sflag:s23] =	ssyncadd.s32 $0xFFFFE000;
	s23 =	simm.s32 $0x480  }
0x235: {  	[spmem:s11] =	stream.indirect.scatter.add.f32 [tilespmem:s13], [sflag:$0x16], $0x80, s23, s30, $0xb8;
	[tilespmem:$0x1C280] =	vst v63  }
0x236: {  	s0 =	sadd.s32 $0x70, s0  }
0x237: {  	[tilespmem:s24], [sflag:$0x8] =	stream.linear.gather [hbm4b:s0+s3], $0x80, $0x38;
	[tilespmem:$0x1C280] =	vst v63  }
0x238: {  	s28 =	sadd.s32 $0x70, s4  }
0x239: {  	[tilespmem:s7], [sflag:$0x10] =	stream.linear.gather [hbm4b:s28+s3], $0x80, $0x38;
	[tilespmem:$0x1C280] =	vst v63  }
0x23a: {  	p1 =	sne.s32 s29, $0x880;
	s29 =	sadd.s32 $0x80, s29;
	s7 =	simm.s32 $0x4  }
0x23b: {  	s16 =	simm.s32 $0x180;
	s17 =	simm.s32 $0x580;
	_ =	swait.ge [sflag:s7], $0x80  }
.Ltmp0:
0x23c: {  	s21 =	simm.s32 $0x200;
	[sflag:s7] =	ssyncset.done $0x0;
	(pc) =	sbr.rel @p1 .LBB2_2-.Ltmp0, $4  }
0x23d: {  	s22 =	simm.s32 $0x600;
	s31 =	simm.s32 $0xC;
	[sflag:s7] =	ssyncadd.s32 $0xFFFFFF80  }
0x23e: {  	s10 =	simm.s32 $0x380;
	s25 =	simm.s32 $0x280;
	_ =	swait.ge [sflag:s31], $0x80  }
0x23f: {  	s26 =	simm.s32 $0x680;
	s5 =	simm.s32 $0x300;
	[sflag:s31] =	ssyncset.done $0x0  }
0x240: {  	s8 =	simm.s32 $0x700;
	s13 =	simm.s32 $0x780;
	[sflag:s31] =	ssyncadd.s32 $0xFFFFFF80  }
0x241: {  	s1 =	simm.s32 $0x6800;
	s2 =	rddreg [dreg:$0x2];
	s15 =	simm.s32 $0x13  }
0x242: {  	[tilespmem:s1], [sflag:$0x14] =	stream.indirect.gather [hbm4b:s2+s30], $0x80, s16, s30, $0xb8;
	[tilespmem:$0x1C280] =	vst v63  }
0x243: {  	_ =	swait.ge [sflag:s15], $0x2000  }
0x244: {  	[sflag:s15] =	ssyncset.done $0x0  }
0x245: {  	s16 =	simm.s32 $0x16;
	[sflag:s15] =	ssyncadd.s32 $0xFFFFE000  }
0x246: {  	_ =	swait.ge [sflag:s16], $0x2000  }
0x247: {  	[sflag:s16] =	ssyncset.done $0x0  }
0x248: {  	s9 =	simm.s32 $0x4800;
	[sflag:s16] =	ssyncadd.s32 $0xFFFFE000  }
0x249: {  	s0 =	simm.s32 $0x500;
	s18 =	simm.s32 $0x5;
	s11 =	rddreg [dreg:$0x3]  }
0x24a: {  	[spmem:s11] =	stream.indirect.scatter.add.f32 [tilespmem:s9], [sflag:$0x17], $0x80, s0, s30, $0xb8;
	[tilespmem:$0x1C280] =	vst v63  }
0x24b: {  	_ =	swait.ge [sflag:s18], $0x80  }
0x24c: {  	[sflag:s18] =	ssyncset.done $0x0  }
0x24d: {  	s19 =	simm.s32 $0xD;
	[sflag:s18] =	ssyncadd.s32 $0xFFFFFF80  }
0x24e: {  	_ =	swait.ge [sflag:s19], $0x80  }
0x24f: {  	[sflag:s19] =	ssyncset.done $0x0  }
0x250: {  	s20 =	simm.s32 $0x800;
	s12 =	simm.s32 $0x14;
	[sflag:s19] =	ssyncadd.s32 $0xFFFFFF80  }
0x251: {  	[tilespmem:s20], [sflag:$0x11] =	stream.indirect.gather [hbm4b:s2+s30], $0x80, s21, s30, $0xb8;
	[tilespmem:$0x1C280] =	vst v63  }
0x252: {  	_ =	swait.ge [sflag:s12], $0x2000  }
0x253: {  	[sflag:s12] =	ssyncset.done $0x0  }
0x254: {  	s18 =	simm.s32 $0x17;
	[sflag:s12] =	ssyncadd.s32 $0xFFFFE000  }
0x255: {  	_ =	swait.ge [sflag:s18], $0x2000  }
0x256: {  	[sflag:s18] =	ssyncset.done $0x0  }
0x257: {  	s4 =	simm.s32 $0x6;
	[sflag:s18] =	ssyncadd.s32 $0xFFFFE000  }
0x258: {  	[spmem:s11] =	stream.indirect.scatter.add.f32 [tilespmem:s1], [sflag:$0x18], $0x80, s17, s30, $0xb8;
	[tilespmem:$0x1C280] =	vst v63  }
0x259: {  	_ =	swait.ge [sflag:s4], $0x80  }
0x25a: {  	[sflag:s4] =	ssyncset.done $0x0  }
0x25b: {  	s23 =	simm.s32 $0xE;
	[sflag:s4] =	ssyncadd.s32 $0xFFFFFF80  }
0x25c: {  	_ =	swait.ge [sflag:s23], $0x80  }
0x25d: {  	[sflag:s23] =	ssyncset.done $0x0  }
0x25e: {  	s24 =	simm.s32 $0x2800;
	s6 =	simm.s32 $0x11;
	[sflag:s23] =	ssyncadd.s32 $0xFFFFFF80  }
0x25f: {  	[tilespmem:s24], [sflag:$0x12] =	stream.indirect.gather [hbm4b:s2+s30], $0x80, s25, s30, $0xb8;
	[tilespmem:$0x1C280] =	vst v63  }
0x260: {  	_ =	swait.ge [sflag:s6], $0x2000  }
0x261: {  	[sflag:s6] =	ssyncset.done $0x0  }
0x262: {  	s28 =	simm.s32 $0x18;
	[sflag:s6] =	ssyncadd.s32 $0xFFFFE000  }
0x263: {  	_ =	swait.ge [sflag:s28], $0x2000  }
0x264: {  	[sflag:s28] =	ssyncset.done $0x0  }
0x265: {  	s17 =	simm.s32 $0x7;
	[sflag:s28] =	ssyncadd.s32 $0xFFFFE000  }
0x266: {  	[spmem:s11] =	stream.indirect.scatter.add.f32 [tilespmem:s20], [sflag:$0x15], $0x80, s22, s30, $0xb8;
	[tilespmem:$0x1C280] =	vst v63  }
0x267: {  	_ =	swait.ge [sflag:s17], $0x80  }
0x268: {  	[sflag:s17] =	ssyncset.done $0x0  }
0x269: {  	s19 =	simm.s32 $0xF;
	[sflag:s17] =	ssyncadd.s32 $0xFFFFFF80  }
0x26a: {  	_ =	swait.ge [sflag:s19], $0x80  }
0x26b: {  	[sflag:s19] =	ssyncset.done $0x0  }
0x26c: {  	s20 =	simm.s32 $0x12;
	[sflag:s19] =	ssyncadd.s32 $0xFFFFFF80  }
0x26d: {  	[tilespmem:s9], [sflag:$0x13] =	stream.indirect.gather [hbm4b:s2+s30], $0x80, s5, s30, $0xb8;
	[tilespmem:$0x1C280] =	vst v63  }
0x26e: {  	_ =	swait.ge [sflag:s20], $0x2000  }
0x26f: {  	[sflag:s20] =	ssyncset.done $0x0  }
0x270: {  	s21 =	simm.s32 $0x15;
	[sflag:s20] =	ssyncadd.s32 $0xFFFFE000  }
0x271: {  	_ =	swait.ge [sflag:s21], $0x2000  }
0x272: {  	[sflag:s21] =	ssyncset.done $0x0  }
0x273: {  	s22 =	simm.s32 $0x8;
	[sflag:s21] =	ssyncadd.s32 $0xFFFFE000  }
0x274: {  	[spmem:s11] =	stream.indirect.scatter.add.f32 [tilespmem:s24], [sflag:$0x16], $0x80, s26, s30, $0xb8;
	[tilespmem:$0x1C280] =	vst v63  }
0x275: {  	_ =	swait.ge [sflag:s22], $0x80  }
0x276: {  	[sflag:s22] =	ssyncset.done $0x0  }
0x277: {  	s23 =	simm.s32 $0x10;
	[sflag:s22] =	ssyncadd.s32 $0xFFFFFF80  }
0x278: {  	_ =	swait.ge [sflag:s23], $0x80  }
0x279: {  	[sflag:s23] =	ssyncset.done $0x0  }
0x27a: {  	[sflag:s23] =	ssyncadd.s32 $0xFFFFFF80  }
0x27b: {  	[tilespmem:s1], [sflag:$0x14] =	stream.indirect.gather [hbm4b:s2+s30], $0x80, s10, s30, $0xb8;
	[tilespmem:$0x1C280] =	vst v63  }
0x27c: {  	_ =	swait.ge [sflag:s15], $0x2000  }
0x27d: {  	[sflag:s15] =	ssyncset.done $0x0  }
0x27e: {  	[sflag:s15] =	ssyncadd.s32 $0xFFFFE000  }
0x27f: {  	_ =	swait.ge [sflag:s16], $0x2000  }
0x280: {  	[sflag:s16] =	ssyncset.done $0x0  }
0x281: {  	[sflag:s16] =	ssyncadd.s32 $0xFFFFE000  }
0x282: {  	[spmem:s11] =	stream.indirect.scatter.add.f32 [tilespmem:s9], [sflag:$0x17], $0x80, s8, s30, $0xb8;
	[tilespmem:$0x1C280] =	vst v63  }
0x283: {  	_ =	swait.ge [sflag:s12], $0x2000  }
0x284: {  	[sflag:s12] =	ssyncset.done $0x0  }
0x285: {  	[sflag:s12] =	ssyncadd.s32 $0xFFFFE000  }
0x286: {  	_ =	swait.ge [sflag:s18], $0x2000  }
0x287: {  	[sflag:s18] =	ssyncset.done $0x0  }
0x288: {  	[sflag:s18] =	ssyncadd.s32 $0xFFFFE000  }
0x289: {  	[spmem:s11] =	stream.indirect.scatter.add.f32 [tilespmem:s1], [sflag:$0x18], $0x80, s13, s30, $0xb8;
	[tilespmem:$0x1C280] =	vst v63  }
0x28a: {  	_ =	swait.ge [sflag:s28], $0x2000  }
0x28b: {  	[sflag:s28] =	ssyncset.done $0x0  }
0x28c: {  	[sflag:s28] =	ssyncadd.s32 $0xFFFFE000  }
0x28d: {  	[bflag:$0x0] =	sbarrier.arrive $0xFFFF  }
0x28e: {  	s24 =	sld [smem:$0x7F7]  }
0x28f: {  	s4 =	sld [smem:$0x7FD]  }
0x290: {  	s25 =	sld [smem:$0x7EE];
	_ =	sdelay $0x1  }
0x291: {  	s29 =	simm.s32 $0x19  }
0x292: {  	[hbm:s24], [sflag:s4] =	dma.local [spmem:s25], $0x2700  }
0x293: {  	_ =	swait.ge [sflag:s29], $0x2700  }
0x294: {  	s0 =	sld [smem:$0x7FA]  }
0x295: {  	s1 =	sld [smem:$0x7EF]  }
0x296: {  	[sflag:s29] =	ssyncset.done $0x0  }
0x297: {  	[sflag:s29] =	ssyncadd.s32 $0xFFFFD900  }
0x298: {  	[hbm:s0], [sflag:s4] =	dma.local @!p0 [spmem:s1], $0x100  }
0x299: {  	s0 =	simm.s32 @!p0 $0x19  }
0x29a: {  	_ =	swait.ge @!p0 [sflag:s0], $0x100  }
0x29b: {  	s26 =	sld [smem:$0x7ED]  }
0x29c: {  	s28 =	sld [smem:$0x7FB];
	_ =	sdelay $0x1  }
0x29d: {  	s1 =	sadd.s32 $0x1, s26  }
0x29e: {  	p1 =	sne.s32 s1, s28  }
.Ltmp1:
0x29f: {  	_ = 	snop;
	(pc) =	sbr.rel @p1 .LBB2_1-.Ltmp1, $4  }
0x2a0: {  	_ = 	snop  }
0x2a1: {  	s31 =	simm.s32 $0xB  }
0x2a2: {  	s15 =	simm.s32 $0x9;
	s8 =	simm.s32 $0x1;
	[sflag:s0] =	ssyncset.done @!p0 $0x0  }
0x2a3: {  	s11 =	simm.s32 $0x2;
	[sflag:s0] =	ssyncadd.s32 @!p0 $0xFFFFFF00;
	s26 =	simm.s32 $0xA  }
0x2a4: {  	_ =	sfence.sel $0x180000  }
0x2a5: {  	[bflag:$0x0] =	sbarrier.arrive $0xFFFF  }
0x2a6: {  	_ =	strace $0x90000047  }
0x2a7: {  	[bflag:$0x2] =	sbarrier.arrive $0xFFFF  }
0x2a8: {  	s0 =	rddreg [dreg:$0x4]  }
0x2a9: {  	s0 =	sadd.s32 @!p0 $0x100000, s0  }
0x2aa: {  	[sflag:s0] =	ssyncadd.tile.s32 @!p0 $0x1;
	_ =	shalt  }
.Lfunc_end2:
_tile_overlayer_lowered:
.L_overlay_start_2:
0x2ab: {  	(tag) =	ssettag $0x2  }
0x2ac: {  	s0 =	rddreg [dreg:$0x0];
	s2 =	stileid.u32  }
0x2ad: {  	s1 =	rddreg [dreg:$0x1];
	p0 =	sne.s32 s2, $0x0  }
0x2ae: {  	s3 =	rddreg [dreg:$0x2];
	[bflag:$0x3] =	sbarrier.arrive $0xFFFF;
	s2 =	simm.s32 @!p0 $0x1C19  }
0x2af: {  	[timem:s3], [sflag:s2] =	dma.local @!p0 [hbm:s0], s1  }
0x2b0: {  	s0 =	simm.s32 @!p0 $0x19  }
0x2b1: {  	_ =	swait.ge @!p0 [sflag:s0], s1  }
0x2b2: {  	s1 =	ssub.s32 @!p0 $0x0, s1;
	[sflag:s0] =	ssyncset.done @!p0 $0x0  }
0x2b3: {  	[sflag:s0] =	ssyncadd.s32 @!p0 s1  }
0x2b4: {  	[bflag:$0x3] =	sbarrier.arrive $0xFFFF  }
0x2b5: {  	_ =	shalt  }

</sc_bundles>
